<compile_context>
chip_gen: v7x
topology: tpu7x:2x2x1
jax: 0.10.2.dev20260603
libtpu: 0.0.44.dev20260713+nightly
codegen_flags: <defaults>
</compile_context>

<pallas_src>
import functools

import jax
import jax.numpy as jnp
from jax import lax
from jax.experimental import pallas as pl
from jax.experimental.pallas import tpu as pltpu, tpu_sc as plsc

L = 16
NS = 16


def _sc_graph_step(vals_pad, src, dst, w, *, npad, e):
    ept = e // NS
    chunk = 8000
    assert ept % chunk == 0
    nchunks = ept // chunk
    slc = npad // NS
    assert slc % L == 0

    mesh = plsc.VectorSubcoreMesh(
        core_axis_name="c", subcore_axis_name="s", num_cores=1)

    @functools.partial(
        pl.kernel,
        out_type=[
            jax.ShapeDtypeStruct((npad,), jnp.float32),
            jax.ShapeDtypeStruct((npad,), jnp.float32),
            jax.ShapeDtypeStruct((npad,), jnp.float32),
            jax.ShapeDtypeStruct((npad,), jnp.float32),
            jax.ShapeDtypeStruct((NS * npad,), jnp.float32),
        ],
        mesh=mesh,
        compiler_params=pltpu.CompilerParams(needs_layout_passes=False),
        scratch_types=[
            pltpu.VMEM((npad,), jnp.float32),
            pltpu.VMEM((npad,), jnp.float32),
            pltpu.VMEM((chunk,), jnp.int32),
            pltpu.VMEM((chunk,), jnp.int32),
            pltpu.VMEM((chunk,), jnp.float32),
            pltpu.VMEM((chunk,), jnp.int32),
            pltpu.VMEM((chunk,), jnp.int32),
            pltpu.VMEM((chunk,), jnp.float32),
            pltpu.SemaphoreType.DMA,
            pltpu.SemaphoreType.DMA,
            pltpu.SemaphoreType.DMA,
            pltpu.VMEM((NS * slc,), jnp.float32),
            pltpu.VMEM((slc,), jnp.float32),
            pltpu.VMEM((slc,), jnp.float32),
            pltpu.VMEM((slc,), jnp.float32),
            pltpu.VMEM((slc,), jnp.float32),
        ],
    )
    def body(vals_hbm, src_hbm, dst_hbm, w_hbm,
             preds_hbm, err_hbm, delta_hbm, tab_hbm, part_hbm,
             tab_v, acc_v, src_v0, dst_v0, w_v0, src_v1, dst_v1, w_v1,
             esem0, esem1, rsem, red_v,
             vals_s, fx_s, err_s, sum_s):
        ebufs = ((src_v0, dst_v0, w_v0), (src_v1, dst_v1, w_v1))
        esems = (esem0, esem1)
        s = lax.axis_index("s")
        base = s * slc
        ebase = s * ept

        def start_chunk(c):
            b = c % 2
            eoff = ebase + c * chunk
            return [pltpu.async_copy(src_hbm.at[pl.ds(eoff, chunk)],
                                     ebufs[b][0], esems[b]),
                    pltpu.async_copy(dst_hbm.at[pl.ds(eoff, chunk)],
                                     ebufs[b][1], esems[b]),
                    pltpu.async_copy(w_hbm.at[pl.ds(eoff, chunk)],
                                     ebufs[b][2], esems[b])]

        pending = {0: start_chunk(0), 1: start_chunk(1)}

        pltpu.sync_copy(vals_hbm.at[pl.ds(base, slc)], vals_s)
        for i in range(slc // L):
            v = vals_s[pl.ds(i * L, L)]
            fx_s[pl.ds(i * L, L)] = 1.0 - 2.0 / (jnp.exp(2.0 * v) + 1.0)
        pltpu.sync_copy(fx_s, tab_hbm.at[pl.ds(base, slc)])
        plsc.subcore_barrier()
        pltpu.sync_copy(tab_hbm, tab_v)

        def zero_acc():
            @pl.loop(0, npad, step=L, unroll=8)
            def _(i):
                acc_v[pl.ds(i, L)] = jnp.zeros((L,), jnp.float32)

        def edge_pass(gather_first):
            for c in range(nchunks):
                for cp in pending.pop(c):
                    cp.wait()
                src_v, dst_v, w_v = ebufs[c % 2]

                @plsc.parallel_loop(0, chunk, L, unroll=8)
                def _(i):
                    sv = src_v[pl.ds(i, L)]
                    dv = dst_v[pl.ds(i, L)]
                    wv = w_v[pl.ds(i, L)]
                    gidx = sv if gather_first else dv
                    sidx = dv if gather_first else sv
                    g = plsc.load_gather(tab_v, [gidx])
                    plsc.addupdate_scatter(acc_v, [sidx], wv * g)

                if c + 2 <= nchunks - 1:
                    pending[c + 2] = start_chunk(c + 2)

        def reduce_partials(out_s):
            pltpu.sync_copy(acc_v, part_hbm.at[pl.ds(s * npad, npad)])
            plsc.subcore_barrier()
            cps = [pltpu.async_copy(part_hbm.at[pl.ds(j * npad + base, slc)],
                                    red_v.at[pl.ds(j * slc, slc)], rsem)
                   for j in range(NS)]
            zero_acc()
            for cp in cps:
                cp.wait()

            @pl.loop(0, slc, step=L, unroll=2)
            def _(i):
                t = red_v[pl.ds(i, L)]
                for j in range(1, NS):
                    t = t + red_v[pl.ds(j * slc + i, L)]
                out_s[pl.ds(i, L)] = t

        zero_acc()
        edge_pass(gather_first=True)
        pending[0] = start_chunk(0)
        pending[1] = start_chunk(1)
        reduce_partials(sum_s)

        for i in range(slc // L):
            err_s[pl.ds(i * L, L)] = vals_s[pl.ds(i * L, L)] - sum_s[pl.ds(i * L, L)]
        pltpu.sync_copy(err_s, err_hbm.at[pl.ds(base, slc)])
        pltpu.sync_copy(sum_s, preds_hbm.at[pl.ds(base, slc)])
        plsc.subcore_barrier()
        pltpu.sync_copy(err_hbm, tab_v)

        edge_pass(gather_first=False)
        reduce_partials(sum_s)

        for i in range(slc // L):
            fx = fx_s[pl.ds(i * L, L)]
            err_s[pl.ds(i * L, L)] = (1.0 - fx * fx) * sum_s[pl.ds(i * L, L)] - err_s[pl.ds(i * L, L)]
        pltpu.sync_copy(err_s, delta_hbm.at[pl.ds(base, slc)])

    return body(vals_pad, src, dst, w)


def kernel(x, edge_index, weights):
    n = x.shape[0]
    e = edge_index.shape[1]
    npad = ((n + NS * L - 1) // (NS * L)) * (NS * L)
    vals = x[:, 0]
    vals_pad = jnp.zeros((npad,), jnp.float32).at[:n].set(vals)
    preds, errors, delta, _, _ = _sc_graph_step(
        vals_pad, edge_index[0], edge_index[1], weights, npad=npad, e=e)
    return jnp.stack([preds[:n], errors[:n], delta[:n]], axis=1)

# --- scband reference (transcript-rebuilt; emitter-appended) ---
"""Pipeline reference for scband-pcgraph-conv-80736795230658 (READ-ONLY COPY).

The authoritative reference and input builder live on the scoring server;
editing this copy changes nothing except your own understanding.
"""

import jax, jax.numpy as jnp
import numpy as np

N = 10000
E = 640000


def setup_inputs(seed: int = 0) -> dict:
    key = jax.random.key(seed)
    k1, k2, k3 = jax.random.split(key, 3)
    # node state: column 0 = values, column 1 = errors, column 2 = predictions
    x = jax.random.normal(k1, (N, 3), dtype=jnp.float32)
    edge_index = jax.random.randint(k2, (2, E), 0, N, dtype=jnp.int32)
    # per-edge scalar weights, uniform(-k, k) with k = 1/sqrt(num_vertices) as in __init__
    kk = 1.0 / np.sqrt(N)
    weights = jax.random.uniform(k3, (E,), dtype=jnp.float32, minval=-kk, maxval=kk)
    return {"x": x, "edge_index": edge_index, "weights": weights}


def reference(x, edge_index, weights):
    # Predictive-coding graph step (batch_size=1):
    #   PredictionMessagePassing: mu_i = sum_{j->i} w_ij * f(v_j)
    #   errors:                   eps_i = v_i - mu_i
    #   ValueMessagePassing:      dv_j = -eps_j + f'(v_j) * sum_{j->i} w_ij * eps_i
    # activation f = tanh, f' = 1 - tanh^2
    vals = x[:, 0]
    src = edge_index[0]
    dst = edge_index[1]
    fx = jnp.tanh(vals)
    # gather f(v) at source nodes, weight per edge, scatter-add to destination
    preds = jax.ops.segment_sum(weights * fx[src], dst, num_segments=N)
    errors = vals - preds
    fprime = 1.0 - fx * fx
    # backward message: gather errors at destinations, scatter-add to sources
    back = jax.ops.segment_sum(weights * errors[dst], src, num_segments=N)
    delta_x = -errors + fprime * back
    # pack updated node state columns: predictions, errors, value-update
    return jnp.stack([preds, errors, delta_x], axis=1)

if __name__ == "__main__":
    import jax
    _d = setup_inputs()
    print(jax.jit(kernel)(*tuple(_d.values())))

</pallas_src>

<mosaic_0001>
#map = affine_map<(d0, d1) -> (0)>
module attributes {stable_mosaic.version = 14 : i64} {
  func.func @body(%arg0: i32, %arg1: i32, %arg2: memref<10240xf32, #tpu.memory_space<hbm>>, %arg3: memref<640000xi32, #tpu.memory_space<hbm>>, %arg4: memref<640000xi32, #tpu.memory_space<hbm>>, %arg5: memref<640000xf32, #tpu.memory_space<hbm>>, %arg6: memref<10240xf32, #tpu.memory_space<hbm>>, %arg7: memref<10240xf32, #tpu.memory_space<hbm>>, %arg8: memref<10240xf32, #tpu.memory_space<hbm>>, %arg9: memref<10240xf32, #tpu.memory_space<hbm>>, %arg10: memref<163840xf32, #tpu.memory_space<hbm>>, %arg11: memref<10240xf32, #tpu.memory_space<vmem>>, %arg12: memref<10240xf32, #tpu.memory_space<vmem>>, %arg13: memref<8000xi32, #tpu.memory_space<vmem>>, %arg14: memref<8000xi32, #tpu.memory_space<vmem>>, %arg15: memref<8000xf32, #tpu.memory_space<vmem>>, %arg16: memref<8000xi32, #tpu.memory_space<vmem>>, %arg17: memref<8000xi32, #tpu.memory_space<vmem>>, %arg18: memref<8000xf32, #tpu.memory_space<vmem>>, %arg19: memref<!tpu.dma_semaphore, #tpu.memory_space<semaphore_mem>>, %arg20: memref<!tpu.dma_semaphore, #tpu.memory_space<semaphore_mem>>, %arg21: memref<!tpu.dma_semaphore, #tpu.memory_space<semaphore_mem>>, %arg22: memref<10240xf32, #tpu.memory_space<vmem>>, %arg23: memref<640xf32, #tpu.memory_space<vmem>>, %arg24: memref<640xf32, #tpu.memory_space<vmem>>, %arg25: memref<640xf32, #tpu.memory_space<vmem>>, %arg26: memref<640xf32, #tpu.memory_space<vmem>>) attributes {dimension_semantics = [#tpu.dimension_semantics<core_parallel>, #tpu.dimension_semantics<subcore_parallel>], iteration_bounds = array<i64: 1, 16>, scalar_prefetch = 0 : i64, scratch_operands = 16 : i64, tpu.core_type = #tpu.core_type<sc_vector_subcore>, window_params = [{transform_indices = #map}, {transform_indices = #map}, {transform_indices = #map}, {transform_indices = #map}, {transform_indices = #map}, {transform_indices = #map}, {transform_indices = #map}, {transform_indices = #map}, {transform_indices = #map}]} {
    %mul3A = arith.constant 640 : i32
    %mul3A_0 = arith.muli %arg1, %mul3A : i32
    %mul3A_1 = arith.constant 40000 : i32
    %mul3A_2 = arith.muli %arg1, %mul3A_1 : i32
    %add3A = arith.constant 0 : i32
    %add3A_3 = arith.addi %mul3A_2, %add3A : i32
    %dma_start3A = tpu.memref_slice %arg3[%add3A_3] : memref<640000xi32, #tpu.memory_space<hbm>> -> memref<8000xi32, #tpu.memory_space<hbm>>
    %dma_start3A_4 = tpu.memref_slice %arg3[%add3A_3] : memref<640000xi32, #tpu.memory_space<hbm>> -> memref<8000xi32, #tpu.memory_space<hbm>>
    tpu.enqueue_dma source(%dma_start3A_4 : memref<8000xi32, #tpu.memory_space<hbm>>) target(%arg13 : memref<8000xi32, #tpu.memory_space<vmem>>) target_semaphore(%arg19 : memref<!tpu.dma_semaphore, #tpu.memory_space<semaphore_mem>>)
    %dma_start3A_5 = tpu.memref_slice %arg4[%add3A_3] : memref<640000xi32, #tpu.memory_space<hbm>> -> memref<8000xi32, #tpu.memory_space<hbm>>
    %dma_start3A_6 = tpu.memref_slice %arg4[%add3A_3] : memref<640000xi32, #tpu.memory_space<hbm>> -> memref<8000xi32, #tpu.memory_space<hbm>>
    tpu.enqueue_dma source(%dma_start3A_6 : memref<8000xi32, #tpu.memory_space<hbm>>) target(%arg14 : memref<8000xi32, #tpu.memory_space<vmem>>) target_semaphore(%arg19 : memref<!tpu.dma_semaphore, #tpu.memory_space<semaphore_mem>>)
    %dma_start3A_7 = tpu.memref_slice %arg5[%add3A_3] : memref<640000xf32, #tpu.memory_space<hbm>> -> memref<8000xf32, #tpu.memory_space<hbm>>
    %dma_start3A_8 = tpu.memref_slice %arg5[%add3A_3] : memref<640000xf32, #tpu.memory_space<hbm>> -> memref<8000xf32, #tpu.memory_space<hbm>>
    tpu.enqueue_dma source(%dma_start3A_8 : memref<8000xf32, #tpu.memory_space<hbm>>) target(%arg15 : memref<8000xf32, #tpu.memory_space<vmem>>) target_semaphore(%arg19 : memref<!tpu.dma_semaphore, #tpu.memory_space<semaphore_mem>>)
    %add3A_9 = arith.constant 8000 : i32
    %add3A_10 = arith.addi %mul3A_2, %add3A_9 : i32
    %dma_start3A_11 = tpu.memref_slice %arg3[%add3A_10] : memref<640000xi32, #tpu.memory_space<hbm>> -> memref<8000xi32, #tpu.memory_space<hbm>>
    %dma_start3A_12 = tpu.memref_slice %arg3[%add3A_10] : memref<640000xi32, #tpu.memory_space<hbm>> -> memref<8000xi32, #tpu.memory_space<hbm>>
    tpu.enqueue_dma source(%dma_start3A_12 : memref<8000xi32, #tpu.memory_space<hbm>>) target(%arg16 : memref<8000xi32, #tpu.memory_space<vmem>>) target_semaphore(%arg20 : memref<!tpu.dma_semaphore, #tpu.memory_space<semaphore_mem>>)
    %dma_start3A_13 = tpu.memref_slice %arg4[%add3A_10] : memref<640000xi32, #tpu.memory_space<hbm>> -> memref<8000xi32, #tpu.memory_space<hbm>>
    %dma_start3A_14 = tpu.memref_slice %arg4[%add3A_10] : memref<640000xi32, #tpu.memory_space<hbm>> -> memref<8000xi32, #tpu.memory_space<hbm>>
    tpu.enqueue_dma source(%dma_start3A_14 : memref<8000xi32, #tpu.memory_space<hbm>>) target(%arg17 : memref<8000xi32, #tpu.memory_space<vmem>>) target_semaphore(%arg20 : memref<!tpu.dma_semaphore, #tpu.memory_space<semaphore_mem>>)
    %dma_start3A_15 = tpu.memref_slice %arg5[%add3A_10] : memref<640000xf32, #tpu.memory_space<hbm>> -> memref<8000xf32, #tpu.memory_space<hbm>>
    %dma_start3A_16 = tpu.memref_slice %arg5[%add3A_10] : memref<640000xf32, #tpu.memory_space<hbm>> -> memref<8000xf32, #tpu.memory_space<hbm>>
    tpu.enqueue_dma source(%dma_start3A_16 : memref<8000xf32, #tpu.memory_space<hbm>>) target(%arg18 : memref<8000xf32, #tpu.memory_space<vmem>>) target_semaphore(%arg20 : memref<!tpu.dma_semaphore, #tpu.memory_space<semaphore_mem>>)
    "tpu.region"() ({
      %run_scoped3A = tpu.sem_alloc : memref<!tpu.dma_semaphore, #tpu.memory_space<semaphore_mem>>
      %dma_start3A_2163 = tpu.memref_slice %arg2[%mul3A_0] : memref<10240xf32, #tpu.memory_space<hbm>> -> memref<640xf32, #tpu.memory_space<hbm>>
      %dma_start3A_2164 = tpu.memref_slice %arg2[%mul3A_0] : memref<10240xf32, #tpu.memory_space<hbm>> -> memref<640xf32, #tpu.memory_space<hbm>>
      tpu.enqueue_dma source(%dma_start3A_2164 : memref<640xf32, #tpu.memory_space<hbm>>) target(%arg23 : memref<640xf32, #tpu.memory_space<vmem>>) target_semaphore(%run_scoped3A : memref<!tpu.dma_semaphore, #tpu.memory_space<semaphore_mem>>)
      %dma_wait3A_2165 = tpu.memref_slice %arg2[%mul3A_0] : memref<10240xf32, #tpu.memory_space<hbm>> -> memref<640xf32, #tpu.memory_space<hbm>>
      %dma_wait3A_2166 = tpu.memref_slice %arg2[%mul3A_0] : memref<10240xf32, #tpu.memory_space<hbm>> -> memref<640xf32, #tpu.memory_space<hbm>>
      tpu.wait_dma2 semaphore(%run_scoped3A : memref<!tpu.dma_semaphore, #tpu.memory_space<semaphore_mem>>) src(%dma_wait3A_2166 : memref<640xf32, #tpu.memory_space<hbm>>) dst(%arg23 : memref<640xf32, #tpu.memory_space<vmem>>)
      tpu.yield
    }) : () -> ()
    %get3A = arith.constant 0 : index
    %get3A_17 = tpu.vector_load %arg23[%get3A] {strides = array<i32>} : memref<640xf32, #tpu.memory_space<vmem>>, vector<16xf32>,
    %mul3A_18 = arith.constant 2.000000e+00 : f32
    %mul3A_19 = vector.broadcast %mul3A_18 : f32 to vector<16xf32>
    %mul3A_20 = arith.mulf %mul3A_19, %get3A_17 : vector<16xf32>
    %exp3A = math.exp %mul3A_20 : vector<16xf32>
    %add3A_21 = arith.constant 1.000000e+00 : f32
    %add3A_22 = vector.broadcast %add3A_21 : f32 to vector<16xf32>
    %add3A_23 = arith.addf %exp3A, %add3A_22 : vector<16xf32>
    %div3A = arith.constant 2.000000e+00 : f32
    %div3A_24 = vector.broadcast %div3A : f32 to vector<16xf32>
    %div3A_25 = arith.divf %div3A_24, %add3A_23 : vector<16xf32>
    %sub3A = arith.constant 1.000000e+00 : f32
    %sub3A_26 = vector.broadcast %sub3A : f32 to vector<16xf32>
    %sub3A_27 = arith.subf %sub3A_26, %div3A_25 : vector<16xf32>
    %swap3A = arith.constant 0 : index
    %swap3A_28 = tpu.vector_load %arg24[%swap3A] {strides = array<i32>} : memref<640xf32, #tpu.memory_space<vmem>>, vector<16xf32>,
    tpu.vector_store %arg24[%swap3A], %sub3A_27 {strides = array<i32>} : memref<640xf32, #tpu.memory_space<vmem>>, vector<16xf32>,
    %get3A_29 = arith.constant 16 : index
    %get3A_30 = tpu.vector_load %arg23[%get3A_29] {strides = array<i32>} : memref<640xf32, #tpu.memory_space<vmem>>, vector<16xf32>,
    %mul3A_31 = arith.constant 2.000000e+00 : f32
    %mul3A_32 = vector.broadcast %mul3A_31 : f32 to vector<16xf32>
    %mul3A_33 = arith.mulf %mul3A_32, %get3A_30 : vector<16xf32>
    %exp3A_34 = math.exp %mul3A_33 : vector<16xf32>
    %add3A_35 = arith.constant 1.000000e+00 : f32
    %add3A_36 = vector.broadcast %add3A_35 : f32 to vector<16xf32>
    %add3A_37 = arith.addf %exp3A_34, %add3A_36 : vector<16xf32>
    %div3A_38 = arith.constant 2.000000e+00 : f32
    %div3A_39 = vector.broadcast %div3A_38 : f32 to vector<16xf32>
    %div3A_40 = arith.divf %div3A_39, %add3A_37 : vector<16xf32>
    %sub3A_41 = arith.constant 1.000000e+00 : f32
    %sub3A_42 = vector.broadcast %sub3A_41 : f32 to vector<16xf32>
    %sub3A_43 = arith.subf %sub3A_42, %div3A_40 : vector<16xf32>
    %swap3A_44 = arith.constant 16 : index
    %swap3A_45 = tpu.vector_load %arg24[%swap3A_44] {strides = array<i32>} : memref<640xf32, #tpu.memory_space<vmem>>, vector<16xf32>,
    tpu.vector_store %arg24[%swap3A_44], %sub3A_43 {strides = array<i32>} : memref<640xf32, #tpu.memory_space<vmem>>, vector<16xf32>,
    %get3A_46 = arith.constant 32 : index
    %get3A_47 = tpu.vector_load %arg23[%get3A_46] {strides = array<i32>} : memref<640xf32, #tpu.memory_space<vmem>>, vector<16xf32>,
    %mul3A_48 = arith.constant 2.000000e+00 : f32
    %mul3A_49 = vector.broadcast %mul3A_48 : f32 to vector<16xf32>
    %mul3A_50 = arith.mulf %mul3A_49, %get3A_47 : vector<16xf32>
    %exp3A_51 = math.exp %mul3A_50 : vector<16xf32>
    %add3A_52 = arith.constant 1.000000e+00 : f32
    %add3A_53 = vector.broadcast %add3A_52 : f32 to vector<16xf32>
    %add3A_54 = arith.addf %exp3A_51, %add3A_53 : vector<16xf32>
    %div3A_55 = arith.constant 2.000000e+00 : f32
    %div3A_56 = vector.broadcast %div3A_55 : f32 to vector<16xf32>
    %div3A_57 = arith.divf %div3A_56, %add3A_54 : vector<16xf32>
    %sub3A_58 = arith.constant 1.000000e+00 : f32
    %sub3A_59 = vector.broadcast %sub3A_58 : f32 to vector<16xf32>
    %sub3A_60 = arith.subf %sub3A_59, %div3A_57 : vector<16xf32>
    %swap3A_61 = arith.constant 32 : index
    %swap3A_62 = tpu.vector_load %arg24[%swap3A_61] {strides = array<i32>} : memref<640xf32, #tpu.memory_space<vmem>>, vector<16xf32>,
    tpu.vector_store %arg24[%swap3A_61], %sub3A_60 {strides = array<i32>} : memref<640xf32, #tpu.memory_space<vmem>>, vector<16xf32>,
    %get3A_63 = arith.constant 48 : index
    %get3A_64 = tpu.vector_load %arg23[%get3A_63] {strides = array<i32>} : memref<640xf32, #tpu.memory_space<vmem>>, vector<16xf32>,
    %mul3A_65 = arith.constant 2.000000e+00 : f32
    %mul3A_66 = vector.broadcast %mul3A_65 : f32 to vector<16xf32>
    %mul3A_67 = arith.mulf %mul3A_66, %get3A_64 : vector<16xf32>
    %exp3A_68 = math.exp %mul3A_67 : vector<16xf32>
    %add3A_69 = arith.constant 1.000000e+00 : f32
    %add3A_70 = vector.broadcast %add3A_69 : f32 to vector<16xf32>
    %add3A_71 = arith.addf %exp3A_68, %add3A_70 : vector<16xf32>
    %div3A_72 = arith.constant 2.000000e+00 : f32
    %div3A_73 = vector.broadcast %div3A_72 : f32 to vector<16xf32>
    %div3A_74 = arith.divf %div3A_73, %add3A_71 : vector<16xf32>
    %sub3A_75 = arith.constant 1.000000e+00 : f32
    %sub3A_76 = vector.broadcast %sub3A_75 : f32 to vector<16xf32>
    %sub3A_77 = arith.subf %sub3A_76, %div3A_74 : vector<16xf32>
    %swap3A_78 = arith.constant 48 : index
    %swap3A_79 = tpu.vector_load %arg24[%swap3A_78] {strides = array<i32>} : memref<640xf32, #tpu.memory_space<vmem>>, vector<16xf32>,
    tpu.vector_store %arg24[%swap3A_78], %sub3A_77 {strides = array<i32>} : memref<640xf32, #tpu.memory_space<vmem>>, vector<16xf32>,
    %get3A_80 = arith.constant 64 : index
    %get3A_81 = tpu.vector_load %arg23[%get3A_80] {strides = array<i32>} : memref<640xf32, #tpu.memory_space<vmem>>, vector<16xf32>,
    %mul3A_82 = arith.constant 2.000000e+00 : f32
    %mul3A_83 = vector.broadcast %mul3A_82 : f32 to vector<16xf32>
    %mul3A_84 = arith.mulf %mul3A_83, %get3A_81 : vector<16xf32>
    %exp3A_85 = math.exp %mul3A_84 : vector<16xf32>
    %add3A_86 = arith.constant 1.000000e+00 : f32
    %add3A_87 = vector.broadcast %add3A_86 : f32 to vector<16xf32>
    %add3A_88 = arith.addf %exp3A_85, %add3A_87 : vector<16xf32>
    %div3A_89 = arith.constant 2.000000e+00 : f32
    %div3A_90 = vector.broadcast %div3A_89 : f32 to vector<16xf32>
    %div3A_91 = arith.divf %div3A_90, %add3A_88 : vector<16xf32>
    %sub3A_92 = arith.constant 1.000000e+00 : f32
    %sub3A_93 = vector.broadcast %sub3A_92 : f32 to vector<16xf32>
    %sub3A_94 = arith.subf %sub3A_93, %div3A_91 : vector<16xf32>
    %swap3A_95 = arith.constant 64 : index
    %swap3A_96 = tpu.vector_load %arg24[%swap3A_95] {strides = array<i32>} : memref<640xf32, #tpu.memory_space<vmem>>, vector<16xf32>,
    tpu.vector_store %arg24[%swap3A_95], %sub3A_94 {strides = array<i32>} : memref<640xf32, #tpu.memory_space<vmem>>, vector<16xf32>,
    %get3A_97 = arith.constant 80 : index
    %get3A_98 = tpu.vector_load %arg23[%get3A_97] {strides = array<i32>} : memref<640xf32, #tpu.memory_space<vmem>>, vector<16xf32>,
    %mul3A_99 = arith.constant 2.000000e+00 : f32
    %mul3A_100 = vector.broadcast %mul3A_99 : f32 to vector<16xf32>
    %mul3A_101 = arith.mulf %mul3A_100, %get3A_98 : vector<16xf32>
    %exp3A_102 = math.exp %mul3A_101 : vector<16xf32>
    %add3A_103 = arith.constant 1.000000e+00 : f32
    %add3A_104 = vector.broadcast %add3A_103 : f32 to vector<16xf32>
    %add3A_105 = arith.addf %exp3A_102, %add3A_104 : vector<16xf32>
    %div3A_106 = arith.constant 2.000000e+00 : f32
    %div3A_107 = vector.broadcast %div3A_106 : f32 to vector<16xf32>
    %div3A_108 = arith.divf %div3A_107, %add3A_105 : vector<16xf32>
    %sub3A_109 = arith.constant 1.000000e+00 : f32
    %sub3A_110 = vector.broadcast %sub3A_109 : f32 to vector<16xf32>
    %sub3A_111 = arith.subf %sub3A_110, %div3A_108 : vector<16xf32>
    %swap3A_112 = arith.constant 80 : index
    %swap3A_113 = tpu.vector_load %arg24[%swap3A_112] {strides = array<i32>} : memref<640xf32, #tpu.memory_space<vmem>>, vector<16xf32>,
    tpu.vector_store %arg24[%swap3A_112], %sub3A_111 {strides = array<i32>} : memref<640xf32, #tpu.memory_space<vmem>>, vector<16xf32>,
    %get3A_114 = arith.constant 96 : index
    %get3A_115 = tpu.vector_load %arg23[%get3A_114] {strides = array<i32>} : memref<640xf32, #tpu.memory_space<vmem>>, vector<16xf32>,
    %mul3A_116 = arith.constant 2.000000e+00 : f32
    %mul3A_117 = vector.broadcast %mul3A_116 : f32 to vector<16xf32>
    %mul3A_118 = arith.mulf %mul3A_117, %get3A_115 : vector<16xf32>
    %exp3A_119 = math.exp %mul3A_118 : vector<16xf32>
    %add3A_120 = arith.constant 1.000000e+00 : f32
    %add3A_121 = vector.broadcast %add3A_120 : f32 to vector<16xf32>
    %add3A_122 = arith.addf %exp3A_119, %add3A_121 : vector<16xf32>
    %div3A_123 = arith.constant 2.000000e+00 : f32
    %div3A_124 = vector.broadcast %div3A_123 : f32 to vector<16xf32>
    %div3A_125 = arith.divf %div3A_124, %add3A_122 : vector<16xf32>
    %sub3A_126 = arith.constant 1.000000e+00 : f32
    %sub3A_127 = vector.broadcast %sub3A_126 : f32 to vector<16xf32>
    %sub3A_128 = arith.subf %sub3A_127, %div3A_125 : vector<16xf32>
    %swap3A_129 = arith.constant 96 : index
    %swap3A_130 = tpu.vector_load %arg24[%swap3A_129] {strides = array<i32>} : memref<640xf32, #tpu.memory_space<vmem>>, vector<16xf32>,
    tpu.vector_store %arg24[%swap3A_129], %sub3A_128 {strides = array<i32>} : memref<640xf32, #tpu.memory_space<vmem>>, vector<16xf32>,
    %get3A_131 = arith.constant 112 : index
    %get3A_132 = tpu.vector_load %arg23[%get3A_131] {strides = array<i32>} : memref<640xf32, #tpu.memory_space<vmem>>, vector<16xf32>,
    %mul3A_133 = arith.constant 2.000000e+00 : f32
    %mul3A_134 = vector.broadcast %mul3A_133 : f32 to vector<16xf32>
    %mul3A_135 = arith.mulf %mul3A_134, %get3A_132 : vector<16xf32>
    %exp3A_136 = math.exp %mul3A_135 : vector<16xf32>
    %add3A_137 = arith.constant 1.000000e+00 : f32
    %add3A_138 = vector.broadcast %add3A_137 : f32 to vector<16xf32>
    %add3A_139 = arith.addf %exp3A_136, %add3A_138 : vector<16xf32>
    %div3A_140 = arith.constant 2.000000e+00 : f32
    %div3A_141 = vector.broadcast %div3A_140 : f32 to vector<16xf32>
    %div3A_142 = arith.divf %div3A_141, %add3A_139 : vector<16xf32>
    %sub3A_143 = arith.constant 1.000000e+00 : f32
    %sub3A_144 = vector.broadcast %sub3A_143 : f32 to vector<16xf32>
    %sub3A_145 = arith.subf %sub3A_144, %div3A_142 : vector<16xf32>
    %swap3A_146 = arith.constant 112 : index
    %swap3A_147 = tpu.vector_load %arg24[%swap3A_146] {strides = array<i32>} : memref<640xf32, #tpu.memory_space<vmem>>, vector<16xf32>,
    tpu.vector_store %arg24[%swap3A_146], %sub3A_145 {strides = array<i32>} : memref<640xf32, #tpu.memory_space<vmem>>, vector<16xf32>,
    %get3A_148 = arith.constant 128 : index
    %get3A_149 = tpu.vector_load %arg23[%get3A_148] {strides = array<i32>} : memref<640xf32, #tpu.memory_space<vmem>>, vector<16xf32>,
    %mul3A_150 = arith.constant 2.000000e+00 : f32
    %mul3A_151 = vector.broadcast %mul3A_150 : f32 to vector<16xf32>
    %mul3A_152 = arith.mulf %mul3A_151, %get3A_149 : vector<16xf32>
    %exp3A_153 = math.exp %mul3A_152 : vector<16xf32>
    %add3A_154 = arith.constant 1.000000e+00 : f32
    %add3A_155 = vector.broadcast %add3A_154 : f32 to vector<16xf32>
    %add3A_156 = arith.addf %exp3A_153, %add3A_155 : vector<16xf32>
    %div3A_157 = arith.constant 2.000000e+00 : f32
    %div3A_158 = vector.broadcast %div3A_157 : f32 to vector<16xf32>
    %div3A_159 = arith.divf %div3A_158, %add3A_156 : vector<16xf32>
    %sub3A_160 = arith.constant 1.000000e+00 : f32
    %sub3A_161 = vector.broadcast %sub3A_160 : f32 to vector<16xf32>
    %sub3A_162 = arith.subf %sub3A_161, %div3A_159 : vector<16xf32>
    %swap3A_163 = arith.constant 128 : index
    %swap3A_164 = tpu.vector_load %arg24[%swap3A_163] {strides = array<i32>} : memref<640xf32, #tpu.memory_space<vmem>>, vector<16xf32>,
    tpu.vector_store %arg24[%swap3A_163], %sub3A_162 {strides = array<i32>} : memref<640xf32, #tpu.memory_space<vmem>>, vector<16xf32>,
    %get3A_165 = arith.constant 144 : index
    %get3A_166 = tpu.vector_load %arg23[%get3A_165] {strides = array<i32>} : memref<640xf32, #tpu.memory_space<vmem>>, vector<16xf32>,
    %mul3A_167 = arith.constant 2.000000e+00 : f32
    %mul3A_168 = vector.broadcast %mul3A_167 : f32 to vector<16xf32>
    %mul3A_169 = arith.mulf %mul3A_168, %get3A_166 : vector<16xf32>
    %exp3A_170 = math.exp %mul3A_169 : vector<16xf32>
    %add3A_171 = arith.constant 1.000000e+00 : f32
    %add3A_172 = vector.broadcast %add3A_171 : f32 to vector<16xf32>
    %add3A_173 = arith.addf %exp3A_170, %add3A_172 : vector<16xf32>
    %div3A_174 = arith.constant 2.000000e+00 : f32
    %div3A_175 = vector.broadcast %div3A_174 : f32 to vector<16xf32>
    %div3A_176 = arith.divf %div3A_175, %add3A_173 : vector<16xf32>
    %sub3A_177 = arith.constant 1.000000e+00 : f32
    %sub3A_178 = vector.broadcast %sub3A_177 : f32 to vector<16xf32>
    %sub3A_179 = arith.subf %sub3A_178, %div3A_176 : vector<16xf32>
    %swap3A_180 = arith.constant 144 : index
    %swap3A_181 = tpu.vector_load %arg24[%swap3A_180] {strides = array<i32>} : memref<640xf32, #tpu.memory_space<vmem>>, vector<16xf32>,
    tpu.vector_store %arg24[%swap3A_180], %sub3A_179 {strides = array<i32>} : memref<640xf32, #tpu.memory_space<vmem>>, vector<16xf32>,
    %get3A_182 = arith.constant 160 : index
    %get3A_183 = tpu.vector_load %arg23[%get3A_182] {strides = array<i32>} : memref<640xf32, #tpu.memory_space<vmem>>, vector<16xf32>,
    %mul3A_184 = arith.constant 2.000000e+00 : f32
    %mul3A_185 = vector.broadcast %mul3A_184 : f32 to vector<16xf32>
    %mul3A_186 = arith.mulf %mul3A_185, %get3A_183 : vector<16xf32>
    %exp3A_187 = math.exp %mul3A_186 : vector<16xf32>
    %add3A_188 = arith.constant 1.000000e+00 : f32
    %add3A_189 = vector.broadcast %add3A_188 : f32 to vector<16xf32>
    %add3A_190 = arith.addf %exp3A_187, %add3A_189 : vector<16xf32>
    %div3A_191 = arith.constant 2.000000e+00 : f32
    %div3A_192 = vector.broadcast %div3A_191 : f32 to vector<16xf32>
    %div3A_193 = arith.divf %div3A_192, %add3A_190 : vector<16xf32>
    %sub3A_194 = arith.constant 1.000000e+00 : f32
    %sub3A_195 = vector.broadcast %sub3A_194 : f32 to vector<16xf32>
    %sub3A_196 = arith.subf %sub3A_195, %div3A_193 : vector<16xf32>
    %swap3A_197 = arith.constant 160 : index
    %swap3A_198 = tpu.vector_load %arg24[%swap3A_197] {strides = array<i32>} : memref<640xf32, #tpu.memory_space<vmem>>, vector<16xf32>,
    tpu.vector_store %arg24[%swap3A_197], %sub3A_196 {strides = array<i32>} : memref<640xf32, #tpu.memory_space<vmem>>, vector<16xf32>,
    %get3A_199 = arith.constant 176 : index
    %get3A_200 = tpu.vector_load %arg23[%get3A_199] {strides = array<i32>} : memref<640xf32, #tpu.memory_space<vmem>>, vector<16xf32>,
    %mul3A_201 = arith.constant 2.000000e+00 : f32
    %mul3A_202 = vector.broadcast %mul3A_201 : f32 to vector<16xf32>
    %mul3A_203 = arith.mulf %mul3A_202, %get3A_200 : vector<16xf32>
    %exp3A_204 = math.exp %mul3A_203 : vector<16xf32>
    %add3A_205 = arith.constant 1.000000e+00 : f32
    %add3A_206 = vector.broadcast %add3A_205 : f32 to vector<16xf32>
    %add3A_207 = arith.addf %exp3A_204, %add3A_206 : vector<16xf32>
    %div3A_208 = arith.constant 2.000000e+00 : f32
    %div3A_209 = vector.broadcast %div3A_208 : f32 to vector<16xf32>
    %div3A_210 = arith.divf %div3A_209, %add3A_207 : vector<16xf32>
    %sub3A_211 = arith.constant 1.000000e+00 : f32
    %sub3A_212 = vector.broadcast %sub3A_211 : f32 to vector<16xf32>
    %sub3A_213 = arith.subf %sub3A_212, %div3A_210 : vector<16xf32>
    %swap3A_214 = arith.constant 176 : index
    %swap3A_215 = tpu.vector_load %arg24[%swap3A_214] {strides = array<i32>} : memref<640xf32, #tpu.memory_space<vmem>>, vector<16xf32>,
    tpu.vector_store %arg24[%swap3A_214], %sub3A_213 {strides = array<i32>} : memref<640xf32, #tpu.memory_space<vmem>>, vector<16xf32>,
    %get3A_216 = arith.constant 192 : index
    %get3A_217 = tpu.vector_load %arg23[%get3A_216] {strides = array<i32>} : memref<640xf32, #tpu.memory_space<vmem>>, vector<16xf32>,
    %mul3A_218 = arith.constant 2.000000e+00 : f32
    %mul3A_219 = vector.broadcast %mul3A_218 : f32 to vector<16xf32>
    %mul3A_220 = arith.mulf %mul3A_219, %get3A_217 : vector<16xf32>
    %exp3A_221 = math.exp %mul3A_220 : vector<16xf32>
    %add3A_222 = arith.constant 1.000000e+00 : f32
    %add3A_223 = vector.broadcast %add3A_222 : f32 to vector<16xf32>
    %add3A_224 = arith.addf %exp3A_221, %add3A_223 : vector<16xf32>
    %div3A_225 = arith.constant 2.000000e+00 : f32
    %div3A_226 = vector.broadcast %div3A_225 : f32 to vector<16xf32>
    %div3A_227 = arith.divf %div3A_226, %add3A_224 : vector<16xf32>
    %sub3A_228 = arith.constant 1.000000e+00 : f32
    %sub3A_229 = vector.broadcast %sub3A_228 : f32 to vector<16xf32>
    %sub3A_230 = arith.subf %sub3A_229, %div3A_227 : vector<16xf32>
    %swap3A_231 = arith.constant 192 : index
    %swap3A_232 = tpu.vector_load %arg24[%swap3A_231] {strides = array<i32>} : memref<640xf32, #tpu.memory_space<vmem>>, vector<16xf32>,
    tpu.vector_store %arg24[%swap3A_231], %sub3A_230 {strides = array<i32>} : memref<640xf32, #tpu.memory_space<vmem>>, vector<16xf32>,
    %get3A_233 = arith.constant 208 : index
    %get3A_234 = tpu.vector_load %arg23[%get3A_233] {strides = array<i32>} : memref<640xf32, #tpu.memory_space<vmem>>, vector<16xf32>,
    %mul3A_235 = arith.constant 2.000000e+00 : f32
    %mul3A_236 = vector.broadcast %mul3A_235 : f32 to vector<16xf32>
    %mul3A_237 = arith.mulf %mul3A_236, %get3A_234 : vector<16xf32>
    %exp3A_238 = math.exp %mul3A_237 : vector<16xf32>
    %add3A_239 = arith.constant 1.000000e+00 : f32
    %add3A_240 = vector.broadcast %add3A_239 : f32 to vector<16xf32>
    %add3A_241 = arith.addf %exp3A_238, %add3A_240 : vector<16xf32>
    %div3A_242 = arith.constant 2.000000e+00 : f32
    %div3A_243 = vector.broadcast %div3A_242 : f32 to vector<16xf32>
    %div3A_244 = arith.divf %div3A_243, %add3A_241 : vector<16xf32>
    %sub3A_245 = arith.constant 1.000000e+00 : f32
    %sub3A_246 = vector.broadcast %sub3A_245 : f32 to vector<16xf32>
    %sub3A_247 = arith.subf %sub3A_246, %div3A_244 : vector<16xf32>
    %swap3A_248 = arith.constant 208 : index
    %swap3A_249 = tpu.vector_load %arg24[%swap3A_248] {strides = array<i32>} : memref<640xf32, #tpu.memory_space<vmem>>, vector<16xf32>,
    tpu.vector_store %arg24[%swap3A_248], %sub3A_247 {strides = array<i32>} : memref<640xf32, #tpu.memory_space<vmem>>, vector<16xf32>,
    %get3A_250 = arith.constant 224 : index
    %get3A_251 = tpu.vector_load %arg23[%get3A_250] {strides = array<i32>} : memref<640xf32, #tpu.memory_space<vmem>>, vector<16xf32>,
    %mul3A_252 = arith.constant 2.000000e+00 : f32
    %mul3A_253 = vector.broadcast %mul3A_252 : f32 to vector<16xf32>
    %mul3A_254 = arith.mulf %mul3A_253, %get3A_251 : vector<16xf32>
    %exp3A_255 = math.exp %mul3A_254 : vector<16xf32>
    %add3A_256 = arith.constant 1.000000e+00 : f32
    %add3A_257 = vector.broadcast %add3A_256 : f32 to vector<16xf32>
    %add3A_258 = arith.addf %exp3A_255, %add3A_257 : vector<16xf32>
    %div3A_259 = arith.constant 2.000000e+00 : f32
    %div3A_260 = vector.broadcast %div3A_259 : f32 to vector<16xf32>
    %div3A_261 = arith.divf %div3A_260, %add3A_258 : vector<16xf32>
    %sub3A_262 = arith.constant 1.000000e+00 : f32
    %sub3A_263 = vector.broadcast %sub3A_262 : f32 to vector<16xf32>
    %sub3A_264 = arith.subf %sub3A_263, %div3A_261 : vector<16xf32>
    %swap3A_265 = arith.constant 224 : index
    %swap3A_266 = tpu.vector_load %arg24[%swap3A_265] {strides = array<i32>} : memref<640xf32, #tpu.memory_space<vmem>>, vector<16xf32>,
    tpu.vector_store %arg24[%swap3A_265], %sub3A_264 {strides = array<i32>} : memref<640xf32, #tpu.memory_space<vmem>>, vector<16xf32>,
    %get3A_267 = arith.constant 240 : index
    %get3A_268 = tpu.vector_load %arg23[%get3A_267] {strides = array<i32>} : memref<640xf32, #tpu.memory_space<vmem>>, vector<16xf32>,
    %mul3A_269 = arith.constant 2.000000e+00 : f32
    %mul3A_270 = vector.broadcast %mul3A_269 : f32 to vector<16xf32>
    %mul3A_271 = arith.mulf %mul3A_270, %get3A_268 : vector<16xf32>
    %exp3A_272 = math.exp %mul3A_271 : vector<16xf32>
    %add3A_273 = arith.constant 1.000000e+00 : f32
    %add3A_274 = vector.broadcast %add3A_273 : f32 to vector<16xf32>
    %add3A_275 = arith.addf %exp3A_272, %add3A_274 : vector<16xf32>
    %div3A_276 = arith.constant 2.000000e+00 : f32
    %div3A_277 = vector.broadcast %div3A_276 : f32 to vector<16xf32>
    %div3A_278 = arith.divf %div3A_277, %add3A_275 : vector<16xf32>
    %sub3A_279 = arith.constant 1.000000e+00 : f32
    %sub3A_280 = vector.broadcast %sub3A_279 : f32 to vector<16xf32>
    %sub3A_281 = arith.subf %sub3A_280, %div3A_278 : vector<16xf32>
    %swap3A_282 = arith.constant 240 : index
    %swap3A_283 = tpu.vector_load %arg24[%swap3A_282] {strides = array<i32>} : memref<640xf32, #tpu.memory_space<vmem>>, vector<16xf32>,
    tpu.vector_store %arg24[%swap3A_282], %sub3A_281 {strides = array<i32>} : memref<640xf32, #tpu.memory_space<vmem>>, vector<16xf32>,
    %get3A_284 = arith.constant 256 : index
    %get3A_285 = tpu.vector_load %arg23[%get3A_284] {strides = array<i32>} : memref<640xf32, #tpu.memory_space<vmem>>, vector<16xf32>,
    %mul3A_286 = arith.constant 2.000000e+00 : f32
    %mul3A_287 = vector.broadcast %mul3A_286 : f32 to vector<16xf32>
    %mul3A_288 = arith.mulf %mul3A_287, %get3A_285 : vector<16xf32>
    %exp3A_289 = math.exp %mul3A_288 : vector<16xf32>
    %add3A_290 = arith.constant 1.000000e+00 : f32
    %add3A_291 = vector.broadcast %add3A_290 : f32 to vector<16xf32>
    %add3A_292 = arith.addf %exp3A_289, %add3A_291 : vector<16xf32>
    %div3A_293 = arith.constant 2.000000e+00 : f32
    %div3A_294 = vector.broadcast %div3A_293 : f32 to vector<16xf32>
    %div3A_295 = arith.divf %div3A_294, %add3A_292 : vector<16xf32>
    %sub3A_296 = arith.constant 1.000000e+00 : f32
    %sub3A_297 = vector.broadcast %sub3A_296 : f32 to vector<16xf32>
    %sub3A_298 = arith.subf %sub3A_297, %div3A_295 : vector<16xf32>
    %swap3A_299 = arith.constant 256 : index
    %swap3A_300 = tpu.vector_load %arg24[%swap3A_299] {strides = array<i32>} : memref<640xf32, #tpu.memory_space<vmem>>, vector<16xf32>,
    tpu.vector_store %arg24[%swap3A_299], %sub3A_298 {strides = array<i32>} : memref<640xf32, #tpu.memory_space<vmem>>, vector<16xf32>,
    %get3A_301 = arith.constant 272 : index
    %get3A_302 = tpu.vector_load %arg23[%get3A_301] {strides = array<i32>} : memref<640xf32, #tpu.memory_space<vmem>>, vector<16xf32>,
    %mul3A_303 = arith.constant 2.000000e+00 : f32
    %mul3A_304 = vector.broadcast %mul3A_303 : f32 to vector<16xf32>
    %mul3A_305 = arith.mulf %mul3A_304, %get3A_302 : vector<16xf32>
    %exp3A_306 = math.exp %mul3A_305 : vector<16xf32>
    %add3A_307 = arith.constant 1.000000e+00 : f32
    %add3A_308 = vector.broadcast %add3A_307 : f32 to vector<16xf32>
    %add3A_309 = arith.addf %exp3A_306, %add3A_308 : vector<16xf32>
    %div3A_310 = arith.constant 2.000000e+00 : f32
    %div3A_311 = vector.broadcast %div3A_310 : f32 to vector<16xf32>
    %div3A_312 = arith.divf %div3A_311, %add3A_309 : vector<16xf32>
    %sub3A_313 = arith.constant 1.000000e+00 : f32
    %sub3A_314 = vector.broadcast %sub3A_313 : f32 to vector<16xf32>
    %sub3A_315 = arith.subf %sub3A_314, %div3A_312 : vector<16xf32>
    %swap3A_316 = arith.constant 272 : index
    %swap3A_317 = tpu.vector_load %arg24[%swap3A_316] {strides = array<i32>} : memref<640xf32, #tpu.memory_space<vmem>>, vector<16xf32>,
    tpu.vector_store %arg24[%swap3A_316], %sub3A_315 {strides = array<i32>} : memref<640xf32, #tpu.memory_space<vmem>>, vector<16xf32>,
    %get3A_318 = arith.constant 288 : index
    %get3A_319 = tpu.vector_load %arg23[%get3A_318] {strides = array<i32>} : memref<640xf32, #tpu.memory_space<vmem>>, vector<16xf32>,
    %mul3A_320 = arith.constant 2.000000e+00 : f32
    %mul3A_321 = vector.broadcast %mul3A_320 : f32 to vector<16xf32>
    %mul3A_322 = arith.mulf %mul3A_321, %get3A_319 : vector<16xf32>
    %exp3A_323 = math.exp %mul3A_322 : vector<16xf32>
    %add3A_324 = arith.constant 1.000000e+00 : f32
    %add3A_325 = vector.broadcast %add3A_324 : f32 to vector<16xf32>
    %add3A_326 = arith.addf %exp3A_323, %add3A_325 : vector<16xf32>
    %div3A_327 = arith.constant 2.000000e+00 : f32
    %div3A_328 = vector.broadcast %div3A_327 : f32 to vector<16xf32>
    %div3A_329 = arith.divf %div3A_328, %add3A_326 : vector<16xf32>
    %sub3A_330 = arith.constant 1.000000e+00 : f32
    %sub3A_331 = vector.broadcast %sub3A_330 : f32 to vector<16xf32>
    %sub3A_332 = arith.subf %sub3A_331, %div3A_329 : vector<16xf32>
    %swap3A_333 = arith.constant 288 : index
    %swap3A_334 = tpu.vector_load %arg24[%swap3A_333] {strides = array<i32>} : memref<640xf32, #tpu.memory_space<vmem>>, vector<16xf32>,
    tpu.vector_store %arg24[%swap3A_333], %sub3A_332 {strides = array<i32>} : memref<640xf32, #tpu.memory_space<vmem>>, vector<16xf32>,
    %get3A_335 = arith.constant 304 : index
    %get3A_336 = tpu.vector_load %arg23[%get3A_335] {strides = array<i32>} : memref<640xf32, #tpu.memory_space<vmem>>, vector<16xf32>,
    %mul3A_337 = arith.constant 2.000000e+00 : f32
    %mul3A_338 = vector.broadcast %mul3A_337 : f32 to vector<16xf32>
    %mul3A_339 = arith.mulf %mul3A_338, %get3A_336 : vector<16xf32>
    %exp3A_340 = math.exp %mul3A_339 : vector<16xf32>
    %add3A_341 = arith.constant 1.000000e+00 : f32
    %add3A_342 = vector.broadcast %add3A_341 : f32 to vector<16xf32>
    %add3A_343 = arith.addf %exp3A_340, %add3A_342 : vector<16xf32>
    %div3A_344 = arith.constant 2.000000e+00 : f32
    %div3A_345 = vector.broadcast %div3A_344 : f32 to vector<16xf32>
    %div3A_346 = arith.divf %div3A_345, %add3A_343 : vector<16xf32>
    %sub3A_347 = arith.constant 1.000000e+00 : f32
    %sub3A_348 = vector.broadcast %sub3A_347 : f32 to vector<16xf32>
    %sub3A_349 = arith.subf %sub3A_348, %div3A_346 : vector<16xf32>
    %swap3A_350 = arith.constant 304 : index
    %swap3A_351 = tpu.vector_load %arg24[%swap3A_350] {strides = array<i32>} : memref<640xf32, #tpu.memory_space<vmem>>, vector<16xf32>,
    tpu.vector_store %arg24[%swap3A_350], %sub3A_349 {strides = array<i32>} : memref<640xf32, #tpu.memory_space<vmem>>, vector<16xf32>,
    %get3A_352 = arith.constant 320 : index
    %get3A_353 = tpu.vector_load %arg23[%get3A_352] {strides = array<i32>} : memref<640xf32, #tpu.memory_space<vmem>>, vector<16xf32>,
    %mul3A_354 = arith.constant 2.000000e+00 : f32
    %mul3A_355 = vector.broadcast %mul3A_354 : f32 to vector<16xf32>
    %mul3A_356 = arith.mulf %mul3A_355, %get3A_353 : vector<16xf32>
    %exp3A_357 = math.exp %mul3A_356 : vector<16xf32>
    %add3A_358 = arith.constant 1.000000e+00 : f32
    %add3A_359 = vector.broadcast %add3A_358 : f32 to vector<16xf32>
    %add3A_360 = arith.addf %exp3A_357, %add3A_359 : vector<16xf32>
    %div3A_361 = arith.constant 2.000000e+00 : f32
    %div3A_362 = vector.broadcast %div3A_361 : f32 to vector<16xf32>
    %div3A_363 = arith.divf %div3A_362, %add3A_360 : vector<16xf32>
    %sub3A_364 = arith.constant 1.000000e+00 : f32
    %sub3A_365 = vector.broadcast %sub3A_364 : f32 to vector<16xf32>
    %sub3A_366 = arith.subf %sub3A_365, %div3A_363 : vector<16xf32>
    %swap3A_367 = arith.constant 320 : index
    %swap3A_368 = tpu.vector_load %arg24[%swap3A_367] {strides = array<i32>} : memref<640xf32, #tpu.memory_space<vmem>>, vector<16xf32>,
    tpu.vector_store %arg24[%swap3A_367], %sub3A_366 {strides = array<i32>} : memref<640xf32, #tpu.memory_space<vmem>>, vector<16xf32>,
    %get3A_369 = arith.constant 336 : index
    %get3A_370 = tpu.vector_load %arg23[%get3A_369] {strides = array<i32>} : memref<640xf32, #tpu.memory_space<vmem>>, vector<16xf32>,
    %mul3A_371 = arith.constant 2.000000e+00 : f32
    %mul3A_372 = vector.broadcast %mul3A_371 : f32 to vector<16xf32>
    %mul3A_373 = arith.mulf %mul3A_372, %get3A_370 : vector<16xf32>
    %exp3A_374 = math.exp %mul3A_373 : vector<16xf32>
    %add3A_375 = arith.constant 1.000000e+00 : f32
    %add3A_376 = vector.broadcast %add3A_375 : f32 to vector<16xf32>
    %add3A_377 = arith.addf %exp3A_374, %add3A_376 : vector<16xf32>
    %div3A_378 = arith.constant 2.000000e+00 : f32
    %div3A_379 = vector.broadcast %div3A_378 : f32 to vector<16xf32>
    %div3A_380 = arith.divf %div3A_379, %add3A_377 : vector<16xf32>
    %sub3A_381 = arith.constant 1.000000e+00 : f32
    %sub3A_382 = vector.broadcast %sub3A_381 : f32 to vector<16xf32>
    %sub3A_383 = arith.subf %sub3A_382, %div3A_380 : vector<16xf32>
    %swap3A_384 = arith.constant 336 : index
    %swap3A_385 = tpu.vector_load %arg24[%swap3A_384] {strides = array<i32>} : memref<640xf32, #tpu.memory_space<vmem>>, vector<16xf32>,
    tpu.vector_store %arg24[%swap3A_384], %sub3A_383 {strides = array<i32>} : memref<640xf32, #tpu.memory_space<vmem>>, vector<16xf32>,
    %get3A_386 = arith.constant 352 : index
    %get3A_387 = tpu.vector_load %arg23[%get3A_386] {strides = array<i32>} : memref<640xf32, #tpu.memory_space<vmem>>, vector<16xf32>,
    %mul3A_388 = arith.constant 2.000000e+00 : f32
    %mul3A_389 = vector.broadcast %mul3A_388 : f32 to vector<16xf32>
    %mul3A_390 = arith.mulf %mul3A_389, %get3A_387 : vector<16xf32>
    %exp3A_391 = math.exp %mul3A_390 : vector<16xf32>
    %add3A_392 = arith.constant 1.000000e+00 : f32
    %add3A_393 = vector.broadcast %add3A_392 : f32 to vector<16xf32>
    %add3A_394 = arith.addf %exp3A_391, %add3A_393 : vector<16xf32>
    %div3A_395 = arith.constant 2.000000e+00 : f32
    %div3A_396 = vector.broadcast %div3A_395 : f32 to vector<16xf32>
    %div3A_397 = arith.divf %div3A_396, %add3A_394 : vector<16xf32>
    %sub3A_398 = arith.constant 1.000000e+00 : f32
    %sub3A_399 = vector.broadcast %sub3A_398 : f32 to vector<16xf32>
    %sub3A_400 = arith.subf %sub3A_399, %div3A_397 : vector<16xf32>
    %swap3A_401 = arith.constant 352 : index
    %swap3A_402 = tpu.vector_load %arg24[%swap3A_401] {strides = array<i32>} : memref<640xf32, #tpu.memory_space<vmem>>, vector<16xf32>,
    tpu.vector_store %arg24[%swap3A_401], %sub3A_400 {strides = array<i32>} : memref<640xf32, #tpu.memory_space<vmem>>, vector<16xf32>,
    %get3A_403 = arith.constant 368 : index
    %get3A_404 = tpu.vector_load %arg23[%get3A_403] {strides = array<i32>} : memref<640xf32, #tpu.memory_space<vmem>>, vector<16xf32>,
    %mul3A_405 = arith.constant 2.000000e+00 : f32
    %mul3A_406 = vector.broadcast %mul3A_405 : f32 to vector<16xf32>
    %mul3A_407 = arith.mulf %mul3A_406, %get3A_404 : vector<16xf32>
    %exp3A_408 = math.exp %mul3A_407 : vector<16xf32>
    %add3A_409 = arith.constant 1.000000e+00 : f32
    %add3A_410 = vector.broadcast %add3A_409 : f32 to vector<16xf32>
    %add3A_411 = arith.addf %exp3A_408, %add3A_410 : vector<16xf32>
    %div3A_412 = arith.constant 2.000000e+00 : f32
    %div3A_413 = vector.broadcast %div3A_412 : f32 to vector<16xf32>
    %div3A_414 = arith.divf %div3A_413, %add3A_411 : vector<16xf32>
    %sub3A_415 = arith.constant 1.000000e+00 : f32
    %sub3A_416 = vector.broadcast %sub3A_415 : f32 to vector<16xf32>
    %sub3A_417 = arith.subf %sub3A_416, %div3A_414 : vector<16xf32>
    %swap3A_418 = arith.constant 368 : index
    %swap3A_419 = tpu.vector_load %arg24[%swap3A_418] {strides = array<i32>} : memref<640xf32, #tpu.memory_space<vmem>>, vector<16xf32>,
    tpu.vector_store %arg24[%swap3A_418], %sub3A_417 {strides = array<i32>} : memref<640xf32, #tpu.memory_space<vmem>>, vector<16xf32>,
    %get3A_420 = arith.constant 384 : index
    %get3A_421 = tpu.vector_load %arg23[%get3A_420] {strides = array<i32>} : memref<640xf32, #tpu.memory_space<vmem>>, vector<16xf32>,
    %mul3A_422 = arith.constant 2.000000e+00 : f32
    %mul3A_423 = vector.broadcast %mul3A_422 : f32 to vector<16xf32>
    %mul3A_424 = arith.mulf %mul3A_423, %get3A_421 : vector<16xf32>
    %exp3A_425 = math.exp %mul3A_424 : vector<16xf32>
    %add3A_426 = arith.constant 1.000000e+00 : f32
    %add3A_427 = vector.broadcast %add3A_426 : f32 to vector<16xf32>
    %add3A_428 = arith.addf %exp3A_425, %add3A_427 : vector<16xf32>
    %div3A_429 = arith.constant 2.000000e+00 : f32
    %div3A_430 = vector.broadcast %div3A_429 : f32 to vector<16xf32>
    %div3A_431 = arith.divf %div3A_430, %add3A_428 : vector<16xf32>
    %sub3A_432 = arith.constant 1.000000e+00 : f32
    %sub3A_433 = vector.broadcast %sub3A_432 : f32 to vector<16xf32>
    %sub3A_434 = arith.subf %sub3A_433, %div3A_431 : vector<16xf32>
    %swap3A_435 = arith.constant 384 : index
    %swap3A_436 = tpu.vector_load %arg24[%swap3A_435] {strides = array<i32>} : memref<640xf32, #tpu.memory_space<vmem>>, vector<16xf32>,
    tpu.vector_store %arg24[%swap3A_435], %sub3A_434 {strides = array<i32>} : memref<640xf32, #tpu.memory_space<vmem>>, vector<16xf32>,
    %get3A_437 = arith.constant 400 : index
    %get3A_438 = tpu.vector_load %arg23[%get3A_437] {strides = array<i32>} : memref<640xf32, #tpu.memory_space<vmem>>, vector<16xf32>,
    %mul3A_439 = arith.constant 2.000000e+00 : f32
    %mul3A_440 = vector.broadcast %mul3A_439 : f32 to vector<16xf32>
    %mul3A_441 = arith.mulf %mul3A_440, %get3A_438 : vector<16xf32>
    %exp3A_442 = math.exp %mul3A_441 : vector<16xf32>
    %add3A_443 = arith.constant 1.000000e+00 : f32
    %add3A_444 = vector.broadcast %add3A_443 : f32 to vector<16xf32>
    %add3A_445 = arith.addf %exp3A_442, %add3A_444 : vector<16xf32>
    %div3A_446 = arith.constant 2.000000e+00 : f32
    %div3A_447 = vector.broadcast %div3A_446 : f32 to vector<16xf32>
    %div3A_448 = arith.divf %div3A_447, %add3A_445 : vector<16xf32>
    %sub3A_449 = arith.constant 1.000000e+00 : f32
    %sub3A_450 = vector.broadcast %sub3A_449 : f32 to vector<16xf32>
    %sub3A_451 = arith.subf %sub3A_450, %div3A_448 : vector<16xf32>
    %swap3A_452 = arith.constant 400 : index
    %swap3A_453 = tpu.vector_load %arg24[%swap3A_452] {strides = array<i32>} : memref<640xf32, #tpu.memory_space<vmem>>, vector<16xf32>,
    tpu.vector_store %arg24[%swap3A_452], %sub3A_451 {strides = array<i32>} : memref<640xf32, #tpu.memory_space<vmem>>, vector<16xf32>,
    %get3A_454 = arith.constant 416 : index
    %get3A_455 = tpu.vector_load %arg23[%get3A_454] {strides = array<i32>} : memref<640xf32, #tpu.memory_space<vmem>>, vector<16xf32>,
    %mul3A_456 = arith.constant 2.000000e+00 : f32
    %mul3A_457 = vector.broadcast %mul3A_456 : f32 to vector<16xf32>
    %mul3A_458 = arith.mulf %mul3A_457, %get3A_455 : vector<16xf32>
    %exp3A_459 = math.exp %mul3A_458 : vector<16xf32>
    %add3A_460 = arith.constant 1.000000e+00 : f32
    %add3A_461 = vector.broadcast %add3A_460 : f32 to vector<16xf32>
    %add3A_462 = arith.addf %exp3A_459, %add3A_461 : vector<16xf32>
    %div3A_463 = arith.constant 2.000000e+00 : f32
    %div3A_464 = vector.broadcast %div3A_463 : f32 to vector<16xf32>
    %div3A_465 = arith.divf %div3A_464, %add3A_462 : vector<16xf32>
    %sub3A_466 = arith.constant 1.000000e+00 : f32
    %sub3A_467 = vector.broadcast %sub3A_466 : f32 to vector<16xf32>
    %sub3A_468 = arith.subf %sub3A_467, %div3A_465 : vector<16xf32>
    %swap3A_469 = arith.constant 416 : index
    %swap3A_470 = tpu.vector_load %arg24[%swap3A_469] {strides = array<i32>} : memref<640xf32, #tpu.memory_space<vmem>>, vector<16xf32>,
    tpu.vector_store %arg24[%swap3A_469], %sub3A_468 {strides = array<i32>} : memref<640xf32, #tpu.memory_space<vmem>>, vector<16xf32>,
    %get3A_471 = arith.constant 432 : index
    %get3A_472 = tpu.vector_load %arg23[%get3A_471] {strides = array<i32>} : memref<640xf32, #tpu.memory_space<vmem>>, vector<16xf32>,
    %mul3A_473 = arith.constant 2.000000e+00 : f32
    %mul3A_474 = vector.broadcast %mul3A_473 : f32 to vector<16xf32>
    %mul3A_475 = arith.mulf %mul3A_474, %get3A_472 : vector<16xf32>
    %exp3A_476 = math.exp %mul3A_475 : vector<16xf32>
    %add3A_477 = arith.constant 1.000000e+00 : f32
    %add3A_478 = vector.broadcast %add3A_477 : f32 to vector<16xf32>
    %add3A_479 = arith.addf %exp3A_476, %add3A_478 : vector<16xf32>
    %div3A_480 = arith.constant 2.000000e+00 : f32
    %div3A_481 = vector.broadcast %div3A_480 : f32 to vector<16xf32>
    %div3A_482 = arith.divf %div3A_481, %add3A_479 : vector<16xf32>
    %sub3A_483 = arith.constant 1.000000e+00 : f32
    %sub3A_484 = vector.broadcast %sub3A_483 : f32 to vector<16xf32>
    %sub3A_485 = arith.subf %sub3A_484, %div3A_482 : vector<16xf32>
    %swap3A_486 = arith.constant 432 : index
    %swap3A_487 = tpu.vector_load %arg24[%swap3A_486] {strides = array<i32>} : memref<640xf32, #tpu.memory_space<vmem>>, vector<16xf32>,
    tpu.vector_store %arg24[%swap3A_486], %sub3A_485 {strides = array<i32>} : memref<640xf32, #tpu.memory_space<vmem>>, vector<16xf32>,
    %get3A_488 = arith.constant 448 : index
    %get3A_489 = tpu.vector_load %arg23[%get3A_488] {strides = array<i32>} : memref<640xf32, #tpu.memory_space<vmem>>, vector<16xf32>,
    %mul3A_490 = arith.constant 2.000000e+00 : f32
    %mul3A_491 = vector.broadcast %mul3A_490 : f32 to vector<16xf32>
    %mul3A_492 = arith.mulf %mul3A_491, %get3A_489 : vector<16xf32>
    %exp3A_493 = math.exp %mul3A_492 : vector<16xf32>
    %add3A_494 = arith.constant 1.000000e+00 : f32
    %add3A_495 = vector.broadcast %add3A_494 : f32 to vector<16xf32>
    %add3A_496 = arith.addf %exp3A_493, %add3A_495 : vector<16xf32>
    %div3A_497 = arith.constant 2.000000e+00 : f32
    %div3A_498 = vector.broadcast %div3A_497 : f32 to vector<16xf32>
    %div3A_499 = arith.divf %div3A_498, %add3A_496 : vector<16xf32>
    %sub3A_500 = arith.constant 1.000000e+00 : f32
    %sub3A_501 = vector.broadcast %sub3A_500 : f32 to vector<16xf32>
    %sub3A_502 = arith.subf %sub3A_501, %div3A_499 : vector<16xf32>
    %swap3A_503 = arith.constant 448 : index
    %swap3A_504 = tpu.vector_load %arg24[%swap3A_503] {strides = array<i32>} : memref<640xf32, #tpu.memory_space<vmem>>, vector<16xf32>,
    tpu.vector_store %arg24[%swap3A_503], %sub3A_502 {strides = array<i32>} : memref<640xf32, #tpu.memory_space<vmem>>, vector<16xf32>,
    %get3A_505 = arith.constant 464 : index
    %get3A_506 = tpu.vector_load %arg23[%get3A_505] {strides = array<i32>} : memref<640xf32, #tpu.memory_space<vmem>>, vector<16xf32>,
    %mul3A_507 = arith.constant 2.000000e+00 : f32
    %mul3A_508 = vector.broadcast %mul3A_507 : f32 to vector<16xf32>
    %mul3A_509 = arith.mulf %mul3A_508, %get3A_506 : vector<16xf32>
    %exp3A_510 = math.exp %mul3A_509 : vector<16xf32>
    %add3A_511 = arith.constant 1.000000e+00 : f32
    %add3A_512 = vector.broadcast %add3A_511 : f32 to vector<16xf32>
    %add3A_513 = arith.addf %exp3A_510, %add3A_512 : vector<16xf32>
    %div3A_514 = arith.constant 2.000000e+00 : f32
    %div3A_515 = vector.broadcast %div3A_514 : f32 to vector<16xf32>
    %div3A_516 = arith.divf %div3A_515, %add3A_513 : vector<16xf32>
    %sub3A_517 = arith.constant 1.000000e+00 : f32
    %sub3A_518 = vector.broadcast %sub3A_517 : f32 to vector<16xf32>
    %sub3A_519 = arith.subf %sub3A_518, %div3A_516 : vector<16xf32>
    %swap3A_520 = arith.constant 464 : index
    %swap3A_521 = tpu.vector_load %arg24[%swap3A_520] {strides = array<i32>} : memref<640xf32, #tpu.memory_space<vmem>>, vector<16xf32>,
    tpu.vector_store %arg24[%swap3A_520], %sub3A_519 {strides = array<i32>} : memref<640xf32, #tpu.memory_space<vmem>>, vector<16xf32>,
    %get3A_522 = arith.constant 480 : index
    %get3A_523 = tpu.vector_load %arg23[%get3A_522] {strides = array<i32>} : memref<640xf32, #tpu.memory_space<vmem>>, vector<16xf32>,
    %mul3A_524 = arith.constant 2.000000e+00 : f32
    %mul3A_525 = vector.broadcast %mul3A_524 : f32 to vector<16xf32>
    %mul3A_526 = arith.mulf %mul3A_525, %get3A_523 : vector<16xf32>
    %exp3A_527 = math.exp %mul3A_526 : vector<16xf32>
    %add3A_528 = arith.constant 1.000000e+00 : f32
    %add3A_529 = vector.broadcast %add3A_528 : f32 to vector<16xf32>
    %add3A_530 = arith.addf %exp3A_527, %add3A_529 : vector<16xf32>
    %div3A_531 = arith.constant 2.000000e+00 : f32
    %div3A_532 = vector.broadcast %div3A_531 : f32 to vector<16xf32>
    %div3A_533 = arith.divf %div3A_532, %add3A_530 : vector<16xf32>
    %sub3A_534 = arith.constant 1.000000e+00 : f32
    %sub3A_535 = vector.broadcast %sub3A_534 : f32 to vector<16xf32>
    %sub3A_536 = arith.subf %sub3A_535, %div3A_533 : vector<16xf32>
    %swap3A_537 = arith.constant 480 : index
    %swap3A_538 = tpu.vector_load %arg24[%swap3A_537] {strides = array<i32>} : memref<640xf32, #tpu.memory_space<vmem>>, vector<16xf32>,
    tpu.vector_store %arg24[%swap3A_537], %sub3A_536 {strides = array<i32>} : memref<640xf32, #tpu.memory_space<vmem>>, vector<16xf32>,
    %get3A_539 = arith.constant 496 : index
    %get3A_540 = tpu.vector_load %arg23[%get3A_539] {strides = array<i32>} : memref<640xf32, #tpu.memory_space<vmem>>, vector<16xf32>,
    %mul3A_541 = arith.constant 2.000000e+00 : f32
    %mul3A_542 = vector.broadcast %mul3A_541 : f32 to vector<16xf32>
    %mul3A_543 = arith.mulf %mul3A_542, %get3A_540 : vector<16xf32>
    %exp3A_544 = math.exp %mul3A_543 : vector<16xf32>
    %add3A_545 = arith.constant 1.000000e+00 : f32
    %add3A_546 = vector.broadcast %add3A_545 : f32 to vector<16xf32>
    %add3A_547 = arith.addf %exp3A_544, %add3A_546 : vector<16xf32>
    %div3A_548 = arith.constant 2.000000e+00 : f32
    %div3A_549 = vector.broadcast %div3A_548 : f32 to vector<16xf32>
    %div3A_550 = arith.divf %div3A_549, %add3A_547 : vector<16xf32>
    %sub3A_551 = arith.constant 1.000000e+00 : f32
    %sub3A_552 = vector.broadcast %sub3A_551 : f32 to vector<16xf32>
    %sub3A_553 = arith.subf %sub3A_552, %div3A_550 : vector<16xf32>
    %swap3A_554 = arith.constant 496 : index
    %swap3A_555 = tpu.vector_load %arg24[%swap3A_554] {strides = array<i32>} : memref<640xf32, #tpu.memory_space<vmem>>, vector<16xf32>,
    tpu.vector_store %arg24[%swap3A_554], %sub3A_553 {strides = array<i32>} : memref<640xf32, #tpu.memory_space<vmem>>, vector<16xf32>,
    %get3A_556 = arith.constant 512 : index
    %get3A_557 = tpu.vector_load %arg23[%get3A_556] {strides = array<i32>} : memref<640xf32, #tpu.memory_space<vmem>>, vector<16xf32>,
    %mul3A_558 = arith.constant 2.000000e+00 : f32
    %mul3A_559 = vector.broadcast %mul3A_558 : f32 to vector<16xf32>
    %mul3A_560 = arith.mulf %mul3A_559, %get3A_557 : vector<16xf32>
    %exp3A_561 = math.exp %mul3A_560 : vector<16xf32>
    %add3A_562 = arith.constant 1.000000e+00 : f32
    %add3A_563 = vector.broadcast %add3A_562 : f32 to vector<16xf32>
    %add3A_564 = arith.addf %exp3A_561, %add3A_563 : vector<16xf32>
    %div3A_565 = arith.constant 2.000000e+00 : f32
    %div3A_566 = vector.broadcast %div3A_565 : f32 to vector<16xf32>
    %div3A_567 = arith.divf %div3A_566, %add3A_564 : vector<16xf32>
    %sub3A_568 = arith.constant 1.000000e+00 : f32
    %sub3A_569 = vector.broadcast %sub3A_568 : f32 to vector<16xf32>
    %sub3A_570 = arith.subf %sub3A_569, %div3A_567 : vector<16xf32>
    %swap3A_571 = arith.constant 512 : index
    %swap3A_572 = tpu.vector_load %arg24[%swap3A_571] {strides = array<i32>} : memref<640xf32, #tpu.memory_space<vmem>>, vector<16xf32>,
    tpu.vector_store %arg24[%swap3A_571], %sub3A_570 {strides = array<i32>} : memref<640xf32, #tpu.memory_space<vmem>>, vector<16xf32>,
    %get3A_573 = arith.constant 528 : index
    %get3A_574 = tpu.vector_load %arg23[%get3A_573] {strides = array<i32>} : memref<640xf32, #tpu.memory_space<vmem>>, vector<16xf32>,
    %mul3A_575 = arith.constant 2.000000e+00 : f32
    %mul3A_576 = vector.broadcast %mul3A_575 : f32 to vector<16xf32>
    %mul3A_577 = arith.mulf %mul3A_576, %get3A_574 : vector<16xf32>
    %exp3A_578 = math.exp %mul3A_577 : vector<16xf32>
    %add3A_579 = arith.constant 1.000000e+00 : f32
    %add3A_580 = vector.broadcast %add3A_579 : f32 to vector<16xf32>
    %add3A_581 = arith.addf %exp3A_578, %add3A_580 : vector<16xf32>
    %div3A_582 = arith.constant 2.000000e+00 : f32
    %div3A_583 = vector.broadcast %div3A_582 : f32 to vector<16xf32>
    %div3A_584 = arith.divf %div3A_583, %add3A_581 : vector<16xf32>
    %sub3A_585 = arith.constant 1.000000e+00 : f32
    %sub3A_586 = vector.broadcast %sub3A_585 : f32 to vector<16xf32>
    %sub3A_587 = arith.subf %sub3A_586, %div3A_584 : vector<16xf32>
    %swap3A_588 = arith.constant 528 : index
    %swap3A_589 = tpu.vector_load %arg24[%swap3A_588] {strides = array<i32>} : memref<640xf32, #tpu.memory_space<vmem>>, vector<16xf32>,
    tpu.vector_store %arg24[%swap3A_588], %sub3A_587 {strides = array<i32>} : memref<640xf32, #tpu.memory_space<vmem>>, vector<16xf32>,
    %get3A_590 = arith.constant 544 : index
    %get3A_591 = tpu.vector_load %arg23[%get3A_590] {strides = array<i32>} : memref<640xf32, #tpu.memory_space<vmem>>, vector<16xf32>,
    %mul3A_592 = arith.constant 2.000000e+00 : f32
    %mul3A_593 = vector.broadcast %mul3A_592 : f32 to vector<16xf32>
    %mul3A_594 = arith.mulf %mul3A_593, %get3A_591 : vector<16xf32>
    %exp3A_595 = math.exp %mul3A_594 : vector<16xf32>
    %add3A_596 = arith.constant 1.000000e+00 : f32
    %add3A_597 = vector.broadcast %add3A_596 : f32 to vector<16xf32>
    %add3A_598 = arith.addf %exp3A_595, %add3A_597 : vector<16xf32>
    %div3A_599 = arith.constant 2.000000e+00 : f32
    %div3A_600 = vector.broadcast %div3A_599 : f32 to vector<16xf32>
    %div3A_601 = arith.divf %div3A_600, %add3A_598 : vector<16xf32>
    %sub3A_602 = arith.constant 1.000000e+00 : f32
    %sub3A_603 = vector.broadcast %sub3A_602 : f32 to vector<16xf32>
    %sub3A_604 = arith.subf %sub3A_603, %div3A_601 : vector<16xf32>
    %swap3A_605 = arith.constant 544 : index
    %swap3A_606 = tpu.vector_load %arg24[%swap3A_605] {strides = array<i32>} : memref<640xf32, #tpu.memory_space<vmem>>, vector<16xf32>,
    tpu.vector_store %arg24[%swap3A_605], %sub3A_604 {strides = array<i32>} : memref<640xf32, #tpu.memory_space<vmem>>, vector<16xf32>,
    %get3A_607 = arith.constant 560 : index
    %get3A_608 = tpu.vector_load %arg23[%get3A_607] {strides = array<i32>} : memref<640xf32, #tpu.memory_space<vmem>>, vector<16xf32>,
    %mul3A_609 = arith.constant 2.000000e+00 : f32
    %mul3A_610 = vector.broadcast %mul3A_609 : f32 to vector<16xf32>
    %mul3A_611 = arith.mulf %mul3A_610, %get3A_608 : vector<16xf32>
    %exp3A_612 = math.exp %mul3A_611 : vector<16xf32>
    %add3A_613 = arith.constant 1.000000e+00 : f32
    %add3A_614 = vector.broadcast %add3A_613 : f32 to vector<16xf32>
    %add3A_615 = arith.addf %exp3A_612, %add3A_614 : vector<16xf32>
    %div3A_616 = arith.constant 2.000000e+00 : f32
    %div3A_617 = vector.broadcast %div3A_616 : f32 to vector<16xf32>
    %div3A_618 = arith.divf %div3A_617, %add3A_615 : vector<16xf32>
    %sub3A_619 = arith.constant 1.000000e+00 : f32
    %sub3A_620 = vector.broadcast %sub3A_619 : f32 to vector<16xf32>
    %sub3A_621 = arith.subf %sub3A_620, %div3A_618 : vector<16xf32>
    %swap3A_622 = arith.constant 560 : index
    %swap3A_623 = tpu.vector_load %arg24[%swap3A_622] {strides = array<i32>} : memref<640xf32, #tpu.memory_space<vmem>>, vector<16xf32>,
    tpu.vector_store %arg24[%swap3A_622], %sub3A_621 {strides = array<i32>} : memref<640xf32, #tpu.memory_space<vmem>>, vector<16xf32>,
    %get3A_624 = arith.constant 576 : index
    %get3A_625 = tpu.vector_load %arg23[%get3A_624] {strides = array<i32>} : memref<640xf32, #tpu.memory_space<vmem>>, vector<16xf32>,
    %mul3A_626 = arith.constant 2.000000e+00 : f32
    %mul3A_627 = vector.broadcast %mul3A_626 : f32 to vector<16xf32>
    %mul3A_628 = arith.mulf %mul3A_627, %get3A_625 : vector<16xf32>
    %exp3A_629 = math.exp %mul3A_628 : vector<16xf32>
    %add3A_630 = arith.constant 1.000000e+00 : f32
    %add3A_631 = vector.broadcast %add3A_630 : f32 to vector<16xf32>
    %add3A_632 = arith.addf %exp3A_629, %add3A_631 : vector<16xf32>
    %div3A_633 = arith.constant 2.000000e+00 : f32
    %div3A_634 = vector.broadcast %div3A_633 : f32 to vector<16xf32>
    %div3A_635 = arith.divf %div3A_634, %add3A_632 : vector<16xf32>
    %sub3A_636 = arith.constant 1.000000e+00 : f32
    %sub3A_637 = vector.broadcast %sub3A_636 : f32 to vector<16xf32>
    %sub3A_638 = arith.subf %sub3A_637, %div3A_635 : vector<16xf32>
    %swap3A_639 = arith.constant 576 : index
    %swap3A_640 = tpu.vector_load %arg24[%swap3A_639] {strides = array<i32>} : memref<640xf32, #tpu.memory_space<vmem>>, vector<16xf32>,
    tpu.vector_store %arg24[%swap3A_639], %sub3A_638 {strides = array<i32>} : memref<640xf32, #tpu.memory_space<vmem>>, vector<16xf32>,
    %get3A_641 = arith.constant 592 : index
    %get3A_642 = tpu.vector_load %arg23[%get3A_641] {strides = array<i32>} : memref<640xf32, #tpu.memory_space<vmem>>, vector<16xf32>,
    %mul3A_643 = arith.constant 2.000000e+00 : f32
    %mul3A_644 = vector.broadcast %mul3A_643 : f32 to vector<16xf32>
    %mul3A_645 = arith.mulf %mul3A_644, %get3A_642 : vector<16xf32>
    %exp3A_646 = math.exp %mul3A_645 : vector<16xf32>
    %add3A_647 = arith.constant 1.000000e+00 : f32
    %add3A_648 = vector.broadcast %add3A_647 : f32 to vector<16xf32>
    %add3A_649 = arith.addf %exp3A_646, %add3A_648 : vector<16xf32>
    %div3A_650 = arith.constant 2.000000e+00 : f32
    %div3A_651 = vector.broadcast %div3A_650 : f32 to vector<16xf32>
    %div3A_652 = arith.divf %div3A_651, %add3A_649 : vector<16xf32>
    %sub3A_653 = arith.constant 1.000000e+00 : f32
    %sub3A_654 = vector.broadcast %sub3A_653 : f32 to vector<16xf32>
    %sub3A_655 = arith.subf %sub3A_654, %div3A_652 : vector<16xf32>
    %swap3A_656 = arith.constant 592 : index
    %swap3A_657 = tpu.vector_load %arg24[%swap3A_656] {strides = array<i32>} : memref<640xf32, #tpu.memory_space<vmem>>, vector<16xf32>,
    tpu.vector_store %arg24[%swap3A_656], %sub3A_655 {strides = array<i32>} : memref<640xf32, #tpu.memory_space<vmem>>, vector<16xf32>,
    %get3A_658 = arith.constant 608 : index
    %get3A_659 = tpu.vector_load %arg23[%get3A_658] {strides = array<i32>} : memref<640xf32, #tpu.memory_space<vmem>>, vector<16xf32>,
    %mul3A_660 = arith.constant 2.000000e+00 : f32
    %mul3A_661 = vector.broadcast %mul3A_660 : f32 to vector<16xf32>
    %mul3A_662 = arith.mulf %mul3A_661, %get3A_659 : vector<16xf32>
    %exp3A_663 = math.exp %mul3A_662 : vector<16xf32>
    %add3A_664 = arith.constant 1.000000e+00 : f32
    %add3A_665 = vector.broadcast %add3A_664 : f32 to vector<16xf32>
    %add3A_666 = arith.addf %exp3A_663, %add3A_665 : vector<16xf32>
    %div3A_667 = arith.constant 2.000000e+00 : f32
    %div3A_668 = vector.broadcast %div3A_667 : f32 to vector<16xf32>
    %div3A_669 = arith.divf %div3A_668, %add3A_666 : vector<16xf32>
    %sub3A_670 = arith.constant 1.000000e+00 : f32
    %sub3A_671 = vector.broadcast %sub3A_670 : f32 to vector<16xf32>
    %sub3A_672 = arith.subf %sub3A_671, %div3A_669 : vector<16xf32>
    %swap3A_673 = arith.constant 608 : index
    %swap3A_674 = tpu.vector_load %arg24[%swap3A_673] {strides = array<i32>} : memref<640xf32, #tpu.memory_space<vmem>>, vector<16xf32>,
    tpu.vector_store %arg24[%swap3A_673], %sub3A_672 {strides = array<i32>} : memref<640xf32, #tpu.memory_space<vmem>>, vector<16xf32>,
    %get3A_675 = arith.constant 624 : index
    %get3A_676 = tpu.vector_load %arg23[%get3A_675] {strides = array<i32>} : memref<640xf32, #tpu.memory_space<vmem>>, vector<16xf32>,
    %mul3A_677 = arith.constant 2.000000e+00 : f32
    %mul3A_678 = vector.broadcast %mul3A_677 : f32 to vector<16xf32>
    %mul3A_679 = arith.mulf %mul3A_678, %get3A_676 : vector<16xf32>
    %exp3A_680 = math.exp %mul3A_679 : vector<16xf32>
    %add3A_681 = arith.constant 1.000000e+00 : f32
    %add3A_682 = vector.broadcast %add3A_681 : f32 to vector<16xf32>
    %add3A_683 = arith.addf %exp3A_680, %add3A_682 : vector<16xf32>
    %div3A_684 = arith.constant 2.000000e+00 : f32
    %div3A_685 = vector.broadcast %div3A_684 : f32 to vector<16xf32>
    %div3A_686 = arith.divf %div3A_685, %add3A_683 : vector<16xf32>
    %sub3A_687 = arith.constant 1.000000e+00 : f32
    %sub3A_688 = vector.broadcast %sub3A_687 : f32 to vector<16xf32>
    %sub3A_689 = arith.subf %sub3A_688, %div3A_686 : vector<16xf32>
    %swap3A_690 = arith.constant 624 : index
    %swap3A_691 = tpu.vector_load %arg24[%swap3A_690] {strides = array<i32>} : memref<640xf32, #tpu.memory_space<vmem>>, vector<16xf32>,
    tpu.vector_store %arg24[%swap3A_690], %sub3A_689 {strides = array<i32>} : memref<640xf32, #tpu.memory_space<vmem>>, vector<16xf32>,
    "tpu.region"() ({
      %run_scoped3A = tpu.sem_alloc : memref<!tpu.dma_semaphore, #tpu.memory_space<semaphore_mem>>
      %dma_start3A_2163 = tpu.memref_slice %arg9[%mul3A_0] : memref<10240xf32, #tpu.memory_space<hbm>> -> memref<640xf32, #tpu.memory_space<hbm>>
      %dma_start3A_2164 = tpu.memref_slice %arg9[%mul3A_0] : memref<10240xf32, #tpu.memory_space<hbm>> -> memref<640xf32, #tpu.memory_space<hbm>>
      tpu.enqueue_dma source(%arg24 : memref<640xf32, #tpu.memory_space<vmem>>) target(%dma_start3A_2164 : memref<640xf32, #tpu.memory_space<hbm>>) target_semaphore(%run_scoped3A : memref<!tpu.dma_semaphore, #tpu.memory_space<semaphore_mem>>)
      %dma_wait3A_2165 = tpu.memref_slice %arg9[%mul3A_0] : memref<10240xf32, #tpu.memory_space<hbm>> -> memref<640xf32, #tpu.memory_space<hbm>>
      %dma_wait3A_2166 = tpu.memref_slice %arg9[%mul3A_0] : memref<10240xf32, #tpu.memory_space<hbm>> -> memref<640xf32, #tpu.memory_space<hbm>>
      tpu.wait_dma2 semaphore(%run_scoped3A : memref<!tpu.dma_semaphore, #tpu.memory_space<semaphore_mem>>) src(%arg24 : memref<640xf32, #tpu.memory_space<vmem>>) dst(%dma_wait3A_2166 : memref<640xf32, #tpu.memory_space<hbm>>)
      tpu.yield
    }) : () -> ()
    %barrier3A = arith.constant 0 : index
    tpu.barrier barrier_id(%barrier3A)
    "tpu.region"() ({
      %run_scoped3A = tpu.sem_alloc : memref<!tpu.dma_semaphore, #tpu.memory_space<semaphore_mem>>
      tpu.enqueue_dma source(%arg9 : memref<10240xf32, #tpu.memory_space<hbm>>) target(%arg11 : memref<10240xf32, #tpu.memory_space<vmem>>) target_semaphore(%run_scoped3A : memref<!tpu.dma_semaphore, #tpu.memory_space<semaphore_mem>>)
      tpu.wait_dma2 semaphore(%run_scoped3A : memref<!tpu.dma_semaphore, #tpu.memory_space<semaphore_mem>>) src(%arg9 : memref<10240xf32, #tpu.memory_space<hbm>>) dst(%arg11 : memref<10240xf32, #tpu.memory_space<vmem>>)
      tpu.yield
    }) : () -> ()
    %scan3A = arith.constant 0 : i32
    %scan3A_692 = arith.constant 640 : i32
    %scan3A_693 = arith.addi %scan3A, %scan3A_692 : i32
    %scan3A_694 = arith.constant 8 : i32
    scf.for %scan3A_2163 = %scan3A to %scan3A_693 step %scan3A_694  : i32 {
      %mul3A_2164 = arith.constant 16 : i32
      %mul3A_2165 = arith.muli %scan3A_2163, %mul3A_2164 : i32
      %add3A_2166 = arith.constant 0 : i32
      %add3A_2167 = arith.addi %add3A_2166, %mul3A_2165 : i32
      %broadcast_in_dim3A = arith.constant 0.000000e+00 : f32
      %broadcast_in_dim3A_2168 = vector.broadcast %broadcast_in_dim3A : f32 to vector<16xf32>
      %swap3A_2169 = arith.index_cast %add3A_2167 : i32 to index
      %swap3A_2170 = tpu.vector_load %arg12[%swap3A_2169] {strides = array<i32>} : memref<10240xf32, #tpu.memory_space<vmem>>, vector<16xf32>,
      tpu.vector_store %arg12[%swap3A_2169], %broadcast_in_dim3A_2168 {strides = array<i32>} : memref<10240xf32, #tpu.memory_space<vmem>>, vector<16xf32>,
      %scan3A_2171 = arith.constant 1 : i32
      %scan3A_2172 = arith.addi %scan3A_2163, %scan3A_2171 : i32
      %mul3A_2173 = arith.constant 16 : i32
      %mul3A_2174 = arith.muli %scan3A_2172, %mul3A_2173 : i32
      %add3A_2175 = arith.constant 0 : i32
      %add3A_2176 = arith.addi %add3A_2175, %mul3A_2174 : i32
      %broadcast_in_dim3A_2177 = arith.constant 0.000000e+00 : f32
      %broadcast_in_dim3A_2178 = vector.broadcast %broadcast_in_dim3A_2177 : f32 to vector<16xf32>
      %swap3A_2179 = arith.index_cast %add3A_2176 : i32 to index
      %swap3A_2180 = tpu.vector_load %arg12[%swap3A_2179] {strides = array<i32>} : memref<10240xf32, #tpu.memory_space<vmem>>, vector<16xf32>,
      tpu.vector_store %arg12[%swap3A_2179], %broadcast_in_dim3A_2178 {strides = array<i32>} : memref<10240xf32, #tpu.memory_space<vmem>>, vector<16xf32>,
      %scan3A_2181 = arith.constant 2 : i32
      %scan3A_2182 = arith.addi %scan3A_2163, %scan3A_2181 : i32
      %mul3A_2183 = arith.constant 16 : i32
      %mul3A_2184 = arith.muli %scan3A_2182, %mul3A_2183 : i32
      %add3A_2185 = arith.constant 0 : i32
      %add3A_2186 = arith.addi %add3A_2185, %mul3A_2184 : i32
      %broadcast_in_dim3A_2187 = arith.constant 0.000000e+00 : f32
      %broadcast_in_dim3A_2188 = vector.broadcast %broadcast_in_dim3A_2187 : f32 to vector<16xf32>
      %swap3A_2189 = arith.index_cast %add3A_2186 : i32 to index
      %swap3A_2190 = tpu.vector_load %arg12[%swap3A_2189] {strides = array<i32>} : memref<10240xf32, #tpu.memory_space<vmem>>, vector<16xf32>,
      tpu.vector_store %arg12[%swap3A_2189], %broadcast_in_dim3A_2188 {strides = array<i32>} : memref<10240xf32, #tpu.memory_space<vmem>>, vector<16xf32>,
      %scan3A_2191 = arith.constant 3 : i32
      %scan3A_2192 = arith.addi %scan3A_2163, %scan3A_2191 : i32
      %mul3A_2193 = arith.constant 16 : i32
      %mul3A_2194 = arith.muli %scan3A_2192, %mul3A_2193 : i32
      %add3A_2195 = arith.constant 0 : i32
      %add3A_2196 = arith.addi %add3A_2195, %mul3A_2194 : i32
      %broadcast_in_dim3A_2197 = arith.constant 0.000000e+00 : f32
      %broadcast_in_dim3A_2198 = vector.broadcast %broadcast_in_dim3A_2197 : f32 to vector<16xf32>
      %swap3A_2199 = arith.index_cast %add3A_2196 : i32 to index
      %swap3A_2200 = tpu.vector_load %arg12[%swap3A_2199] {strides = array<i32>} : memref<10240xf32, #tpu.memory_space<vmem>>, vector<16xf32>,
      tpu.vector_store %arg12[%swap3A_2199], %broadcast_in_dim3A_2198 {strides = array<i32>} : memref<10240xf32, #tpu.memory_space<vmem>>, vector<16xf32>,
      %scan3A_2201 = arith.constant 4 : i32
      %scan3A_2202 = arith.addi %scan3A_2163, %scan3A_2201 : i32
      %mul3A_2203 = arith.constant 16 : i32
      %mul3A_2204 = arith.muli %scan3A_2202, %mul3A_2203 : i32
      %add3A_2205 = arith.constant 0 : i32
      %add3A_2206 = arith.addi %add3A_2205, %mul3A_2204 : i32
      %broadcast_in_dim3A_2207 = arith.constant 0.000000e+00 : f32
      %broadcast_in_dim3A_2208 = vector.broadcast %broadcast_in_dim3A_2207 : f32 to vector<16xf32>
      %swap3A_2209 = arith.index_cast %add3A_2206 : i32 to index
      %swap3A_2210 = tpu.vector_load %arg12[%swap3A_2209] {strides = array<i32>} : memref<10240xf32, #tpu.memory_space<vmem>>, vector<16xf32>,
      tpu.vector_store %arg12[%swap3A_2209], %broadcast_in_dim3A_2208 {strides = array<i32>} : memref<10240xf32, #tpu.memory_space<vmem>>, vector<16xf32>,
      %scan3A_2211 = arith.constant 5 : i32
      %scan3A_2212 = arith.addi %scan3A_2163, %scan3A_2211 : i32
      %mul3A_2213 = arith.constant 16 : i32
      %mul3A_2214 = arith.muli %scan3A_2212, %mul3A_2213 : i32
      %add3A_2215 = arith.constant 0 : i32
      %add3A_2216 = arith.addi %add3A_2215, %mul3A_2214 : i32
      %broadcast_in_dim3A_2217 = arith.constant 0.000000e+00 : f32
      %broadcast_in_dim3A_2218 = vector.broadcast %broadcast_in_dim3A_2217 : f32 to vector<16xf32>
      %swap3A_2219 = arith.index_cast %add3A_2216 : i32 to index
      %swap3A_2220 = tpu.vector_load %arg12[%swap3A_2219] {strides = array<i32>} : memref<10240xf32, #tpu.memory_space<vmem>>, vector<16xf32>,
      tpu.vector_store %arg12[%swap3A_2219], %broadcast_in_dim3A_2218 {strides = array<i32>} : memref<10240xf32, #tpu.memory_space<vmem>>, vector<16xf32>,
      %scan3A_2221 = arith.constant 6 : i32
      %scan3A_2222 = arith.addi %scan3A_2163, %scan3A_2221 : i32
      %mul3A_2223 = arith.constant 16 : i32
      %mul3A_2224 = arith.muli %scan3A_2222, %mul3A_2223 : i32
      %add3A_2225 = arith.constant 0 : i32
      %add3A_2226 = arith.addi %add3A_2225, %mul3A_2224 : i32
      %broadcast_in_dim3A_2227 = arith.constant 0.000000e+00 : f32
      %broadcast_in_dim3A_2228 = vector.broadcast %broadcast_in_dim3A_2227 : f32 to vector<16xf32>
      %swap3A_2229 = arith.index_cast %add3A_2226 : i32 to index
      %swap3A_2230 = tpu.vector_load %arg12[%swap3A_2229] {strides = array<i32>} : memref<10240xf32, #tpu.memory_space<vmem>>, vector<16xf32>,
      tpu.vector_store %arg12[%swap3A_2229], %broadcast_in_dim3A_2228 {strides = array<i32>} : memref<10240xf32, #tpu.memory_space<vmem>>, vector<16xf32>,
      %scan3A_2231 = arith.constant 7 : i32
      %scan3A_2232 = arith.addi %scan3A_2163, %scan3A_2231 : i32
      %mul3A_2233 = arith.constant 16 : i32
      %mul3A_2234 = arith.muli %scan3A_2232, %mul3A_2233 : i32
      %add3A_2235 = arith.constant 0 : i32
      %add3A_2236 = arith.addi %add3A_2235, %mul3A_2234 : i32
      %broadcast_in_dim3A_2237 = arith.constant 0.000000e+00 : f32
      %broadcast_in_dim3A_2238 = vector.broadcast %broadcast_in_dim3A_2237 : f32 to vector<16xf32>
      %swap3A_2239 = arith.index_cast %add3A_2236 : i32 to index
      %swap3A_2240 = tpu.vector_load %arg12[%swap3A_2239] {strides = array<i32>} : memref<10240xf32, #tpu.memory_space<vmem>>, vector<16xf32>,
      tpu.vector_store %arg12[%swap3A_2239], %broadcast_in_dim3A_2238 {strides = array<i32>} : memref<10240xf32, #tpu.memory_space<vmem>>, vector<16xf32>,
    }
    %scan3A_695 = arith.constant 640 : i32
    %dma_wait3A = tpu.memref_slice %arg3[%add3A_3] : memref<640000xi32, #tpu.memory_space<hbm>> -> memref<8000xi32, #tpu.memory_space<hbm>>
    %dma_wait3A_696 = tpu.memref_slice %arg3[%add3A_3] : memref<640000xi32, #tpu.memory_space<hbm>> -> memref<8000xi32, #tpu.memory_space<hbm>>
    tpu.wait_dma2 semaphore(%arg19 : memref<!tpu.dma_semaphore, #tpu.memory_space<semaphore_mem>>) src(%dma_wait3A_696 : memref<8000xi32, #tpu.memory_space<hbm>>) dst(%arg13 : memref<8000xi32, #tpu.memory_space<vmem>>)
    %dma_wait3A_697 = tpu.memref_slice %arg4[%add3A_3] : memref<640000xi32, #tpu.memory_space<hbm>> -> memref<8000xi32, #tpu.memory_space<hbm>>
    %dma_wait3A_698 = tpu.memref_slice %arg4[%add3A_3] : memref<640000xi32, #tpu.memory_space<hbm>> -> memref<8000xi32, #tpu.memory_space<hbm>>
    tpu.wait_dma2 semaphore(%arg19 : memref<!tpu.dma_semaphore, #tpu.memory_space<semaphore_mem>>) src(%dma_wait3A_698 : memref<8000xi32, #tpu.memory_space<hbm>>) dst(%arg14 : memref<8000xi32, #tpu.memory_space<vmem>>)
    %dma_wait3A_699 = tpu.memref_slice %arg5[%add3A_3] : memref<640000xf32, #tpu.memory_space<hbm>> -> memref<8000xf32, #tpu.memory_space<hbm>>
    %dma_wait3A_700 = tpu.memref_slice %arg5[%add3A_3] : memref<640000xf32, #tpu.memory_space<hbm>> -> memref<8000xf32, #tpu.memory_space<hbm>>
    tpu.wait_dma2 semaphore(%arg19 : memref<!tpu.dma_semaphore, #tpu.memory_space<semaphore_mem>>) src(%dma_wait3A_700 : memref<8000xf32, #tpu.memory_space<hbm>>) dst(%arg15 : memref<8000xf32, #tpu.memory_space<vmem>>)
    %parallel_loop3A = arith.constant 0 : i32
    %parallel_loop3A_701 = arith.constant 8000 : i32
    %parallel_loop3A_702 = arith.constant 16 : i32
    scf.for %parallel_loop3A_2163 = %parallel_loop3A to %parallel_loop3A_701 step %parallel_loop3A_702  : i32 {
      %parallel_loop3A_2164 = arith.index_cast %parallel_loop3A_2163 : i32 to index
      %parallel_loop3A_2165 = tpu.vector_load %arg13[%parallel_loop3A_2164] {strides = array<i32>} : memref<8000xi32, #tpu.memory_space<vmem>>, vector<16xi32>,
      %parallel_loop3A_2166 = arith.index_cast %parallel_loop3A_2163 : i32 to index
      %parallel_loop3A_2167 = tpu.vector_load %arg14[%parallel_loop3A_2166] {strides = array<i32>} : memref<8000xi32, #tpu.memory_space<vmem>>, vector<16xi32>,
      %parallel_loop3A_2168 = arith.index_cast %parallel_loop3A_2163 : i32 to index
      %parallel_loop3A_2169 = tpu.vector_load %arg15[%parallel_loop3A_2168] {strides = array<i32>} : memref<8000xf32, #tpu.memory_space<vmem>>, vector<16xf32>,
      %parallel_loop3A_2170 = tpu.vector_load_idx %arg11[%parallel_loop3A_2165] : memref<10240xf32, #tpu.memory_space<vmem>>[vector<16xi32>], vector<16xf32>,
      %parallel_loop3A_2171 = arith.mulf %parallel_loop3A_2169, %parallel_loop3A_2170 : vector<16xf32>
      tpu.vector_store_idx %arg12[%parallel_loop3A_2167], %parallel_loop3A_2171 {add = true} : memref<10240xf32, #tpu.memory_space<vmem>>[vector<16xi32>], vector<16xf32>,
    } {sc.loop_unroll_factor = 8 : i64, sc.parallel_access}
    %add3A_703 = arith.constant 16000 : i32
    %add3A_704 = arith.addi %mul3A_2, %add3A_703 : i32
    %dma_start3A_705 = tpu.memref_slice %arg3[%add3A_704] : memref<640000xi32, #tpu.memory_space<hbm>> -> memref<8000xi32, #tpu.memory_space<hbm>>
    %dma_start3A_706 = tpu.memref_slice %arg3[%add3A_704] : memref<640000xi32, #tpu.memory_space<hbm>> -> memref<8000xi32, #tpu.memory_space<hbm>>
    tpu.enqueue_dma source(%dma_start3A_706 : memref<8000xi32, #tpu.memory_space<hbm>>) target(%arg13 : memref<8000xi32, #tpu.memory_space<vmem>>) target_semaphore(%arg19 : memref<!tpu.dma_semaphore, #tpu.memory_space<semaphore_mem>>)
    %dma_start3A_707 = tpu.memref_slice %arg4[%add3A_704] : memref<640000xi32, #tpu.memory_space<hbm>> -> memref<8000xi32, #tpu.memory_space<hbm>>
    %dma_start3A_708 = tpu.memref_slice %arg4[%add3A_704] : memref<640000xi32, #tpu.memory_space<hbm>> -> memref<8000xi32, #tpu.memory_space<hbm>>
    tpu.enqueue_dma source(%dma_start3A_708 : memref<8000xi32, #tpu.memory_space<hbm>>) target(%arg14 : memref<8000xi32, #tpu.memory_space<vmem>>) target_semaphore(%arg19 : memref<!tpu.dma_semaphore, #tpu.memory_space<semaphore_mem>>)
    %dma_start3A_709 = tpu.memref_slice %arg5[%add3A_704] : memref<640000xf32, #tpu.memory_space<hbm>> -> memref<8000xf32, #tpu.memory_space<hbm>>
    %dma_start3A_710 = tpu.memref_slice %arg5[%add3A_704] : memref<640000xf32, #tpu.memory_space<hbm>> -> memref<8000xf32, #tpu.memory_space<hbm>>
    tpu.enqueue_dma source(%dma_start3A_710 : memref<8000xf32, #tpu.memory_space<hbm>>) target(%arg15 : memref<8000xf32, #tpu.memory_space<vmem>>) target_semaphore(%arg19 : memref<!tpu.dma_semaphore, #tpu.memory_space<semaphore_mem>>)
    %dma_wait3A_711 = tpu.memref_slice %arg3[%add3A_10] : memref<640000xi32, #tpu.memory_space<hbm>> -> memref<8000xi32, #tpu.memory_space<hbm>>
    %dma_wait3A_712 = tpu.memref_slice %arg3[%add3A_10] : memref<640000xi32, #tpu.memory_space<hbm>> -> memref<8000xi32, #tpu.memory_space<hbm>>
    tpu.wait_dma2 semaphore(%arg20 : memref<!tpu.dma_semaphore, #tpu.memory_space<semaphore_mem>>) src(%dma_wait3A_712 : memref<8000xi32, #tpu.memory_space<hbm>>) dst(%arg16 : memref<8000xi32, #tpu.memory_space<vmem>>)
    %dma_wait3A_713 = tpu.memref_slice %arg4[%add3A_10] : memref<640000xi32, #tpu.memory_space<hbm>> -> memref<8000xi32, #tpu.memory_space<hbm>>
    %dma_wait3A_714 = tpu.memref_slice %arg4[%add3A_10] : memref<640000xi32, #tpu.memory_space<hbm>> -> memref<8000xi32, #tpu.memory_space<hbm>>
    tpu.wait_dma2 semaphore(%arg20 : memref<!tpu.dma_semaphore, #tpu.memory_space<semaphore_mem>>) src(%dma_wait3A_714 : memref<8000xi32, #tpu.memory_space<hbm>>) dst(%arg17 : memref<8000xi32, #tpu.memory_space<vmem>>)
    %dma_wait3A_715 = tpu.memref_slice %arg5[%add3A_10] : memref<640000xf32, #tpu.memory_space<hbm>> -> memref<8000xf32, #tpu.memory_space<hbm>>
    %dma_wait3A_716 = tpu.memref_slice %arg5[%add3A_10] : memref<640000xf32, #tpu.memory_space<hbm>> -> memref<8000xf32, #tpu.memory_space<hbm>>
    tpu.wait_dma2 semaphore(%arg20 : memref<!tpu.dma_semaphore, #tpu.memory_space<semaphore_mem>>) src(%dma_wait3A_716 : memref<8000xf32, #tpu.memory_space<hbm>>) dst(%arg18 : memref<8000xf32, #tpu.memory_space<vmem>>)
    %parallel_loop3A_717 = arith.constant 0 : i32
    %parallel_loop3A_718 = arith.constant 8000 : i32
    %parallel_loop3A_719 = arith.constant 16 : i32
    scf.for %parallel_loop3A_2163 = %parallel_loop3A_717 to %parallel_loop3A_718 step %parallel_loop3A_719  : i32 {
      %parallel_loop3A_2164 = arith.index_cast %parallel_loop3A_2163 : i32 to index
      %parallel_loop3A_2165 = tpu.vector_load %arg16[%parallel_loop3A_2164] {strides = array<i32>} : memref<8000xi32, #tpu.memory_space<vmem>>, vector<16xi32>,
      %parallel_loop3A_2166 = arith.index_cast %parallel_loop3A_2163 : i32 to index
      %parallel_loop3A_2167 = tpu.vector_load %arg17[%parallel_loop3A_2166] {strides = array<i32>} : memref<8000xi32, #tpu.memory_space<vmem>>, vector<16xi32>,
      %parallel_loop3A_2168 = arith.index_cast %parallel_loop3A_2163 : i32 to index
      %parallel_loop3A_2169 = tpu.vector_load %arg18[%parallel_loop3A_2168] {strides = array<i32>} : memref<8000xf32, #tpu.memory_space<vmem>>, vector<16xf32>,
      %parallel_loop3A_2170 = tpu.vector_load_idx %arg11[%parallel_loop3A_2165] : memref<10240xf32, #tpu.memory_space<vmem>>[vector<16xi32>], vector<16xf32>,
      %parallel_loop3A_2171 = arith.mulf %parallel_loop3A_2169, %parallel_loop3A_2170 : vector<16xf32>
      tpu.vector_store_idx %arg12[%parallel_loop3A_2167], %parallel_loop3A_2171 {add = true} : memref<10240xf32, #tpu.memory_space<vmem>>[vector<16xi32>], vector<16xf32>,
    } {sc.loop_unroll_factor = 8 : i64, sc.parallel_access}
    %add3A_720 = arith.constant 24000 : i32
    %add3A_721 = arith.addi %mul3A_2, %add3A_720 : i32
    %dma_start3A_722 = tpu.memref_slice %arg3[%add3A_721] : memref<640000xi32, #tpu.memory_space<hbm>> -> memref<8000xi32, #tpu.memory_space<hbm>>
    %dma_start3A_723 = tpu.memref_slice %arg3[%add3A_721] : memref<640000xi32, #tpu.memory_space<hbm>> -> memref<8000xi32, #tpu.memory_space<hbm>>
    tpu.enqueue_dma source(%dma_start3A_723 : memref<8000xi32, #tpu.memory_space<hbm>>) target(%arg16 : memref<8000xi32, #tpu.memory_space<vmem>>) target_semaphore(%arg20 : memref<!tpu.dma_semaphore, #tpu.memory_space<semaphore_mem>>)
    %dma_start3A_724 = tpu.memref_slice %arg4[%add3A_721] : memref<640000xi32, #tpu.memory_space<hbm>> -> memref<8000xi32, #tpu.memory_space<hbm>>
    %dma_start3A_725 = tpu.memref_slice %arg4[%add3A_721] : memref<640000xi32, #tpu.memory_space<hbm>> -> memref<8000xi32, #tpu.memory_space<hbm>>
    tpu.enqueue_dma source(%dma_start3A_725 : memref<8000xi32, #tpu.memory_space<hbm>>) target(%arg17 : memref<8000xi32, #tpu.memory_space<vmem>>) target_semaphore(%arg20 : memref<!tpu.dma_semaphore, #tpu.memory_space<semaphore_mem>>)
    %dma_start3A_726 = tpu.memref_slice %arg5[%add3A_721] : memref<640000xf32, #tpu.memory_space<hbm>> -> memref<8000xf32, #tpu.memory_space<hbm>>
    %dma_start3A_727 = tpu.memref_slice %arg5[%add3A_721] : memref<640000xf32, #tpu.memory_space<hbm>> -> memref<8000xf32, #tpu.memory_space<hbm>>
    tpu.enqueue_dma source(%dma_start3A_727 : memref<8000xf32, #tpu.memory_space<hbm>>) target(%arg18 : memref<8000xf32, #tpu.memory_space<vmem>>) target_semaphore(%arg20 : memref<!tpu.dma_semaphore, #tpu.memory_space<semaphore_mem>>)
    %dma_wait3A_728 = tpu.memref_slice %arg3[%add3A_704] : memref<640000xi32, #tpu.memory_space<hbm>> -> memref<8000xi32, #tpu.memory_space<hbm>>
    %dma_wait3A_729 = tpu.memref_slice %arg3[%add3A_704] : memref<640000xi32, #tpu.memory_space<hbm>> -> memref<8000xi32, #tpu.memory_space<hbm>>
    tpu.wait_dma2 semaphore(%arg19 : memref<!tpu.dma_semaphore, #tpu.memory_space<semaphore_mem>>) src(%dma_wait3A_729 : memref<8000xi32, #tpu.memory_space<hbm>>) dst(%arg13 : memref<8000xi32, #tpu.memory_space<vmem>>)
    %dma_wait3A_730 = tpu.memref_slice %arg4[%add3A_704] : memref<640000xi32, #tpu.memory_space<hbm>> -> memref<8000xi32, #tpu.memory_space<hbm>>
    %dma_wait3A_731 = tpu.memref_slice %arg4[%add3A_704] : memref<640000xi32, #tpu.memory_space<hbm>> -> memref<8000xi32, #tpu.memory_space<hbm>>
    tpu.wait_dma2 semaphore(%arg19 : memref<!tpu.dma_semaphore, #tpu.memory_space<semaphore_mem>>) src(%dma_wait3A_731 : memref<8000xi32, #tpu.memory_space<hbm>>) dst(%arg14 : memref<8000xi32, #tpu.memory_space<vmem>>)
    %dma_wait3A_732 = tpu.memref_slice %arg5[%add3A_704] : memref<640000xf32, #tpu.memory_space<hbm>> -> memref<8000xf32, #tpu.memory_space<hbm>>
    %dma_wait3A_733 = tpu.memref_slice %arg5[%add3A_704] : memref<640000xf32, #tpu.memory_space<hbm>> -> memref<8000xf32, #tpu.memory_space<hbm>>
    tpu.wait_dma2 semaphore(%arg19 : memref<!tpu.dma_semaphore, #tpu.memory_space<semaphore_mem>>) src(%dma_wait3A_733 : memref<8000xf32, #tpu.memory_space<hbm>>) dst(%arg15 : memref<8000xf32, #tpu.memory_space<vmem>>)
    %parallel_loop3A_734 = arith.constant 0 : i32
    %parallel_loop3A_735 = arith.constant 8000 : i32
    %parallel_loop3A_736 = arith.constant 16 : i32
    scf.for %parallel_loop3A_2163 = %parallel_loop3A_734 to %parallel_loop3A_735 step %parallel_loop3A_736  : i32 {
      %parallel_loop3A_2164 = arith.index_cast %parallel_loop3A_2163 : i32 to index
      %parallel_loop3A_2165 = tpu.vector_load %arg13[%parallel_loop3A_2164] {strides = array<i32>} : memref<8000xi32, #tpu.memory_space<vmem>>, vector<16xi32>,
      %parallel_loop3A_2166 = arith.index_cast %parallel_loop3A_2163 : i32 to index
      %parallel_loop3A_2167 = tpu.vector_load %arg14[%parallel_loop3A_2166] {strides = array<i32>} : memref<8000xi32, #tpu.memory_space<vmem>>, vector<16xi32>,
      %parallel_loop3A_2168 = arith.index_cast %parallel_loop3A_2163 : i32 to index
      %parallel_loop3A_2169 = tpu.vector_load %arg15[%parallel_loop3A_2168] {strides = array<i32>} : memref<8000xf32, #tpu.memory_space<vmem>>, vector<16xf32>,
      %parallel_loop3A_2170 = tpu.vector_load_idx %arg11[%parallel_loop3A_2165] : memref<10240xf32, #tpu.memory_space<vmem>>[vector<16xi32>], vector<16xf32>,
      %parallel_loop3A_2171 = arith.mulf %parallel_loop3A_2169, %parallel_loop3A_2170 : vector<16xf32>
      tpu.vector_store_idx %arg12[%parallel_loop3A_2167], %parallel_loop3A_2171 {add = true} : memref<10240xf32, #tpu.memory_space<vmem>>[vector<16xi32>], vector<16xf32>,
    } {sc.loop_unroll_factor = 8 : i64, sc.parallel_access}
    %add3A_737 = arith.constant 32000 : i32
    %add3A_738 = arith.addi %mul3A_2, %add3A_737 : i32
    %dma_start3A_739 = tpu.memref_slice %arg3[%add3A_738] : memref<640000xi32, #tpu.memory_space<hbm>> -> memref<8000xi32, #tpu.memory_space<hbm>>
    %dma_start3A_740 = tpu.memref_slice %arg3[%add3A_738] : memref<640000xi32, #tpu.memory_space<hbm>> -> memref<8000xi32, #tpu.memory_space<hbm>>
    tpu.enqueue_dma source(%dma_start3A_740 : memref<8000xi32, #tpu.memory_space<hbm>>) target(%arg13 : memref<8000xi32, #tpu.memory_space<vmem>>) target_semaphore(%arg19 : memref<!tpu.dma_semaphore, #tpu.memory_space<semaphore_mem>>)
    %dma_start3A_741 = tpu.memref_slice %arg4[%add3A_738] : memref<640000xi32, #tpu.memory_space<hbm>> -> memref<8000xi32, #tpu.memory_space<hbm>>
    %dma_start3A_742 = tpu.memref_slice %arg4[%add3A_738] : memref<640000xi32, #tpu.memory_space<hbm>> -> memref<8000xi32, #tpu.memory_space<hbm>>
    tpu.enqueue_dma source(%dma_start3A_742 : memref<8000xi32, #tpu.memory_space<hbm>>) target(%arg14 : memref<8000xi32, #tpu.memory_space<vmem>>) target_semaphore(%arg19 : memref<!tpu.dma_semaphore, #tpu.memory_space<semaphore_mem>>)
    %dma_start3A_743 = tpu.memref_slice %arg5[%add3A_738] : memref<640000xf32, #tpu.memory_space<hbm>> -> memref<8000xf32, #tpu.memory_space<hbm>>
    %dma_start3A_744 = tpu.memref_slice %arg5[%add3A_738] : memref<640000xf32, #tpu.memory_space<hbm>> -> memref<8000xf32, #tpu.memory_space<hbm>>
    tpu.enqueue_dma source(%dma_start3A_744 : memref<8000xf32, #tpu.memory_space<hbm>>) target(%arg15 : memref<8000xf32, #tpu.memory_space<vmem>>) target_semaphore(%arg19 : memref<!tpu.dma_semaphore, #tpu.memory_space<semaphore_mem>>)
    %dma_wait3A_745 = tpu.memref_slice %arg3[%add3A_721] : memref<640000xi32, #tpu.memory_space<hbm>> -> memref<8000xi32, #tpu.memory_space<hbm>>
    %dma_wait3A_746 = tpu.memref_slice %arg3[%add3A_721] : memref<640000xi32, #tpu.memory_space<hbm>> -> memref<8000xi32, #tpu.memory_space<hbm>>
    tpu.wait_dma2 semaphore(%arg20 : memref<!tpu.dma_semaphore, #tpu.memory_space<semaphore_mem>>) src(%dma_wait3A_746 : memref<8000xi32, #tpu.memory_space<hbm>>) dst(%arg16 : memref<8000xi32, #tpu.memory_space<vmem>>)
    %dma_wait3A_747 = tpu.memref_slice %arg4[%add3A_721] : memref<640000xi32, #tpu.memory_space<hbm>> -> memref<8000xi32, #tpu.memory_space<hbm>>
    %dma_wait3A_748 = tpu.memref_slice %arg4[%add3A_721] : memref<640000xi32, #tpu.memory_space<hbm>> -> memref<8000xi32, #tpu.memory_space<hbm>>
    tpu.wait_dma2 semaphore(%arg20 : memref<!tpu.dma_semaphore, #tpu.memory_space<semaphore_mem>>) src(%dma_wait3A_748 : memref<8000xi32, #tpu.memory_space<hbm>>) dst(%arg17 : memref<8000xi32, #tpu.memory_space<vmem>>)
    %dma_wait3A_749 = tpu.memref_slice %arg5[%add3A_721] : memref<640000xf32, #tpu.memory_space<hbm>> -> memref<8000xf32, #tpu.memory_space<hbm>>
    %dma_wait3A_750 = tpu.memref_slice %arg5[%add3A_721] : memref<640000xf32, #tpu.memory_space<hbm>> -> memref<8000xf32, #tpu.memory_space<hbm>>
    tpu.wait_dma2 semaphore(%arg20 : memref<!tpu.dma_semaphore, #tpu.memory_space<semaphore_mem>>) src(%dma_wait3A_750 : memref<8000xf32, #tpu.memory_space<hbm>>) dst(%arg18 : memref<8000xf32, #tpu.memory_space<vmem>>)
    %parallel_loop3A_751 = arith.constant 0 : i32
    %parallel_loop3A_752 = arith.constant 8000 : i32
    %parallel_loop3A_753 = arith.constant 16 : i32
    scf.for %parallel_loop3A_2163 = %parallel_loop3A_751 to %parallel_loop3A_752 step %parallel_loop3A_753  : i32 {
      %parallel_loop3A_2164 = arith.index_cast %parallel_loop3A_2163 : i32 to index
      %parallel_loop3A_2165 = tpu.vector_load %arg16[%parallel_loop3A_2164] {strides = array<i32>} : memref<8000xi32, #tpu.memory_space<vmem>>, vector<16xi32>,
      %parallel_loop3A_2166 = arith.index_cast %parallel_loop3A_2163 : i32 to index
      %parallel_loop3A_2167 = tpu.vector_load %arg17[%parallel_loop3A_2166] {strides = array<i32>} : memref<8000xi32, #tpu.memory_space<vmem>>, vector<16xi32>,
      %parallel_loop3A_2168 = arith.index_cast %parallel_loop3A_2163 : i32 to index
      %parallel_loop3A_2169 = tpu.vector_load %arg18[%parallel_loop3A_2168] {strides = array<i32>} : memref<8000xf32, #tpu.memory_space<vmem>>, vector<16xf32>,
      %parallel_loop3A_2170 = tpu.vector_load_idx %arg11[%parallel_loop3A_2165] : memref<10240xf32, #tpu.memory_space<vmem>>[vector<16xi32>], vector<16xf32>,
      %parallel_loop3A_2171 = arith.mulf %parallel_loop3A_2169, %parallel_loop3A_2170 : vector<16xf32>
      tpu.vector_store_idx %arg12[%parallel_loop3A_2167], %parallel_loop3A_2171 {add = true} : memref<10240xf32, #tpu.memory_space<vmem>>[vector<16xi32>], vector<16xf32>,
    } {sc.loop_unroll_factor = 8 : i64, sc.parallel_access}
    %dma_wait3A_754 = tpu.memref_slice %arg3[%add3A_738] : memref<640000xi32, #tpu.memory_space<hbm>> -> memref<8000xi32, #tpu.memory_space<hbm>>
    %dma_wait3A_755 = tpu.memref_slice %arg3[%add3A_738] : memref<640000xi32, #tpu.memory_space<hbm>> -> memref<8000xi32, #tpu.memory_space<hbm>>
    tpu.wait_dma2 semaphore(%arg19 : memref<!tpu.dma_semaphore, #tpu.memory_space<semaphore_mem>>) src(%dma_wait3A_755 : memref<8000xi32, #tpu.memory_space<hbm>>) dst(%arg13 : memref<8000xi32, #tpu.memory_space<vmem>>)
    %dma_wait3A_756 = tpu.memref_slice %arg4[%add3A_738] : memref<640000xi32, #tpu.memory_space<hbm>> -> memref<8000xi32, #tpu.memory_space<hbm>>
    %dma_wait3A_757 = tpu.memref_slice %arg4[%add3A_738] : memref<640000xi32, #tpu.memory_space<hbm>> -> memref<8000xi32, #tpu.memory_space<hbm>>
    tpu.wait_dma2 semaphore(%arg19 : memref<!tpu.dma_semaphore, #tpu.memory_space<semaphore_mem>>) src(%dma_wait3A_757 : memref<8000xi32, #tpu.memory_space<hbm>>) dst(%arg14 : memref<8000xi32, #tpu.memory_space<vmem>>)
    %dma_wait3A_758 = tpu.memref_slice %arg5[%add3A_738] : memref<640000xf32, #tpu.memory_space<hbm>> -> memref<8000xf32, #tpu.memory_space<hbm>>
    %dma_wait3A_759 = tpu.memref_slice %arg5[%add3A_738] : memref<640000xf32, #tpu.memory_space<hbm>> -> memref<8000xf32, #tpu.memory_space<hbm>>
    tpu.wait_dma2 semaphore(%arg19 : memref<!tpu.dma_semaphore, #tpu.memory_space<semaphore_mem>>) src(%dma_wait3A_759 : memref<8000xf32, #tpu.memory_space<hbm>>) dst(%arg15 : memref<8000xf32, #tpu.memory_space<vmem>>)
    %parallel_loop3A_760 = arith.constant 0 : i32
    %parallel_loop3A_761 = arith.constant 8000 : i32
    %parallel_loop3A_762 = arith.constant 16 : i32
    scf.for %parallel_loop3A_2163 = %parallel_loop3A_760 to %parallel_loop3A_761 step %parallel_loop3A_762  : i32 {
      %parallel_loop3A_2164 = arith.index_cast %parallel_loop3A_2163 : i32 to index
      %parallel_loop3A_2165 = tpu.vector_load %arg13[%parallel_loop3A_2164] {strides = array<i32>} : memref<8000xi32, #tpu.memory_space<vmem>>, vector<16xi32>,
      %parallel_loop3A_2166 = arith.index_cast %parallel_loop3A_2163 : i32 to index
      %parallel_loop3A_2167 = tpu.vector_load %arg14[%parallel_loop3A_2166] {strides = array<i32>} : memref<8000xi32, #tpu.memory_space<vmem>>, vector<16xi32>,
      %parallel_loop3A_2168 = arith.index_cast %parallel_loop3A_2163 : i32 to index
      %parallel_loop3A_2169 = tpu.vector_load %arg15[%parallel_loop3A_2168] {strides = array<i32>} : memref<8000xf32, #tpu.memory_space<vmem>>, vector<16xf32>,
      %parallel_loop3A_2170 = tpu.vector_load_idx %arg11[%parallel_loop3A_2165] : memref<10240xf32, #tpu.memory_space<vmem>>[vector<16xi32>], vector<16xf32>,
      %parallel_loop3A_2171 = arith.mulf %parallel_loop3A_2169, %parallel_loop3A_2170 : vector<16xf32>
      tpu.vector_store_idx %arg12[%parallel_loop3A_2167], %parallel_loop3A_2171 {add = true} : memref<10240xf32, #tpu.memory_space<vmem>>[vector<16xi32>], vector<16xf32>,
    } {sc.loop_unroll_factor = 8 : i64, sc.parallel_access}
    %add3A_763 = arith.constant 0 : i32
    %add3A_764 = arith.addi %mul3A_2, %add3A_763 : i32
    %dma_start3A_765 = tpu.memref_slice %arg3[%add3A_764] : memref<640000xi32, #tpu.memory_space<hbm>> -> memref<8000xi32, #tpu.memory_space<hbm>>
    %dma_start3A_766 = tpu.memref_slice %arg3[%add3A_764] : memref<640000xi32, #tpu.memory_space<hbm>> -> memref<8000xi32, #tpu.memory_space<hbm>>
    tpu.enqueue_dma source(%dma_start3A_766 : memref<8000xi32, #tpu.memory_space<hbm>>) target(%arg13 : memref<8000xi32, #tpu.memory_space<vmem>>) target_semaphore(%arg19 : memref<!tpu.dma_semaphore, #tpu.memory_space<semaphore_mem>>)
    %dma_start3A_767 = tpu.memref_slice %arg4[%add3A_764] : memref<640000xi32, #tpu.memory_space<hbm>> -> memref<8000xi32, #tpu.memory_space<hbm>>
    %dma_start3A_768 = tpu.memref_slice %arg4[%add3A_764] : memref<640000xi32, #tpu.memory_space<hbm>> -> memref<8000xi32, #tpu.memory_space<hbm>>
    tpu.enqueue_dma source(%dma_start3A_768 : memref<8000xi32, #tpu.memory_space<hbm>>) target(%arg14 : memref<8000xi32, #tpu.memory_space<vmem>>) target_semaphore(%arg19 : memref<!tpu.dma_semaphore, #tpu.memory_space<semaphore_mem>>)
    %dma_start3A_769 = tpu.memref_slice %arg5[%add3A_764] : memref<640000xf32, #tpu.memory_space<hbm>> -> memref<8000xf32, #tpu.memory_space<hbm>>
    %dma_start3A_770 = tpu.memref_slice %arg5[%add3A_764] : memref<640000xf32, #tpu.memory_space<hbm>> -> memref<8000xf32, #tpu.memory_space<hbm>>
    tpu.enqueue_dma source(%dma_start3A_770 : memref<8000xf32, #tpu.memory_space<hbm>>) target(%arg15 : memref<8000xf32, #tpu.memory_space<vmem>>) target_semaphore(%arg19 : memref<!tpu.dma_semaphore, #tpu.memory_space<semaphore_mem>>)
    %add3A_771 = arith.constant 8000 : i32
    %add3A_772 = arith.addi %mul3A_2, %add3A_771 : i32
    %dma_start3A_773 = tpu.memref_slice %arg3[%add3A_772] : memref<640000xi32, #tpu.memory_space<hbm>> -> memref<8000xi32, #tpu.memory_space<hbm>>
    %dma_start3A_774 = tpu.memref_slice %arg3[%add3A_772] : memref<640000xi32, #tpu.memory_space<hbm>> -> memref<8000xi32, #tpu.memory_space<hbm>>
    tpu.enqueue_dma source(%dma_start3A_774 : memref<8000xi32, #tpu.memory_space<hbm>>) target(%arg16 : memref<8000xi32, #tpu.memory_space<vmem>>) target_semaphore(%arg20 : memref<!tpu.dma_semaphore, #tpu.memory_space<semaphore_mem>>)
    %dma_start3A_775 = tpu.memref_slice %arg4[%add3A_772] : memref<640000xi32, #tpu.memory_space<hbm>> -> memref<8000xi32, #tpu.memory_space<hbm>>
    %dma_start3A_776 = tpu.memref_slice %arg4[%add3A_772] : memref<640000xi32, #tpu.memory_space<hbm>> -> memref<8000xi32, #tpu.memory_space<hbm>>
    tpu.enqueue_dma source(%dma_start3A_776 : memref<8000xi32, #tpu.memory_space<hbm>>) target(%arg17 : memref<8000xi32, #tpu.memory_space<vmem>>) target_semaphore(%arg20 : memref<!tpu.dma_semaphore, #tpu.memory_space<semaphore_mem>>)
    %dma_start3A_777 = tpu.memref_slice %arg5[%add3A_772] : memref<640000xf32, #tpu.memory_space<hbm>> -> memref<8000xf32, #tpu.memory_space<hbm>>
    %dma_start3A_778 = tpu.memref_slice %arg5[%add3A_772] : memref<640000xf32, #tpu.memory_space<hbm>> -> memref<8000xf32, #tpu.memory_space<hbm>>
    tpu.enqueue_dma source(%dma_start3A_778 : memref<8000xf32, #tpu.memory_space<hbm>>) target(%arg18 : memref<8000xf32, #tpu.memory_space<vmem>>) target_semaphore(%arg20 : memref<!tpu.dma_semaphore, #tpu.memory_space<semaphore_mem>>)
    %mul3A_779 = arith.constant 10240 : i32
    %mul3A_780 = arith.muli %arg1, %mul3A_779 : i32
    "tpu.region"() ({
      %run_scoped3A = tpu.sem_alloc : memref<!tpu.dma_semaphore, #tpu.memory_space<semaphore_mem>>
      %dma_start3A_2163 = tpu.memref_slice %arg10[%mul3A_780] : memref<163840xf32, #tpu.memory_space<hbm>> -> memref<10240xf32, #tpu.memory_space<hbm>>
      %dma_start3A_2164 = tpu.memref_slice %arg10[%mul3A_780] : memref<163840xf32, #tpu.memory_space<hbm>> -> memref<10240xf32, #tpu.memory_space<hbm>>
      tpu.enqueue_dma source(%arg12 : memref<10240xf32, #tpu.memory_space<vmem>>) target(%dma_start3A_2164 : memref<10240xf32, #tpu.memory_space<hbm>>) target_semaphore(%run_scoped3A : memref<!tpu.dma_semaphore, #tpu.memory_space<semaphore_mem>>)
      %dma_wait3A_2165 = tpu.memref_slice %arg10[%mul3A_780] : memref<163840xf32, #tpu.memory_space<hbm>> -> memref<10240xf32, #tpu.memory_space<hbm>>
      %dma_wait3A_2166 = tpu.memref_slice %arg10[%mul3A_780] : memref<163840xf32, #tpu.memory_space<hbm>> -> memref<10240xf32, #tpu.memory_space<hbm>>
      tpu.wait_dma2 semaphore(%run_scoped3A : memref<!tpu.dma_semaphore, #tpu.memory_space<semaphore_mem>>) src(%arg12 : memref<10240xf32, #tpu.memory_space<vmem>>) dst(%dma_wait3A_2166 : memref<10240xf32, #tpu.memory_space<hbm>>)
      tpu.yield
    }) : () -> ()
    %barrier3A_781 = arith.constant 0 : index
    tpu.barrier barrier_id(%barrier3A_781)
    %add3A_782 = arith.constant 0 : i32
    %add3A_783 = arith.addi %add3A_782, %mul3A_0 : i32
    %dma_start3A_784 = arith.constant 0 : i32
    %dma_start3A_785 = tpu.memref_slice %arg22[%dma_start3A_784] : memref<10240xf32, #tpu.memory_space<vmem>> -> memref<640xf32, #tpu.memory_space<vmem>>
    %dma_start3A_786 = tpu.memref_slice %arg10[%add3A_783] : memref<163840xf32, #tpu.memory_space<hbm>> -> memref<640xf32, #tpu.memory_space<hbm>>
    %dma_start3A_787 = arith.constant 0 : i32
    %dma_start3A_788 = tpu.memref_slice %arg22[%dma_start3A_787] : memref<10240xf32, #tpu.memory_space<vmem>> -> memref<640xf32, #tpu.memory_space<vmem>>
    %dma_start3A_789 = tpu.memref_slice %arg10[%add3A_783] : memref<163840xf32, #tpu.memory_space<hbm>> -> memref<640xf32, #tpu.memory_space<hbm>>
    tpu.enqueue_dma source(%dma_start3A_789 : memref<640xf32, #tpu.memory_space<hbm>>) target(%dma_start3A_788 : memref<640xf32, #tpu.memory_space<vmem>>) target_semaphore(%arg21 : memref<!tpu.dma_semaphore, #tpu.memory_space<semaphore_mem>>)
    %add3A_790 = arith.constant 10240 : i32
    %add3A_791 = arith.addi %add3A_790, %mul3A_0 : i32
    %dma_start3A_792 = arith.constant 640 : i32
    %dma_start3A_793 = tpu.memref_slice %arg22[%dma_start3A_792] : memref<10240xf32, #tpu.memory_space<vmem>> -> memref<640xf32, #tpu.memory_space<vmem>>
    %dma_start3A_794 = tpu.memref_slice %arg10[%add3A_791] : memref<163840xf32, #tpu.memory_space<hbm>> -> memref<640xf32, #tpu.memory_space<hbm>>
    %dma_start3A_795 = arith.constant 640 : i32
    %dma_start3A_796 = tpu.memref_slice %arg22[%dma_start3A_795] : memref<10240xf32, #tpu.memory_space<vmem>> -> memref<640xf32, #tpu.memory_space<vmem>>
    %dma_start3A_797 = tpu.memref_slice %arg10[%add3A_791] : memref<163840xf32, #tpu.memory_space<hbm>> -> memref<640xf32, #tpu.memory_space<hbm>>
    tpu.enqueue_dma source(%dma_start3A_797 : memref<640xf32, #tpu.memory_space<hbm>>) target(%dma_start3A_796 : memref<640xf32, #tpu.memory_space<vmem>>) target_semaphore(%arg21 : memref<!tpu.dma_semaphore, #tpu.memory_space<semaphore_mem>>)
    %add3A_798 = arith.constant 20480 : i32
    %add3A_799 = arith.addi %add3A_798, %mul3A_0 : i32
    %dma_start3A_800 = arith.constant 1280 : i32
    %dma_start3A_801 = tpu.memref_slice %arg22[%dma_start3A_800] : memref<10240xf32, #tpu.memory_space<vmem>> -> memref<640xf32, #tpu.memory_space<vmem>>
    %dma_start3A_802 = tpu.memref_slice %arg10[%add3A_799] : memref<163840xf32, #tpu.memory_space<hbm>> -> memref<640xf32, #tpu.memory_space<hbm>>
    %dma_start3A_803 = arith.constant 1280 : i32
    %dma_start3A_804 = tpu.memref_slice %arg22[%dma_start3A_803] : memref<10240xf32, #tpu.memory_space<vmem>> -> memref<640xf32, #tpu.memory_space<vmem>>
    %dma_start3A_805 = tpu.memref_slice %arg10[%add3A_799] : memref<163840xf32, #tpu.memory_space<hbm>> -> memref<640xf32, #tpu.memory_space<hbm>>
    tpu.enqueue_dma source(%dma_start3A_805 : memref<640xf32, #tpu.memory_space<hbm>>) target(%dma_start3A_804 : memref<640xf32, #tpu.memory_space<vmem>>) target_semaphore(%arg21 : memref<!tpu.dma_semaphore, #tpu.memory_space<semaphore_mem>>)
    %add3A_806 = arith.constant 30720 : i32
    %add3A_807 = arith.addi %add3A_806, %mul3A_0 : i32
    %dma_start3A_808 = arith.constant 1920 : i32
    %dma_start3A_809 = tpu.memref_slice %arg22[%dma_start3A_808] : memref<10240xf32, #tpu.memory_space<vmem>> -> memref<640xf32, #tpu.memory_space<vmem>>
    %dma_start3A_810 = tpu.memref_slice %arg10[%add3A_807] : memref<163840xf32, #tpu.memory_space<hbm>> -> memref<640xf32, #tpu.memory_space<hbm>>
    %dma_start3A_811 = arith.constant 1920 : i32
    %dma_start3A_812 = tpu.memref_slice %arg22[%dma_start3A_811] : memref<10240xf32, #tpu.memory_space<vmem>> -> memref<640xf32, #tpu.memory_space<vmem>>
    %dma_start3A_813 = tpu.memref_slice %arg10[%add3A_807] : memref<163840xf32, #tpu.memory_space<hbm>> -> memref<640xf32, #tpu.memory_space<hbm>>
    tpu.enqueue_dma source(%dma_start3A_813 : memref<640xf32, #tpu.memory_space<hbm>>) target(%dma_start3A_812 : memref<640xf32, #tpu.memory_space<vmem>>) target_semaphore(%arg21 : memref<!tpu.dma_semaphore, #tpu.memory_space<semaphore_mem>>)
    %add3A_814 = arith.constant 40960 : i32
    %add3A_815 = arith.addi %add3A_814, %mul3A_0 : i32
    %dma_start3A_816 = arith.constant 2560 : i32
    %dma_start3A_817 = tpu.memref_slice %arg22[%dma_start3A_816] : memref<10240xf32, #tpu.memory_space<vmem>> -> memref<640xf32, #tpu.memory_space<vmem>>
    %dma_start3A_818 = tpu.memref_slice %arg10[%add3A_815] : memref<163840xf32, #tpu.memory_space<hbm>> -> memref<640xf32, #tpu.memory_space<hbm>>
    %dma_start3A_819 = arith.constant 2560 : i32
    %dma_start3A_820 = tpu.memref_slice %arg22[%dma_start3A_819] : memref<10240xf32, #tpu.memory_space<vmem>> -> memref<640xf32, #tpu.memory_space<vmem>>
    %dma_start3A_821 = tpu.memref_slice %arg10[%add3A_815] : memref<163840xf32, #tpu.memory_space<hbm>> -> memref<640xf32, #tpu.memory_space<hbm>>
    tpu.enqueue_dma source(%dma_start3A_821 : memref<640xf32, #tpu.memory_space<hbm>>) target(%dma_start3A_820 : memref<640xf32, #tpu.memory_space<vmem>>) target_semaphore(%arg21 : memref<!tpu.dma_semaphore, #tpu.memory_space<semaphore_mem>>)
    %add3A_822 = arith.constant 51200 : i32
    %add3A_823 = arith.addi %add3A_822, %mul3A_0 : i32
    %dma_start3A_824 = arith.constant 3200 : i32
    %dma_start3A_825 = tpu.memref_slice %arg22[%dma_start3A_824] : memref<10240xf32, #tpu.memory_space<vmem>> -> memref<640xf32, #tpu.memory_space<vmem>>
    %dma_start3A_826 = tpu.memref_slice %arg10[%add3A_823] : memref<163840xf32, #tpu.memory_space<hbm>> -> memref<640xf32, #tpu.memory_space<hbm>>
    %dma_start3A_827 = arith.constant 3200 : i32
    %dma_start3A_828 = tpu.memref_slice %arg22[%dma_start3A_827] : memref<10240xf32, #tpu.memory_space<vmem>> -> memref<640xf32, #tpu.memory_space<vmem>>
    %dma_start3A_829 = tpu.memref_slice %arg10[%add3A_823] : memref<163840xf32, #tpu.memory_space<hbm>> -> memref<640xf32, #tpu.memory_space<hbm>>
    tpu.enqueue_dma source(%dma_start3A_829 : memref<640xf32, #tpu.memory_space<hbm>>) target(%dma_start3A_828 : memref<640xf32, #tpu.memory_space<vmem>>) target_semaphore(%arg21 : memref<!tpu.dma_semaphore, #tpu.memory_space<semaphore_mem>>)
    %add3A_830 = arith.constant 61440 : i32
    %add3A_831 = arith.addi %add3A_830, %mul3A_0 : i32
    %dma_start3A_832 = arith.constant 3840 : i32
    %dma_start3A_833 = tpu.memref_slice %arg22[%dma_start3A_832] : memref<10240xf32, #tpu.memory_space<vmem>> -> memref<640xf32, #tpu.memory_space<vmem>>
    %dma_start3A_834 = tpu.memref_slice %arg10[%add3A_831] : memref<163840xf32, #tpu.memory_space<hbm>> -> memref<640xf32, #tpu.memory_space<hbm>>
    %dma_start3A_835 = arith.constant 3840 : i32
    %dma_start3A_836 = tpu.memref_slice %arg22[%dma_start3A_835] : memref<10240xf32, #tpu.memory_space<vmem>> -> memref<640xf32, #tpu.memory_space<vmem>>
    %dma_start3A_837 = tpu.memref_slice %arg10[%add3A_831] : memref<163840xf32, #tpu.memory_space<hbm>> -> memref<640xf32, #tpu.memory_space<hbm>>
    tpu.enqueue_dma source(%dma_start3A_837 : memref<640xf32, #tpu.memory_space<hbm>>) target(%dma_start3A_836 : memref<640xf32, #tpu.memory_space<vmem>>) target_semaphore(%arg21 : memref<!tpu.dma_semaphore, #tpu.memory_space<semaphore_mem>>)
    %add3A_838 = arith.constant 71680 : i32
    %add3A_839 = arith.addi %add3A_838, %mul3A_0 : i32
    %dma_start3A_840 = arith.constant 4480 : i32
    %dma_start3A_841 = tpu.memref_slice %arg22[%dma_start3A_840] : memref<10240xf32, #tpu.memory_space<vmem>> -> memref<640xf32, #tpu.memory_space<vmem>>
    %dma_start3A_842 = tpu.memref_slice %arg10[%add3A_839] : memref<163840xf32, #tpu.memory_space<hbm>> -> memref<640xf32, #tpu.memory_space<hbm>>
    %dma_start3A_843 = arith.constant 4480 : i32
    %dma_start3A_844 = tpu.memref_slice %arg22[%dma_start3A_843] : memref<10240xf32, #tpu.memory_space<vmem>> -> memref<640xf32, #tpu.memory_space<vmem>>
    %dma_start3A_845 = tpu.memref_slice %arg10[%add3A_839] : memref<163840xf32, #tpu.memory_space<hbm>> -> memref<640xf32, #tpu.memory_space<hbm>>
    tpu.enqueue_dma source(%dma_start3A_845 : memref<640xf32, #tpu.memory_space<hbm>>) target(%dma_start3A_844 : memref<640xf32, #tpu.memory_space<vmem>>) target_semaphore(%arg21 : memref<!tpu.dma_semaphore, #tpu.memory_space<semaphore_mem>>)
    %add3A_846 = arith.constant 81920 : i32
    %add3A_847 = arith.addi %add3A_846, %mul3A_0 : i32
    %dma_start3A_848 = arith.constant 5120 : i32
    %dma_start3A_849 = tpu.memref_slice %arg22[%dma_start3A_848] : memref<10240xf32, #tpu.memory_space<vmem>> -> memref<640xf32, #tpu.memory_space<vmem>>
    %dma_start3A_850 = tpu.memref_slice %arg10[%add3A_847] : memref<163840xf32, #tpu.memory_space<hbm>> -> memref<640xf32, #tpu.memory_space<hbm>>
    %dma_start3A_851 = arith.constant 5120 : i32
    %dma_start3A_852 = tpu.memref_slice %arg22[%dma_start3A_851] : memref<10240xf32, #tpu.memory_space<vmem>> -> memref<640xf32, #tpu.memory_space<vmem>>
    %dma_start3A_853 = tpu.memref_slice %arg10[%add3A_847] : memref<163840xf32, #tpu.memory_space<hbm>> -> memref<640xf32, #tpu.memory_space<hbm>>
    tpu.enqueue_dma source(%dma_start3A_853 : memref<640xf32, #tpu.memory_space<hbm>>) target(%dma_start3A_852 : memref<640xf32, #tpu.memory_space<vmem>>) target_semaphore(%arg21 : memref<!tpu.dma_semaphore, #tpu.memory_space<semaphore_mem>>)
    %add3A_854 = arith.constant 92160 : i32
    %add3A_855 = arith.addi %add3A_854, %mul3A_0 : i32
    %dma_start3A_856 = arith.constant 5760 : i32
    %dma_start3A_857 = tpu.memref_slice %arg22[%dma_start3A_856] : memref<10240xf32, #tpu.memory_space<vmem>> -> memref<640xf32, #tpu.memory_space<vmem>>
    %dma_start3A_858 = tpu.memref_slice %arg10[%add3A_855] : memref<163840xf32, #tpu.memory_space<hbm>> -> memref<640xf32, #tpu.memory_space<hbm>>
    %dma_start3A_859 = arith.constant 5760 : i32
    %dma_start3A_860 = tpu.memref_slice %arg22[%dma_start3A_859] : memref<10240xf32, #tpu.memory_space<vmem>> -> memref<640xf32, #tpu.memory_space<vmem>>
    %dma_start3A_861 = tpu.memref_slice %arg10[%add3A_855] : memref<163840xf32, #tpu.memory_space<hbm>> -> memref<640xf32, #tpu.memory_space<hbm>>
    tpu.enqueue_dma source(%dma_start3A_861 : memref<640xf32, #tpu.memory_space<hbm>>) target(%dma_start3A_860 : memref<640xf32, #tpu.memory_space<vmem>>) target_semaphore(%arg21 : memref<!tpu.dma_semaphore, #tpu.memory_space<semaphore_mem>>)
    %add3A_862 = arith.constant 102400 : i32
    %add3A_863 = arith.addi %add3A_862, %mul3A_0 : i32
    %dma_start3A_864 = arith.constant 6400 : i32
    %dma_start3A_865 = tpu.memref_slice %arg22[%dma_start3A_864] : memref<10240xf32, #tpu.memory_space<vmem>> -> memref<640xf32, #tpu.memory_space<vmem>>
    %dma_start3A_866 = tpu.memref_slice %arg10[%add3A_863] : memref<163840xf32, #tpu.memory_space<hbm>> -> memref<640xf32, #tpu.memory_space<hbm>>
    %dma_start3A_867 = arith.constant 6400 : i32
    %dma_start3A_868 = tpu.memref_slice %arg22[%dma_start3A_867] : memref<10240xf32, #tpu.memory_space<vmem>> -> memref<640xf32, #tpu.memory_space<vmem>>
    %dma_start3A_869 = tpu.memref_slice %arg10[%add3A_863] : memref<163840xf32, #tpu.memory_space<hbm>> -> memref<640xf32, #tpu.memory_space<hbm>>
    tpu.enqueue_dma source(%dma_start3A_869 : memref<640xf32, #tpu.memory_space<hbm>>) target(%dma_start3A_868 : memref<640xf32, #tpu.memory_space<vmem>>) target_semaphore(%arg21 : memref<!tpu.dma_semaphore, #tpu.memory_space<semaphore_mem>>)
    %add3A_870 = arith.constant 112640 : i32
    %add3A_871 = arith.addi %add3A_870, %mul3A_0 : i32
    %dma_start3A_872 = arith.constant 7040 : i32
    %dma_start3A_873 = tpu.memref_slice %arg22[%dma_start3A_872] : memref<10240xf32, #tpu.memory_space<vmem>> -> memref<640xf32, #tpu.memory_space<vmem>>
    %dma_start3A_874 = tpu.memref_slice %arg10[%add3A_871] : memref<163840xf32, #tpu.memory_space<hbm>> -> memref<640xf32, #tpu.memory_space<hbm>>
    %dma_start3A_875 = arith.constant 7040 : i32
    %dma_start3A_876 = tpu.memref_slice %arg22[%dma_start3A_875] : memref<10240xf32, #tpu.memory_space<vmem>> -> memref<640xf32, #tpu.memory_space<vmem>>
    %dma_start3A_877 = tpu.memref_slice %arg10[%add3A_871] : memref<163840xf32, #tpu.memory_space<hbm>> -> memref<640xf32, #tpu.memory_space<hbm>>
    tpu.enqueue_dma source(%dma_start3A_877 : memref<640xf32, #tpu.memory_space<hbm>>) target(%dma_start3A_876 : memref<640xf32, #tpu.memory_space<vmem>>) target_semaphore(%arg21 : memref<!tpu.dma_semaphore, #tpu.memory_space<semaphore_mem>>)
    %add3A_878 = arith.constant 122880 : i32
    %add3A_879 = arith.addi %add3A_878, %mul3A_0 : i32
    %dma_start3A_880 = arith.constant 7680 : i32
    %dma_start3A_881 = tpu.memref_slice %arg22[%dma_start3A_880] : memref<10240xf32, #tpu.memory_space<vmem>> -> memref<640xf32, #tpu.memory_space<vmem>>
    %dma_start3A_882 = tpu.memref_slice %arg10[%add3A_879] : memref<163840xf32, #tpu.memory_space<hbm>> -> memref<640xf32, #tpu.memory_space<hbm>>
    %dma_start3A_883 = arith.constant 7680 : i32
    %dma_start3A_884 = tpu.memref_slice %arg22[%dma_start3A_883] : memref<10240xf32, #tpu.memory_space<vmem>> -> memref<640xf32, #tpu.memory_space<vmem>>
    %dma_start3A_885 = tpu.memref_slice %arg10[%add3A_879] : memref<163840xf32, #tpu.memory_space<hbm>> -> memref<640xf32, #tpu.memory_space<hbm>>
    tpu.enqueue_dma source(%dma_start3A_885 : memref<640xf32, #tpu.memory_space<hbm>>) target(%dma_start3A_884 : memref<640xf32, #tpu.memory_space<vmem>>) target_semaphore(%arg21 : memref<!tpu.dma_semaphore, #tpu.memory_space<semaphore_mem>>)
    %add3A_886 = arith.constant 133120 : i32
    %add3A_887 = arith.addi %add3A_886, %mul3A_0 : i32
    %dma_start3A_888 = arith.constant 8320 : i32
    %dma_start3A_889 = tpu.memref_slice %arg22[%dma_start3A_888] : memref<10240xf32, #tpu.memory_space<vmem>> -> memref<640xf32, #tpu.memory_space<vmem>>
    %dma_start3A_890 = tpu.memref_slice %arg10[%add3A_887] : memref<163840xf32, #tpu.memory_space<hbm>> -> memref<640xf32, #tpu.memory_space<hbm>>
    %dma_start3A_891 = arith.constant 8320 : i32
    %dma_start3A_892 = tpu.memref_slice %arg22[%dma_start3A_891] : memref<10240xf32, #tpu.memory_space<vmem>> -> memref<640xf32, #tpu.memory_space<vmem>>
    %dma_start3A_893 = tpu.memref_slice %arg10[%add3A_887] : memref<163840xf32, #tpu.memory_space<hbm>> -> memref<640xf32, #tpu.memory_space<hbm>>
    tpu.enqueue_dma source(%dma_start3A_893 : memref<640xf32, #tpu.memory_space<hbm>>) target(%dma_start3A_892 : memref<640xf32, #tpu.memory_space<vmem>>) target_semaphore(%arg21 : memref<!tpu.dma_semaphore, #tpu.memory_space<semaphore_mem>>)
    %add3A_894 = arith.constant 143360 : i32
    %add3A_895 = arith.addi %add3A_894, %mul3A_0 : i32
    %dma_start3A_896 = arith.constant 8960 : i32
    %dma_start3A_897 = tpu.memref_slice %arg22[%dma_start3A_896] : memref<10240xf32, #tpu.memory_space<vmem>> -> memref<640xf32, #tpu.memory_space<vmem>>
    %dma_start3A_898 = tpu.memref_slice %arg10[%add3A_895] : memref<163840xf32, #tpu.memory_space<hbm>> -> memref<640xf32, #tpu.memory_space<hbm>>
    %dma_start3A_899 = arith.constant 8960 : i32
    %dma_start3A_900 = tpu.memref_slice %arg22[%dma_start3A_899] : memref<10240xf32, #tpu.memory_space<vmem>> -> memref<640xf32, #tpu.memory_space<vmem>>
    %dma_start3A_901 = tpu.memref_slice %arg10[%add3A_895] : memref<163840xf32, #tpu.memory_space<hbm>> -> memref<640xf32, #tpu.memory_space<hbm>>
    tpu.enqueue_dma source(%dma_start3A_901 : memref<640xf32, #tpu.memory_space<hbm>>) target(%dma_start3A_900 : memref<640xf32, #tpu.memory_space<vmem>>) target_semaphore(%arg21 : memref<!tpu.dma_semaphore, #tpu.memory_space<semaphore_mem>>)
    %add3A_902 = arith.constant 153600 : i32
    %add3A_903 = arith.addi %add3A_902, %mul3A_0 : i32
    %dma_start3A_904 = arith.constant 9600 : i32
    %dma_start3A_905 = tpu.memref_slice %arg22[%dma_start3A_904] : memref<10240xf32, #tpu.memory_space<vmem>> -> memref<640xf32, #tpu.memory_space<vmem>>
    %dma_start3A_906 = tpu.memref_slice %arg10[%add3A_903] : memref<163840xf32, #tpu.memory_space<hbm>> -> memref<640xf32, #tpu.memory_space<hbm>>
    %dma_start3A_907 = arith.constant 9600 : i32
    %dma_start3A_908 = tpu.memref_slice %arg22[%dma_start3A_907] : memref<10240xf32, #tpu.memory_space<vmem>> -> memref<640xf32, #tpu.memory_space<vmem>>
    %dma_start3A_909 = tpu.memref_slice %arg10[%add3A_903] : memref<163840xf32, #tpu.memory_space<hbm>> -> memref<640xf32, #tpu.memory_space<hbm>>
    tpu.enqueue_dma source(%dma_start3A_909 : memref<640xf32, #tpu.memory_space<hbm>>) target(%dma_start3A_908 : memref<640xf32, #tpu.memory_space<vmem>>) target_semaphore(%arg21 : memref<!tpu.dma_semaphore, #tpu.memory_space<semaphore_mem>>)
    %scan3A_910 = arith.constant 0 : i32
    %scan3A_911 = arith.constant 640 : i32
    %scan3A_912 = arith.addi %scan3A_910, %scan3A_911 : i32
    %scan3A_913 = arith.constant 8 : i32
    scf.for %scan3A_2163 = %scan3A_910 to %scan3A_912 step %scan3A_913  : i32 {
      %mul3A_2164 = arith.constant 16 : i32
      %mul3A_2165 = arith.muli %scan3A_2163, %mul3A_2164 : i32
      %add3A_2166 = arith.constant 0 : i32
      %add3A_2167 = arith.addi %add3A_2166, %mul3A_2165 : i32
      %broadcast_in_dim3A = arith.constant 0.000000e+00 : f32
      %broadcast_in_dim3A_2168 = vector.broadcast %broadcast_in_dim3A : f32 to vector<16xf32>
      %swap3A_2169 = arith.index_cast %add3A_2167 : i32 to index
      %swap3A_2170 = tpu.vector_load %arg12[%swap3A_2169] {strides = array<i32>} : memref<10240xf32, #tpu.memory_space<vmem>>, vector<16xf32>,
      tpu.vector_store %arg12[%swap3A_2169], %broadcast_in_dim3A_2168 {strides = array<i32>} : memref<10240xf32, #tpu.memory_space<vmem>>, vector<16xf32>,
      %scan3A_2171 = arith.constant 1 : i32
      %scan3A_2172 = arith.addi %scan3A_2163, %scan3A_2171 : i32
      %mul3A_2173 = arith.constant 16 : i32
      %mul3A_2174 = arith.muli %scan3A_2172, %mul3A_2173 : i32
      %add3A_2175 = arith.constant 0 : i32
      %add3A_2176 = arith.addi %add3A_2175, %mul3A_2174 : i32
      %broadcast_in_dim3A_2177 = arith.constant 0.000000e+00 : f32
      %broadcast_in_dim3A_2178 = vector.broadcast %broadcast_in_dim3A_2177 : f32 to vector<16xf32>
      %swap3A_2179 = arith.index_cast %add3A_2176 : i32 to index
      %swap3A_2180 = tpu.vector_load %arg12[%swap3A_2179] {strides = array<i32>} : memref<10240xf32, #tpu.memory_space<vmem>>, vector<16xf32>,
      tpu.vector_store %arg12[%swap3A_2179], %broadcast_in_dim3A_2178 {strides = array<i32>} : memref<10240xf32, #tpu.memory_space<vmem>>, vector<16xf32>,
      %scan3A_2181 = arith.constant 2 : i32
      %scan3A_2182 = arith.addi %scan3A_2163, %scan3A_2181 : i32
      %mul3A_2183 = arith.constant 16 : i32
      %mul3A_2184 = arith.muli %scan3A_2182, %mul3A_2183 : i32
      %add3A_2185 = arith.constant 0 : i32
      %add3A_2186 = arith.addi %add3A_2185, %mul3A_2184 : i32
      %broadcast_in_dim3A_2187 = arith.constant 0.000000e+00 : f32
      %broadcast_in_dim3A_2188 = vector.broadcast %broadcast_in_dim3A_2187 : f32 to vector<16xf32>
      %swap3A_2189 = arith.index_cast %add3A_2186 : i32 to index
      %swap3A_2190 = tpu.vector_load %arg12[%swap3A_2189] {strides = array<i32>} : memref<10240xf32, #tpu.memory_space<vmem>>, vector<16xf32>,
      tpu.vector_store %arg12[%swap3A_2189], %broadcast_in_dim3A_2188 {strides = array<i32>} : memref<10240xf32, #tpu.memory_space<vmem>>, vector<16xf32>,
      %scan3A_2191 = arith.constant 3 : i32
      %scan3A_2192 = arith.addi %scan3A_2163, %scan3A_2191 : i32
      %mul3A_2193 = arith.constant 16 : i32
      %mul3A_2194 = arith.muli %scan3A_2192, %mul3A_2193 : i32
      %add3A_2195 = arith.constant 0 : i32
      %add3A_2196 = arith.addi %add3A_2195, %mul3A_2194 : i32
      %broadcast_in_dim3A_2197 = arith.constant 0.000000e+00 : f32
      %broadcast_in_dim3A_2198 = vector.broadcast %broadcast_in_dim3A_2197 : f32 to vector<16xf32>
      %swap3A_2199 = arith.index_cast %add3A_2196 : i32 to index
      %swap3A_2200 = tpu.vector_load %arg12[%swap3A_2199] {strides = array<i32>} : memref<10240xf32, #tpu.memory_space<vmem>>, vector<16xf32>,
      tpu.vector_store %arg12[%swap3A_2199], %broadcast_in_dim3A_2198 {strides = array<i32>} : memref<10240xf32, #tpu.memory_space<vmem>>, vector<16xf32>,
      %scan3A_2201 = arith.constant 4 : i32
      %scan3A_2202 = arith.addi %scan3A_2163, %scan3A_2201 : i32
      %mul3A_2203 = arith.constant 16 : i32
      %mul3A_2204 = arith.muli %scan3A_2202, %mul3A_2203 : i32
      %add3A_2205 = arith.constant 0 : i32
      %add3A_2206 = arith.addi %add3A_2205, %mul3A_2204 : i32
      %broadcast_in_dim3A_2207 = arith.constant 0.000000e+00 : f32
      %broadcast_in_dim3A_2208 = vector.broadcast %broadcast_in_dim3A_2207 : f32 to vector<16xf32>
      %swap3A_2209 = arith.index_cast %add3A_2206 : i32 to index
      %swap3A_2210 = tpu.vector_load %arg12[%swap3A_2209] {strides = array<i32>} : memref<10240xf32, #tpu.memory_space<vmem>>, vector<16xf32>,
      tpu.vector_store %arg12[%swap3A_2209], %broadcast_in_dim3A_2208 {strides = array<i32>} : memref<10240xf32, #tpu.memory_space<vmem>>, vector<16xf32>,
      %scan3A_2211 = arith.constant 5 : i32
      %scan3A_2212 = arith.addi %scan3A_2163, %scan3A_2211 : i32
      %mul3A_2213 = arith.constant 16 : i32
      %mul3A_2214 = arith.muli %scan3A_2212, %mul3A_2213 : i32
      %add3A_2215 = arith.constant 0 : i32
      %add3A_2216 = arith.addi %add3A_2215, %mul3A_2214 : i32
      %broadcast_in_dim3A_2217 = arith.constant 0.000000e+00 : f32
      %broadcast_in_dim3A_2218 = vector.broadcast %broadcast_in_dim3A_2217 : f32 to vector<16xf32>
      %swap3A_2219 = arith.index_cast %add3A_2216 : i32 to index
      %swap3A_2220 = tpu.vector_load %arg12[%swap3A_2219] {strides = array<i32>} : memref<10240xf32, #tpu.memory_space<vmem>>, vector<16xf32>,
      tpu.vector_store %arg12[%swap3A_2219], %broadcast_in_dim3A_2218 {strides = array<i32>} : memref<10240xf32, #tpu.memory_space<vmem>>, vector<16xf32>,
      %scan3A_2221 = arith.constant 6 : i32
      %scan3A_2222 = arith.addi %scan3A_2163, %scan3A_2221 : i32
      %mul3A_2223 = arith.constant 16 : i32
      %mul3A_2224 = arith.muli %scan3A_2222, %mul3A_2223 : i32
      %add3A_2225 = arith.constant 0 : i32
      %add3A_2226 = arith.addi %add3A_2225, %mul3A_2224 : i32
      %broadcast_in_dim3A_2227 = arith.constant 0.000000e+00 : f32
      %broadcast_in_dim3A_2228 = vector.broadcast %broadcast_in_dim3A_2227 : f32 to vector<16xf32>
      %swap3A_2229 = arith.index_cast %add3A_2226 : i32 to index
      %swap3A_2230 = tpu.vector_load %arg12[%swap3A_2229] {strides = array<i32>} : memref<10240xf32, #tpu.memory_space<vmem>>, vector<16xf32>,
      tpu.vector_store %arg12[%swap3A_2229], %broadcast_in_dim3A_2228 {strides = array<i32>} : memref<10240xf32, #tpu.memory_space<vmem>>, vector<16xf32>,
      %scan3A_2231 = arith.constant 7 : i32
      %scan3A_2232 = arith.addi %scan3A_2163, %scan3A_2231 : i32
      %mul3A_2233 = arith.constant 16 : i32
      %mul3A_2234 = arith.muli %scan3A_2232, %mul3A_2233 : i32
      %add3A_2235 = arith.constant 0 : i32
      %add3A_2236 = arith.addi %add3A_2235, %mul3A_2234 : i32
      %broadcast_in_dim3A_2237 = arith.constant 0.000000e+00 : f32
      %broadcast_in_dim3A_2238 = vector.broadcast %broadcast_in_dim3A_2237 : f32 to vector<16xf32>
      %swap3A_2239 = arith.index_cast %add3A_2236 : i32 to index
      %swap3A_2240 = tpu.vector_load %arg12[%swap3A_2239] {strides = array<i32>} : memref<10240xf32, #tpu.memory_space<vmem>>, vector<16xf32>,
      tpu.vector_store %arg12[%swap3A_2239], %broadcast_in_dim3A_2238 {strides = array<i32>} : memref<10240xf32, #tpu.memory_space<vmem>>, vector<16xf32>,
    }
    %scan3A_914 = arith.constant 640 : i32
    %dma_wait3A_915 = arith.constant 0 : i32
    %dma_wait3A_916 = tpu.memref_slice %arg22[%dma_wait3A_915] : memref<10240xf32, #tpu.memory_space<vmem>> -> memref<640xf32, #tpu.memory_space<vmem>>
    %dma_wait3A_917 = tpu.memref_slice %arg10[%add3A_783] : memref<163840xf32, #tpu.memory_space<hbm>> -> memref<640xf32, #tpu.memory_space<hbm>>
    %dma_wait3A_918 = arith.constant 0 : i32
    %dma_wait3A_919 = tpu.memref_slice %arg22[%dma_wait3A_918] : memref<10240xf32, #tpu.memory_space<vmem>> -> memref<640xf32, #tpu.memory_space<vmem>>
    %dma_wait3A_920 = tpu.memref_slice %arg10[%add3A_783] : memref<163840xf32, #tpu.memory_space<hbm>> -> memref<640xf32, #tpu.memory_space<hbm>>
    tpu.wait_dma2 semaphore(%arg21 : memref<!tpu.dma_semaphore, #tpu.memory_space<semaphore_mem>>) src(%dma_wait3A_920 : memref<640xf32, #tpu.memory_space<hbm>>) dst(%dma_wait3A_919 : memref<640xf32, #tpu.memory_space<vmem>>)
    %dma_wait3A_921 = arith.constant 640 : i32
    %dma_wait3A_922 = tpu.memref_slice %arg22[%dma_wait3A_921] : memref<10240xf32, #tpu.memory_space<vmem>> -> memref<640xf32, #tpu.memory_space<vmem>>
    %dma_wait3A_923 = tpu.memref_slice %arg10[%add3A_791] : memref<163840xf32, #tpu.memory_space<hbm>> -> memref<640xf32, #tpu.memory_space<hbm>>
    %dma_wait3A_924 = arith.constant 640 : i32
    %dma_wait3A_925 = tpu.memref_slice %arg22[%dma_wait3A_924] : memref<10240xf32, #tpu.memory_space<vmem>> -> memref<640xf32, #tpu.memory_space<vmem>>
    %dma_wait3A_926 = tpu.memref_slice %arg10[%add3A_791] : memref<163840xf32, #tpu.memory_space<hbm>> -> memref<640xf32, #tpu.memory_space<hbm>>
    tpu.wait_dma2 semaphore(%arg21 : memref<!tpu.dma_semaphore, #tpu.memory_space<semaphore_mem>>) src(%dma_wait3A_926 : memref<640xf32, #tpu.memory_space<hbm>>) dst(%dma_wait3A_925 : memref<640xf32, #tpu.memory_space<vmem>>)
    %dma_wait3A_927 = arith.constant 1280 : i32
    %dma_wait3A_928 = tpu.memref_slice %arg22[%dma_wait3A_927] : memref<10240xf32, #tpu.memory_space<vmem>> -> memref<640xf32, #tpu.memory_space<vmem>>
    %dma_wait3A_929 = tpu.memref_slice %arg10[%add3A_799] : memref<163840xf32, #tpu.memory_space<hbm>> -> memref<640xf32, #tpu.memory_space<hbm>>
    %dma_wait3A_930 = arith.constant 1280 : i32
    %dma_wait3A_931 = tpu.memref_slice %arg22[%dma_wait3A_930] : memref<10240xf32, #tpu.memory_space<vmem>> -> memref<640xf32, #tpu.memory_space<vmem>>
    %dma_wait3A_932 = tpu.memref_slice %arg10[%add3A_799] : memref<163840xf32, #tpu.memory_space<hbm>> -> memref<640xf32, #tpu.memory_space<hbm>>
    tpu.wait_dma2 semaphore(%arg21 : memref<!tpu.dma_semaphore, #tpu.memory_space<semaphore_mem>>) src(%dma_wait3A_932 : memref<640xf32, #tpu.memory_space<hbm>>) dst(%dma_wait3A_931 : memref<640xf32, #tpu.memory_space<vmem>>)
    %dma_wait3A_933 = arith.constant 1920 : i32
    %dma_wait3A_934 = tpu.memref_slice %arg22[%dma_wait3A_933] : memref<10240xf32, #tpu.memory_space<vmem>> -> memref<640xf32, #tpu.memory_space<vmem>>
    %dma_wait3A_935 = tpu.memref_slice %arg10[%add3A_807] : memref<163840xf32, #tpu.memory_space<hbm>> -> memref<640xf32, #tpu.memory_space<hbm>>
    %dma_wait3A_936 = arith.constant 1920 : i32
    %dma_wait3A_937 = tpu.memref_slice %arg22[%dma_wait3A_936] : memref<10240xf32, #tpu.memory_space<vmem>> -> memref<640xf32, #tpu.memory_space<vmem>>
    %dma_wait3A_938 = tpu.memref_slice %arg10[%add3A_807] : memref<163840xf32, #tpu.memory_space<hbm>> -> memref<640xf32, #tpu.memory_space<hbm>>
    tpu.wait_dma2 semaphore(%arg21 : memref<!tpu.dma_semaphore, #tpu.memory_space<semaphore_mem>>) src(%dma_wait3A_938 : memref<640xf32, #tpu.memory_space<hbm>>) dst(%dma_wait3A_937 : memref<640xf32, #tpu.memory_space<vmem>>)
    %dma_wait3A_939 = arith.constant 2560 : i32
    %dma_wait3A_940 = tpu.memref_slice %arg22[%dma_wait3A_939] : memref<10240xf32, #tpu.memory_space<vmem>> -> memref<640xf32, #tpu.memory_space<vmem>>
    %dma_wait3A_941 = tpu.memref_slice %arg10[%add3A_815] : memref<163840xf32, #tpu.memory_space<hbm>> -> memref<640xf32, #tpu.memory_space<hbm>>
    %dma_wait3A_942 = arith.constant 2560 : i32
    %dma_wait3A_943 = tpu.memref_slice %arg22[%dma_wait3A_942] : memref<10240xf32, #tpu.memory_space<vmem>> -> memref<640xf32, #tpu.memory_space<vmem>>
    %dma_wait3A_944 = tpu.memref_slice %arg10[%add3A_815] : memref<163840xf32, #tpu.memory_space<hbm>> -> memref<640xf32, #tpu.memory_space<hbm>>
    tpu.wait_dma2 semaphore(%arg21 : memref<!tpu.dma_semaphore, #tpu.memory_space<semaphore_mem>>) src(%dma_wait3A_944 : memref<640xf32, #tpu.memory_space<hbm>>) dst(%dma_wait3A_943 : memref<640xf32, #tpu.memory_space<vmem>>)
    %dma_wait3A_945 = arith.constant 3200 : i32
    %dma_wait3A_946 = tpu.memref_slice %arg22[%dma_wait3A_945] : memref<10240xf32, #tpu.memory_space<vmem>> -> memref<640xf32, #tpu.memory_space<vmem>>
    %dma_wait3A_947 = tpu.memref_slice %arg10[%add3A_823] : memref<163840xf32, #tpu.memory_space<hbm>> -> memref<640xf32, #tpu.memory_space<hbm>>
    %dma_wait3A_948 = arith.constant 3200 : i32
    %dma_wait3A_949 = tpu.memref_slice %arg22[%dma_wait3A_948] : memref<10240xf32, #tpu.memory_space<vmem>> -> memref<640xf32, #tpu.memory_space<vmem>>
    %dma_wait3A_950 = tpu.memref_slice %arg10[%add3A_823] : memref<163840xf32, #tpu.memory_space<hbm>> -> memref<640xf32, #tpu.memory_space<hbm>>
    tpu.wait_dma2 semaphore(%arg21 : memref<!tpu.dma_semaphore, #tpu.memory_space<semaphore_mem>>) src(%dma_wait3A_950 : memref<640xf32, #tpu.memory_space<hbm>>) dst(%dma_wait3A_949 : memref<640xf32, #tpu.memory_space<vmem>>)
    %dma_wait3A_951 = arith.constant 3840 : i32
    %dma_wait3A_952 = tpu.memref_slice %arg22[%dma_wait3A_951] : memref<10240xf32, #tpu.memory_space<vmem>> -> memref<640xf32, #tpu.memory_space<vmem>>
    %dma_wait3A_953 = tpu.memref_slice %arg10[%add3A_831] : memref<163840xf32, #tpu.memory_space<hbm>> -> memref<640xf32, #tpu.memory_space<hbm>>
    %dma_wait3A_954 = arith.constant 3840 : i32
    %dma_wait3A_955 = tpu.memref_slice %arg22[%dma_wait3A_954] : memref<10240xf32, #tpu.memory_space<vmem>> -> memref<640xf32, #tpu.memory_space<vmem>>
    %dma_wait3A_956 = tpu.memref_slice %arg10[%add3A_831] : memref<163840xf32, #tpu.memory_space<hbm>> -> memref<640xf32, #tpu.memory_space<hbm>>
    tpu.wait_dma2 semaphore(%arg21 : memref<!tpu.dma_semaphore, #tpu.memory_space<semaphore_mem>>) src(%dma_wait3A_956 : memref<640xf32, #tpu.memory_space<hbm>>) dst(%dma_wait3A_955 : memref<640xf32, #tpu.memory_space<vmem>>)
    %dma_wait3A_957 = arith.constant 4480 : i32
    %dma_wait3A_958 = tpu.memref_slice %arg22[%dma_wait3A_957] : memref<10240xf32, #tpu.memory_space<vmem>> -> memref<640xf32, #tpu.memory_space<vmem>>
    %dma_wait3A_959 = tpu.memref_slice %arg10[%add3A_839] : memref<163840xf32, #tpu.memory_space<hbm>> -> memref<640xf32, #tpu.memory_space<hbm>>
    %dma_wait3A_960 = arith.constant 4480 : i32
    %dma_wait3A_961 = tpu.memref_slice %arg22[%dma_wait3A_960] : memref<10240xf32, #tpu.memory_space<vmem>> -> memref<640xf32, #tpu.memory_space<vmem>>
    %dma_wait3A_962 = tpu.memref_slice %arg10[%add3A_839] : memref<163840xf32, #tpu.memory_space<hbm>> -> memref<640xf32, #tpu.memory_space<hbm>>
    tpu.wait_dma2 semaphore(%arg21 : memref<!tpu.dma_semaphore, #tpu.memory_space<semaphore_mem>>) src(%dma_wait3A_962 : memref<640xf32, #tpu.memory_space<hbm>>) dst(%dma_wait3A_961 : memref<640xf32, #tpu.memory_space<vmem>>)
    %dma_wait3A_963 = arith.constant 5120 : i32
    %dma_wait3A_964 = tpu.memref_slice %arg22[%dma_wait3A_963] : memref<10240xf32, #tpu.memory_space<vmem>> -> memref<640xf32, #tpu.memory_space<vmem>>
    %dma_wait3A_965 = tpu.memref_slice %arg10[%add3A_847] : memref<163840xf32, #tpu.memory_space<hbm>> -> memref<640xf32, #tpu.memory_space<hbm>>
    %dma_wait3A_966 = arith.constant 5120 : i32
    %dma_wait3A_967 = tpu.memref_slice %arg22[%dma_wait3A_966] : memref<10240xf32, #tpu.memory_space<vmem>> -> memref<640xf32, #tpu.memory_space<vmem>>
    %dma_wait3A_968 = tpu.memref_slice %arg10[%add3A_847] : memref<163840xf32, #tpu.memory_space<hbm>> -> memref<640xf32, #tpu.memory_space<hbm>>
    tpu.wait_dma2 semaphore(%arg21 : memref<!tpu.dma_semaphore, #tpu.memory_space<semaphore_mem>>) src(%dma_wait3A_968 : memref<640xf32, #tpu.memory_space<hbm>>) dst(%dma_wait3A_967 : memref<640xf32, #tpu.memory_space<vmem>>)
    %dma_wait3A_969 = arith.constant 5760 : i32
    %dma_wait3A_970 = tpu.memref_slice %arg22[%dma_wait3A_969] : memref<10240xf32, #tpu.memory_space<vmem>> -> memref<640xf32, #tpu.memory_space<vmem>>
    %dma_wait3A_971 = tpu.memref_slice %arg10[%add3A_855] : memref<163840xf32, #tpu.memory_space<hbm>> -> memref<640xf32, #tpu.memory_space<hbm>>
    %dma_wait3A_972 = arith.constant 5760 : i32
    %dma_wait3A_973 = tpu.memref_slice %arg22[%dma_wait3A_972] : memref<10240xf32, #tpu.memory_space<vmem>> -> memref<640xf32, #tpu.memory_space<vmem>>
    %dma_wait3A_974 = tpu.memref_slice %arg10[%add3A_855] : memref<163840xf32, #tpu.memory_space<hbm>> -> memref<640xf32, #tpu.memory_space<hbm>>
    tpu.wait_dma2 semaphore(%arg21 : memref<!tpu.dma_semaphore, #tpu.memory_space<semaphore_mem>>) src(%dma_wait3A_974 : memref<640xf32, #tpu.memory_space<hbm>>) dst(%dma_wait3A_973 : memref<640xf32, #tpu.memory_space<vmem>>)
    %dma_wait3A_975 = arith.constant 6400 : i32
    %dma_wait3A_976 = tpu.memref_slice %arg22[%dma_wait3A_975] : memref<10240xf32, #tpu.memory_space<vmem>> -> memref<640xf32, #tpu.memory_space<vmem>>
    %dma_wait3A_977 = tpu.memref_slice %arg10[%add3A_863] : memref<163840xf32, #tpu.memory_space<hbm>> -> memref<640xf32, #tpu.memory_space<hbm>>
    %dma_wait3A_978 = arith.constant 6400 : i32
    %dma_wait3A_979 = tpu.memref_slice %arg22[%dma_wait3A_978] : memref<10240xf32, #tpu.memory_space<vmem>> -> memref<640xf32, #tpu.memory_space<vmem>>
    %dma_wait3A_980 = tpu.memref_slice %arg10[%add3A_863] : memref<163840xf32, #tpu.memory_space<hbm>> -> memref<640xf32, #tpu.memory_space<hbm>>
    tpu.wait_dma2 semaphore(%arg21 : memref<!tpu.dma_semaphore, #tpu.memory_space<semaphore_mem>>) src(%dma_wait3A_980 : memref<640xf32, #tpu.memory_space<hbm>>) dst(%dma_wait3A_979 : memref<640xf32, #tpu.memory_space<vmem>>)
    %dma_wait3A_981 = arith.constant 7040 : i32
    %dma_wait3A_982 = tpu.memref_slice %arg22[%dma_wait3A_981] : memref<10240xf32, #tpu.memory_space<vmem>> -> memref<640xf32, #tpu.memory_space<vmem>>
    %dma_wait3A_983 = tpu.memref_slice %arg10[%add3A_871] : memref<163840xf32, #tpu.memory_space<hbm>> -> memref<640xf32, #tpu.memory_space<hbm>>
    %dma_wait3A_984 = arith.constant 7040 : i32
    %dma_wait3A_985 = tpu.memref_slice %arg22[%dma_wait3A_984] : memref<10240xf32, #tpu.memory_space<vmem>> -> memref<640xf32, #tpu.memory_space<vmem>>
    %dma_wait3A_986 = tpu.memref_slice %arg10[%add3A_871] : memref<163840xf32, #tpu.memory_space<hbm>> -> memref<640xf32, #tpu.memory_space<hbm>>
    tpu.wait_dma2 semaphore(%arg21 : memref<!tpu.dma_semaphore, #tpu.memory_space<semaphore_mem>>) src(%dma_wait3A_986 : memref<640xf32, #tpu.memory_space<hbm>>) dst(%dma_wait3A_985 : memref<640xf32, #tpu.memory_space<vmem>>)
    %dma_wait3A_987 = arith.constant 7680 : i32
    %dma_wait3A_988 = tpu.memref_slice %arg22[%dma_wait3A_987] : memref<10240xf32, #tpu.memory_space<vmem>> -> memref<640xf32, #tpu.memory_space<vmem>>
    %dma_wait3A_989 = tpu.memref_slice %arg10[%add3A_879] : memref<163840xf32, #tpu.memory_space<hbm>> -> memref<640xf32, #tpu.memory_space<hbm>>
    %dma_wait3A_990 = arith.constant 7680 : i32
    %dma_wait3A_991 = tpu.memref_slice %arg22[%dma_wait3A_990] : memref<10240xf32, #tpu.memory_space<vmem>> -> memref<640xf32, #tpu.memory_space<vmem>>
    %dma_wait3A_992 = tpu.memref_slice %arg10[%add3A_879] : memref<163840xf32, #tpu.memory_space<hbm>> -> memref<640xf32, #tpu.memory_space<hbm>>
    tpu.wait_dma2 semaphore(%arg21 : memref<!tpu.dma_semaphore, #tpu.memory_space<semaphore_mem>>) src(%dma_wait3A_992 : memref<640xf32, #tpu.memory_space<hbm>>) dst(%dma_wait3A_991 : memref<640xf32, #tpu.memory_space<vmem>>)
    %dma_wait3A_993 = arith.constant 8320 : i32
    %dma_wait3A_994 = tpu.memref_slice %arg22[%dma_wait3A_993] : memref<10240xf32, #tpu.memory_space<vmem>> -> memref<640xf32, #tpu.memory_space<vmem>>
    %dma_wait3A_995 = tpu.memref_slice %arg10[%add3A_887] : memref<163840xf32, #tpu.memory_space<hbm>> -> memref<640xf32, #tpu.memory_space<hbm>>
    %dma_wait3A_996 = arith.constant 8320 : i32
    %dma_wait3A_997 = tpu.memref_slice %arg22[%dma_wait3A_996] : memref<10240xf32, #tpu.memory_space<vmem>> -> memref<640xf32, #tpu.memory_space<vmem>>
    %dma_wait3A_998 = tpu.memref_slice %arg10[%add3A_887] : memref<163840xf32, #tpu.memory_space<hbm>> -> memref<640xf32, #tpu.memory_space<hbm>>
    tpu.wait_dma2 semaphore(%arg21 : memref<!tpu.dma_semaphore, #tpu.memory_space<semaphore_mem>>) src(%dma_wait3A_998 : memref<640xf32, #tpu.memory_space<hbm>>) dst(%dma_wait3A_997 : memref<640xf32, #tpu.memory_space<vmem>>)
    %dma_wait3A_999 = arith.constant 8960 : i32
    %dma_wait3A_1000 = tpu.memref_slice %arg22[%dma_wait3A_999] : memref<10240xf32, #tpu.memory_space<vmem>> -> memref<640xf32, #tpu.memory_space<vmem>>
    %dma_wait3A_1001 = tpu.memref_slice %arg10[%add3A_895] : memref<163840xf32, #tpu.memory_space<hbm>> -> memref<640xf32, #tpu.memory_space<hbm>>
    %dma_wait3A_1002 = arith.constant 8960 : i32
    %dma_wait3A_1003 = tpu.memref_slice %arg22[%dma_wait3A_1002] : memref<10240xf32, #tpu.memory_space<vmem>> -> memref<640xf32, #tpu.memory_space<vmem>>
    %dma_wait3A_1004 = tpu.memref_slice %arg10[%add3A_895] : memref<163840xf32, #tpu.memory_space<hbm>> -> memref<640xf32, #tpu.memory_space<hbm>>
    tpu.wait_dma2 semaphore(%arg21 : memref<!tpu.dma_semaphore, #tpu.memory_space<semaphore_mem>>) src(%dma_wait3A_1004 : memref<640xf32, #tpu.memory_space<hbm>>) dst(%dma_wait3A_1003 : memref<640xf32, #tpu.memory_space<vmem>>)
    %dma_wait3A_1005 = arith.constant 9600 : i32
    %dma_wait3A_1006 = tpu.memref_slice %arg22[%dma_wait3A_1005] : memref<10240xf32, #tpu.memory_space<vmem>> -> memref<640xf32, #tpu.memory_space<vmem>>
    %dma_wait3A_1007 = tpu.memref_slice %arg10[%add3A_903] : memref<163840xf32, #tpu.memory_space<hbm>> -> memref<640xf32, #tpu.memory_space<hbm>>
    %dma_wait3A_1008 = arith.constant 9600 : i32
    %dma_wait3A_1009 = tpu.memref_slice %arg22[%dma_wait3A_1008] : memref<10240xf32, #tpu.memory_space<vmem>> -> memref<640xf32, #tpu.memory_space<vmem>>
    %dma_wait3A_1010 = tpu.memref_slice %arg10[%add3A_903] : memref<163840xf32, #tpu.memory_space<hbm>> -> memref<640xf32, #tpu.memory_space<hbm>>
    tpu.wait_dma2 semaphore(%arg21 : memref<!tpu.dma_semaphore, #tpu.memory_space<semaphore_mem>>) src(%dma_wait3A_1010 : memref<640xf32, #tpu.memory_space<hbm>>) dst(%dma_wait3A_1009 : memref<640xf32, #tpu.memory_space<vmem>>)
    %scan3A_1011 = arith.constant 0 : i32
    %scan3A_1012 = arith.constant 40 : i32
    %scan3A_1013 = arith.addi %scan3A_1011, %scan3A_1012 : i32
    %scan3A_1014 = arith.constant 2 : i32
    scf.for %scan3A_2163 = %scan3A_1011 to %scan3A_1013 step %scan3A_1014  : i32 {
      %mul3A_2164 = arith.constant 16 : i32
      %mul3A_2165 = arith.muli %scan3A_2163, %mul3A_2164 : i32
      %add3A_2166 = arith.constant 0 : i32
      %add3A_2167 = arith.addi %add3A_2166, %mul3A_2165 : i32
      %get3A_2168 = arith.index_cast %add3A_2167 : i32 to index
      %get3A_2169 = tpu.vector_load %arg22[%get3A_2168] {strides = array<i32>} : memref<10240xf32, #tpu.memory_space<vmem>>, vector<16xf32>,
      %add3A_2170 = arith.constant 640 : i32
      %add3A_2171 = arith.addi %add3A_2170, %add3A_2167 : i32
      %get3A_2172 = arith.index_cast %add3A_2171 : i32 to index
      %get3A_2173 = tpu.vector_load %arg22[%get3A_2172] {strides = array<i32>} : memref<10240xf32, #tpu.memory_space<vmem>>, vector<16xf32>,
      %add3A_2174 = arith.addf %get3A_2169, %get3A_2173 : vector<16xf32>
      %add3A_2175 = arith.constant 1280 : i32
      %add3A_2176 = arith.addi %add3A_2175, %add3A_2167 : i32
      %get3A_2177 = arith.index_cast %add3A_2176 : i32 to index
      %get3A_2178 = tpu.vector_load %arg22[%get3A_2177] {strides = array<i32>} : memref<10240xf32, #tpu.memory_space<vmem>>, vector<16xf32>,
      %add3A_2179 = arith.addf %add3A_2174, %get3A_2178 : vector<16xf32>
      %add3A_2180 = arith.constant 1920 : i32
      %add3A_2181 = arith.addi %add3A_2180, %add3A_2167 : i32
      %get3A_2182 = arith.index_cast %add3A_2181 : i32 to index
      %get3A_2183 = tpu.vector_load %arg22[%get3A_2182] {strides = array<i32>} : memref<10240xf32, #tpu.memory_space<vmem>>, vector<16xf32>,
      %add3A_2184 = arith.addf %add3A_2179, %get3A_2183 : vector<16xf32>
      %add3A_2185 = arith.constant 2560 : i32
      %add3A_2186 = arith.addi %add3A_2185, %add3A_2167 : i32
      %get3A_2187 = arith.index_cast %add3A_2186 : i32 to index
      %get3A_2188 = tpu.vector_load %arg22[%get3A_2187] {strides = array<i32>} : memref<10240xf32, #tpu.memory_space<vmem>>, vector<16xf32>,
      %add3A_2189 = arith.addf %add3A_2184, %get3A_2188 : vector<16xf32>
      %add3A_2190 = arith.constant 3200 : i32
      %add3A_2191 = arith.addi %add3A_2190, %add3A_2167 : i32
      %get3A_2192 = arith.index_cast %add3A_2191 : i32 to index
      %get3A_2193 = tpu.vector_load %arg22[%get3A_2192] {strides = array<i32>} : memref<10240xf32, #tpu.memory_space<vmem>>, vector<16xf32>,
      %add3A_2194 = arith.addf %add3A_2189, %get3A_2193 : vector<16xf32>
      %add3A_2195 = arith.constant 3840 : i32
      %add3A_2196 = arith.addi %add3A_2195, %add3A_2167 : i32
      %get3A_2197 = arith.index_cast %add3A_2196 : i32 to index
      %get3A_2198 = tpu.vector_load %arg22[%get3A_2197] {strides = array<i32>} : memref<10240xf32, #tpu.memory_space<vmem>>, vector<16xf32>,
      %add3A_2199 = arith.addf %add3A_2194, %get3A_2198 : vector<16xf32>
      %add3A_2200 = arith.constant 4480 : i32
      %add3A_2201 = arith.addi %add3A_2200, %add3A_2167 : i32
      %get3A_2202 = arith.index_cast %add3A_2201 : i32 to index
      %get3A_2203 = tpu.vector_load %arg22[%get3A_2202] {strides = array<i32>} : memref<10240xf32, #tpu.memory_space<vmem>>, vector<16xf32>,
      %add3A_2204 = arith.addf %add3A_2199, %get3A_2203 : vector<16xf32>
      %add3A_2205 = arith.constant 5120 : i32
      %add3A_2206 = arith.addi %add3A_2205, %add3A_2167 : i32
      %get3A_2207 = arith.index_cast %add3A_2206 : i32 to index
      %get3A_2208 = tpu.vector_load %arg22[%get3A_2207] {strides = array<i32>} : memref<10240xf32, #tpu.memory_space<vmem>>, vector<16xf32>,
      %add3A_2209 = arith.addf %add3A_2204, %get3A_2208 : vector<16xf32>
      %add3A_2210 = arith.constant 5760 : i32
      %add3A_2211 = arith.addi %add3A_2210, %add3A_2167 : i32
      %get3A_2212 = arith.index_cast %add3A_2211 : i32 to index
      %get3A_2213 = tpu.vector_load %arg22[%get3A_2212] {strides = array<i32>} : memref<10240xf32, #tpu.memory_space<vmem>>, vector<16xf32>,
      %add3A_2214 = arith.addf %add3A_2209, %get3A_2213 : vector<16xf32>
      %add3A_2215 = arith.constant 6400 : i32
      %add3A_2216 = arith.addi %add3A_2215, %add3A_2167 : i32
      %get3A_2217 = arith.index_cast %add3A_2216 : i32 to index
      %get3A_2218 = tpu.vector_load %arg22[%get3A_2217] {strides = array<i32>} : memref<10240xf32, #tpu.memory_space<vmem>>, vector<16xf32>,
      %add3A_2219 = arith.addf %add3A_2214, %get3A_2218 : vector<16xf32>
      %add3A_2220 = arith.constant 7040 : i32
      %add3A_2221 = arith.addi %add3A_2220, %add3A_2167 : i32
      %get3A_2222 = arith.index_cast %add3A_2221 : i32 to index
      %get3A_2223 = tpu.vector_load %arg22[%get3A_2222] {strides = array<i32>} : memref<10240xf32, #tpu.memory_space<vmem>>, vector<16xf32>,
      %add3A_2224 = arith.addf %add3A_2219, %get3A_2223 : vector<16xf32>
      %add3A_2225 = arith.constant 7680 : i32
      %add3A_2226 = arith.addi %add3A_2225, %add3A_2167 : i32
      %get3A_2227 = arith.index_cast %add3A_2226 : i32 to index
      %get3A_2228 = tpu.vector_load %arg22[%get3A_2227] {strides = array<i32>} : memref<10240xf32, #tpu.memory_space<vmem>>, vector<16xf32>,
      %add3A_2229 = arith.addf %add3A_2224, %get3A_2228 : vector<16xf32>
      %add3A_2230 = arith.constant 8320 : i32
      %add3A_2231 = arith.addi %add3A_2230, %add3A_2167 : i32
      %get3A_2232 = arith.index_cast %add3A_2231 : i32 to index
      %get3A_2233 = tpu.vector_load %arg22[%get3A_2232] {strides = array<i32>} : memref<10240xf32, #tpu.memory_space<vmem>>, vector<16xf32>,
      %add3A_2234 = arith.addf %add3A_2229, %get3A_2233 : vector<16xf32>
      %add3A_2235 = arith.constant 8960 : i32
      %add3A_2236 = arith.addi %add3A_2235, %add3A_2167 : i32
      %get3A_2237 = arith.index_cast %add3A_2236 : i32 to index
      %get3A_2238 = tpu.vector_load %arg22[%get3A_2237] {strides = array<i32>} : memref<10240xf32, #tpu.memory_space<vmem>>, vector<16xf32>,
      %add3A_2239 = arith.addf %add3A_2234, %get3A_2238 : vector<16xf32>
      %add3A_2240 = arith.constant 9600 : i32
      %add3A_2241 = arith.addi %add3A_2240, %add3A_2167 : i32
      %get3A_2242 = arith.index_cast %add3A_2241 : i32 to index
      %get3A_2243 = tpu.vector_load %arg22[%get3A_2242] {strides = array<i32>} : memref<10240xf32, #tpu.memory_space<vmem>>, vector<16xf32>,
      %add3A_2244 = arith.addf %add3A_2239, %get3A_2243 : vector<16xf32>
      %swap3A_2245 = arith.index_cast %add3A_2167 : i32 to index
      %swap3A_2246 = tpu.vector_load %arg26[%swap3A_2245] {strides = array<i32>} : memref<640xf32, #tpu.memory_space<vmem>>, vector<16xf32>,
      tpu.vector_store %arg26[%swap3A_2245], %add3A_2244 {strides = array<i32>} : memref<640xf32, #tpu.memory_space<vmem>>, vector<16xf32>,
      %scan3A_2247 = arith.constant 1 : i32
      %scan3A_2248 = arith.addi %scan3A_2163, %scan3A_2247 : i32
      %mul3A_2249 = arith.constant 16 : i32
      %mul3A_2250 = arith.muli %scan3A_2248, %mul3A_2249 : i32
      %add3A_2251 = arith.constant 0 : i32
      %add3A_2252 = arith.addi %add3A_2251, %mul3A_2250 : i32
      %get3A_2253 = arith.index_cast %add3A_2252 : i32 to index
      %get3A_2254 = tpu.vector_load %arg22[%get3A_2253] {strides = array<i32>} : memref<10240xf32, #tpu.memory_space<vmem>>, vector<16xf32>,
      %add3A_2255 = arith.constant 640 : i32
      %add3A_2256 = arith.addi %add3A_2255, %add3A_2252 : i32
      %get3A_2257 = arith.index_cast %add3A_2256 : i32 to index
      %get3A_2258 = tpu.vector_load %arg22[%get3A_2257] {strides = array<i32>} : memref<10240xf32, #tpu.memory_space<vmem>>, vector<16xf32>,
      %add3A_2259 = arith.addf %get3A_2254, %get3A_2258 : vector<16xf32>
      %add3A_2260 = arith.constant 1280 : i32
      %add3A_2261 = arith.addi %add3A_2260, %add3A_2252 : i32
      %get3A_2262 = arith.index_cast %add3A_2261 : i32 to index
      %get3A_2263 = tpu.vector_load %arg22[%get3A_2262] {strides = array<i32>} : memref<10240xf32, #tpu.memory_space<vmem>>, vector<16xf32>,
      %add3A_2264 = arith.addf %add3A_2259, %get3A_2263 : vector<16xf32>
      %add3A_2265 = arith.constant 1920 : i32
      %add3A_2266 = arith.addi %add3A_2265, %add3A_2252 : i32
      %get3A_2267 = arith.index_cast %add3A_2266 : i32 to index
      %get3A_2268 = tpu.vector_load %arg22[%get3A_2267] {strides = array<i32>} : memref<10240xf32, #tpu.memory_space<vmem>>, vector<16xf32>,
      %add3A_2269 = arith.addf %add3A_2264, %get3A_2268 : vector<16xf32>
      %add3A_2270 = arith.constant 2560 : i32
      %add3A_2271 = arith.addi %add3A_2270, %add3A_2252 : i32
      %get3A_2272 = arith.index_cast %add3A_2271 : i32 to index
      %get3A_2273 = tpu.vector_load %arg22[%get3A_2272] {strides = array<i32>} : memref<10240xf32, #tpu.memory_space<vmem>>, vector<16xf32>,
      %add3A_2274 = arith.addf %add3A_2269, %get3A_2273 : vector<16xf32>
      %add3A_2275 = arith.constant 3200 : i32
      %add3A_2276 = arith.addi %add3A_2275, %add3A_2252 : i32
      %get3A_2277 = arith.index_cast %add3A_2276 : i32 to index
      %get3A_2278 = tpu.vector_load %arg22[%get3A_2277] {strides = array<i32>} : memref<10240xf32, #tpu.memory_space<vmem>>, vector<16xf32>,
      %add3A_2279 = arith.addf %add3A_2274, %get3A_2278 : vector<16xf32>
      %add3A_2280 = arith.constant 3840 : i32
      %add3A_2281 = arith.addi %add3A_2280, %add3A_2252 : i32
      %get3A_2282 = arith.index_cast %add3A_2281 : i32 to index
      %get3A_2283 = tpu.vector_load %arg22[%get3A_2282] {strides = array<i32>} : memref<10240xf32, #tpu.memory_space<vmem>>, vector<16xf32>,
      %add3A_2284 = arith.addf %add3A_2279, %get3A_2283 : vector<16xf32>
      %add3A_2285 = arith.constant 4480 : i32
      %add3A_2286 = arith.addi %add3A_2285, %add3A_2252 : i32
      %get3A_2287 = arith.index_cast %add3A_2286 : i32 to index
      %get3A_2288 = tpu.vector_load %arg22[%get3A_2287] {strides = array<i32>} : memref<10240xf32, #tpu.memory_space<vmem>>, vector<16xf32>,
      %add3A_2289 = arith.addf %add3A_2284, %get3A_2288 : vector<16xf32>
      %add3A_2290 = arith.constant 5120 : i32
      %add3A_2291 = arith.addi %add3A_2290, %add3A_2252 : i32
      %get3A_2292 = arith.index_cast %add3A_2291 : i32 to index
      %get3A_2293 = tpu.vector_load %arg22[%get3A_2292] {strides = array<i32>} : memref<10240xf32, #tpu.memory_space<vmem>>, vector<16xf32>,
      %add3A_2294 = arith.addf %add3A_2289, %get3A_2293 : vector<16xf32>
      %add3A_2295 = arith.constant 5760 : i32
      %add3A_2296 = arith.addi %add3A_2295, %add3A_2252 : i32
      %get3A_2297 = arith.index_cast %add3A_2296 : i32 to index
      %get3A_2298 = tpu.vector_load %arg22[%get3A_2297] {strides = array<i32>} : memref<10240xf32, #tpu.memory_space<vmem>>, vector<16xf32>,
      %add3A_2299 = arith.addf %add3A_2294, %get3A_2298 : vector<16xf32>
      %add3A_2300 = arith.constant 6400 : i32
      %add3A_2301 = arith.addi %add3A_2300, %add3A_2252 : i32
      %get3A_2302 = arith.index_cast %add3A_2301 : i32 to index
      %get3A_2303 = tpu.vector_load %arg22[%get3A_2302] {strides = array<i32>} : memref<10240xf32, #tpu.memory_space<vmem>>, vector<16xf32>,
      %add3A_2304 = arith.addf %add3A_2299, %get3A_2303 : vector<16xf32>
      %add3A_2305 = arith.constant 7040 : i32
      %add3A_2306 = arith.addi %add3A_2305, %add3A_2252 : i32
      %get3A_2307 = arith.index_cast %add3A_2306 : i32 to index
      %get3A_2308 = tpu.vector_load %arg22[%get3A_2307] {strides = array<i32>} : memref<10240xf32, #tpu.memory_space<vmem>>, vector<16xf32>,
      %add3A_2309 = arith.addf %add3A_2304, %get3A_2308 : vector<16xf32>
      %add3A_2310 = arith.constant 7680 : i32
      %add3A_2311 = arith.addi %add3A_2310, %add3A_2252 : i32
      %get3A_2312 = arith.index_cast %add3A_2311 : i32 to index
      %get3A_2313 = tpu.vector_load %arg22[%get3A_2312] {strides = array<i32>} : memref<10240xf32, #tpu.memory_space<vmem>>, vector<16xf32>,
      %add3A_2314 = arith.addf %add3A_2309, %get3A_2313 : vector<16xf32>
      %add3A_2315 = arith.constant 8320 : i32
      %add3A_2316 = arith.addi %add3A_2315, %add3A_2252 : i32
      %get3A_2317 = arith.index_cast %add3A_2316 : i32 to index
      %get3A_2318 = tpu.vector_load %arg22[%get3A_2317] {strides = array<i32>} : memref<10240xf32, #tpu.memory_space<vmem>>, vector<16xf32>,
      %add3A_2319 = arith.addf %add3A_2314, %get3A_2318 : vector<16xf32>
      %add3A_2320 = arith.constant 8960 : i32
      %add3A_2321 = arith.addi %add3A_2320, %add3A_2252 : i32
      %get3A_2322 = arith.index_cast %add3A_2321 : i32 to index
      %get3A_2323 = tpu.vector_load %arg22[%get3A_2322] {strides = array<i32>} : memref<10240xf32, #tpu.memory_space<vmem>>, vector<16xf32>,
      %add3A_2324 = arith.addf %add3A_2319, %get3A_2323 : vector<16xf32>
      %add3A_2325 = arith.constant 9600 : i32
      %add3A_2326 = arith.addi %add3A_2325, %add3A_2252 : i32
      %get3A_2327 = arith.index_cast %add3A_2326 : i32 to index
      %get3A_2328 = tpu.vector_load %arg22[%get3A_2327] {strides = array<i32>} : memref<10240xf32, #tpu.memory_space<vmem>>, vector<16xf32>,
      %add3A_2329 = arith.addf %add3A_2324, %get3A_2328 : vector<16xf32>
      %swap3A_2330 = arith.index_cast %add3A_2252 : i32 to index
      %swap3A_2331 = tpu.vector_load %arg26[%swap3A_2330] {strides = array<i32>} : memref<640xf32, #tpu.memory_space<vmem>>, vector<16xf32>,
      tpu.vector_store %arg26[%swap3A_2330], %add3A_2329 {strides = array<i32>} : memref<640xf32, #tpu.memory_space<vmem>>, vector<16xf32>,
    }
    %scan3A_1015 = arith.constant 40 : i32
    %get3A_1016 = arith.constant 0 : index
    %get3A_1017 = tpu.vector_load %arg23[%get3A_1016] {strides = array<i32>} : memref<640xf32, #tpu.memory_space<vmem>>, vector<16xf32>,
    %get3A_1018 = arith.constant 0 : index
    %get3A_1019 = tpu.vector_load %arg26[%get3A_1018] {strides = array<i32>} : memref<640xf32, #tpu.memory_space<vmem>>, vector<16xf32>,
    %sub3A_1020 = arith.subf %get3A_1017, %get3A_1019 : vector<16xf32>
    %swap3A_1021 = arith.constant 0 : index
    %swap3A_1022 = tpu.vector_load %arg25[%swap3A_1021] {strides = array<i32>} : memref<640xf32, #tpu.memory_space<vmem>>, vector<16xf32>,
    tpu.vector_store %arg25[%swap3A_1021], %sub3A_1020 {strides = array<i32>} : memref<640xf32, #tpu.memory_space<vmem>>, vector<16xf32>,
    %get3A_1023 = arith.constant 16 : index
    %get3A_1024 = tpu.vector_load %arg23[%get3A_1023] {strides = array<i32>} : memref<640xf32, #tpu.memory_space<vmem>>, vector<16xf32>,
    %get3A_1025 = arith.constant 16 : index
    %get3A_1026 = tpu.vector_load %arg26[%get3A_1025] {strides = array<i32>} : memref<640xf32, #tpu.memory_space<vmem>>, vector<16xf32>,
    %sub3A_1027 = arith.subf %get3A_1024, %get3A_1026 : vector<16xf32>
    %swap3A_1028 = arith.constant 16 : index
    %swap3A_1029 = tpu.vector_load %arg25[%swap3A_1028] {strides = array<i32>} : memref<640xf32, #tpu.memory_space<vmem>>, vector<16xf32>,
    tpu.vector_store %arg25[%swap3A_1028], %sub3A_1027 {strides = array<i32>} : memref<640xf32, #tpu.memory_space<vmem>>, vector<16xf32>,
    %get3A_1030 = arith.constant 32 : index
    %get3A_1031 = tpu.vector_load %arg23[%get3A_1030] {strides = array<i32>} : memref<640xf32, #tpu.memory_space<vmem>>, vector<16xf32>,
    %get3A_1032 = arith.constant 32 : index
    %get3A_1033 = tpu.vector_load %arg26[%get3A_1032] {strides = array<i32>} : memref<640xf32, #tpu.memory_space<vmem>>, vector<16xf32>,
    %sub3A_1034 = arith.subf %get3A_1031, %get3A_1033 : vector<16xf32>
    %swap3A_1035 = arith.constant 32 : index
    %swap3A_1036 = tpu.vector_load %arg25[%swap3A_1035] {strides = array<i32>} : memref<640xf32, #tpu.memory_space<vmem>>, vector<16xf32>,
    tpu.vector_store %arg25[%swap3A_1035], %sub3A_1034 {strides = array<i32>} : memref<640xf32, #tpu.memory_space<vmem>>, vector<16xf32>,
    %get3A_1037 = arith.constant 48 : index
    %get3A_1038 = tpu.vector_load %arg23[%get3A_1037] {strides = array<i32>} : memref<640xf32, #tpu.memory_space<vmem>>, vector<16xf32>,
    %get3A_1039 = arith.constant 48 : index
    %get3A_1040 = tpu.vector_load %arg26[%get3A_1039] {strides = array<i32>} : memref<640xf32, #tpu.memory_space<vmem>>, vector<16xf32>,
    %sub3A_1041 = arith.subf %get3A_1038, %get3A_1040 : vector<16xf32>
    %swap3A_1042 = arith.constant 48 : index
    %swap3A_1043 = tpu.vector_load %arg25[%swap3A_1042] {strides = array<i32>} : memref<640xf32, #tpu.memory_space<vmem>>, vector<16xf32>,
    tpu.vector_store %arg25[%swap3A_1042], %sub3A_1041 {strides = array<i32>} : memref<640xf32, #tpu.memory_space<vmem>>, vector<16xf32>,
    %get3A_1044 = arith.constant 64 : index
    %get3A_1045 = tpu.vector_load %arg23[%get3A_1044] {strides = array<i32>} : memref<640xf32, #tpu.memory_space<vmem>>, vector<16xf32>,
    %get3A_1046 = arith.constant 64 : index
    %get3A_1047 = tpu.vector_load %arg26[%get3A_1046] {strides = array<i32>} : memref<640xf32, #tpu.memory_space<vmem>>, vector<16xf32>,
    %sub3A_1048 = arith.subf %get3A_1045, %get3A_1047 : vector<16xf32>
    %swap3A_1049 = arith.constant 64 : index
    %swap3A_1050 = tpu.vector_load %arg25[%swap3A_1049] {strides = array<i32>} : memref<640xf32, #tpu.memory_space<vmem>>, vector<16xf32>,
    tpu.vector_store %arg25[%swap3A_1049], %sub3A_1048 {strides = array<i32>} : memref<640xf32, #tpu.memory_space<vmem>>, vector<16xf32>,
    %get3A_1051 = arith.constant 80 : index
    %get3A_1052 = tpu.vector_load %arg23[%get3A_1051] {strides = array<i32>} : memref<640xf32, #tpu.memory_space<vmem>>, vector<16xf32>,
    %get3A_1053 = arith.constant 80 : index
    %get3A_1054 = tpu.vector_load %arg26[%get3A_1053] {strides = array<i32>} : memref<640xf32, #tpu.memory_space<vmem>>, vector<16xf32>,
    %sub3A_1055 = arith.subf %get3A_1052, %get3A_1054 : vector<16xf32>
    %swap3A_1056 = arith.constant 80 : index
    %swap3A_1057 = tpu.vector_load %arg25[%swap3A_1056] {strides = array<i32>} : memref<640xf32, #tpu.memory_space<vmem>>, vector<16xf32>,
    tpu.vector_store %arg25[%swap3A_1056], %sub3A_1055 {strides = array<i32>} : memref<640xf32, #tpu.memory_space<vmem>>, vector<16xf32>,
    %get3A_1058 = arith.constant 96 : index
    %get3A_1059 = tpu.vector_load %arg23[%get3A_1058] {strides = array<i32>} : memref<640xf32, #tpu.memory_space<vmem>>, vector<16xf32>,
    %get3A_1060 = arith.constant 96 : index
    %get3A_1061 = tpu.vector_load %arg26[%get3A_1060] {strides = array<i32>} : memref<640xf32, #tpu.memory_space<vmem>>, vector<16xf32>,
    %sub3A_1062 = arith.subf %get3A_1059, %get3A_1061 : vector<16xf32>
    %swap3A_1063 = arith.constant 96 : index
    %swap3A_1064 = tpu.vector_load %arg25[%swap3A_1063] {strides = array<i32>} : memref<640xf32, #tpu.memory_space<vmem>>, vector<16xf32>,
    tpu.vector_store %arg25[%swap3A_1063], %sub3A_1062 {strides = array<i32>} : memref<640xf32, #tpu.memory_space<vmem>>, vector<16xf32>,
    %get3A_1065 = arith.constant 112 : index
    %get3A_1066 = tpu.vector_load %arg23[%get3A_1065] {strides = array<i32>} : memref<640xf32, #tpu.memory_space<vmem>>, vector<16xf32>,
    %get3A_1067 = arith.constant 112 : index
    %get3A_1068 = tpu.vector_load %arg26[%get3A_1067] {strides = array<i32>} : memref<640xf32, #tpu.memory_space<vmem>>, vector<16xf32>,
    %sub3A_1069 = arith.subf %get3A_1066, %get3A_1068 : vector<16xf32>
    %swap3A_1070 = arith.constant 112 : index
    %swap3A_1071 = tpu.vector_load %arg25[%swap3A_1070] {strides = array<i32>} : memref<640xf32, #tpu.memory_space<vmem>>, vector<16xf32>,
    tpu.vector_store %arg25[%swap3A_1070], %sub3A_1069 {strides = array<i32>} : memref<640xf32, #tpu.memory_space<vmem>>, vector<16xf32>,
    %get3A_1072 = arith.constant 128 : index
    %get3A_1073 = tpu.vector_load %arg23[%get3A_1072] {strides = array<i32>} : memref<640xf32, #tpu.memory_space<vmem>>, vector<16xf32>,
    %get3A_1074 = arith.constant 128 : index
    %get3A_1075 = tpu.vector_load %arg26[%get3A_1074] {strides = array<i32>} : memref<640xf32, #tpu.memory_space<vmem>>, vector<16xf32>,
    %sub3A_1076 = arith.subf %get3A_1073, %get3A_1075 : vector<16xf32>
    %swap3A_1077 = arith.constant 128 : index
    %swap3A_1078 = tpu.vector_load %arg25[%swap3A_1077] {strides = array<i32>} : memref<640xf32, #tpu.memory_space<vmem>>, vector<16xf32>,
    tpu.vector_store %arg25[%swap3A_1077], %sub3A_1076 {strides = array<i32>} : memref<640xf32, #tpu.memory_space<vmem>>, vector<16xf32>,
    %get3A_1079 = arith.constant 144 : index
    %get3A_1080 = tpu.vector_load %arg23[%get3A_1079] {strides = array<i32>} : memref<640xf32, #tpu.memory_space<vmem>>, vector<16xf32>,
    %get3A_1081 = arith.constant 144 : index
    %get3A_1082 = tpu.vector_load %arg26[%get3A_1081] {strides = array<i32>} : memref<640xf32, #tpu.memory_space<vmem>>, vector<16xf32>,
    %sub3A_1083 = arith.subf %get3A_1080, %get3A_1082 : vector<16xf32>
    %swap3A_1084 = arith.constant 144 : index
    %swap3A_1085 = tpu.vector_load %arg25[%swap3A_1084] {strides = array<i32>} : memref<640xf32, #tpu.memory_space<vmem>>, vector<16xf32>,
    tpu.vector_store %arg25[%swap3A_1084], %sub3A_1083 {strides = array<i32>} : memref<640xf32, #tpu.memory_space<vmem>>, vector<16xf32>,
    %get3A_1086 = arith.constant 160 : index
    %get3A_1087 = tpu.vector_load %arg23[%get3A_1086] {strides = array<i32>} : memref<640xf32, #tpu.memory_space<vmem>>, vector<16xf32>,
    %get3A_1088 = arith.constant 160 : index
    %get3A_1089 = tpu.vector_load %arg26[%get3A_1088] {strides = array<i32>} : memref<640xf32, #tpu.memory_space<vmem>>, vector<16xf32>,
    %sub3A_1090 = arith.subf %get3A_1087, %get3A_1089 : vector<16xf32>
    %swap3A_1091 = arith.constant 160 : index
    %swap3A_1092 = tpu.vector_load %arg25[%swap3A_1091] {strides = array<i32>} : memref<640xf32, #tpu.memory_space<vmem>>, vector<16xf32>,
    tpu.vector_store %arg25[%swap3A_1091], %sub3A_1090 {strides = array<i32>} : memref<640xf32, #tpu.memory_space<vmem>>, vector<16xf32>,
    %get3A_1093 = arith.constant 176 : index
    %get3A_1094 = tpu.vector_load %arg23[%get3A_1093] {strides = array<i32>} : memref<640xf32, #tpu.memory_space<vmem>>, vector<16xf32>,
    %get3A_1095 = arith.constant 176 : index
    %get3A_1096 = tpu.vector_load %arg26[%get3A_1095] {strides = array<i32>} : memref<640xf32, #tpu.memory_space<vmem>>, vector<16xf32>,
    %sub3A_1097 = arith.subf %get3A_1094, %get3A_1096 : vector<16xf32>
    %swap3A_1098 = arith.constant 176 : index
    %swap3A_1099 = tpu.vector_load %arg25[%swap3A_1098] {strides = array<i32>} : memref<640xf32, #tpu.memory_space<vmem>>, vector<16xf32>,
    tpu.vector_store %arg25[%swap3A_1098], %sub3A_1097 {strides = array<i32>} : memref<640xf32, #tpu.memory_space<vmem>>, vector<16xf32>,
    %get3A_1100 = arith.constant 192 : index
    %get3A_1101 = tpu.vector_load %arg23[%get3A_1100] {strides = array<i32>} : memref<640xf32, #tpu.memory_space<vmem>>, vector<16xf32>,
    %get3A_1102 = arith.constant 192 : index
    %get3A_1103 = tpu.vector_load %arg26[%get3A_1102] {strides = array<i32>} : memref<640xf32, #tpu.memory_space<vmem>>, vector<16xf32>,
    %sub3A_1104 = arith.subf %get3A_1101, %get3A_1103 : vector<16xf32>
    %swap3A_1105 = arith.constant 192 : index
    %swap3A_1106 = tpu.vector_load %arg25[%swap3A_1105] {strides = array<i32>} : memref<640xf32, #tpu.memory_space<vmem>>, vector<16xf32>,
    tpu.vector_store %arg25[%swap3A_1105], %sub3A_1104 {strides = array<i32>} : memref<640xf32, #tpu.memory_space<vmem>>, vector<16xf32>,
    %get3A_1107 = arith.constant 208 : index
    %get3A_1108 = tpu.vector_load %arg23[%get3A_1107] {strides = array<i32>} : memref<640xf32, #tpu.memory_space<vmem>>, vector<16xf32>,
    %get3A_1109 = arith.constant 208 : index
    %get3A_1110 = tpu.vector_load %arg26[%get3A_1109] {strides = array<i32>} : memref<640xf32, #tpu.memory_space<vmem>>, vector<16xf32>,
    %sub3A_1111 = arith.subf %get3A_1108, %get3A_1110 : vector<16xf32>
    %swap3A_1112 = arith.constant 208 : index
    %swap3A_1113 = tpu.vector_load %arg25[%swap3A_1112] {strides = array<i32>} : memref<640xf32, #tpu.memory_space<vmem>>, vector<16xf32>,
    tpu.vector_store %arg25[%swap3A_1112], %sub3A_1111 {strides = array<i32>} : memref<640xf32, #tpu.memory_space<vmem>>, vector<16xf32>,
    %get3A_1114 = arith.constant 224 : index
    %get3A_1115 = tpu.vector_load %arg23[%get3A_1114] {strides = array<i32>} : memref<640xf32, #tpu.memory_space<vmem>>, vector<16xf32>,
    %get3A_1116 = arith.constant 224 : index
    %get3A_1117 = tpu.vector_load %arg26[%get3A_1116] {strides = array<i32>} : memref<640xf32, #tpu.memory_space<vmem>>, vector<16xf32>,
    %sub3A_1118 = arith.subf %get3A_1115, %get3A_1117 : vector<16xf32>
    %swap3A_1119 = arith.constant 224 : index
    %swap3A_1120 = tpu.vector_load %arg25[%swap3A_1119] {strides = array<i32>} : memref<640xf32, #tpu.memory_space<vmem>>, vector<16xf32>,
    tpu.vector_store %arg25[%swap3A_1119], %sub3A_1118 {strides = array<i32>} : memref<640xf32, #tpu.memory_space<vmem>>, vector<16xf32>,
    %get3A_1121 = arith.constant 240 : index
    %get3A_1122 = tpu.vector_load %arg23[%get3A_1121] {strides = array<i32>} : memref<640xf32, #tpu.memory_space<vmem>>, vector<16xf32>,
    %get3A_1123 = arith.constant 240 : index
    %get3A_1124 = tpu.vector_load %arg26[%get3A_1123] {strides = array<i32>} : memref<640xf32, #tpu.memory_space<vmem>>, vector<16xf32>,
    %sub3A_1125 = arith.subf %get3A_1122, %get3A_1124 : vector<16xf32>
    %swap3A_1126 = arith.constant 240 : index
    %swap3A_1127 = tpu.vector_load %arg25[%swap3A_1126] {strides = array<i32>} : memref<640xf32, #tpu.memory_space<vmem>>, vector<16xf32>,
    tpu.vector_store %arg25[%swap3A_1126], %sub3A_1125 {strides = array<i32>} : memref<640xf32, #tpu.memory_space<vmem>>, vector<16xf32>,
    %get3A_1128 = arith.constant 256 : index
    %get3A_1129 = tpu.vector_load %arg23[%get3A_1128] {strides = array<i32>} : memref<640xf32, #tpu.memory_space<vmem>>, vector<16xf32>,
    %get3A_1130 = arith.constant 256 : index
    %get3A_1131 = tpu.vector_load %arg26[%get3A_1130] {strides = array<i32>} : memref<640xf32, #tpu.memory_space<vmem>>, vector<16xf32>,
    %sub3A_1132 = arith.subf %get3A_1129, %get3A_1131 : vector<16xf32>
    %swap3A_1133 = arith.constant 256 : index
    %swap3A_1134 = tpu.vector_load %arg25[%swap3A_1133] {strides = array<i32>} : memref<640xf32, #tpu.memory_space<vmem>>, vector<16xf32>,
    tpu.vector_store %arg25[%swap3A_1133], %sub3A_1132 {strides = array<i32>} : memref<640xf32, #tpu.memory_space<vmem>>, vector<16xf32>,
    %get3A_1135 = arith.constant 272 : index
    %get3A_1136 = tpu.vector_load %arg23[%get3A_1135] {strides = array<i32>} : memref<640xf32, #tpu.memory_space<vmem>>, vector<16xf32>,
    %get3A_1137 = arith.constant 272 : index
    %get3A_1138 = tpu.vector_load %arg26[%get3A_1137] {strides = array<i32>} : memref<640xf32, #tpu.memory_space<vmem>>, vector<16xf32>,
    %sub3A_1139 = arith.subf %get3A_1136, %get3A_1138 : vector<16xf32>
    %swap3A_1140 = arith.constant 272 : index
    %swap3A_1141 = tpu.vector_load %arg25[%swap3A_1140] {strides = array<i32>} : memref<640xf32, #tpu.memory_space<vmem>>, vector<16xf32>,
    tpu.vector_store %arg25[%swap3A_1140], %sub3A_1139 {strides = array<i32>} : memref<640xf32, #tpu.memory_space<vmem>>, vector<16xf32>,
    %get3A_1142 = arith.constant 288 : index
    %get3A_1143 = tpu.vector_load %arg23[%get3A_1142] {strides = array<i32>} : memref<640xf32, #tpu.memory_space<vmem>>, vector<16xf32>,
    %get3A_1144 = arith.constant 288 : index
    %get3A_1145 = tpu.vector_load %arg26[%get3A_1144] {strides = array<i32>} : memref<640xf32, #tpu.memory_space<vmem>>, vector<16xf32>,
    %sub3A_1146 = arith.subf %get3A_1143, %get3A_1145 : vector<16xf32>
    %swap3A_1147 = arith.constant 288 : index
    %swap3A_1148 = tpu.vector_load %arg25[%swap3A_1147] {strides = array<i32>} : memref<640xf32, #tpu.memory_space<vmem>>, vector<16xf32>,
    tpu.vector_store %arg25[%swap3A_1147], %sub3A_1146 {strides = array<i32>} : memref<640xf32, #tpu.memory_space<vmem>>, vector<16xf32>,
    %get3A_1149 = arith.constant 304 : index
    %get3A_1150 = tpu.vector_load %arg23[%get3A_1149] {strides = array<i32>} : memref<640xf32, #tpu.memory_space<vmem>>, vector<16xf32>,
    %get3A_1151 = arith.constant 304 : index
    %get3A_1152 = tpu.vector_load %arg26[%get3A_1151] {strides = array<i32>} : memref<640xf32, #tpu.memory_space<vmem>>, vector<16xf32>,
    %sub3A_1153 = arith.subf %get3A_1150, %get3A_1152 : vector<16xf32>
    %swap3A_1154 = arith.constant 304 : index
    %swap3A_1155 = tpu.vector_load %arg25[%swap3A_1154] {strides = array<i32>} : memref<640xf32, #tpu.memory_space<vmem>>, vector<16xf32>,
    tpu.vector_store %arg25[%swap3A_1154], %sub3A_1153 {strides = array<i32>} : memref<640xf32, #tpu.memory_space<vmem>>, vector<16xf32>,
    %get3A_1156 = arith.constant 320 : index
    %get3A_1157 = tpu.vector_load %arg23[%get3A_1156] {strides = array<i32>} : memref<640xf32, #tpu.memory_space<vmem>>, vector<16xf32>,
    %get3A_1158 = arith.constant 320 : index
    %get3A_1159 = tpu.vector_load %arg26[%get3A_1158] {strides = array<i32>} : memref<640xf32, #tpu.memory_space<vmem>>, vector<16xf32>,
    %sub3A_1160 = arith.subf %get3A_1157, %get3A_1159 : vector<16xf32>
    %swap3A_1161 = arith.constant 320 : index
    %swap3A_1162 = tpu.vector_load %arg25[%swap3A_1161] {strides = array<i32>} : memref<640xf32, #tpu.memory_space<vmem>>, vector<16xf32>,
    tpu.vector_store %arg25[%swap3A_1161], %sub3A_1160 {strides = array<i32>} : memref<640xf32, #tpu.memory_space<vmem>>, vector<16xf32>,
    %get3A_1163 = arith.constant 336 : index
    %get3A_1164 = tpu.vector_load %arg23[%get3A_1163] {strides = array<i32>} : memref<640xf32, #tpu.memory_space<vmem>>, vector<16xf32>,
    %get3A_1165 = arith.constant 336 : index
    %get3A_1166 = tpu.vector_load %arg26[%get3A_1165] {strides = array<i32>} : memref<640xf32, #tpu.memory_space<vmem>>, vector<16xf32>,
    %sub3A_1167 = arith.subf %get3A_1164, %get3A_1166 : vector<16xf32>
    %swap3A_1168 = arith.constant 336 : index
    %swap3A_1169 = tpu.vector_load %arg25[%swap3A_1168] {strides = array<i32>} : memref<640xf32, #tpu.memory_space<vmem>>, vector<16xf32>,
    tpu.vector_store %arg25[%swap3A_1168], %sub3A_1167 {strides = array<i32>} : memref<640xf32, #tpu.memory_space<vmem>>, vector<16xf32>,
    %get3A_1170 = arith.constant 352 : index
    %get3A_1171 = tpu.vector_load %arg23[%get3A_1170] {strides = array<i32>} : memref<640xf32, #tpu.memory_space<vmem>>, vector<16xf32>,
    %get3A_1172 = arith.constant 352 : index
    %get3A_1173 = tpu.vector_load %arg26[%get3A_1172] {strides = array<i32>} : memref<640xf32, #tpu.memory_space<vmem>>, vector<16xf32>,
    %sub3A_1174 = arith.subf %get3A_1171, %get3A_1173 : vector<16xf32>
    %swap3A_1175 = arith.constant 352 : index
    %swap3A_1176 = tpu.vector_load %arg25[%swap3A_1175] {strides = array<i32>} : memref<640xf32, #tpu.memory_space<vmem>>, vector<16xf32>,
    tpu.vector_store %arg25[%swap3A_1175], %sub3A_1174 {strides = array<i32>} : memref<640xf32, #tpu.memory_space<vmem>>, vector<16xf32>,
    %get3A_1177 = arith.constant 368 : index
    %get3A_1178 = tpu.vector_load %arg23[%get3A_1177] {strides = array<i32>} : memref<640xf32, #tpu.memory_space<vmem>>, vector<16xf32>,
    %get3A_1179 = arith.constant 368 : index
    %get3A_1180 = tpu.vector_load %arg26[%get3A_1179] {strides = array<i32>} : memref<640xf32, #tpu.memory_space<vmem>>, vector<16xf32>,
    %sub3A_1181 = arith.subf %get3A_1178, %get3A_1180 : vector<16xf32>
    %swap3A_1182 = arith.constant 368 : index
    %swap3A_1183 = tpu.vector_load %arg25[%swap3A_1182] {strides = array<i32>} : memref<640xf32, #tpu.memory_space<vmem>>, vector<16xf32>,
    tpu.vector_store %arg25[%swap3A_1182], %sub3A_1181 {strides = array<i32>} : memref<640xf32, #tpu.memory_space<vmem>>, vector<16xf32>,
    %get3A_1184 = arith.constant 384 : index
    %get3A_1185 = tpu.vector_load %arg23[%get3A_1184] {strides = array<i32>} : memref<640xf32, #tpu.memory_space<vmem>>, vector<16xf32>,
    %get3A_1186 = arith.constant 384 : index
    %get3A_1187 = tpu.vector_load %arg26[%get3A_1186] {strides = array<i32>} : memref<640xf32, #tpu.memory_space<vmem>>, vector<16xf32>,
    %sub3A_1188 = arith.subf %get3A_1185, %get3A_1187 : vector<16xf32>
    %swap3A_1189 = arith.constant 384 : index
    %swap3A_1190 = tpu.vector_load %arg25[%swap3A_1189] {strides = array<i32>} : memref<640xf32, #tpu.memory_space<vmem>>, vector<16xf32>,
    tpu.vector_store %arg25[%swap3A_1189], %sub3A_1188 {strides = array<i32>} : memref<640xf32, #tpu.memory_space<vmem>>, vector<16xf32>,
    %get3A_1191 = arith.constant 400 : index
    %get3A_1192 = tpu.vector_load %arg23[%get3A_1191] {strides = array<i32>} : memref<640xf32, #tpu.memory_space<vmem>>, vector<16xf32>,
    %get3A_1193 = arith.constant 400 : index
    %get3A_1194 = tpu.vector_load %arg26[%get3A_1193] {strides = array<i32>} : memref<640xf32, #tpu.memory_space<vmem>>, vector<16xf32>,
    %sub3A_1195 = arith.subf %get3A_1192, %get3A_1194 : vector<16xf32>
    %swap3A_1196 = arith.constant 400 : index
    %swap3A_1197 = tpu.vector_load %arg25[%swap3A_1196] {strides = array<i32>} : memref<640xf32, #tpu.memory_space<vmem>>, vector<16xf32>,
    tpu.vector_store %arg25[%swap3A_1196], %sub3A_1195 {strides = array<i32>} : memref<640xf32, #tpu.memory_space<vmem>>, vector<16xf32>,
    %get3A_1198 = arith.constant 416 : index
    %get3A_1199 = tpu.vector_load %arg23[%get3A_1198] {strides = array<i32>} : memref<640xf32, #tpu.memory_space<vmem>>, vector<16xf32>,
    %get3A_1200 = arith.constant 416 : index
    %get3A_1201 = tpu.vector_load %arg26[%get3A_1200] {strides = array<i32>} : memref<640xf32, #tpu.memory_space<vmem>>, vector<16xf32>,
    %sub3A_1202 = arith.subf %get3A_1199, %get3A_1201 : vector<16xf32>
    %swap3A_1203 = arith.constant 416 : index
    %swap3A_1204 = tpu.vector_load %arg25[%swap3A_1203] {strides = array<i32>} : memref<640xf32, #tpu.memory_space<vmem>>, vector<16xf32>,
    tpu.vector_store %arg25[%swap3A_1203], %sub3A_1202 {strides = array<i32>} : memref<640xf32, #tpu.memory_space<vmem>>, vector<16xf32>,
    %get3A_1205 = arith.constant 432 : index
    %get3A_1206 = tpu.vector_load %arg23[%get3A_1205] {strides = array<i32>} : memref<640xf32, #tpu.memory_space<vmem>>, vector<16xf32>,
    %get3A_1207 = arith.constant 432 : index
    %get3A_1208 = tpu.vector_load %arg26[%get3A_1207] {strides = array<i32>} : memref<640xf32, #tpu.memory_space<vmem>>, vector<16xf32>,
    %sub3A_1209 = arith.subf %get3A_1206, %get3A_1208 : vector<16xf32>
    %swap3A_1210 = arith.constant 432 : index
    %swap3A_1211 = tpu.vector_load %arg25[%swap3A_1210] {strides = array<i32>} : memref<640xf32, #tpu.memory_space<vmem>>, vector<16xf32>,
    tpu.vector_store %arg25[%swap3A_1210], %sub3A_1209 {strides = array<i32>} : memref<640xf32, #tpu.memory_space<vmem>>, vector<16xf32>,
    %get3A_1212 = arith.constant 448 : index
    %get3A_1213 = tpu.vector_load %arg23[%get3A_1212] {strides = array<i32>} : memref<640xf32, #tpu.memory_space<vmem>>, vector<16xf32>,
    %get3A_1214 = arith.constant 448 : index
    %get3A_1215 = tpu.vector_load %arg26[%get3A_1214] {strides = array<i32>} : memref<640xf32, #tpu.memory_space<vmem>>, vector<16xf32>,
    %sub3A_1216 = arith.subf %get3A_1213, %get3A_1215 : vector<16xf32>
    %swap3A_1217 = arith.constant 448 : index
    %swap3A_1218 = tpu.vector_load %arg25[%swap3A_1217] {strides = array<i32>} : memref<640xf32, #tpu.memory_space<vmem>>, vector<16xf32>,
    tpu.vector_store %arg25[%swap3A_1217], %sub3A_1216 {strides = array<i32>} : memref<640xf32, #tpu.memory_space<vmem>>, vector<16xf32>,
    %get3A_1219 = arith.constant 464 : index
    %get3A_1220 = tpu.vector_load %arg23[%get3A_1219] {strides = array<i32>} : memref<640xf32, #tpu.memory_space<vmem>>, vector<16xf32>,
    %get3A_1221 = arith.constant 464 : index
    %get3A_1222 = tpu.vector_load %arg26[%get3A_1221] {strides = array<i32>} : memref<640xf32, #tpu.memory_space<vmem>>, vector<16xf32>,
    %sub3A_1223 = arith.subf %get3A_1220, %get3A_1222 : vector<16xf32>
    %swap3A_1224 = arith.constant 464 : index
    %swap3A_1225 = tpu.vector_load %arg25[%swap3A_1224] {strides = array<i32>} : memref<640xf32, #tpu.memory_space<vmem>>, vector<16xf32>,
    tpu.vector_store %arg25[%swap3A_1224], %sub3A_1223 {strides = array<i32>} : memref<640xf32, #tpu.memory_space<vmem>>, vector<16xf32>,
    %get3A_1226 = arith.constant 480 : index
    %get3A_1227 = tpu.vector_load %arg23[%get3A_1226] {strides = array<i32>} : memref<640xf32, #tpu.memory_space<vmem>>, vector<16xf32>,
    %get3A_1228 = arith.constant 480 : index
    %get3A_1229 = tpu.vector_load %arg26[%get3A_1228] {strides = array<i32>} : memref<640xf32, #tpu.memory_space<vmem>>, vector<16xf32>,
    %sub3A_1230 = arith.subf %get3A_1227, %get3A_1229 : vector<16xf32>
    %swap3A_1231 = arith.constant 480 : index
    %swap3A_1232 = tpu.vector_load %arg25[%swap3A_1231] {strides = array<i32>} : memref<640xf32, #tpu.memory_space<vmem>>, vector<16xf32>,
    tpu.vector_store %arg25[%swap3A_1231], %sub3A_1230 {strides = array<i32>} : memref<640xf32, #tpu.memory_space<vmem>>, vector<16xf32>,
    %get3A_1233 = arith.constant 496 : index
    %get3A_1234 = tpu.vector_load %arg23[%get3A_1233] {strides = array<i32>} : memref<640xf32, #tpu.memory_space<vmem>>, vector<16xf32>,
    %get3A_1235 = arith.constant 496 : index
    %get3A_1236 = tpu.vector_load %arg26[%get3A_1235] {strides = array<i32>} : memref<640xf32, #tpu.memory_space<vmem>>, vector<16xf32>,
    %sub3A_1237 = arith.subf %get3A_1234, %get3A_1236 : vector<16xf32>
    %swap3A_1238 = arith.constant 496 : index
    %swap3A_1239 = tpu.vector_load %arg25[%swap3A_1238] {strides = array<i32>} : memref<640xf32, #tpu.memory_space<vmem>>, vector<16xf32>,
    tpu.vector_store %arg25[%swap3A_1238], %sub3A_1237 {strides = array<i32>} : memref<640xf32, #tpu.memory_space<vmem>>, vector<16xf32>,
    %get3A_1240 = arith.constant 512 : index
    %get3A_1241 = tpu.vector_load %arg23[%get3A_1240] {strides = array<i32>} : memref<640xf32, #tpu.memory_space<vmem>>, vector<16xf32>,
    %get3A_1242 = arith.constant 512 : index
    %get3A_1243 = tpu.vector_load %arg26[%get3A_1242] {strides = array<i32>} : memref<640xf32, #tpu.memory_space<vmem>>, vector<16xf32>,
    %sub3A_1244 = arith.subf %get3A_1241, %get3A_1243 : vector<16xf32>
    %swap3A_1245 = arith.constant 512 : index
    %swap3A_1246 = tpu.vector_load %arg25[%swap3A_1245] {strides = array<i32>} : memref<640xf32, #tpu.memory_space<vmem>>, vector<16xf32>,
    tpu.vector_store %arg25[%swap3A_1245], %sub3A_1244 {strides = array<i32>} : memref<640xf32, #tpu.memory_space<vmem>>, vector<16xf32>,
    %get3A_1247 = arith.constant 528 : index
    %get3A_1248 = tpu.vector_load %arg23[%get3A_1247] {strides = array<i32>} : memref<640xf32, #tpu.memory_space<vmem>>, vector<16xf32>,
    %get3A_1249 = arith.constant 528 : index
    %get3A_1250 = tpu.vector_load %arg26[%get3A_1249] {strides = array<i32>} : memref<640xf32, #tpu.memory_space<vmem>>, vector<16xf32>,
    %sub3A_1251 = arith.subf %get3A_1248, %get3A_1250 : vector<16xf32>
    %swap3A_1252 = arith.constant 528 : index
    %swap3A_1253 = tpu.vector_load %arg25[%swap3A_1252] {strides = array<i32>} : memref<640xf32, #tpu.memory_space<vmem>>, vector<16xf32>,
    tpu.vector_store %arg25[%swap3A_1252], %sub3A_1251 {strides = array<i32>} : memref<640xf32, #tpu.memory_space<vmem>>, vector<16xf32>,
    %get3A_1254 = arith.constant 544 : index
    %get3A_1255 = tpu.vector_load %arg23[%get3A_1254] {strides = array<i32>} : memref<640xf32, #tpu.memory_space<vmem>>, vector<16xf32>,
    %get3A_1256 = arith.constant 544 : index
    %get3A_1257 = tpu.vector_load %arg26[%get3A_1256] {strides = array<i32>} : memref<640xf32, #tpu.memory_space<vmem>>, vector<16xf32>,
    %sub3A_1258 = arith.subf %get3A_1255, %get3A_1257 : vector<16xf32>
    %swap3A_1259 = arith.constant 544 : index
    %swap3A_1260 = tpu.vector_load %arg25[%swap3A_1259] {strides = array<i32>} : memref<640xf32, #tpu.memory_space<vmem>>, vector<16xf32>,
    tpu.vector_store %arg25[%swap3A_1259], %sub3A_1258 {strides = array<i32>} : memref<640xf32, #tpu.memory_space<vmem>>, vector<16xf32>,
    %get3A_1261 = arith.constant 560 : index
    %get3A_1262 = tpu.vector_load %arg23[%get3A_1261] {strides = array<i32>} : memref<640xf32, #tpu.memory_space<vmem>>, vector<16xf32>,
    %get3A_1263 = arith.constant 560 : index
    %get3A_1264 = tpu.vector_load %arg26[%get3A_1263] {strides = array<i32>} : memref<640xf32, #tpu.memory_space<vmem>>, vector<16xf32>,
    %sub3A_1265 = arith.subf %get3A_1262, %get3A_1264 : vector<16xf32>
    %swap3A_1266 = arith.constant 560 : index
    %swap3A_1267 = tpu.vector_load %arg25[%swap3A_1266] {strides = array<i32>} : memref<640xf32, #tpu.memory_space<vmem>>, vector<16xf32>,
    tpu.vector_store %arg25[%swap3A_1266], %sub3A_1265 {strides = array<i32>} : memref<640xf32, #tpu.memory_space<vmem>>, vector<16xf32>,
    %get3A_1268 = arith.constant 576 : index
    %get3A_1269 = tpu.vector_load %arg23[%get3A_1268] {strides = array<i32>} : memref<640xf32, #tpu.memory_space<vmem>>, vector<16xf32>,
    %get3A_1270 = arith.constant 576 : index
    %get3A_1271 = tpu.vector_load %arg26[%get3A_1270] {strides = array<i32>} : memref<640xf32, #tpu.memory_space<vmem>>, vector<16xf32>,
    %sub3A_1272 = arith.subf %get3A_1269, %get3A_1271 : vector<16xf32>
    %swap3A_1273 = arith.constant 576 : index
    %swap3A_1274 = tpu.vector_load %arg25[%swap3A_1273] {strides = array<i32>} : memref<640xf32, #tpu.memory_space<vmem>>, vector<16xf32>,
    tpu.vector_store %arg25[%swap3A_1273], %sub3A_1272 {strides = array<i32>} : memref<640xf32, #tpu.memory_space<vmem>>, vector<16xf32>,
    %get3A_1275 = arith.constant 592 : index
    %get3A_1276 = tpu.vector_load %arg23[%get3A_1275] {strides = array<i32>} : memref<640xf32, #tpu.memory_space<vmem>>, vector<16xf32>,
    %get3A_1277 = arith.constant 592 : index
    %get3A_1278 = tpu.vector_load %arg26[%get3A_1277] {strides = array<i32>} : memref<640xf32, #tpu.memory_space<vmem>>, vector<16xf32>,
    %sub3A_1279 = arith.subf %get3A_1276, %get3A_1278 : vector<16xf32>
    %swap3A_1280 = arith.constant 592 : index
    %swap3A_1281 = tpu.vector_load %arg25[%swap3A_1280] {strides = array<i32>} : memref<640xf32, #tpu.memory_space<vmem>>, vector<16xf32>,
    tpu.vector_store %arg25[%swap3A_1280], %sub3A_1279 {strides = array<i32>} : memref<640xf32, #tpu.memory_space<vmem>>, vector<16xf32>,
    %get3A_1282 = arith.constant 608 : index
    %get3A_1283 = tpu.vector_load %arg23[%get3A_1282] {strides = array<i32>} : memref<640xf32, #tpu.memory_space<vmem>>, vector<16xf32>,
    %get3A_1284 = arith.constant 608 : index
    %get3A_1285 = tpu.vector_load %arg26[%get3A_1284] {strides = array<i32>} : memref<640xf32, #tpu.memory_space<vmem>>, vector<16xf32>,
    %sub3A_1286 = arith.subf %get3A_1283, %get3A_1285 : vector<16xf32>
    %swap3A_1287 = arith.constant 608 : index
    %swap3A_1288 = tpu.vector_load %arg25[%swap3A_1287] {strides = array<i32>} : memref<640xf32, #tpu.memory_space<vmem>>, vector<16xf32>,
    tpu.vector_store %arg25[%swap3A_1287], %sub3A_1286 {strides = array<i32>} : memref<640xf32, #tpu.memory_space<vmem>>, vector<16xf32>,
    %get3A_1289 = arith.constant 624 : index
    %get3A_1290 = tpu.vector_load %arg23[%get3A_1289] {strides = array<i32>} : memref<640xf32, #tpu.memory_space<vmem>>, vector<16xf32>,
    %get3A_1291 = arith.constant 624 : index
    %get3A_1292 = tpu.vector_load %arg26[%get3A_1291] {strides = array<i32>} : memref<640xf32, #tpu.memory_space<vmem>>, vector<16xf32>,
    %sub3A_1293 = arith.subf %get3A_1290, %get3A_1292 : vector<16xf32>
    %swap3A_1294 = arith.constant 624 : index
    %swap3A_1295 = tpu.vector_load %arg25[%swap3A_1294] {strides = array<i32>} : memref<640xf32, #tpu.memory_space<vmem>>, vector<16xf32>,
    tpu.vector_store %arg25[%swap3A_1294], %sub3A_1293 {strides = array<i32>} : memref<640xf32, #tpu.memory_space<vmem>>, vector<16xf32>,
    "tpu.region"() ({
      %run_scoped3A = tpu.sem_alloc : memref<!tpu.dma_semaphore, #tpu.memory_space<semaphore_mem>>
      %dma_start3A_2163 = tpu.memref_slice %arg7[%mul3A_0] : memref<10240xf32, #tpu.memory_space<hbm>> -> memref<640xf32, #tpu.memory_space<hbm>>
      %dma_start3A_2164 = tpu.memref_slice %arg7[%mul3A_0] : memref<10240xf32, #tpu.memory_space<hbm>> -> memref<640xf32, #tpu.memory_space<hbm>>
      tpu.enqueue_dma source(%arg25 : memref<640xf32, #tpu.memory_space<vmem>>) target(%dma_start3A_2164 : memref<640xf32, #tpu.memory_space<hbm>>) target_semaphore(%run_scoped3A : memref<!tpu.dma_semaphore, #tpu.memory_space<semaphore_mem>>)
      %dma_wait3A_2165 = tpu.memref_slice %arg7[%mul3A_0] : memref<10240xf32, #tpu.memory_space<hbm>> -> memref<640xf32, #tpu.memory_space<hbm>>
      %dma_wait3A_2166 = tpu.memref_slice %arg7[%mul3A_0] : memref<10240xf32, #tpu.memory_space<hbm>> -> memref<640xf32, #tpu.memory_space<hbm>>
      tpu.wait_dma2 semaphore(%run_scoped3A : memref<!tpu.dma_semaphore, #tpu.memory_space<semaphore_mem>>) src(%arg25 : memref<640xf32, #tpu.memory_space<vmem>>) dst(%dma_wait3A_2166 : memref<640xf32, #tpu.memory_space<hbm>>)
      tpu.yield
    }) : () -> ()
    "tpu.region"() ({
      %run_scoped3A = tpu.sem_alloc : memref<!tpu.dma_semaphore, #tpu.memory_space<semaphore_mem>>
      %dma_start3A_2163 = tpu.memref_slice %arg6[%mul3A_0] : memref<10240xf32, #tpu.memory_space<hbm>> -> memref<640xf32, #tpu.memory_space<hbm>>
      %dma_start3A_2164 = tpu.memref_slice %arg6[%mul3A_0] : memref<10240xf32, #tpu.memory_space<hbm>> -> memref<640xf32, #tpu.memory_space<hbm>>
      tpu.enqueue_dma source(%arg26 : memref<640xf32, #tpu.memory_space<vmem>>) target(%dma_start3A_2164 : memref<640xf32, #tpu.memory_space<hbm>>) target_semaphore(%run_scoped3A : memref<!tpu.dma_semaphore, #tpu.memory_space<semaphore_mem>>)
      %dma_wait3A_2165 = tpu.memref_slice %arg6[%mul3A_0] : memref<10240xf32, #tpu.memory_space<hbm>> -> memref<640xf32, #tpu.memory_space<hbm>>
      %dma_wait3A_2166 = tpu.memref_slice %arg6[%mul3A_0] : memref<10240xf32, #tpu.memory_space<hbm>> -> memref<640xf32, #tpu.memory_space<hbm>>
      tpu.wait_dma2 semaphore(%run_scoped3A : memref<!tpu.dma_semaphore, #tpu.memory_space<semaphore_mem>>) src(%arg26 : memref<640xf32, #tpu.memory_space<vmem>>) dst(%dma_wait3A_2166 : memref<640xf32, #tpu.memory_space<hbm>>)
      tpu.yield
    }) : () -> ()
    %barrier3A_1296 = arith.constant 0 : index
    tpu.barrier barrier_id(%barrier3A_1296)
    "tpu.region"() ({
      %run_scoped3A = tpu.sem_alloc : memref<!tpu.dma_semaphore, #tpu.memory_space<semaphore_mem>>
      tpu.enqueue_dma source(%arg7 : memref<10240xf32, #tpu.memory_space<hbm>>) target(%arg11 : memref<10240xf32, #tpu.memory_space<vmem>>) target_semaphore(%run_scoped3A : memref<!tpu.dma_semaphore, #tpu.memory_space<semaphore_mem>>)
      tpu.wait_dma2 semaphore(%run_scoped3A : memref<!tpu.dma_semaphore, #tpu.memory_space<semaphore_mem>>) src(%arg7 : memref<10240xf32, #tpu.memory_space<hbm>>) dst(%arg11 : memref<10240xf32, #tpu.memory_space<vmem>>)
      tpu.yield
    }) : () -> ()
    %dma_wait3A_1297 = tpu.memref_slice %arg3[%add3A_764] : memref<640000xi32, #tpu.memory_space<hbm>> -> memref<8000xi32, #tpu.memory_space<hbm>>
    %dma_wait3A_1298 = tpu.memref_slice %arg3[%add3A_764] : memref<640000xi32, #tpu.memory_space<hbm>> -> memref<8000xi32, #tpu.memory_space<hbm>>
    tpu.wait_dma2 semaphore(%arg19 : memref<!tpu.dma_semaphore, #tpu.memory_space<semaphore_mem>>) src(%dma_wait3A_1298 : memref<8000xi32, #tpu.memory_space<hbm>>) dst(%arg13 : memref<8000xi32, #tpu.memory_space<vmem>>)
    %dma_wait3A_1299 = tpu.memref_slice %arg4[%add3A_764] : memref<640000xi32, #tpu.memory_space<hbm>> -> memref<8000xi32, #tpu.memory_space<hbm>>
    %dma_wait3A_1300 = tpu.memref_slice %arg4[%add3A_764] : memref<640000xi32, #tpu.memory_space<hbm>> -> memref<8000xi32, #tpu.memory_space<hbm>>
    tpu.wait_dma2 semaphore(%arg19 : memref<!tpu.dma_semaphore, #tpu.memory_space<semaphore_mem>>) src(%dma_wait3A_1300 : memref<8000xi32, #tpu.memory_space<hbm>>) dst(%arg14 : memref<8000xi32, #tpu.memory_space<vmem>>)
    %dma_wait3A_1301 = tpu.memref_slice %arg5[%add3A_764] : memref<640000xf32, #tpu.memory_space<hbm>> -> memref<8000xf32, #tpu.memory_space<hbm>>
    %dma_wait3A_1302 = tpu.memref_slice %arg5[%add3A_764] : memref<640000xf32, #tpu.memory_space<hbm>> -> memref<8000xf32, #tpu.memory_space<hbm>>
    tpu.wait_dma2 semaphore(%arg19 : memref<!tpu.dma_semaphore, #tpu.memory_space<semaphore_mem>>) src(%dma_wait3A_1302 : memref<8000xf32, #tpu.memory_space<hbm>>) dst(%arg15 : memref<8000xf32, #tpu.memory_space<vmem>>)
    %parallel_loop3A_1303 = arith.constant 0 : i32
    %parallel_loop3A_1304 = arith.constant 8000 : i32
    %parallel_loop3A_1305 = arith.constant 16 : i32
    scf.for %parallel_loop3A_2163 = %parallel_loop3A_1303 to %parallel_loop3A_1304 step %parallel_loop3A_1305  : i32 {
      %parallel_loop3A_2164 = arith.index_cast %parallel_loop3A_2163 : i32 to index
      %parallel_loop3A_2165 = tpu.vector_load %arg13[%parallel_loop3A_2164] {strides = array<i32>} : memref<8000xi32, #tpu.memory_space<vmem>>, vector<16xi32>,
      %parallel_loop3A_2166 = arith.index_cast %parallel_loop3A_2163 : i32 to index
      %parallel_loop3A_2167 = tpu.vector_load %arg14[%parallel_loop3A_2166] {strides = array<i32>} : memref<8000xi32, #tpu.memory_space<vmem>>, vector<16xi32>,
      %parallel_loop3A_2168 = arith.index_cast %parallel_loop3A_2163 : i32 to index
      %parallel_loop3A_2169 = tpu.vector_load %arg15[%parallel_loop3A_2168] {strides = array<i32>} : memref<8000xf32, #tpu.memory_space<vmem>>, vector<16xf32>,
      %parallel_loop3A_2170 = tpu.vector_load_idx %arg11[%parallel_loop3A_2167] : memref<10240xf32, #tpu.memory_space<vmem>>[vector<16xi32>], vector<16xf32>,
      %parallel_loop3A_2171 = arith.mulf %parallel_loop3A_2169, %parallel_loop3A_2170 : vector<16xf32>
      tpu.vector_store_idx %arg12[%parallel_loop3A_2165], %parallel_loop3A_2171 {add = true} : memref<10240xf32, #tpu.memory_space<vmem>>[vector<16xi32>], vector<16xf32>,
    } {sc.loop_unroll_factor = 8 : i64, sc.parallel_access}
    %add3A_1306 = arith.constant 16000 : i32
    %add3A_1307 = arith.addi %mul3A_2, %add3A_1306 : i32
    %dma_start3A_1308 = tpu.memref_slice %arg3[%add3A_1307] : memref<640000xi32, #tpu.memory_space<hbm>> -> memref<8000xi32, #tpu.memory_space<hbm>>
    %dma_start3A_1309 = tpu.memref_slice %arg3[%add3A_1307] : memref<640000xi32, #tpu.memory_space<hbm>> -> memref<8000xi32, #tpu.memory_space<hbm>>
    tpu.enqueue_dma source(%dma_start3A_1309 : memref<8000xi32, #tpu.memory_space<hbm>>) target(%arg13 : memref<8000xi32, #tpu.memory_space<vmem>>) target_semaphore(%arg19 : memref<!tpu.dma_semaphore, #tpu.memory_space<semaphore_mem>>)
    %dma_start3A_1310 = tpu.memref_slice %arg4[%add3A_1307] : memref<640000xi32, #tpu.memory_space<hbm>> -> memref<8000xi32, #tpu.memory_space<hbm>>
    %dma_start3A_1311 = tpu.memref_slice %arg4[%add3A_1307] : memref<640000xi32, #tpu.memory_space<hbm>> -> memref<8000xi32, #tpu.memory_space<hbm>>
    tpu.enqueue_dma source(%dma_start3A_1311 : memref<8000xi32, #tpu.memory_space<hbm>>) target(%arg14 : memref<8000xi32, #tpu.memory_space<vmem>>) target_semaphore(%arg19 : memref<!tpu.dma_semaphore, #tpu.memory_space<semaphore_mem>>)
    %dma_start3A_1312 = tpu.memref_slice %arg5[%add3A_1307] : memref<640000xf32, #tpu.memory_space<hbm>> -> memref<8000xf32, #tpu.memory_space<hbm>>
    %dma_start3A_1313 = tpu.memref_slice %arg5[%add3A_1307] : memref<640000xf32, #tpu.memory_space<hbm>> -> memref<8000xf32, #tpu.memory_space<hbm>>
    tpu.enqueue_dma source(%dma_start3A_1313 : memref<8000xf32, #tpu.memory_space<hbm>>) target(%arg15 : memref<8000xf32, #tpu.memory_space<vmem>>) target_semaphore(%arg19 : memref<!tpu.dma_semaphore, #tpu.memory_space<semaphore_mem>>)
    %dma_wait3A_1314 = tpu.memref_slice %arg3[%add3A_772] : memref<640000xi32, #tpu.memory_space<hbm>> -> memref<8000xi32, #tpu.memory_space<hbm>>
    %dma_wait3A_1315 = tpu.memref_slice %arg3[%add3A_772] : memref<640000xi32, #tpu.memory_space<hbm>> -> memref<8000xi32, #tpu.memory_space<hbm>>
    tpu.wait_dma2 semaphore(%arg20 : memref<!tpu.dma_semaphore, #tpu.memory_space<semaphore_mem>>) src(%dma_wait3A_1315 : memref<8000xi32, #tpu.memory_space<hbm>>) dst(%arg16 : memref<8000xi32, #tpu.memory_space<vmem>>)
    %dma_wait3A_1316 = tpu.memref_slice %arg4[%add3A_772] : memref<640000xi32, #tpu.memory_space<hbm>> -> memref<8000xi32, #tpu.memory_space<hbm>>
    %dma_wait3A_1317 = tpu.memref_slice %arg4[%add3A_772] : memref<640000xi32, #tpu.memory_space<hbm>> -> memref<8000xi32, #tpu.memory_space<hbm>>
    tpu.wait_dma2 semaphore(%arg20 : memref<!tpu.dma_semaphore, #tpu.memory_space<semaphore_mem>>) src(%dma_wait3A_1317 : memref<8000xi32, #tpu.memory_space<hbm>>) dst(%arg17 : memref<8000xi32, #tpu.memory_space<vmem>>)
    %dma_wait3A_1318 = tpu.memref_slice %arg5[%add3A_772] : memref<640000xf32, #tpu.memory_space<hbm>> -> memref<8000xf32, #tpu.memory_space<hbm>>
    %dma_wait3A_1319 = tpu.memref_slice %arg5[%add3A_772] : memref<640000xf32, #tpu.memory_space<hbm>> -> memref<8000xf32, #tpu.memory_space<hbm>>
    tpu.wait_dma2 semaphore(%arg20 : memref<!tpu.dma_semaphore, #tpu.memory_space<semaphore_mem>>) src(%dma_wait3A_1319 : memref<8000xf32, #tpu.memory_space<hbm>>) dst(%arg18 : memref<8000xf32, #tpu.memory_space<vmem>>)
    %parallel_loop3A_1320 = arith.constant 0 : i32
    %parallel_loop3A_1321 = arith.constant 8000 : i32
    %parallel_loop3A_1322 = arith.constant 16 : i32
    scf.for %parallel_loop3A_2163 = %parallel_loop3A_1320 to %parallel_loop3A_1321 step %parallel_loop3A_1322  : i32 {
      %parallel_loop3A_2164 = arith.index_cast %parallel_loop3A_2163 : i32 to index
      %parallel_loop3A_2165 = tpu.vector_load %arg16[%parallel_loop3A_2164] {strides = array<i32>} : memref<8000xi32, #tpu.memory_space<vmem>>, vector<16xi32>,
      %parallel_loop3A_2166 = arith.index_cast %parallel_loop3A_2163 : i32 to index
      %parallel_loop3A_2167 = tpu.vector_load %arg17[%parallel_loop3A_2166] {strides = array<i32>} : memref<8000xi32, #tpu.memory_space<vmem>>, vector<16xi32>,
      %parallel_loop3A_2168 = arith.index_cast %parallel_loop3A_2163 : i32 to index
      %parallel_loop3A_2169 = tpu.vector_load %arg18[%parallel_loop3A_2168] {strides = array<i32>} : memref<8000xf32, #tpu.memory_space<vmem>>, vector<16xf32>,
      %parallel_loop3A_2170 = tpu.vector_load_idx %arg11[%parallel_loop3A_2167] : memref<10240xf32, #tpu.memory_space<vmem>>[vector<16xi32>], vector<16xf32>,
      %parallel_loop3A_2171 = arith.mulf %parallel_loop3A_2169, %parallel_loop3A_2170 : vector<16xf32>
      tpu.vector_store_idx %arg12[%parallel_loop3A_2165], %parallel_loop3A_2171 {add = true} : memref<10240xf32, #tpu.memory_space<vmem>>[vector<16xi32>], vector<16xf32>,
    } {sc.loop_unroll_factor = 8 : i64, sc.parallel_access}
    %add3A_1323 = arith.constant 24000 : i32
    %add3A_1324 = arith.addi %mul3A_2, %add3A_1323 : i32
    %dma_start3A_1325 = tpu.memref_slice %arg3[%add3A_1324] : memref<640000xi32, #tpu.memory_space<hbm>> -> memref<8000xi32, #tpu.memory_space<hbm>>
    %dma_start3A_1326 = tpu.memref_slice %arg3[%add3A_1324] : memref<640000xi32, #tpu.memory_space<hbm>> -> memref<8000xi32, #tpu.memory_space<hbm>>
    tpu.enqueue_dma source(%dma_start3A_1326 : memref<8000xi32, #tpu.memory_space<hbm>>) target(%arg16 : memref<8000xi32, #tpu.memory_space<vmem>>) target_semaphore(%arg20 : memref<!tpu.dma_semaphore, #tpu.memory_space<semaphore_mem>>)
    %dma_start3A_1327 = tpu.memref_slice %arg4[%add3A_1324] : memref<640000xi32, #tpu.memory_space<hbm>> -> memref<8000xi32, #tpu.memory_space<hbm>>
    %dma_start3A_1328 = tpu.memref_slice %arg4[%add3A_1324] : memref<640000xi32, #tpu.memory_space<hbm>> -> memref<8000xi32, #tpu.memory_space<hbm>>
    tpu.enqueue_dma source(%dma_start3A_1328 : memref<8000xi32, #tpu.memory_space<hbm>>) target(%arg17 : memref<8000xi32, #tpu.memory_space<vmem>>) target_semaphore(%arg20 : memref<!tpu.dma_semaphore, #tpu.memory_space<semaphore_mem>>)
    %dma_start3A_1329 = tpu.memref_slice %arg5[%add3A_1324] : memref<640000xf32, #tpu.memory_space<hbm>> -> memref<8000xf32, #tpu.memory_space<hbm>>
    %dma_start3A_1330 = tpu.memref_slice %arg5[%add3A_1324] : memref<640000xf32, #tpu.memory_space<hbm>> -> memref<8000xf32, #tpu.memory_space<hbm>>
    tpu.enqueue_dma source(%dma_start3A_1330 : memref<8000xf32, #tpu.memory_space<hbm>>) target(%arg18 : memref<8000xf32, #tpu.memory_space<vmem>>) target_semaphore(%arg20 : memref<!tpu.dma_semaphore, #tpu.memory_space<semaphore_mem>>)
    %dma_wait3A_1331 = tpu.memref_slice %arg3[%add3A_1307] : memref<640000xi32, #tpu.memory_space<hbm>> -> memref<8000xi32, #tpu.memory_space<hbm>>
    %dma_wait3A_1332 = tpu.memref_slice %arg3[%add3A_1307] : memref<640000xi32, #tpu.memory_space<hbm>> -> memref<8000xi32, #tpu.memory_space<hbm>>
    tpu.wait_dma2 semaphore(%arg19 : memref<!tpu.dma_semaphore, #tpu.memory_space<semaphore_mem>>) src(%dma_wait3A_1332 : memref<8000xi32, #tpu.memory_space<hbm>>) dst(%arg13 : memref<8000xi32, #tpu.memory_space<vmem>>)
    %dma_wait3A_1333 = tpu.memref_slice %arg4[%add3A_1307] : memref<640000xi32, #tpu.memory_space<hbm>> -> memref<8000xi32, #tpu.memory_space<hbm>>
    %dma_wait3A_1334 = tpu.memref_slice %arg4[%add3A_1307] : memref<640000xi32, #tpu.memory_space<hbm>> -> memref<8000xi32, #tpu.memory_space<hbm>>
    tpu.wait_dma2 semaphore(%arg19 : memref<!tpu.dma_semaphore, #tpu.memory_space<semaphore_mem>>) src(%dma_wait3A_1334 : memref<8000xi32, #tpu.memory_space<hbm>>) dst(%arg14 : memref<8000xi32, #tpu.memory_space<vmem>>)
    %dma_wait3A_1335 = tpu.memref_slice %arg5[%add3A_1307] : memref<640000xf32, #tpu.memory_space<hbm>> -> memref<8000xf32, #tpu.memory_space<hbm>>
    %dma_wait3A_1336 = tpu.memref_slice %arg5[%add3A_1307] : memref<640000xf32, #tpu.memory_space<hbm>> -> memref<8000xf32, #tpu.memory_space<hbm>>
    tpu.wait_dma2 semaphore(%arg19 : memref<!tpu.dma_semaphore, #tpu.memory_space<semaphore_mem>>) src(%dma_wait3A_1336 : memref<8000xf32, #tpu.memory_space<hbm>>) dst(%arg15 : memref<8000xf32, #tpu.memory_space<vmem>>)
    %parallel_loop3A_1337 = arith.constant 0 : i32
    %parallel_loop3A_1338 = arith.constant 8000 : i32
    %parallel_loop3A_1339 = arith.constant 16 : i32
    scf.for %parallel_loop3A_2163 = %parallel_loop3A_1337 to %parallel_loop3A_1338 step %parallel_loop3A_1339  : i32 {
      %parallel_loop3A_2164 = arith.index_cast %parallel_loop3A_2163 : i32 to index
      %parallel_loop3A_2165 = tpu.vector_load %arg13[%parallel_loop3A_2164] {strides = array<i32>} : memref<8000xi32, #tpu.memory_space<vmem>>, vector<16xi32>,
      %parallel_loop3A_2166 = arith.index_cast %parallel_loop3A_2163 : i32 to index
      %parallel_loop3A_2167 = tpu.vector_load %arg14[%parallel_loop3A_2166] {strides = array<i32>} : memref<8000xi32, #tpu.memory_space<vmem>>, vector<16xi32>,
      %parallel_loop3A_2168 = arith.index_cast %parallel_loop3A_2163 : i32 to index
      %parallel_loop3A_2169 = tpu.vector_load %arg15[%parallel_loop3A_2168] {strides = array<i32>} : memref<8000xf32, #tpu.memory_space<vmem>>, vector<16xf32>,
      %parallel_loop3A_2170 = tpu.vector_load_idx %arg11[%parallel_loop3A_2167] : memref<10240xf32, #tpu.memory_space<vmem>>[vector<16xi32>], vector<16xf32>,
      %parallel_loop3A_2171 = arith.mulf %parallel_loop3A_2169, %parallel_loop3A_2170 : vector<16xf32>
      tpu.vector_store_idx %arg12[%parallel_loop3A_2165], %parallel_loop3A_2171 {add = true} : memref<10240xf32, #tpu.memory_space<vmem>>[vector<16xi32>], vector<16xf32>,
    } {sc.loop_unroll_factor = 8 : i64, sc.parallel_access}
    %add3A_1340 = arith.constant 32000 : i32
    %add3A_1341 = arith.addi %mul3A_2, %add3A_1340 : i32
    %dma_start3A_1342 = tpu.memref_slice %arg3[%add3A_1341] : memref<640000xi32, #tpu.memory_space<hbm>> -> memref<8000xi32, #tpu.memory_space<hbm>>
    %dma_start3A_1343 = tpu.memref_slice %arg3[%add3A_1341] : memref<640000xi32, #tpu.memory_space<hbm>> -> memref<8000xi32, #tpu.memory_space<hbm>>
    tpu.enqueue_dma source(%dma_start3A_1343 : memref<8000xi32, #tpu.memory_space<hbm>>) target(%arg13 : memref<8000xi32, #tpu.memory_space<vmem>>) target_semaphore(%arg19 : memref<!tpu.dma_semaphore, #tpu.memory_space<semaphore_mem>>)
    %dma_start3A_1344 = tpu.memref_slice %arg4[%add3A_1341] : memref<640000xi32, #tpu.memory_space<hbm>> -> memref<8000xi32, #tpu.memory_space<hbm>>
    %dma_start3A_1345 = tpu.memref_slice %arg4[%add3A_1341] : memref<640000xi32, #tpu.memory_space<hbm>> -> memref<8000xi32, #tpu.memory_space<hbm>>
    tpu.enqueue_dma source(%dma_start3A_1345 : memref<8000xi32, #tpu.memory_space<hbm>>) target(%arg14 : memref<8000xi32, #tpu.memory_space<vmem>>) target_semaphore(%arg19 : memref<!tpu.dma_semaphore, #tpu.memory_space<semaphore_mem>>)
    %dma_start3A_1346 = tpu.memref_slice %arg5[%add3A_1341] : memref<640000xf32, #tpu.memory_space<hbm>> -> memref<8000xf32, #tpu.memory_space<hbm>>
    %dma_start3A_1347 = tpu.memref_slice %arg5[%add3A_1341] : memref<640000xf32, #tpu.memory_space<hbm>> -> memref<8000xf32, #tpu.memory_space<hbm>>
    tpu.enqueue_dma source(%dma_start3A_1347 : memref<8000xf32, #tpu.memory_space<hbm>>) target(%arg15 : memref<8000xf32, #tpu.memory_space<vmem>>) target_semaphore(%arg19 : memref<!tpu.dma_semaphore, #tpu.memory_space<semaphore_mem>>)
    %dma_wait3A_1348 = tpu.memref_slice %arg3[%add3A_1324] : memref<640000xi32, #tpu.memory_space<hbm>> -> memref<8000xi32, #tpu.memory_space<hbm>>
    %dma_wait3A_1349 = tpu.memref_slice %arg3[%add3A_1324] : memref<640000xi32, #tpu.memory_space<hbm>> -> memref<8000xi32, #tpu.memory_space<hbm>>
    tpu.wait_dma2 semaphore(%arg20 : memref<!tpu.dma_semaphore, #tpu.memory_space<semaphore_mem>>) src(%dma_wait3A_1349 : memref<8000xi32, #tpu.memory_space<hbm>>) dst(%arg16 : memref<8000xi32, #tpu.memory_space<vmem>>)
    %dma_wait3A_1350 = tpu.memref_slice %arg4[%add3A_1324] : memref<640000xi32, #tpu.memory_space<hbm>> -> memref<8000xi32, #tpu.memory_space<hbm>>
    %dma_wait3A_1351 = tpu.memref_slice %arg4[%add3A_1324] : memref<640000xi32, #tpu.memory_space<hbm>> -> memref<8000xi32, #tpu.memory_space<hbm>>
    tpu.wait_dma2 semaphore(%arg20 : memref<!tpu.dma_semaphore, #tpu.memory_space<semaphore_mem>>) src(%dma_wait3A_1351 : memref<8000xi32, #tpu.memory_space<hbm>>) dst(%arg17 : memref<8000xi32, #tpu.memory_space<vmem>>)
    %dma_wait3A_1352 = tpu.memref_slice %arg5[%add3A_1324] : memref<640000xf32, #tpu.memory_space<hbm>> -> memref<8000xf32, #tpu.memory_space<hbm>>
    %dma_wait3A_1353 = tpu.memref_slice %arg5[%add3A_1324] : memref<640000xf32, #tpu.memory_space<hbm>> -> memref<8000xf32, #tpu.memory_space<hbm>>
    tpu.wait_dma2 semaphore(%arg20 : memref<!tpu.dma_semaphore, #tpu.memory_space<semaphore_mem>>) src(%dma_wait3A_1353 : memref<8000xf32, #tpu.memory_space<hbm>>) dst(%arg18 : memref<8000xf32, #tpu.memory_space<vmem>>)
    %parallel_loop3A_1354 = arith.constant 0 : i32
    %parallel_loop3A_1355 = arith.constant 8000 : i32
    %parallel_loop3A_1356 = arith.constant 16 : i32
    scf.for %parallel_loop3A_2163 = %parallel_loop3A_1354 to %parallel_loop3A_1355 step %parallel_loop3A_1356  : i32 {
      %parallel_loop3A_2164 = arith.index_cast %parallel_loop3A_2163 : i32 to index
      %parallel_loop3A_2165 = tpu.vector_load %arg16[%parallel_loop3A_2164] {strides = array<i32>} : memref<8000xi32, #tpu.memory_space<vmem>>, vector<16xi32>,
      %parallel_loop3A_2166 = arith.index_cast %parallel_loop3A_2163 : i32 to index
      %parallel_loop3A_2167 = tpu.vector_load %arg17[%parallel_loop3A_2166] {strides = array<i32>} : memref<8000xi32, #tpu.memory_space<vmem>>, vector<16xi32>,
      %parallel_loop3A_2168 = arith.index_cast %parallel_loop3A_2163 : i32 to index
      %parallel_loop3A_2169 = tpu.vector_load %arg18[%parallel_loop3A_2168] {strides = array<i32>} : memref<8000xf32, #tpu.memory_space<vmem>>, vector<16xf32>,
      %parallel_loop3A_2170 = tpu.vector_load_idx %arg11[%parallel_loop3A_2167] : memref<10240xf32, #tpu.memory_space<vmem>>[vector<16xi32>], vector<16xf32>,
      %parallel_loop3A_2171 = arith.mulf %parallel_loop3A_2169, %parallel_loop3A_2170 : vector<16xf32>
      tpu.vector_store_idx %arg12[%parallel_loop3A_2165], %parallel_loop3A_2171 {add = true} : memref<10240xf32, #tpu.memory_space<vmem>>[vector<16xi32>], vector<16xf32>,
    } {sc.loop_unroll_factor = 8 : i64, sc.parallel_access}
    %dma_wait3A_1357 = tpu.memref_slice %arg3[%add3A_1341] : memref<640000xi32, #tpu.memory_space<hbm>> -> memref<8000xi32, #tpu.memory_space<hbm>>
    %dma_wait3A_1358 = tpu.memref_slice %arg3[%add3A_1341] : memref<640000xi32, #tpu.memory_space<hbm>> -> memref<8000xi32, #tpu.memory_space<hbm>>
    tpu.wait_dma2 semaphore(%arg19 : memref<!tpu.dma_semaphore, #tpu.memory_space<semaphore_mem>>) src(%dma_wait3A_1358 : memref<8000xi32, #tpu.memory_space<hbm>>) dst(%arg13 : memref<8000xi32, #tpu.memory_space<vmem>>)
    %dma_wait3A_1359 = tpu.memref_slice %arg4[%add3A_1341] : memref<640000xi32, #tpu.memory_space<hbm>> -> memref<8000xi32, #tpu.memory_space<hbm>>
    %dma_wait3A_1360 = tpu.memref_slice %arg4[%add3A_1341] : memref<640000xi32, #tpu.memory_space<hbm>> -> memref<8000xi32, #tpu.memory_space<hbm>>
    tpu.wait_dma2 semaphore(%arg19 : memref<!tpu.dma_semaphore, #tpu.memory_space<semaphore_mem>>) src(%dma_wait3A_1360 : memref<8000xi32, #tpu.memory_space<hbm>>) dst(%arg14 : memref<8000xi32, #tpu.memory_space<vmem>>)
    %dma_wait3A_1361 = tpu.memref_slice %arg5[%add3A_1341] : memref<640000xf32, #tpu.memory_space<hbm>> -> memref<8000xf32, #tpu.memory_space<hbm>>
    %dma_wait3A_1362 = tpu.memref_slice %arg5[%add3A_1341] : memref<640000xf32, #tpu.memory_space<hbm>> -> memref<8000xf32, #tpu.memory_space<hbm>>
    tpu.wait_dma2 semaphore(%arg19 : memref<!tpu.dma_semaphore, #tpu.memory_space<semaphore_mem>>) src(%dma_wait3A_1362 : memref<8000xf32, #tpu.memory_space<hbm>>) dst(%arg15 : memref<8000xf32, #tpu.memory_space<vmem>>)
    %parallel_loop3A_1363 = arith.constant 0 : i32
    %parallel_loop3A_1364 = arith.constant 8000 : i32
    %parallel_loop3A_1365 = arith.constant 16 : i32
    scf.for %parallel_loop3A_2163 = %parallel_loop3A_1363 to %parallel_loop3A_1364 step %parallel_loop3A_1365  : i32 {
      %parallel_loop3A_2164 = arith.index_cast %parallel_loop3A_2163 : i32 to index
      %parallel_loop3A_2165 = tpu.vector_load %arg13[%parallel_loop3A_2164] {strides = array<i32>} : memref<8000xi32, #tpu.memory_space<vmem>>, vector<16xi32>,
      %parallel_loop3A_2166 = arith.index_cast %parallel_loop3A_2163 : i32 to index
      %parallel_loop3A_2167 = tpu.vector_load %arg14[%parallel_loop3A_2166] {strides = array<i32>} : memref<8000xi32, #tpu.memory_space<vmem>>, vector<16xi32>,
      %parallel_loop3A_2168 = arith.index_cast %parallel_loop3A_2163 : i32 to index
      %parallel_loop3A_2169 = tpu.vector_load %arg15[%parallel_loop3A_2168] {strides = array<i32>} : memref<8000xf32, #tpu.memory_space<vmem>>, vector<16xf32>,
      %parallel_loop3A_2170 = tpu.vector_load_idx %arg11[%parallel_loop3A_2167] : memref<10240xf32, #tpu.memory_space<vmem>>[vector<16xi32>], vector<16xf32>,
      %parallel_loop3A_2171 = arith.mulf %parallel_loop3A_2169, %parallel_loop3A_2170 : vector<16xf32>
      tpu.vector_store_idx %arg12[%parallel_loop3A_2165], %parallel_loop3A_2171 {add = true} : memref<10240xf32, #tpu.memory_space<vmem>>[vector<16xi32>], vector<16xf32>,
    } {sc.loop_unroll_factor = 8 : i64, sc.parallel_access}
    %mul3A_1366 = arith.constant 10240 : i32
    %mul3A_1367 = arith.muli %arg1, %mul3A_1366 : i32
    "tpu.region"() ({
      %run_scoped3A = tpu.sem_alloc : memref<!tpu.dma_semaphore, #tpu.memory_space<semaphore_mem>>
      %dma_start3A_2163 = tpu.memref_slice %arg10[%mul3A_1367] : memref<163840xf32, #tpu.memory_space<hbm>> -> memref<10240xf32, #tpu.memory_space<hbm>>
      %dma_start3A_2164 = tpu.memref_slice %arg10[%mul3A_1367] : memref<163840xf32, #tpu.memory_space<hbm>> -> memref<10240xf32, #tpu.memory_space<hbm>>
      tpu.enqueue_dma source(%arg12 : memref<10240xf32, #tpu.memory_space<vmem>>) target(%dma_start3A_2164 : memref<10240xf32, #tpu.memory_space<hbm>>) target_semaphore(%run_scoped3A : memref<!tpu.dma_semaphore, #tpu.memory_space<semaphore_mem>>)
      %dma_wait3A_2165 = tpu.memref_slice %arg10[%mul3A_1367] : memref<163840xf32, #tpu.memory_space<hbm>> -> memref<10240xf32, #tpu.memory_space<hbm>>
      %dma_wait3A_2166 = tpu.memref_slice %arg10[%mul3A_1367] : memref<163840xf32, #tpu.memory_space<hbm>> -> memref<10240xf32, #tpu.memory_space<hbm>>
      tpu.wait_dma2 semaphore(%run_scoped3A : memref<!tpu.dma_semaphore, #tpu.memory_space<semaphore_mem>>) src(%arg12 : memref<10240xf32, #tpu.memory_space<vmem>>) dst(%dma_wait3A_2166 : memref<10240xf32, #tpu.memory_space<hbm>>)
      tpu.yield
    }) : () -> ()
    %barrier3A_1368 = arith.constant 0 : index
    tpu.barrier barrier_id(%barrier3A_1368)
    %add3A_1369 = arith.constant 0 : i32
    %add3A_1370 = arith.addi %add3A_1369, %mul3A_0 : i32
    %dma_start3A_1371 = arith.constant 0 : i32
    %dma_start3A_1372 = tpu.memref_slice %arg22[%dma_start3A_1371] : memref<10240xf32, #tpu.memory_space<vmem>> -> memref<640xf32, #tpu.memory_space<vmem>>
    %dma_start3A_1373 = tpu.memref_slice %arg10[%add3A_1370] : memref<163840xf32, #tpu.memory_space<hbm>> -> memref<640xf32, #tpu.memory_space<hbm>>
    %dma_start3A_1374 = arith.constant 0 : i32
    %dma_start3A_1375 = tpu.memref_slice %arg22[%dma_start3A_1374] : memref<10240xf32, #tpu.memory_space<vmem>> -> memref<640xf32, #tpu.memory_space<vmem>>
    %dma_start3A_1376 = tpu.memref_slice %arg10[%add3A_1370] : memref<163840xf32, #tpu.memory_space<hbm>> -> memref<640xf32, #tpu.memory_space<hbm>>
    tpu.enqueue_dma source(%dma_start3A_1376 : memref<640xf32, #tpu.memory_space<hbm>>) target(%dma_start3A_1375 : memref<640xf32, #tpu.memory_space<vmem>>) target_semaphore(%arg21 : memref<!tpu.dma_semaphore, #tpu.memory_space<semaphore_mem>>)
    %add3A_1377 = arith.constant 10240 : i32
    %add3A_1378 = arith.addi %add3A_1377, %mul3A_0 : i32
    %dma_start3A_1379 = arith.constant 640 : i32
    %dma_start3A_1380 = tpu.memref_slice %arg22[%dma_start3A_1379] : memref<10240xf32, #tpu.memory_space<vmem>> -> memref<640xf32, #tpu.memory_space<vmem>>
    %dma_start3A_1381 = tpu.memref_slice %arg10[%add3A_1378] : memref<163840xf32, #tpu.memory_space<hbm>> -> memref<640xf32, #tpu.memory_space<hbm>>
    %dma_start3A_1382 = arith.constant 640 : i32
    %dma_start3A_1383 = tpu.memref_slice %arg22[%dma_start3A_1382] : memref<10240xf32, #tpu.memory_space<vmem>> -> memref<640xf32, #tpu.memory_space<vmem>>
    %dma_start3A_1384 = tpu.memref_slice %arg10[%add3A_1378] : memref<163840xf32, #tpu.memory_space<hbm>> -> memref<640xf32, #tpu.memory_space<hbm>>
    tpu.enqueue_dma source(%dma_start3A_1384 : memref<640xf32, #tpu.memory_space<hbm>>) target(%dma_start3A_1383 : memref<640xf32, #tpu.memory_space<vmem>>) target_semaphore(%arg21 : memref<!tpu.dma_semaphore, #tpu.memory_space<semaphore_mem>>)
    %add3A_1385 = arith.constant 20480 : i32
    %add3A_1386 = arith.addi %add3A_1385, %mul3A_0 : i32
    %dma_start3A_1387 = arith.constant 1280 : i32
    %dma_start3A_1388 = tpu.memref_slice %arg22[%dma_start3A_1387] : memref<10240xf32, #tpu.memory_space<vmem>> -> memref<640xf32, #tpu.memory_space<vmem>>
    %dma_start3A_1389 = tpu.memref_slice %arg10[%add3A_1386] : memref<163840xf32, #tpu.memory_space<hbm>> -> memref<640xf32, #tpu.memory_space<hbm>>
    %dma_start3A_1390 = arith.constant 1280 : i32
    %dma_start3A_1391 = tpu.memref_slice %arg22[%dma_start3A_1390] : memref<10240xf32, #tpu.memory_space<vmem>> -> memref<640xf32, #tpu.memory_space<vmem>>
    %dma_start3A_1392 = tpu.memref_slice %arg10[%add3A_1386] : memref<163840xf32, #tpu.memory_space<hbm>> -> memref<640xf32, #tpu.memory_space<hbm>>
    tpu.enqueue_dma source(%dma_start3A_1392 : memref<640xf32, #tpu.memory_space<hbm>>) target(%dma_start3A_1391 : memref<640xf32, #tpu.memory_space<vmem>>) target_semaphore(%arg21 : memref<!tpu.dma_semaphore, #tpu.memory_space<semaphore_mem>>)
    %add3A_1393 = arith.constant 30720 : i32
    %add3A_1394 = arith.addi %add3A_1393, %mul3A_0 : i32
    %dma_start3A_1395 = arith.constant 1920 : i32
    %dma_start3A_1396 = tpu.memref_slice %arg22[%dma_start3A_1395] : memref<10240xf32, #tpu.memory_space<vmem>> -> memref<640xf32, #tpu.memory_space<vmem>>
    %dma_start3A_1397 = tpu.memref_slice %arg10[%add3A_1394] : memref<163840xf32, #tpu.memory_space<hbm>> -> memref<640xf32, #tpu.memory_space<hbm>>
    %dma_start3A_1398 = arith.constant 1920 : i32
    %dma_start3A_1399 = tpu.memref_slice %arg22[%dma_start3A_1398] : memref<10240xf32, #tpu.memory_space<vmem>> -> memref<640xf32, #tpu.memory_space<vmem>>
    %dma_start3A_1400 = tpu.memref_slice %arg10[%add3A_1394] : memref<163840xf32, #tpu.memory_space<hbm>> -> memref<640xf32, #tpu.memory_space<hbm>>
    tpu.enqueue_dma source(%dma_start3A_1400 : memref<640xf32, #tpu.memory_space<hbm>>) target(%dma_start3A_1399 : memref<640xf32, #tpu.memory_space<vmem>>) target_semaphore(%arg21 : memref<!tpu.dma_semaphore, #tpu.memory_space<semaphore_mem>>)
    %add3A_1401 = arith.constant 40960 : i32
    %add3A_1402 = arith.addi %add3A_1401, %mul3A_0 : i32
    %dma_start3A_1403 = arith.constant 2560 : i32
    %dma_start3A_1404 = tpu.memref_slice %arg22[%dma_start3A_1403] : memref<10240xf32, #tpu.memory_space<vmem>> -> memref<640xf32, #tpu.memory_space<vmem>>
    %dma_start3A_1405 = tpu.memref_slice %arg10[%add3A_1402] : memref<163840xf32, #tpu.memory_space<hbm>> -> memref<640xf32, #tpu.memory_space<hbm>>
    %dma_start3A_1406 = arith.constant 2560 : i32
    %dma_start3A_1407 = tpu.memref_slice %arg22[%dma_start3A_1406] : memref<10240xf32, #tpu.memory_space<vmem>> -> memref<640xf32, #tpu.memory_space<vmem>>
    %dma_start3A_1408 = tpu.memref_slice %arg10[%add3A_1402] : memref<163840xf32, #tpu.memory_space<hbm>> -> memref<640xf32, #tpu.memory_space<hbm>>
    tpu.enqueue_dma source(%dma_start3A_1408 : memref<640xf32, #tpu.memory_space<hbm>>) target(%dma_start3A_1407 : memref<640xf32, #tpu.memory_space<vmem>>) target_semaphore(%arg21 : memref<!tpu.dma_semaphore, #tpu.memory_space<semaphore_mem>>)
    %add3A_1409 = arith.constant 51200 : i32
    %add3A_1410 = arith.addi %add3A_1409, %mul3A_0 : i32
    %dma_start3A_1411 = arith.constant 3200 : i32
    %dma_start3A_1412 = tpu.memref_slice %arg22[%dma_start3A_1411] : memref<10240xf32, #tpu.memory_space<vmem>> -> memref<640xf32, #tpu.memory_space<vmem>>
    %dma_start3A_1413 = tpu.memref_slice %arg10[%add3A_1410] : memref<163840xf32, #tpu.memory_space<hbm>> -> memref<640xf32, #tpu.memory_space<hbm>>
    %dma_start3A_1414 = arith.constant 3200 : i32
    %dma_start3A_1415 = tpu.memref_slice %arg22[%dma_start3A_1414] : memref<10240xf32, #tpu.memory_space<vmem>> -> memref<640xf32, #tpu.memory_space<vmem>>
    %dma_start3A_1416 = tpu.memref_slice %arg10[%add3A_1410] : memref<163840xf32, #tpu.memory_space<hbm>> -> memref<640xf32, #tpu.memory_space<hbm>>
    tpu.enqueue_dma source(%dma_start3A_1416 : memref<640xf32, #tpu.memory_space<hbm>>) target(%dma_start3A_1415 : memref<640xf32, #tpu.memory_space<vmem>>) target_semaphore(%arg21 : memref<!tpu.dma_semaphore, #tpu.memory_space<semaphore_mem>>)
    %add3A_1417 = arith.constant 61440 : i32
    %add3A_1418 = arith.addi %add3A_1417, %mul3A_0 : i32
    %dma_start3A_1419 = arith.constant 3840 : i32
    %dma_start3A_1420 = tpu.memref_slice %arg22[%dma_start3A_1419] : memref<10240xf32, #tpu.memory_space<vmem>> -> memref<640xf32, #tpu.memory_space<vmem>>
    %dma_start3A_1421 = tpu.memref_slice %arg10[%add3A_1418] : memref<163840xf32, #tpu.memory_space<hbm>> -> memref<640xf32, #tpu.memory_space<hbm>>
    %dma_start3A_1422 = arith.constant 3840 : i32
    %dma_start3A_1423 = tpu.memref_slice %arg22[%dma_start3A_1422] : memref<10240xf32, #tpu.memory_space<vmem>> -> memref<640xf32, #tpu.memory_space<vmem>>
    %dma_start3A_1424 = tpu.memref_slice %arg10[%add3A_1418] : memref<163840xf32, #tpu.memory_space<hbm>> -> memref<640xf32, #tpu.memory_space<hbm>>
    tpu.enqueue_dma source(%dma_start3A_1424 : memref<640xf32, #tpu.memory_space<hbm>>) target(%dma_start3A_1423 : memref<640xf32, #tpu.memory_space<vmem>>) target_semaphore(%arg21 : memref<!tpu.dma_semaphore, #tpu.memory_space<semaphore_mem>>)
    %add3A_1425 = arith.constant 71680 : i32
    %add3A_1426 = arith.addi %add3A_1425, %mul3A_0 : i32
    %dma_start3A_1427 = arith.constant 4480 : i32
    %dma_start3A_1428 = tpu.memref_slice %arg22[%dma_start3A_1427] : memref<10240xf32, #tpu.memory_space<vmem>> -> memref<640xf32, #tpu.memory_space<vmem>>
    %dma_start3A_1429 = tpu.memref_slice %arg10[%add3A_1426] : memref<163840xf32, #tpu.memory_space<hbm>> -> memref<640xf32, #tpu.memory_space<hbm>>
    %dma_start3A_1430 = arith.constant 4480 : i32
    %dma_start3A_1431 = tpu.memref_slice %arg22[%dma_start3A_1430] : memref<10240xf32, #tpu.memory_space<vmem>> -> memref<640xf32, #tpu.memory_space<vmem>>
    %dma_start3A_1432 = tpu.memref_slice %arg10[%add3A_1426] : memref<163840xf32, #tpu.memory_space<hbm>> -> memref<640xf32, #tpu.memory_space<hbm>>
    tpu.enqueue_dma source(%dma_start3A_1432 : memref<640xf32, #tpu.memory_space<hbm>>) target(%dma_start3A_1431 : memref<640xf32, #tpu.memory_space<vmem>>) target_semaphore(%arg21 : memref<!tpu.dma_semaphore, #tpu.memory_space<semaphore_mem>>)
    %add3A_1433 = arith.constant 81920 : i32
    %add3A_1434 = arith.addi %add3A_1433, %mul3A_0 : i32
    %dma_start3A_1435 = arith.constant 5120 : i32
    %dma_start3A_1436 = tpu.memref_slice %arg22[%dma_start3A_1435] : memref<10240xf32, #tpu.memory_space<vmem>> -> memref<640xf32, #tpu.memory_space<vmem>>
    %dma_start3A_1437 = tpu.memref_slice %arg10[%add3A_1434] : memref<163840xf32, #tpu.memory_space<hbm>> -> memref<640xf32, #tpu.memory_space<hbm>>
    %dma_start3A_1438 = arith.constant 5120 : i32
    %dma_start3A_1439 = tpu.memref_slice %arg22[%dma_start3A_1438] : memref<10240xf32, #tpu.memory_space<vmem>> -> memref<640xf32, #tpu.memory_space<vmem>>
    %dma_start3A_1440 = tpu.memref_slice %arg10[%add3A_1434] : memref<163840xf32, #tpu.memory_space<hbm>> -> memref<640xf32, #tpu.memory_space<hbm>>
    tpu.enqueue_dma source(%dma_start3A_1440 : memref<640xf32, #tpu.memory_space<hbm>>) target(%dma_start3A_1439 : memref<640xf32, #tpu.memory_space<vmem>>) target_semaphore(%arg21 : memref<!tpu.dma_semaphore, #tpu.memory_space<semaphore_mem>>)
    %add3A_1441 = arith.constant 92160 : i32
    %add3A_1442 = arith.addi %add3A_1441, %mul3A_0 : i32
    %dma_start3A_1443 = arith.constant 5760 : i32
    %dma_start3A_1444 = tpu.memref_slice %arg22[%dma_start3A_1443] : memref<10240xf32, #tpu.memory_space<vmem>> -> memref<640xf32, #tpu.memory_space<vmem>>
    %dma_start3A_1445 = tpu.memref_slice %arg10[%add3A_1442] : memref<163840xf32, #tpu.memory_space<hbm>> -> memref<640xf32, #tpu.memory_space<hbm>>
    %dma_start3A_1446 = arith.constant 5760 : i32
    %dma_start3A_1447 = tpu.memref_slice %arg22[%dma_start3A_1446] : memref<10240xf32, #tpu.memory_space<vmem>> -> memref<640xf32, #tpu.memory_space<vmem>>
    %dma_start3A_1448 = tpu.memref_slice %arg10[%add3A_1442] : memref<163840xf32, #tpu.memory_space<hbm>> -> memref<640xf32, #tpu.memory_space<hbm>>
    tpu.enqueue_dma source(%dma_start3A_1448 : memref<640xf32, #tpu.memory_space<hbm>>) target(%dma_start3A_1447 : memref<640xf32, #tpu.memory_space<vmem>>) target_semaphore(%arg21 : memref<!tpu.dma_semaphore, #tpu.memory_space<semaphore_mem>>)
    %add3A_1449 = arith.constant 102400 : i32
    %add3A_1450 = arith.addi %add3A_1449, %mul3A_0 : i32
    %dma_start3A_1451 = arith.constant 6400 : i32
    %dma_start3A_1452 = tpu.memref_slice %arg22[%dma_start3A_1451] : memref<10240xf32, #tpu.memory_space<vmem>> -> memref<640xf32, #tpu.memory_space<vmem>>
    %dma_start3A_1453 = tpu.memref_slice %arg10[%add3A_1450] : memref<163840xf32, #tpu.memory_space<hbm>> -> memref<640xf32, #tpu.memory_space<hbm>>
    %dma_start3A_1454 = arith.constant 6400 : i32
    %dma_start3A_1455 = tpu.memref_slice %arg22[%dma_start3A_1454] : memref<10240xf32, #tpu.memory_space<vmem>> -> memref<640xf32, #tpu.memory_space<vmem>>
    %dma_start3A_1456 = tpu.memref_slice %arg10[%add3A_1450] : memref<163840xf32, #tpu.memory_space<hbm>> -> memref<640xf32, #tpu.memory_space<hbm>>
    tpu.enqueue_dma source(%dma_start3A_1456 : memref<640xf32, #tpu.memory_space<hbm>>) target(%dma_start3A_1455 : memref<640xf32, #tpu.memory_space<vmem>>) target_semaphore(%arg21 : memref<!tpu.dma_semaphore, #tpu.memory_space<semaphore_mem>>)
    %add3A_1457 = arith.constant 112640 : i32
    %add3A_1458 = arith.addi %add3A_1457, %mul3A_0 : i32
    %dma_start3A_1459 = arith.constant 7040 : i32
    %dma_start3A_1460 = tpu.memref_slice %arg22[%dma_start3A_1459] : memref<10240xf32, #tpu.memory_space<vmem>> -> memref<640xf32, #tpu.memory_space<vmem>>
    %dma_start3A_1461 = tpu.memref_slice %arg10[%add3A_1458] : memref<163840xf32, #tpu.memory_space<hbm>> -> memref<640xf32, #tpu.memory_space<hbm>>
    %dma_start3A_1462 = arith.constant 7040 : i32
    %dma_start3A_1463 = tpu.memref_slice %arg22[%dma_start3A_1462] : memref<10240xf32, #tpu.memory_space<vmem>> -> memref<640xf32, #tpu.memory_space<vmem>>
    %dma_start3A_1464 = tpu.memref_slice %arg10[%add3A_1458] : memref<163840xf32, #tpu.memory_space<hbm>> -> memref<640xf32, #tpu.memory_space<hbm>>
    tpu.enqueue_dma source(%dma_start3A_1464 : memref<640xf32, #tpu.memory_space<hbm>>) target(%dma_start3A_1463 : memref<640xf32, #tpu.memory_space<vmem>>) target_semaphore(%arg21 : memref<!tpu.dma_semaphore, #tpu.memory_space<semaphore_mem>>)
    %add3A_1465 = arith.constant 122880 : i32
    %add3A_1466 = arith.addi %add3A_1465, %mul3A_0 : i32
    %dma_start3A_1467 = arith.constant 7680 : i32
    %dma_start3A_1468 = tpu.memref_slice %arg22[%dma_start3A_1467] : memref<10240xf32, #tpu.memory_space<vmem>> -> memref<640xf32, #tpu.memory_space<vmem>>
    %dma_start3A_1469 = tpu.memref_slice %arg10[%add3A_1466] : memref<163840xf32, #tpu.memory_space<hbm>> -> memref<640xf32, #tpu.memory_space<hbm>>
    %dma_start3A_1470 = arith.constant 7680 : i32
    %dma_start3A_1471 = tpu.memref_slice %arg22[%dma_start3A_1470] : memref<10240xf32, #tpu.memory_space<vmem>> -> memref<640xf32, #tpu.memory_space<vmem>>
    %dma_start3A_1472 = tpu.memref_slice %arg10[%add3A_1466] : memref<163840xf32, #tpu.memory_space<hbm>> -> memref<640xf32, #tpu.memory_space<hbm>>
    tpu.enqueue_dma source(%dma_start3A_1472 : memref<640xf32, #tpu.memory_space<hbm>>) target(%dma_start3A_1471 : memref<640xf32, #tpu.memory_space<vmem>>) target_semaphore(%arg21 : memref<!tpu.dma_semaphore, #tpu.memory_space<semaphore_mem>>)
    %add3A_1473 = arith.constant 133120 : i32
    %add3A_1474 = arith.addi %add3A_1473, %mul3A_0 : i32
    %dma_start3A_1475 = arith.constant 8320 : i32
    %dma_start3A_1476 = tpu.memref_slice %arg22[%dma_start3A_1475] : memref<10240xf32, #tpu.memory_space<vmem>> -> memref<640xf32, #tpu.memory_space<vmem>>
    %dma_start3A_1477 = tpu.memref_slice %arg10[%add3A_1474] : memref<163840xf32, #tpu.memory_space<hbm>> -> memref<640xf32, #tpu.memory_space<hbm>>
    %dma_start3A_1478 = arith.constant 8320 : i32
    %dma_start3A_1479 = tpu.memref_slice %arg22[%dma_start3A_1478] : memref<10240xf32, #tpu.memory_space<vmem>> -> memref<640xf32, #tpu.memory_space<vmem>>
    %dma_start3A_1480 = tpu.memref_slice %arg10[%add3A_1474] : memref<163840xf32, #tpu.memory_space<hbm>> -> memref<640xf32, #tpu.memory_space<hbm>>
    tpu.enqueue_dma source(%dma_start3A_1480 : memref<640xf32, #tpu.memory_space<hbm>>) target(%dma_start3A_1479 : memref<640xf32, #tpu.memory_space<vmem>>) target_semaphore(%arg21 : memref<!tpu.dma_semaphore, #tpu.memory_space<semaphore_mem>>)
    %add3A_1481 = arith.constant 143360 : i32
    %add3A_1482 = arith.addi %add3A_1481, %mul3A_0 : i32
    %dma_start3A_1483 = arith.constant 8960 : i32
    %dma_start3A_1484 = tpu.memref_slice %arg22[%dma_start3A_1483] : memref<10240xf32, #tpu.memory_space<vmem>> -> memref<640xf32, #tpu.memory_space<vmem>>
    %dma_start3A_1485 = tpu.memref_slice %arg10[%add3A_1482] : memref<163840xf32, #tpu.memory_space<hbm>> -> memref<640xf32, #tpu.memory_space<hbm>>
    %dma_start3A_1486 = arith.constant 8960 : i32
    %dma_start3A_1487 = tpu.memref_slice %arg22[%dma_start3A_1486] : memref<10240xf32, #tpu.memory_space<vmem>> -> memref<640xf32, #tpu.memory_space<vmem>>
    %dma_start3A_1488 = tpu.memref_slice %arg10[%add3A_1482] : memref<163840xf32, #tpu.memory_space<hbm>> -> memref<640xf32, #tpu.memory_space<hbm>>
    tpu.enqueue_dma source(%dma_start3A_1488 : memref<640xf32, #tpu.memory_space<hbm>>) target(%dma_start3A_1487 : memref<640xf32, #tpu.memory_space<vmem>>) target_semaphore(%arg21 : memref<!tpu.dma_semaphore, #tpu.memory_space<semaphore_mem>>)
    %add3A_1489 = arith.constant 153600 : i32
    %add3A_1490 = arith.addi %add3A_1489, %mul3A_0 : i32
    %dma_start3A_1491 = arith.constant 9600 : i32
    %dma_start3A_1492 = tpu.memref_slice %arg22[%dma_start3A_1491] : memref<10240xf32, #tpu.memory_space<vmem>> -> memref<640xf32, #tpu.memory_space<vmem>>
    %dma_start3A_1493 = tpu.memref_slice %arg10[%add3A_1490] : memref<163840xf32, #tpu.memory_space<hbm>> -> memref<640xf32, #tpu.memory_space<hbm>>
    %dma_start3A_1494 = arith.constant 9600 : i32
    %dma_start3A_1495 = tpu.memref_slice %arg22[%dma_start3A_1494] : memref<10240xf32, #tpu.memory_space<vmem>> -> memref<640xf32, #tpu.memory_space<vmem>>
    %dma_start3A_1496 = tpu.memref_slice %arg10[%add3A_1490] : memref<163840xf32, #tpu.memory_space<hbm>> -> memref<640xf32, #tpu.memory_space<hbm>>
    tpu.enqueue_dma source(%dma_start3A_1496 : memref<640xf32, #tpu.memory_space<hbm>>) target(%dma_start3A_1495 : memref<640xf32, #tpu.memory_space<vmem>>) target_semaphore(%arg21 : memref<!tpu.dma_semaphore, #tpu.memory_space<semaphore_mem>>)
    %scan3A_1497 = arith.constant 0 : i32
    %scan3A_1498 = arith.constant 640 : i32
    %scan3A_1499 = arith.addi %scan3A_1497, %scan3A_1498 : i32
    %scan3A_1500 = arith.constant 8 : i32
    scf.for %scan3A_2163 = %scan3A_1497 to %scan3A_1499 step %scan3A_1500  : i32 {
      %mul3A_2164 = arith.constant 16 : i32
      %mul3A_2165 = arith.muli %scan3A_2163, %mul3A_2164 : i32
      %add3A_2166 = arith.constant 0 : i32
      %add3A_2167 = arith.addi %add3A_2166, %mul3A_2165 : i32
      %broadcast_in_dim3A = arith.constant 0.000000e+00 : f32
      %broadcast_in_dim3A_2168 = vector.broadcast %broadcast_in_dim3A : f32 to vector<16xf32>
      %swap3A_2169 = arith.index_cast %add3A_2167 : i32 to index
      %swap3A_2170 = tpu.vector_load %arg12[%swap3A_2169] {strides = array<i32>} : memref<10240xf32, #tpu.memory_space<vmem>>, vector<16xf32>,
      tpu.vector_store %arg12[%swap3A_2169], %broadcast_in_dim3A_2168 {strides = array<i32>} : memref<10240xf32, #tpu.memory_space<vmem>>, vector<16xf32>,
      %scan3A_2171 = arith.constant 1 : i32
      %scan3A_2172 = arith.addi %scan3A_2163, %scan3A_2171 : i32
      %mul3A_2173 = arith.constant 16 : i32
      %mul3A_2174 = arith.muli %scan3A_2172, %mul3A_2173 : i32
      %add3A_2175 = arith.constant 0 : i32
      %add3A_2176 = arith.addi %add3A_2175, %mul3A_2174 : i32
      %broadcast_in_dim3A_2177 = arith.constant 0.000000e+00 : f32
      %broadcast_in_dim3A_2178 = vector.broadcast %broadcast_in_dim3A_2177 : f32 to vector<16xf32>
      %swap3A_2179 = arith.index_cast %add3A_2176 : i32 to index
      %swap3A_2180 = tpu.vector_load %arg12[%swap3A_2179] {strides = array<i32>} : memref<10240xf32, #tpu.memory_space<vmem>>, vector<16xf32>,
      tpu.vector_store %arg12[%swap3A_2179], %broadcast_in_dim3A_2178 {strides = array<i32>} : memref<10240xf32, #tpu.memory_space<vmem>>, vector<16xf32>,
      %scan3A_2181 = arith.constant 2 : i32
      %scan3A_2182 = arith.addi %scan3A_2163, %scan3A_2181 : i32
      %mul3A_2183 = arith.constant 16 : i32
      %mul3A_2184 = arith.muli %scan3A_2182, %mul3A_2183 : i32
      %add3A_2185 = arith.constant 0 : i32
      %add3A_2186 = arith.addi %add3A_2185, %mul3A_2184 : i32
      %broadcast_in_dim3A_2187 = arith.constant 0.000000e+00 : f32
      %broadcast_in_dim3A_2188 = vector.broadcast %broadcast_in_dim3A_2187 : f32 to vector<16xf32>
      %swap3A_2189 = arith.index_cast %add3A_2186 : i32 to index
      %swap3A_2190 = tpu.vector_load %arg12[%swap3A_2189] {strides = array<i32>} : memref<10240xf32, #tpu.memory_space<vmem>>, vector<16xf32>,
      tpu.vector_store %arg12[%swap3A_2189], %broadcast_in_dim3A_2188 {strides = array<i32>} : memref<10240xf32, #tpu.memory_space<vmem>>, vector<16xf32>,
      %scan3A_2191 = arith.constant 3 : i32
      %scan3A_2192 = arith.addi %scan3A_2163, %scan3A_2191 : i32
      %mul3A_2193 = arith.constant 16 : i32
      %mul3A_2194 = arith.muli %scan3A_2192, %mul3A_2193 : i32
      %add3A_2195 = arith.constant 0 : i32
      %add3A_2196 = arith.addi %add3A_2195, %mul3A_2194 : i32
      %broadcast_in_dim3A_2197 = arith.constant 0.000000e+00 : f32
      %broadcast_in_dim3A_2198 = vector.broadcast %broadcast_in_dim3A_2197 : f32 to vector<16xf32>
      %swap3A_2199 = arith.index_cast %add3A_2196 : i32 to index
      %swap3A_2200 = tpu.vector_load %arg12[%swap3A_2199] {strides = array<i32>} : memref<10240xf32, #tpu.memory_space<vmem>>, vector<16xf32>,
      tpu.vector_store %arg12[%swap3A_2199], %broadcast_in_dim3A_2198 {strides = array<i32>} : memref<10240xf32, #tpu.memory_space<vmem>>, vector<16xf32>,
      %scan3A_2201 = arith.constant 4 : i32
      %scan3A_2202 = arith.addi %scan3A_2163, %scan3A_2201 : i32
      %mul3A_2203 = arith.constant 16 : i32
      %mul3A_2204 = arith.muli %scan3A_2202, %mul3A_2203 : i32
      %add3A_2205 = arith.constant 0 : i32
      %add3A_2206 = arith.addi %add3A_2205, %mul3A_2204 : i32
      %broadcast_in_dim3A_2207 = arith.constant 0.000000e+00 : f32
      %broadcast_in_dim3A_2208 = vector.broadcast %broadcast_in_dim3A_2207 : f32 to vector<16xf32>
      %swap3A_2209 = arith.index_cast %add3A_2206 : i32 to index
      %swap3A_2210 = tpu.vector_load %arg12[%swap3A_2209] {strides = array<i32>} : memref<10240xf32, #tpu.memory_space<vmem>>, vector<16xf32>,
      tpu.vector_store %arg12[%swap3A_2209], %broadcast_in_dim3A_2208 {strides = array<i32>} : memref<10240xf32, #tpu.memory_space<vmem>>, vector<16xf32>,
      %scan3A_2211 = arith.constant 5 : i32
      %scan3A_2212 = arith.addi %scan3A_2163, %scan3A_2211 : i32
      %mul3A_2213 = arith.constant 16 : i32
      %mul3A_2214 = arith.muli %scan3A_2212, %mul3A_2213 : i32
      %add3A_2215 = arith.constant 0 : i32
      %add3A_2216 = arith.addi %add3A_2215, %mul3A_2214 : i32
      %broadcast_in_dim3A_2217 = arith.constant 0.000000e+00 : f32
      %broadcast_in_dim3A_2218 = vector.broadcast %broadcast_in_dim3A_2217 : f32 to vector<16xf32>
      %swap3A_2219 = arith.index_cast %add3A_2216 : i32 to index
      %swap3A_2220 = tpu.vector_load %arg12[%swap3A_2219] {strides = array<i32>} : memref<10240xf32, #tpu.memory_space<vmem>>, vector<16xf32>,
      tpu.vector_store %arg12[%swap3A_2219], %broadcast_in_dim3A_2218 {strides = array<i32>} : memref<10240xf32, #tpu.memory_space<vmem>>, vector<16xf32>,
      %scan3A_2221 = arith.constant 6 : i32
      %scan3A_2222 = arith.addi %scan3A_2163, %scan3A_2221 : i32
      %mul3A_2223 = arith.constant 16 : i32
      %mul3A_2224 = arith.muli %scan3A_2222, %mul3A_2223 : i32
      %add3A_2225 = arith.constant 0 : i32
      %add3A_2226 = arith.addi %add3A_2225, %mul3A_2224 : i32
      %broadcast_in_dim3A_2227 = arith.constant 0.000000e+00 : f32
      %broadcast_in_dim3A_2228 = vector.broadcast %broadcast_in_dim3A_2227 : f32 to vector<16xf32>
      %swap3A_2229 = arith.index_cast %add3A_2226 : i32 to index
      %swap3A_2230 = tpu.vector_load %arg12[%swap3A_2229] {strides = array<i32>} : memref<10240xf32, #tpu.memory_space<vmem>>, vector<16xf32>,
      tpu.vector_store %arg12[%swap3A_2229], %broadcast_in_dim3A_2228 {strides = array<i32>} : memref<10240xf32, #tpu.memory_space<vmem>>, vector<16xf32>,
      %scan3A_2231 = arith.constant 7 : i32
      %scan3A_2232 = arith.addi %scan3A_2163, %scan3A_2231 : i32
      %mul3A_2233 = arith.constant 16 : i32
      %mul3A_2234 = arith.muli %scan3A_2232, %mul3A_2233 : i32
      %add3A_2235 = arith.constant 0 : i32
      %add3A_2236 = arith.addi %add3A_2235, %mul3A_2234 : i32
      %broadcast_in_dim3A_2237 = arith.constant 0.000000e+00 : f32
      %broadcast_in_dim3A_2238 = vector.broadcast %broadcast_in_dim3A_2237 : f32 to vector<16xf32>
      %swap3A_2239 = arith.index_cast %add3A_2236 : i32 to index
      %swap3A_2240 = tpu.vector_load %arg12[%swap3A_2239] {strides = array<i32>} : memref<10240xf32, #tpu.memory_space<vmem>>, vector<16xf32>,
      tpu.vector_store %arg12[%swap3A_2239], %broadcast_in_dim3A_2238 {strides = array<i32>} : memref<10240xf32, #tpu.memory_space<vmem>>, vector<16xf32>,
    }
    %scan3A_1501 = arith.constant 640 : i32
    %dma_wait3A_1502 = arith.constant 0 : i32
    %dma_wait3A_1503 = tpu.memref_slice %arg22[%dma_wait3A_1502] : memref<10240xf32, #tpu.memory_space<vmem>> -> memref<640xf32, #tpu.memory_space<vmem>>
    %dma_wait3A_1504 = tpu.memref_slice %arg10[%add3A_1370] : memref<163840xf32, #tpu.memory_space<hbm>> -> memref<640xf32, #tpu.memory_space<hbm>>
    %dma_wait3A_1505 = arith.constant 0 : i32
    %dma_wait3A_1506 = tpu.memref_slice %arg22[%dma_wait3A_1505] : memref<10240xf32, #tpu.memory_space<vmem>> -> memref<640xf32, #tpu.memory_space<vmem>>
    %dma_wait3A_1507 = tpu.memref_slice %arg10[%add3A_1370] : memref<163840xf32, #tpu.memory_space<hbm>> -> memref<640xf32, #tpu.memory_space<hbm>>
    tpu.wait_dma2 semaphore(%arg21 : memref<!tpu.dma_semaphore, #tpu.memory_space<semaphore_mem>>) src(%dma_wait3A_1507 : memref<640xf32, #tpu.memory_space<hbm>>) dst(%dma_wait3A_1506 : memref<640xf32, #tpu.memory_space<vmem>>)
    %dma_wait3A_1508 = arith.constant 640 : i32
    %dma_wait3A_1509 = tpu.memref_slice %arg22[%dma_wait3A_1508] : memref<10240xf32, #tpu.memory_space<vmem>> -> memref<640xf32, #tpu.memory_space<vmem>>
    %dma_wait3A_1510 = tpu.memref_slice %arg10[%add3A_1378] : memref<163840xf32, #tpu.memory_space<hbm>> -> memref<640xf32, #tpu.memory_space<hbm>>
    %dma_wait3A_1511 = arith.constant 640 : i32
    %dma_wait3A_1512 = tpu.memref_slice %arg22[%dma_wait3A_1511] : memref<10240xf32, #tpu.memory_space<vmem>> -> memref<640xf32, #tpu.memory_space<vmem>>
    %dma_wait3A_1513 = tpu.memref_slice %arg10[%add3A_1378] : memref<163840xf32, #tpu.memory_space<hbm>> -> memref<640xf32, #tpu.memory_space<hbm>>
    tpu.wait_dma2 semaphore(%arg21 : memref<!tpu.dma_semaphore, #tpu.memory_space<semaphore_mem>>) src(%dma_wait3A_1513 : memref<640xf32, #tpu.memory_space<hbm>>) dst(%dma_wait3A_1512 : memref<640xf32, #tpu.memory_space<vmem>>)
    %dma_wait3A_1514 = arith.constant 1280 : i32
    %dma_wait3A_1515 = tpu.memref_slice %arg22[%dma_wait3A_1514] : memref<10240xf32, #tpu.memory_space<vmem>> -> memref<640xf32, #tpu.memory_space<vmem>>
    %dma_wait3A_1516 = tpu.memref_slice %arg10[%add3A_1386] : memref<163840xf32, #tpu.memory_space<hbm>> -> memref<640xf32, #tpu.memory_space<hbm>>
    %dma_wait3A_1517 = arith.constant 1280 : i32
    %dma_wait3A_1518 = tpu.memref_slice %arg22[%dma_wait3A_1517] : memref<10240xf32, #tpu.memory_space<vmem>> -> memref<640xf32, #tpu.memory_space<vmem>>
    %dma_wait3A_1519 = tpu.memref_slice %arg10[%add3A_1386] : memref<163840xf32, #tpu.memory_space<hbm>> -> memref<640xf32, #tpu.memory_space<hbm>>
    tpu.wait_dma2 semaphore(%arg21 : memref<!tpu.dma_semaphore, #tpu.memory_space<semaphore_mem>>) src(%dma_wait3A_1519 : memref<640xf32, #tpu.memory_space<hbm>>) dst(%dma_wait3A_1518 : memref<640xf32, #tpu.memory_space<vmem>>)
    %dma_wait3A_1520 = arith.constant 1920 : i32
    %dma_wait3A_1521 = tpu.memref_slice %arg22[%dma_wait3A_1520] : memref<10240xf32, #tpu.memory_space<vmem>> -> memref<640xf32, #tpu.memory_space<vmem>>
    %dma_wait3A_1522 = tpu.memref_slice %arg10[%add3A_1394] : memref<163840xf32, #tpu.memory_space<hbm>> -> memref<640xf32, #tpu.memory_space<hbm>>
    %dma_wait3A_1523 = arith.constant 1920 : i32
    %dma_wait3A_1524 = tpu.memref_slice %arg22[%dma_wait3A_1523] : memref<10240xf32, #tpu.memory_space<vmem>> -> memref<640xf32, #tpu.memory_space<vmem>>
    %dma_wait3A_1525 = tpu.memref_slice %arg10[%add3A_1394] : memref<163840xf32, #tpu.memory_space<hbm>> -> memref<640xf32, #tpu.memory_space<hbm>>
    tpu.wait_dma2 semaphore(%arg21 : memref<!tpu.dma_semaphore, #tpu.memory_space<semaphore_mem>>) src(%dma_wait3A_1525 : memref<640xf32, #tpu.memory_space<hbm>>) dst(%dma_wait3A_1524 : memref<640xf32, #tpu.memory_space<vmem>>)
    %dma_wait3A_1526 = arith.constant 2560 : i32
    %dma_wait3A_1527 = tpu.memref_slice %arg22[%dma_wait3A_1526] : memref<10240xf32, #tpu.memory_space<vmem>> -> memref<640xf32, #tpu.memory_space<vmem>>
    %dma_wait3A_1528 = tpu.memref_slice %arg10[%add3A_1402] : memref<163840xf32, #tpu.memory_space<hbm>> -> memref<640xf32, #tpu.memory_space<hbm>>
    %dma_wait3A_1529 = arith.constant 2560 : i32
    %dma_wait3A_1530 = tpu.memref_slice %arg22[%dma_wait3A_1529] : memref<10240xf32, #tpu.memory_space<vmem>> -> memref<640xf32, #tpu.memory_space<vmem>>
    %dma_wait3A_1531 = tpu.memref_slice %arg10[%add3A_1402] : memref<163840xf32, #tpu.memory_space<hbm>> -> memref<640xf32, #tpu.memory_space<hbm>>
    tpu.wait_dma2 semaphore(%arg21 : memref<!tpu.dma_semaphore, #tpu.memory_space<semaphore_mem>>) src(%dma_wait3A_1531 : memref<640xf32, #tpu.memory_space<hbm>>) dst(%dma_wait3A_1530 : memref<640xf32, #tpu.memory_space<vmem>>)
    %dma_wait3A_1532 = arith.constant 3200 : i32
    %dma_wait3A_1533 = tpu.memref_slice %arg22[%dma_wait3A_1532] : memref<10240xf32, #tpu.memory_space<vmem>> -> memref<640xf32, #tpu.memory_space<vmem>>
    %dma_wait3A_1534 = tpu.memref_slice %arg10[%add3A_1410] : memref<163840xf32, #tpu.memory_space<hbm>> -> memref<640xf32, #tpu.memory_space<hbm>>
    %dma_wait3A_1535 = arith.constant 3200 : i32
    %dma_wait3A_1536 = tpu.memref_slice %arg22[%dma_wait3A_1535] : memref<10240xf32, #tpu.memory_space<vmem>> -> memref<640xf32, #tpu.memory_space<vmem>>
    %dma_wait3A_1537 = tpu.memref_slice %arg10[%add3A_1410] : memref<163840xf32, #tpu.memory_space<hbm>> -> memref<640xf32, #tpu.memory_space<hbm>>
    tpu.wait_dma2 semaphore(%arg21 : memref<!tpu.dma_semaphore, #tpu.memory_space<semaphore_mem>>) src(%dma_wait3A_1537 : memref<640xf32, #tpu.memory_space<hbm>>) dst(%dma_wait3A_1536 : memref<640xf32, #tpu.memory_space<vmem>>)
    %dma_wait3A_1538 = arith.constant 3840 : i32
    %dma_wait3A_1539 = tpu.memref_slice %arg22[%dma_wait3A_1538] : memref<10240xf32, #tpu.memory_space<vmem>> -> memref<640xf32, #tpu.memory_space<vmem>>
    %dma_wait3A_1540 = tpu.memref_slice %arg10[%add3A_1418] : memref<163840xf32, #tpu.memory_space<hbm>> -> memref<640xf32, #tpu.memory_space<hbm>>
    %dma_wait3A_1541 = arith.constant 3840 : i32
    %dma_wait3A_1542 = tpu.memref_slice %arg22[%dma_wait3A_1541] : memref<10240xf32, #tpu.memory_space<vmem>> -> memref<640xf32, #tpu.memory_space<vmem>>
    %dma_wait3A_1543 = tpu.memref_slice %arg10[%add3A_1418] : memref<163840xf32, #tpu.memory_space<hbm>> -> memref<640xf32, #tpu.memory_space<hbm>>
    tpu.wait_dma2 semaphore(%arg21 : memref<!tpu.dma_semaphore, #tpu.memory_space<semaphore_mem>>) src(%dma_wait3A_1543 : memref<640xf32, #tpu.memory_space<hbm>>) dst(%dma_wait3A_1542 : memref<640xf32, #tpu.memory_space<vmem>>)
    %dma_wait3A_1544 = arith.constant 4480 : i32
    %dma_wait3A_1545 = tpu.memref_slice %arg22[%dma_wait3A_1544] : memref<10240xf32, #tpu.memory_space<vmem>> -> memref<640xf32, #tpu.memory_space<vmem>>
    %dma_wait3A_1546 = tpu.memref_slice %arg10[%add3A_1426] : memref<163840xf32, #tpu.memory_space<hbm>> -> memref<640xf32, #tpu.memory_space<hbm>>
    %dma_wait3A_1547 = arith.constant 4480 : i32
    %dma_wait3A_1548 = tpu.memref_slice %arg22[%dma_wait3A_1547] : memref<10240xf32, #tpu.memory_space<vmem>> -> memref<640xf32, #tpu.memory_space<vmem>>
    %dma_wait3A_1549 = tpu.memref_slice %arg10[%add3A_1426] : memref<163840xf32, #tpu.memory_space<hbm>> -> memref<640xf32, #tpu.memory_space<hbm>>
    tpu.wait_dma2 semaphore(%arg21 : memref<!tpu.dma_semaphore, #tpu.memory_space<semaphore_mem>>) src(%dma_wait3A_1549 : memref<640xf32, #tpu.memory_space<hbm>>) dst(%dma_wait3A_1548 : memref<640xf32, #tpu.memory_space<vmem>>)
    %dma_wait3A_1550 = arith.constant 5120 : i32
    %dma_wait3A_1551 = tpu.memref_slice %arg22[%dma_wait3A_1550] : memref<10240xf32, #tpu.memory_space<vmem>> -> memref<640xf32, #tpu.memory_space<vmem>>
    %dma_wait3A_1552 = tpu.memref_slice %arg10[%add3A_1434] : memref<163840xf32, #tpu.memory_space<hbm>> -> memref<640xf32, #tpu.memory_space<hbm>>
    %dma_wait3A_1553 = arith.constant 5120 : i32
    %dma_wait3A_1554 = tpu.memref_slice %arg22[%dma_wait3A_1553] : memref<10240xf32, #tpu.memory_space<vmem>> -> memref<640xf32, #tpu.memory_space<vmem>>
    %dma_wait3A_1555 = tpu.memref_slice %arg10[%add3A_1434] : memref<163840xf32, #tpu.memory_space<hbm>> -> memref<640xf32, #tpu.memory_space<hbm>>
    tpu.wait_dma2 semaphore(%arg21 : memref<!tpu.dma_semaphore, #tpu.memory_space<semaphore_mem>>) src(%dma_wait3A_1555 : memref<640xf32, #tpu.memory_space<hbm>>) dst(%dma_wait3A_1554 : memref<640xf32, #tpu.memory_space<vmem>>)
    %dma_wait3A_1556 = arith.constant 5760 : i32
    %dma_wait3A_1557 = tpu.memref_slice %arg22[%dma_wait3A_1556] : memref<10240xf32, #tpu.memory_space<vmem>> -> memref<640xf32, #tpu.memory_space<vmem>>
    %dma_wait3A_1558 = tpu.memref_slice %arg10[%add3A_1442] : memref<163840xf32, #tpu.memory_space<hbm>> -> memref<640xf32, #tpu.memory_space<hbm>>
    %dma_wait3A_1559 = arith.constant 5760 : i32
    %dma_wait3A_1560 = tpu.memref_slice %arg22[%dma_wait3A_1559] : memref<10240xf32, #tpu.memory_space<vmem>> -> memref<640xf32, #tpu.memory_space<vmem>>
    %dma_wait3A_1561 = tpu.memref_slice %arg10[%add3A_1442] : memref<163840xf32, #tpu.memory_space<hbm>> -> memref<640xf32, #tpu.memory_space<hbm>>
    tpu.wait_dma2 semaphore(%arg21 : memref<!tpu.dma_semaphore, #tpu.memory_space<semaphore_mem>>) src(%dma_wait3A_1561 : memref<640xf32, #tpu.memory_space<hbm>>) dst(%dma_wait3A_1560 : memref<640xf32, #tpu.memory_space<vmem>>)
    %dma_wait3A_1562 = arith.constant 6400 : i32
    %dma_wait3A_1563 = tpu.memref_slice %arg22[%dma_wait3A_1562] : memref<10240xf32, #tpu.memory_space<vmem>> -> memref<640xf32, #tpu.memory_space<vmem>>
    %dma_wait3A_1564 = tpu.memref_slice %arg10[%add3A_1450] : memref<163840xf32, #tpu.memory_space<hbm>> -> memref<640xf32, #tpu.memory_space<hbm>>
    %dma_wait3A_1565 = arith.constant 6400 : i32
    %dma_wait3A_1566 = tpu.memref_slice %arg22[%dma_wait3A_1565] : memref<10240xf32, #tpu.memory_space<vmem>> -> memref<640xf32, #tpu.memory_space<vmem>>
    %dma_wait3A_1567 = tpu.memref_slice %arg10[%add3A_1450] : memref<163840xf32, #tpu.memory_space<hbm>> -> memref<640xf32, #tpu.memory_space<hbm>>
    tpu.wait_dma2 semaphore(%arg21 : memref<!tpu.dma_semaphore, #tpu.memory_space<semaphore_mem>>) src(%dma_wait3A_1567 : memref<640xf32, #tpu.memory_space<hbm>>) dst(%dma_wait3A_1566 : memref<640xf32, #tpu.memory_space<vmem>>)
    %dma_wait3A_1568 = arith.constant 7040 : i32
    %dma_wait3A_1569 = tpu.memref_slice %arg22[%dma_wait3A_1568] : memref<10240xf32, #tpu.memory_space<vmem>> -> memref<640xf32, #tpu.memory_space<vmem>>
    %dma_wait3A_1570 = tpu.memref_slice %arg10[%add3A_1458] : memref<163840xf32, #tpu.memory_space<hbm>> -> memref<640xf32, #tpu.memory_space<hbm>>
    %dma_wait3A_1571 = arith.constant 7040 : i32
    %dma_wait3A_1572 = tpu.memref_slice %arg22[%dma_wait3A_1571] : memref<10240xf32, #tpu.memory_space<vmem>> -> memref<640xf32, #tpu.memory_space<vmem>>
    %dma_wait3A_1573 = tpu.memref_slice %arg10[%add3A_1458] : memref<163840xf32, #tpu.memory_space<hbm>> -> memref<640xf32, #tpu.memory_space<hbm>>
    tpu.wait_dma2 semaphore(%arg21 : memref<!tpu.dma_semaphore, #tpu.memory_space<semaphore_mem>>) src(%dma_wait3A_1573 : memref<640xf32, #tpu.memory_space<hbm>>) dst(%dma_wait3A_1572 : memref<640xf32, #tpu.memory_space<vmem>>)
    %dma_wait3A_1574 = arith.constant 7680 : i32
    %dma_wait3A_1575 = tpu.memref_slice %arg22[%dma_wait3A_1574] : memref<10240xf32, #tpu.memory_space<vmem>> -> memref<640xf32, #tpu.memory_space<vmem>>
    %dma_wait3A_1576 = tpu.memref_slice %arg10[%add3A_1466] : memref<163840xf32, #tpu.memory_space<hbm>> -> memref<640xf32, #tpu.memory_space<hbm>>
    %dma_wait3A_1577 = arith.constant 7680 : i32
    %dma_wait3A_1578 = tpu.memref_slice %arg22[%dma_wait3A_1577] : memref<10240xf32, #tpu.memory_space<vmem>> -> memref<640xf32, #tpu.memory_space<vmem>>
    %dma_wait3A_1579 = tpu.memref_slice %arg10[%add3A_1466] : memref<163840xf32, #tpu.memory_space<hbm>> -> memref<640xf32, #tpu.memory_space<hbm>>
    tpu.wait_dma2 semaphore(%arg21 : memref<!tpu.dma_semaphore, #tpu.memory_space<semaphore_mem>>) src(%dma_wait3A_1579 : memref<640xf32, #tpu.memory_space<hbm>>) dst(%dma_wait3A_1578 : memref<640xf32, #tpu.memory_space<vmem>>)
    %dma_wait3A_1580 = arith.constant 8320 : i32
    %dma_wait3A_1581 = tpu.memref_slice %arg22[%dma_wait3A_1580] : memref<10240xf32, #tpu.memory_space<vmem>> -> memref<640xf32, #tpu.memory_space<vmem>>
    %dma_wait3A_1582 = tpu.memref_slice %arg10[%add3A_1474] : memref<163840xf32, #tpu.memory_space<hbm>> -> memref<640xf32, #tpu.memory_space<hbm>>
    %dma_wait3A_1583 = arith.constant 8320 : i32
    %dma_wait3A_1584 = tpu.memref_slice %arg22[%dma_wait3A_1583] : memref<10240xf32, #tpu.memory_space<vmem>> -> memref<640xf32, #tpu.memory_space<vmem>>
    %dma_wait3A_1585 = tpu.memref_slice %arg10[%add3A_1474] : memref<163840xf32, #tpu.memory_space<hbm>> -> memref<640xf32, #tpu.memory_space<hbm>>
    tpu.wait_dma2 semaphore(%arg21 : memref<!tpu.dma_semaphore, #tpu.memory_space<semaphore_mem>>) src(%dma_wait3A_1585 : memref<640xf32, #tpu.memory_space<hbm>>) dst(%dma_wait3A_1584 : memref<640xf32, #tpu.memory_space<vmem>>)
    %dma_wait3A_1586 = arith.constant 8960 : i32
    %dma_wait3A_1587 = tpu.memref_slice %arg22[%dma_wait3A_1586] : memref<10240xf32, #tpu.memory_space<vmem>> -> memref<640xf32, #tpu.memory_space<vmem>>
    %dma_wait3A_1588 = tpu.memref_slice %arg10[%add3A_1482] : memref<163840xf32, #tpu.memory_space<hbm>> -> memref<640xf32, #tpu.memory_space<hbm>>
    %dma_wait3A_1589 = arith.constant 8960 : i32
    %dma_wait3A_1590 = tpu.memref_slice %arg22[%dma_wait3A_1589] : memref<10240xf32, #tpu.memory_space<vmem>> -> memref<640xf32, #tpu.memory_space<vmem>>
    %dma_wait3A_1591 = tpu.memref_slice %arg10[%add3A_1482] : memref<163840xf32, #tpu.memory_space<hbm>> -> memref<640xf32, #tpu.memory_space<hbm>>
    tpu.wait_dma2 semaphore(%arg21 : memref<!tpu.dma_semaphore, #tpu.memory_space<semaphore_mem>>) src(%dma_wait3A_1591 : memref<640xf32, #tpu.memory_space<hbm>>) dst(%dma_wait3A_1590 : memref<640xf32, #tpu.memory_space<vmem>>)
    %dma_wait3A_1592 = arith.constant 9600 : i32
    %dma_wait3A_1593 = tpu.memref_slice %arg22[%dma_wait3A_1592] : memref<10240xf32, #tpu.memory_space<vmem>> -> memref<640xf32, #tpu.memory_space<vmem>>
    %dma_wait3A_1594 = tpu.memref_slice %arg10[%add3A_1490] : memref<163840xf32, #tpu.memory_space<hbm>> -> memref<640xf32, #tpu.memory_space<hbm>>
    %dma_wait3A_1595 = arith.constant 9600 : i32
    %dma_wait3A_1596 = tpu.memref_slice %arg22[%dma_wait3A_1595] : memref<10240xf32, #tpu.memory_space<vmem>> -> memref<640xf32, #tpu.memory_space<vmem>>
    %dma_wait3A_1597 = tpu.memref_slice %arg10[%add3A_1490] : memref<163840xf32, #tpu.memory_space<hbm>> -> memref<640xf32, #tpu.memory_space<hbm>>
    tpu.wait_dma2 semaphore(%arg21 : memref<!tpu.dma_semaphore, #tpu.memory_space<semaphore_mem>>) src(%dma_wait3A_1597 : memref<640xf32, #tpu.memory_space<hbm>>) dst(%dma_wait3A_1596 : memref<640xf32, #tpu.memory_space<vmem>>)
    %scan3A_1598 = arith.constant 0 : i32
    %scan3A_1599 = arith.constant 40 : i32
    %scan3A_1600 = arith.addi %scan3A_1598, %scan3A_1599 : i32
    %scan3A_1601 = arith.constant 2 : i32
    scf.for %scan3A_2163 = %scan3A_1598 to %scan3A_1600 step %scan3A_1601  : i32 {
      %mul3A_2164 = arith.constant 16 : i32
      %mul3A_2165 = arith.muli %scan3A_2163, %mul3A_2164 : i32
      %add3A_2166 = arith.constant 0 : i32
      %add3A_2167 = arith.addi %add3A_2166, %mul3A_2165 : i32
      %get3A_2168 = arith.index_cast %add3A_2167 : i32 to index
      %get3A_2169 = tpu.vector_load %arg22[%get3A_2168] {strides = array<i32>} : memref<10240xf32, #tpu.memory_space<vmem>>, vector<16xf32>,
      %add3A_2170 = arith.constant 640 : i32
      %add3A_2171 = arith.addi %add3A_2170, %add3A_2167 : i32
      %get3A_2172 = arith.index_cast %add3A_2171 : i32 to index
      %get3A_2173 = tpu.vector_load %arg22[%get3A_2172] {strides = array<i32>} : memref<10240xf32, #tpu.memory_space<vmem>>, vector<16xf32>,
      %add3A_2174 = arith.addf %get3A_2169, %get3A_2173 : vector<16xf32>
      %add3A_2175 = arith.constant 1280 : i32
      %add3A_2176 = arith.addi %add3A_2175, %add3A_2167 : i32
      %get3A_2177 = arith.index_cast %add3A_2176 : i32 to index
      %get3A_2178 = tpu.vector_load %arg22[%get3A_2177] {strides = array<i32>} : memref<10240xf32, #tpu.memory_space<vmem>>, vector<16xf32>,
      %add3A_2179 = arith.addf %add3A_2174, %get3A_2178 : vector<16xf32>
      %add3A_2180 = arith.constant 1920 : i32
      %add3A_2181 = arith.addi %add3A_2180, %add3A_2167 : i32
      %get3A_2182 = arith.index_cast %add3A_2181 : i32 to index
      %get3A_2183 = tpu.vector_load %arg22[%get3A_2182] {strides = array<i32>} : memref<10240xf32, #tpu.memory_space<vmem>>, vector<16xf32>,
      %add3A_2184 = arith.addf %add3A_2179, %get3A_2183 : vector<16xf32>
      %add3A_2185 = arith.constant 2560 : i32
      %add3A_2186 = arith.addi %add3A_2185, %add3A_2167 : i32
      %get3A_2187 = arith.index_cast %add3A_2186 : i32 to index
      %get3A_2188 = tpu.vector_load %arg22[%get3A_2187] {strides = array<i32>} : memref<10240xf32, #tpu.memory_space<vmem>>, vector<16xf32>,
      %add3A_2189 = arith.addf %add3A_2184, %get3A_2188 : vector<16xf32>
      %add3A_2190 = arith.constant 3200 : i32
      %add3A_2191 = arith.addi %add3A_2190, %add3A_2167 : i32
      %get3A_2192 = arith.index_cast %add3A_2191 : i32 to index
      %get3A_2193 = tpu.vector_load %arg22[%get3A_2192] {strides = array<i32>} : memref<10240xf32, #tpu.memory_space<vmem>>, vector<16xf32>,
      %add3A_2194 = arith.addf %add3A_2189, %get3A_2193 : vector<16xf32>
      %add3A_2195 = arith.constant 3840 : i32
      %add3A_2196 = arith.addi %add3A_2195, %add3A_2167 : i32
      %get3A_2197 = arith.index_cast %add3A_2196 : i32 to index
      %get3A_2198 = tpu.vector_load %arg22[%get3A_2197] {strides = array<i32>} : memref<10240xf32, #tpu.memory_space<vmem>>, vector<16xf32>,
      %add3A_2199 = arith.addf %add3A_2194, %get3A_2198 : vector<16xf32>
      %add3A_2200 = arith.constant 4480 : i32
      %add3A_2201 = arith.addi %add3A_2200, %add3A_2167 : i32
      %get3A_2202 = arith.index_cast %add3A_2201 : i32 to index
      %get3A_2203 = tpu.vector_load %arg22[%get3A_2202] {strides = array<i32>} : memref<10240xf32, #tpu.memory_space<vmem>>, vector<16xf32>,
      %add3A_2204 = arith.addf %add3A_2199, %get3A_2203 : vector<16xf32>
      %add3A_2205 = arith.constant 5120 : i32
      %add3A_2206 = arith.addi %add3A_2205, %add3A_2167 : i32
      %get3A_2207 = arith.index_cast %add3A_2206 : i32 to index
      %get3A_2208 = tpu.vector_load %arg22[%get3A_2207] {strides = array<i32>} : memref<10240xf32, #tpu.memory_space<vmem>>, vector<16xf32>,
      %add3A_2209 = arith.addf %add3A_2204, %get3A_2208 : vector<16xf32>
      %add3A_2210 = arith.constant 5760 : i32
      %add3A_2211 = arith.addi %add3A_2210, %add3A_2167 : i32
      %get3A_2212 = arith.index_cast %add3A_2211 : i32 to index
      %get3A_2213 = tpu.vector_load %arg22[%get3A_2212] {strides = array<i32>} : memref<10240xf32, #tpu.memory_space<vmem>>, vector<16xf32>,
      %add3A_2214 = arith.addf %add3A_2209, %get3A_2213 : vector<16xf32>
      %add3A_2215 = arith.constant 6400 : i32
      %add3A_2216 = arith.addi %add3A_2215, %add3A_2167 : i32
      %get3A_2217 = arith.index_cast %add3A_2216 : i32 to index
      %get3A_2218 = tpu.vector_load %arg22[%get3A_2217] {strides = array<i32>} : memref<10240xf32, #tpu.memory_space<vmem>>, vector<16xf32>,
      %add3A_2219 = arith.addf %add3A_2214, %get3A_2218 : vector<16xf32>
      %add3A_2220 = arith.constant 7040 : i32
      %add3A_2221 = arith.addi %add3A_2220, %add3A_2167 : i32
      %get3A_2222 = arith.index_cast %add3A_2221 : i32 to index
      %get3A_2223 = tpu.vector_load %arg22[%get3A_2222] {strides = array<i32>} : memref<10240xf32, #tpu.memory_space<vmem>>, vector<16xf32>,
      %add3A_2224 = arith.addf %add3A_2219, %get3A_2223 : vector<16xf32>
      %add3A_2225 = arith.constant 7680 : i32
      %add3A_2226 = arith.addi %add3A_2225, %add3A_2167 : i32
      %get3A_2227 = arith.index_cast %add3A_2226 : i32 to index
      %get3A_2228 = tpu.vector_load %arg22[%get3A_2227] {strides = array<i32>} : memref<10240xf32, #tpu.memory_space<vmem>>, vector<16xf32>,
      %add3A_2229 = arith.addf %add3A_2224, %get3A_2228 : vector<16xf32>
      %add3A_2230 = arith.constant 8320 : i32
      %add3A_2231 = arith.addi %add3A_2230, %add3A_2167 : i32
      %get3A_2232 = arith.index_cast %add3A_2231 : i32 to index
      %get3A_2233 = tpu.vector_load %arg22[%get3A_2232] {strides = array<i32>} : memref<10240xf32, #tpu.memory_space<vmem>>, vector<16xf32>,
      %add3A_2234 = arith.addf %add3A_2229, %get3A_2233 : vector<16xf32>
      %add3A_2235 = arith.constant 8960 : i32
      %add3A_2236 = arith.addi %add3A_2235, %add3A_2167 : i32
      %get3A_2237 = arith.index_cast %add3A_2236 : i32 to index
      %get3A_2238 = tpu.vector_load %arg22[%get3A_2237] {strides = array<i32>} : memref<10240xf32, #tpu.memory_space<vmem>>, vector<16xf32>,
      %add3A_2239 = arith.addf %add3A_2234, %get3A_2238 : vector<16xf32>
      %add3A_2240 = arith.constant 9600 : i32
      %add3A_2241 = arith.addi %add3A_2240, %add3A_2167 : i32
      %get3A_2242 = arith.index_cast %add3A_2241 : i32 to index
      %get3A_2243 = tpu.vector_load %arg22[%get3A_2242] {strides = array<i32>} : memref<10240xf32, #tpu.memory_space<vmem>>, vector<16xf32>,
      %add3A_2244 = arith.addf %add3A_2239, %get3A_2243 : vector<16xf32>
      %swap3A_2245 = arith.index_cast %add3A_2167 : i32 to index
      %swap3A_2246 = tpu.vector_load %arg26[%swap3A_2245] {strides = array<i32>} : memref<640xf32, #tpu.memory_space<vmem>>, vector<16xf32>,
      tpu.vector_store %arg26[%swap3A_2245], %add3A_2244 {strides = array<i32>} : memref<640xf32, #tpu.memory_space<vmem>>, vector<16xf32>,
      %scan3A_2247 = arith.constant 1 : i32
      %scan3A_2248 = arith.addi %scan3A_2163, %scan3A_2247 : i32
      %mul3A_2249 = arith.constant 16 : i32
      %mul3A_2250 = arith.muli %scan3A_2248, %mul3A_2249 : i32
      %add3A_2251 = arith.constant 0 : i32
      %add3A_2252 = arith.addi %add3A_2251, %mul3A_2250 : i32
      %get3A_2253 = arith.index_cast %add3A_2252 : i32 to index
      %get3A_2254 = tpu.vector_load %arg22[%get3A_2253] {strides = array<i32>} : memref<10240xf32, #tpu.memory_space<vmem>>, vector<16xf32>,
      %add3A_2255 = arith.constant 640 : i32
      %add3A_2256 = arith.addi %add3A_2255, %add3A_2252 : i32
      %get3A_2257 = arith.index_cast %add3A_2256 : i32 to index
      %get3A_2258 = tpu.vector_load %arg22[%get3A_2257] {strides = array<i32>} : memref<10240xf32, #tpu.memory_space<vmem>>, vector<16xf32>,
      %add3A_2259 = arith.addf %get3A_2254, %get3A_2258 : vector<16xf32>
      %add3A_2260 = arith.constant 1280 : i32
      %add3A_2261 = arith.addi %add3A_2260, %add3A_2252 : i32
      %get3A_2262 = arith.index_cast %add3A_2261 : i32 to index
      %get3A_2263 = tpu.vector_load %arg22[%get3A_2262] {strides = array<i32>} : memref<10240xf32, #tpu.memory_space<vmem>>, vector<16xf32>,
      %add3A_2264 = arith.addf %add3A_2259, %get3A_2263 : vector<16xf32>
      %add3A_2265 = arith.constant 1920 : i32
      %add3A_2266 = arith.addi %add3A_2265, %add3A_2252 : i32
      %get3A_2267 = arith.index_cast %add3A_2266 : i32 to index
      %get3A_2268 = tpu.vector_load %arg22[%get3A_2267] {strides = array<i32>} : memref<10240xf32, #tpu.memory_space<vmem>>, vector<16xf32>,
      %add3A_2269 = arith.addf %add3A_2264, %get3A_2268 : vector<16xf32>
      %add3A_2270 = arith.constant 2560 : i32
      %add3A_2271 = arith.addi %add3A_2270, %add3A_2252 : i32
      %get3A_2272 = arith.index_cast %add3A_2271 : i32 to index
      %get3A_2273 = tpu.vector_load %arg22[%get3A_2272] {strides = array<i32>} : memref<10240xf32, #tpu.memory_space<vmem>>, vector<16xf32>,
      %add3A_2274 = arith.addf %add3A_2269, %get3A_2273 : vector<16xf32>
      %add3A_2275 = arith.constant 3200 : i32
      %add3A_2276 = arith.addi %add3A_2275, %add3A_2252 : i32
      %get3A_2277 = arith.index_cast %add3A_2276 : i32 to index
      %get3A_2278 = tpu.vector_load %arg22[%get3A_2277] {strides = array<i32>} : memref<10240xf32, #tpu.memory_space<vmem>>, vector<16xf32>,
      %add3A_2279 = arith.addf %add3A_2274, %get3A_2278 : vector<16xf32>
      %add3A_2280 = arith.constant 3840 : i32
      %add3A_2281 = arith.addi %add3A_2280, %add3A_2252 : i32
      %get3A_2282 = arith.index_cast %add3A_2281 : i32 to index
      %get3A_2283 = tpu.vector_load %arg22[%get3A_2282] {strides = array<i32>} : memref<10240xf32, #tpu.memory_space<vmem>>, vector<16xf32>,
      %add3A_2284 = arith.addf %add3A_2279, %get3A_2283 : vector<16xf32>
      %add3A_2285 = arith.constant 4480 : i32
      %add3A_2286 = arith.addi %add3A_2285, %add3A_2252 : i32
      %get3A_2287 = arith.index_cast %add3A_2286 : i32 to index
      %get3A_2288 = tpu.vector_load %arg22[%get3A_2287] {strides = array<i32>} : memref<10240xf32, #tpu.memory_space<vmem>>, vector<16xf32>,
      %add3A_2289 = arith.addf %add3A_2284, %get3A_2288 : vector<16xf32>
      %add3A_2290 = arith.constant 5120 : i32
      %add3A_2291 = arith.addi %add3A_2290, %add3A_2252 : i32
      %get3A_2292 = arith.index_cast %add3A_2291 : i32 to index
      %get3A_2293 = tpu.vector_load %arg22[%get3A_2292] {strides = array<i32>} : memref<10240xf32, #tpu.memory_space<vmem>>, vector<16xf32>,
      %add3A_2294 = arith.addf %add3A_2289, %get3A_2293 : vector<16xf32>
      %add3A_2295 = arith.constant 5760 : i32
      %add3A_2296 = arith.addi %add3A_2295, %add3A_2252 : i32
      %get3A_2297 = arith.index_cast %add3A_2296 : i32 to index
      %get3A_2298 = tpu.vector_load %arg22[%get3A_2297] {strides = array<i32>} : memref<10240xf32, #tpu.memory_space<vmem>>, vector<16xf32>,
      %add3A_2299 = arith.addf %add3A_2294, %get3A_2298 : vector<16xf32>
      %add3A_2300 = arith.constant 6400 : i32
      %add3A_2301 = arith.addi %add3A_2300, %add3A_2252 : i32
      %get3A_2302 = arith.index_cast %add3A_2301 : i32 to index
      %get3A_2303 = tpu.vector_load %arg22[%get3A_2302] {strides = array<i32>} : memref<10240xf32, #tpu.memory_space<vmem>>, vector<16xf32>,
      %add3A_2304 = arith.addf %add3A_2299, %get3A_2303 : vector<16xf32>
      %add3A_2305 = arith.constant 7040 : i32
      %add3A_2306 = arith.addi %add3A_2305, %add3A_2252 : i32
      %get3A_2307 = arith.index_cast %add3A_2306 : i32 to index
      %get3A_2308 = tpu.vector_load %arg22[%get3A_2307] {strides = array<i32>} : memref<10240xf32, #tpu.memory_space<vmem>>, vector<16xf32>,
      %add3A_2309 = arith.addf %add3A_2304, %get3A_2308 : vector<16xf32>
      %add3A_2310 = arith.constant 7680 : i32
      %add3A_2311 = arith.addi %add3A_2310, %add3A_2252 : i32
      %get3A_2312 = arith.index_cast %add3A_2311 : i32 to index
      %get3A_2313 = tpu.vector_load %arg22[%get3A_2312] {strides = array<i32>} : memref<10240xf32, #tpu.memory_space<vmem>>, vector<16xf32>,
      %add3A_2314 = arith.addf %add3A_2309, %get3A_2313 : vector<16xf32>
      %add3A_2315 = arith.constant 8320 : i32
      %add3A_2316 = arith.addi %add3A_2315, %add3A_2252 : i32
      %get3A_2317 = arith.index_cast %add3A_2316 : i32 to index
      %get3A_2318 = tpu.vector_load %arg22[%get3A_2317] {strides = array<i32>} : memref<10240xf32, #tpu.memory_space<vmem>>, vector<16xf32>,
      %add3A_2319 = arith.addf %add3A_2314, %get3A_2318 : vector<16xf32>
      %add3A_2320 = arith.constant 8960 : i32
      %add3A_2321 = arith.addi %add3A_2320, %add3A_2252 : i32
      %get3A_2322 = arith.index_cast %add3A_2321 : i32 to index
      %get3A_2323 = tpu.vector_load %arg22[%get3A_2322] {strides = array<i32>} : memref<10240xf32, #tpu.memory_space<vmem>>, vector<16xf32>,
      %add3A_2324 = arith.addf %add3A_2319, %get3A_2323 : vector<16xf32>
      %add3A_2325 = arith.constant 9600 : i32
      %add3A_2326 = arith.addi %add3A_2325, %add3A_2252 : i32
      %get3A_2327 = arith.index_cast %add3A_2326 : i32 to index
      %get3A_2328 = tpu.vector_load %arg22[%get3A_2327] {strides = array<i32>} : memref<10240xf32, #tpu.memory_space<vmem>>, vector<16xf32>,
      %add3A_2329 = arith.addf %add3A_2324, %get3A_2328 : vector<16xf32>
      %swap3A_2330 = arith.index_cast %add3A_2252 : i32 to index
      %swap3A_2331 = tpu.vector_load %arg26[%swap3A_2330] {strides = array<i32>} : memref<640xf32, #tpu.memory_space<vmem>>, vector<16xf32>,
      tpu.vector_store %arg26[%swap3A_2330], %add3A_2329 {strides = array<i32>} : memref<640xf32, #tpu.memory_space<vmem>>, vector<16xf32>,
    }
    %scan3A_1602 = arith.constant 40 : i32
    %get3A_1603 = arith.constant 0 : index
    %get3A_1604 = tpu.vector_load %arg24[%get3A_1603] {strides = array<i32>} : memref<640xf32, #tpu.memory_space<vmem>>, vector<16xf32>,
    %mul3A_1605 = arith.mulf %get3A_1604, %get3A_1604 : vector<16xf32>
    %sub3A_1606 = arith.constant 1.000000e+00 : f32
    %sub3A_1607 = vector.broadcast %sub3A_1606 : f32 to vector<16xf32>
    %sub3A_1608 = arith.subf %sub3A_1607, %mul3A_1605 : vector<16xf32>
    %get3A_1609 = arith.constant 0 : index
    %get3A_1610 = tpu.vector_load %arg26[%get3A_1609] {strides = array<i32>} : memref<640xf32, #tpu.memory_space<vmem>>, vector<16xf32>,
    %mul3A_1611 = arith.mulf %sub3A_1608, %get3A_1610 : vector<16xf32>
    %get3A_1612 = arith.constant 0 : index
    %get3A_1613 = tpu.vector_load %arg25[%get3A_1612] {strides = array<i32>} : memref<640xf32, #tpu.memory_space<vmem>>, vector<16xf32>,
    %sub3A_1614 = arith.subf %mul3A_1611, %get3A_1613 : vector<16xf32>
    %swap3A_1615 = arith.constant 0 : index
    %swap3A_1616 = tpu.vector_load %arg25[%swap3A_1615] {strides = array<i32>} : memref<640xf32, #tpu.memory_space<vmem>>, vector<16xf32>,
    tpu.vector_store %arg25[%swap3A_1615], %sub3A_1614 {strides = array<i32>} : memref<640xf32, #tpu.memory_space<vmem>>, vector<16xf32>,
    %get3A_1617 = arith.constant 16 : index
    %get3A_1618 = tpu.vector_load %arg24[%get3A_1617] {strides = array<i32>} : memref<640xf32, #tpu.memory_space<vmem>>, vector<16xf32>,
    %mul3A_1619 = arith.mulf %get3A_1618, %get3A_1618 : vector<16xf32>
    %sub3A_1620 = arith.constant 1.000000e+00 : f32
    %sub3A_1621 = vector.broadcast %sub3A_1620 : f32 to vector<16xf32>
    %sub3A_1622 = arith.subf %sub3A_1621, %mul3A_1619 : vector<16xf32>
    %get3A_1623 = arith.constant 16 : index
    %get3A_1624 = tpu.vector_load %arg26[%get3A_1623] {strides = array<i32>} : memref<640xf32, #tpu.memory_space<vmem>>, vector<16xf32>,
    %mul3A_1625 = arith.mulf %sub3A_1622, %get3A_1624 : vector<16xf32>
    %get3A_1626 = arith.constant 16 : index
    %get3A_1627 = tpu.vector_load %arg25[%get3A_1626] {strides = array<i32>} : memref<640xf32, #tpu.memory_space<vmem>>, vector<16xf32>,
    %sub3A_1628 = arith.subf %mul3A_1625, %get3A_1627 : vector<16xf32>
    %swap3A_1629 = arith.constant 16 : index
    %swap3A_1630 = tpu.vector_load %arg25[%swap3A_1629] {strides = array<i32>} : memref<640xf32, #tpu.memory_space<vmem>>, vector<16xf32>,
    tpu.vector_store %arg25[%swap3A_1629], %sub3A_1628 {strides = array<i32>} : memref<640xf32, #tpu.memory_space<vmem>>, vector<16xf32>,
    %get3A_1631 = arith.constant 32 : index
    %get3A_1632 = tpu.vector_load %arg24[%get3A_1631] {strides = array<i32>} : memref<640xf32, #tpu.memory_space<vmem>>, vector<16xf32>,
    %mul3A_1633 = arith.mulf %get3A_1632, %get3A_1632 : vector<16xf32>
    %sub3A_1634 = arith.constant 1.000000e+00 : f32
    %sub3A_1635 = vector.broadcast %sub3A_1634 : f32 to vector<16xf32>
    %sub3A_1636 = arith.subf %sub3A_1635, %mul3A_1633 : vector<16xf32>
    %get3A_1637 = arith.constant 32 : index
    %get3A_1638 = tpu.vector_load %arg26[%get3A_1637] {strides = array<i32>} : memref<640xf32, #tpu.memory_space<vmem>>, vector<16xf32>,
    %mul3A_1639 = arith.mulf %sub3A_1636, %get3A_1638 : vector<16xf32>
    %get3A_1640 = arith.constant 32 : index
    %get3A_1641 = tpu.vector_load %arg25[%get3A_1640] {strides = array<i32>} : memref<640xf32, #tpu.memory_space<vmem>>, vector<16xf32>,
    %sub3A_1642 = arith.subf %mul3A_1639, %get3A_1641 : vector<16xf32>
    %swap3A_1643 = arith.constant 32 : index
    %swap3A_1644 = tpu.vector_load %arg25[%swap3A_1643] {strides = array<i32>} : memref<640xf32, #tpu.memory_space<vmem>>, vector<16xf32>,
    tpu.vector_store %arg25[%swap3A_1643], %sub3A_1642 {strides = array<i32>} : memref<640xf32, #tpu.memory_space<vmem>>, vector<16xf32>,
    %get3A_1645 = arith.constant 48 : index
    %get3A_1646 = tpu.vector_load %arg24[%get3A_1645] {strides = array<i32>} : memref<640xf32, #tpu.memory_space<vmem>>, vector<16xf32>,
    %mul3A_1647 = arith.mulf %get3A_1646, %get3A_1646 : vector<16xf32>
    %sub3A_1648 = arith.constant 1.000000e+00 : f32
    %sub3A_1649 = vector.broadcast %sub3A_1648 : f32 to vector<16xf32>
    %sub3A_1650 = arith.subf %sub3A_1649, %mul3A_1647 : vector<16xf32>
    %get3A_1651 = arith.constant 48 : index
    %get3A_1652 = tpu.vector_load %arg26[%get3A_1651] {strides = array<i32>} : memref<640xf32, #tpu.memory_space<vmem>>, vector<16xf32>,
    %mul3A_1653 = arith.mulf %sub3A_1650, %get3A_1652 : vector<16xf32>
    %get3A_1654 = arith.constant 48 : index
    %get3A_1655 = tpu.vector_load %arg25[%get3A_1654] {strides = array<i32>} : memref<640xf32, #tpu.memory_space<vmem>>, vector<16xf32>,
    %sub3A_1656 = arith.subf %mul3A_1653, %get3A_1655 : vector<16xf32>
    %swap3A_1657 = arith.constant 48 : index
    %swap3A_1658 = tpu.vector_load %arg25[%swap3A_1657] {strides = array<i32>} : memref<640xf32, #tpu.memory_space<vmem>>, vector<16xf32>,
    tpu.vector_store %arg25[%swap3A_1657], %sub3A_1656 {strides = array<i32>} : memref<640xf32, #tpu.memory_space<vmem>>, vector<16xf32>,
    %get3A_1659 = arith.constant 64 : index
    %get3A_1660 = tpu.vector_load %arg24[%get3A_1659] {strides = array<i32>} : memref<640xf32, #tpu.memory_space<vmem>>, vector<16xf32>,
    %mul3A_1661 = arith.mulf %get3A_1660, %get3A_1660 : vector<16xf32>
    %sub3A_1662 = arith.constant 1.000000e+00 : f32
    %sub3A_1663 = vector.broadcast %sub3A_1662 : f32 to vector<16xf32>
    %sub3A_1664 = arith.subf %sub3A_1663, %mul3A_1661 : vector<16xf32>
    %get3A_1665 = arith.constant 64 : index
    %get3A_1666 = tpu.vector_load %arg26[%get3A_1665] {strides = array<i32>} : memref<640xf32, #tpu.memory_space<vmem>>, vector<16xf32>,
    %mul3A_1667 = arith.mulf %sub3A_1664, %get3A_1666 : vector<16xf32>
    %get3A_1668 = arith.constant 64 : index
    %get3A_1669 = tpu.vector_load %arg25[%get3A_1668] {strides = array<i32>} : memref<640xf32, #tpu.memory_space<vmem>>, vector<16xf32>,
    %sub3A_1670 = arith.subf %mul3A_1667, %get3A_1669 : vector<16xf32>
    %swap3A_1671 = arith.constant 64 : index
    %swap3A_1672 = tpu.vector_load %arg25[%swap3A_1671] {strides = array<i32>} : memref<640xf32, #tpu.memory_space<vmem>>, vector<16xf32>,
    tpu.vector_store %arg25[%swap3A_1671], %sub3A_1670 {strides = array<i32>} : memref<640xf32, #tpu.memory_space<vmem>>, vector<16xf32>,
    %get3A_1673 = arith.constant 80 : index
    %get3A_1674 = tpu.vector_load %arg24[%get3A_1673] {strides = array<i32>} : memref<640xf32, #tpu.memory_space<vmem>>, vector<16xf32>,
    %mul3A_1675 = arith.mulf %get3A_1674, %get3A_1674 : vector<16xf32>
    %sub3A_1676 = arith.constant 1.000000e+00 : f32
    %sub3A_1677 = vector.broadcast %sub3A_1676 : f32 to vector<16xf32>
    %sub3A_1678 = arith.subf %sub3A_1677, %mul3A_1675 : vector<16xf32>
    %get3A_1679 = arith.constant 80 : index
    %get3A_1680 = tpu.vector_load %arg26[%get3A_1679] {strides = array<i32>} : memref<640xf32, #tpu.memory_space<vmem>>, vector<16xf32>,
    %mul3A_1681 = arith.mulf %sub3A_1678, %get3A_1680 : vector<16xf32>
    %get3A_1682 = arith.constant 80 : index
    %get3A_1683 = tpu.vector_load %arg25[%get3A_1682] {strides = array<i32>} : memref<640xf32, #tpu.memory_space<vmem>>, vector<16xf32>,
    %sub3A_1684 = arith.subf %mul3A_1681, %get3A_1683 : vector<16xf32>
    %swap3A_1685 = arith.constant 80 : index
    %swap3A_1686 = tpu.vector_load %arg25[%swap3A_1685] {strides = array<i32>} : memref<640xf32, #tpu.memory_space<vmem>>, vector<16xf32>,
    tpu.vector_store %arg25[%swap3A_1685], %sub3A_1684 {strides = array<i32>} : memref<640xf32, #tpu.memory_space<vmem>>, vector<16xf32>,
    %get3A_1687 = arith.constant 96 : index
    %get3A_1688 = tpu.vector_load %arg24[%get3A_1687] {strides = array<i32>} : memref<640xf32, #tpu.memory_space<vmem>>, vector<16xf32>,
    %mul3A_1689 = arith.mulf %get3A_1688, %get3A_1688 : vector<16xf32>
    %sub3A_1690 = arith.constant 1.000000e+00 : f32
    %sub3A_1691 = vector.broadcast %sub3A_1690 : f32 to vector<16xf32>
    %sub3A_1692 = arith.subf %sub3A_1691, %mul3A_1689 : vector<16xf32>
    %get3A_1693 = arith.constant 96 : index
    %get3A_1694 = tpu.vector_load %arg26[%get3A_1693] {strides = array<i32>} : memref<640xf32, #tpu.memory_space<vmem>>, vector<16xf32>,
    %mul3A_1695 = arith.mulf %sub3A_1692, %get3A_1694 : vector<16xf32>
    %get3A_1696 = arith.constant 96 : index
    %get3A_1697 = tpu.vector_load %arg25[%get3A_1696] {strides = array<i32>} : memref<640xf32, #tpu.memory_space<vmem>>, vector<16xf32>,
    %sub3A_1698 = arith.subf %mul3A_1695, %get3A_1697 : vector<16xf32>
    %swap3A_1699 = arith.constant 96 : index
    %swap3A_1700 = tpu.vector_load %arg25[%swap3A_1699] {strides = array<i32>} : memref<640xf32, #tpu.memory_space<vmem>>, vector<16xf32>,
    tpu.vector_store %arg25[%swap3A_1699], %sub3A_1698 {strides = array<i32>} : memref<640xf32, #tpu.memory_space<vmem>>, vector<16xf32>,
    %get3A_1701 = arith.constant 112 : index
    %get3A_1702 = tpu.vector_load %arg24[%get3A_1701] {strides = array<i32>} : memref<640xf32, #tpu.memory_space<vmem>>, vector<16xf32>,
    %mul3A_1703 = arith.mulf %get3A_1702, %get3A_1702 : vector<16xf32>
    %sub3A_1704 = arith.constant 1.000000e+00 : f32
    %sub3A_1705 = vector.broadcast %sub3A_1704 : f32 to vector<16xf32>
    %sub3A_1706 = arith.subf %sub3A_1705, %mul3A_1703 : vector<16xf32>
    %get3A_1707 = arith.constant 112 : index
    %get3A_1708 = tpu.vector_load %arg26[%get3A_1707] {strides = array<i32>} : memref<640xf32, #tpu.memory_space<vmem>>, vector<16xf32>,
    %mul3A_1709 = arith.mulf %sub3A_1706, %get3A_1708 : vector<16xf32>
    %get3A_1710 = arith.constant 112 : index
    %get3A_1711 = tpu.vector_load %arg25[%get3A_1710] {strides = array<i32>} : memref<640xf32, #tpu.memory_space<vmem>>, vector<16xf32>,
    %sub3A_1712 = arith.subf %mul3A_1709, %get3A_1711 : vector<16xf32>
    %swap3A_1713 = arith.constant 112 : index
    %swap3A_1714 = tpu.vector_load %arg25[%swap3A_1713] {strides = array<i32>} : memref<640xf32, #tpu.memory_space<vmem>>, vector<16xf32>,
    tpu.vector_store %arg25[%swap3A_1713], %sub3A_1712 {strides = array<i32>} : memref<640xf32, #tpu.memory_space<vmem>>, vector<16xf32>,
    %get3A_1715 = arith.constant 128 : index
    %get3A_1716 = tpu.vector_load %arg24[%get3A_1715] {strides = array<i32>} : memref<640xf32, #tpu.memory_space<vmem>>, vector<16xf32>,
    %mul3A_1717 = arith.mulf %get3A_1716, %get3A_1716 : vector<16xf32>
    %sub3A_1718 = arith.constant 1.000000e+00 : f32
    %sub3A_1719 = vector.broadcast %sub3A_1718 : f32 to vector<16xf32>
    %sub3A_1720 = arith.subf %sub3A_1719, %mul3A_1717 : vector<16xf32>
    %get3A_1721 = arith.constant 128 : index
    %get3A_1722 = tpu.vector_load %arg26[%get3A_1721] {strides = array<i32>} : memref<640xf32, #tpu.memory_space<vmem>>, vector<16xf32>,
    %mul3A_1723 = arith.mulf %sub3A_1720, %get3A_1722 : vector<16xf32>
    %get3A_1724 = arith.constant 128 : index
    %get3A_1725 = tpu.vector_load %arg25[%get3A_1724] {strides = array<i32>} : memref<640xf32, #tpu.memory_space<vmem>>, vector<16xf32>,
    %sub3A_1726 = arith.subf %mul3A_1723, %get3A_1725 : vector<16xf32>
    %swap3A_1727 = arith.constant 128 : index
    %swap3A_1728 = tpu.vector_load %arg25[%swap3A_1727] {strides = array<i32>} : memref<640xf32, #tpu.memory_space<vmem>>, vector<16xf32>,
    tpu.vector_store %arg25[%swap3A_1727], %sub3A_1726 {strides = array<i32>} : memref<640xf32, #tpu.memory_space<vmem>>, vector<16xf32>,
    %get3A_1729 = arith.constant 144 : index
    %get3A_1730 = tpu.vector_load %arg24[%get3A_1729] {strides = array<i32>} : memref<640xf32, #tpu.memory_space<vmem>>, vector<16xf32>,
    %mul3A_1731 = arith.mulf %get3A_1730, %get3A_1730 : vector<16xf32>
    %sub3A_1732 = arith.constant 1.000000e+00 : f32
    %sub3A_1733 = vector.broadcast %sub3A_1732 : f32 to vector<16xf32>
    %sub3A_1734 = arith.subf %sub3A_1733, %mul3A_1731 : vector<16xf32>
    %get3A_1735 = arith.constant 144 : index
    %get3A_1736 = tpu.vector_load %arg26[%get3A_1735] {strides = array<i32>} : memref<640xf32, #tpu.memory_space<vmem>>, vector<16xf32>,
    %mul3A_1737 = arith.mulf %sub3A_1734, %get3A_1736 : vector<16xf32>
    %get3A_1738 = arith.constant 144 : index
    %get3A_1739 = tpu.vector_load %arg25[%get3A_1738] {strides = array<i32>} : memref<640xf32, #tpu.memory_space<vmem>>, vector<16xf32>,
    %sub3A_1740 = arith.subf %mul3A_1737, %get3A_1739 : vector<16xf32>
    %swap3A_1741 = arith.constant 144 : index
    %swap3A_1742 = tpu.vector_load %arg25[%swap3A_1741] {strides = array<i32>} : memref<640xf32, #tpu.memory_space<vmem>>, vector<16xf32>,
    tpu.vector_store %arg25[%swap3A_1741], %sub3A_1740 {strides = array<i32>} : memref<640xf32, #tpu.memory_space<vmem>>, vector<16xf32>,
    %get3A_1743 = arith.constant 160 : index
    %get3A_1744 = tpu.vector_load %arg24[%get3A_1743] {strides = array<i32>} : memref<640xf32, #tpu.memory_space<vmem>>, vector<16xf32>,
    %mul3A_1745 = arith.mulf %get3A_1744, %get3A_1744 : vector<16xf32>
    %sub3A_1746 = arith.constant 1.000000e+00 : f32
    %sub3A_1747 = vector.broadcast %sub3A_1746 : f32 to vector<16xf32>
    %sub3A_1748 = arith.subf %sub3A_1747, %mul3A_1745 : vector<16xf32>
    %get3A_1749 = arith.constant 160 : index
    %get3A_1750 = tpu.vector_load %arg26[%get3A_1749] {strides = array<i32>} : memref<640xf32, #tpu.memory_space<vmem>>, vector<16xf32>,
    %mul3A_1751 = arith.mulf %sub3A_1748, %get3A_1750 : vector<16xf32>
    %get3A_1752 = arith.constant 160 : index
    %get3A_1753 = tpu.vector_load %arg25[%get3A_1752] {strides = array<i32>} : memref<640xf32, #tpu.memory_space<vmem>>, vector<16xf32>,
    %sub3A_1754 = arith.subf %mul3A_1751, %get3A_1753 : vector<16xf32>
    %swap3A_1755 = arith.constant 160 : index
    %swap3A_1756 = tpu.vector_load %arg25[%swap3A_1755] {strides = array<i32>} : memref<640xf32, #tpu.memory_space<vmem>>, vector<16xf32>,
    tpu.vector_store %arg25[%swap3A_1755], %sub3A_1754 {strides = array<i32>} : memref<640xf32, #tpu.memory_space<vmem>>, vector<16xf32>,
    %get3A_1757 = arith.constant 176 : index
    %get3A_1758 = tpu.vector_load %arg24[%get3A_1757] {strides = array<i32>} : memref<640xf32, #tpu.memory_space<vmem>>, vector<16xf32>,
    %mul3A_1759 = arith.mulf %get3A_1758, %get3A_1758 : vector<16xf32>
    %sub3A_1760 = arith.constant 1.000000e+00 : f32
    %sub3A_1761 = vector.broadcast %sub3A_1760 : f32 to vector<16xf32>
    %sub3A_1762 = arith.subf %sub3A_1761, %mul3A_1759 : vector<16xf32>
    %get3A_1763 = arith.constant 176 : index
    %get3A_1764 = tpu.vector_load %arg26[%get3A_1763] {strides = array<i32>} : memref<640xf32, #tpu.memory_space<vmem>>, vector<16xf32>,
    %mul3A_1765 = arith.mulf %sub3A_1762, %get3A_1764 : vector<16xf32>
    %get3A_1766 = arith.constant 176 : index
    %get3A_1767 = tpu.vector_load %arg25[%get3A_1766] {strides = array<i32>} : memref<640xf32, #tpu.memory_space<vmem>>, vector<16xf32>,
    %sub3A_1768 = arith.subf %mul3A_1765, %get3A_1767 : vector<16xf32>
    %swap3A_1769 = arith.constant 176 : index
    %swap3A_1770 = tpu.vector_load %arg25[%swap3A_1769] {strides = array<i32>} : memref<640xf32, #tpu.memory_space<vmem>>, vector<16xf32>,
    tpu.vector_store %arg25[%swap3A_1769], %sub3A_1768 {strides = array<i32>} : memref<640xf32, #tpu.memory_space<vmem>>, vector<16xf32>,
    %get3A_1771 = arith.constant 192 : index
    %get3A_1772 = tpu.vector_load %arg24[%get3A_1771] {strides = array<i32>} : memref<640xf32, #tpu.memory_space<vmem>>, vector<16xf32>,
    %mul3A_1773 = arith.mulf %get3A_1772, %get3A_1772 : vector<16xf32>
    %sub3A_1774 = arith.constant 1.000000e+00 : f32
    %sub3A_1775 = vector.broadcast %sub3A_1774 : f32 to vector<16xf32>
    %sub3A_1776 = arith.subf %sub3A_1775, %mul3A_1773 : vector<16xf32>
    %get3A_1777 = arith.constant 192 : index
    %get3A_1778 = tpu.vector_load %arg26[%get3A_1777] {strides = array<i32>} : memref<640xf32, #tpu.memory_space<vmem>>, vector<16xf32>,
    %mul3A_1779 = arith.mulf %sub3A_1776, %get3A_1778 : vector<16xf32>
    %get3A_1780 = arith.constant 192 : index
    %get3A_1781 = tpu.vector_load %arg25[%get3A_1780] {strides = array<i32>} : memref<640xf32, #tpu.memory_space<vmem>>, vector<16xf32>,
    %sub3A_1782 = arith.subf %mul3A_1779, %get3A_1781 : vector<16xf32>
    %swap3A_1783 = arith.constant 192 : index
    %swap3A_1784 = tpu.vector_load %arg25[%swap3A_1783] {strides = array<i32>} : memref<640xf32, #tpu.memory_space<vmem>>, vector<16xf32>,
    tpu.vector_store %arg25[%swap3A_1783], %sub3A_1782 {strides = array<i32>} : memref<640xf32, #tpu.memory_space<vmem>>, vector<16xf32>,
    %get3A_1785 = arith.constant 208 : index
    %get3A_1786 = tpu.vector_load %arg24[%get3A_1785] {strides = array<i32>} : memref<640xf32, #tpu.memory_space<vmem>>, vector<16xf32>,
    %mul3A_1787 = arith.mulf %get3A_1786, %get3A_1786 : vector<16xf32>
    %sub3A_1788 = arith.constant 1.000000e+00 : f32
    %sub3A_1789 = vector.broadcast %sub3A_1788 : f32 to vector<16xf32>
    %sub3A_1790 = arith.subf %sub3A_1789, %mul3A_1787 : vector<16xf32>
    %get3A_1791 = arith.constant 208 : index
    %get3A_1792 = tpu.vector_load %arg26[%get3A_1791] {strides = array<i32>} : memref<640xf32, #tpu.memory_space<vmem>>, vector<16xf32>,
    %mul3A_1793 = arith.mulf %sub3A_1790, %get3A_1792 : vector<16xf32>
    %get3A_1794 = arith.constant 208 : index
    %get3A_1795 = tpu.vector_load %arg25[%get3A_1794] {strides = array<i32>} : memref<640xf32, #tpu.memory_space<vmem>>, vector<16xf32>,
    %sub3A_1796 = arith.subf %mul3A_1793, %get3A_1795 : vector<16xf32>
    %swap3A_1797 = arith.constant 208 : index
    %swap3A_1798 = tpu.vector_load %arg25[%swap3A_1797] {strides = array<i32>} : memref<640xf32, #tpu.memory_space<vmem>>, vector<16xf32>,
    tpu.vector_store %arg25[%swap3A_1797], %sub3A_1796 {strides = array<i32>} : memref<640xf32, #tpu.memory_space<vmem>>, vector<16xf32>,
    %get3A_1799 = arith.constant 224 : index
    %get3A_1800 = tpu.vector_load %arg24[%get3A_1799] {strides = array<i32>} : memref<640xf32, #tpu.memory_space<vmem>>, vector<16xf32>,
    %mul3A_1801 = arith.mulf %get3A_1800, %get3A_1800 : vector<16xf32>
    %sub3A_1802 = arith.constant 1.000000e+00 : f32
    %sub3A_1803 = vector.broadcast %sub3A_1802 : f32 to vector<16xf32>
    %sub3A_1804 = arith.subf %sub3A_1803, %mul3A_1801 : vector<16xf32>
    %get3A_1805 = arith.constant 224 : index
    %get3A_1806 = tpu.vector_load %arg26[%get3A_1805] {strides = array<i32>} : memref<640xf32, #tpu.memory_space<vmem>>, vector<16xf32>,
    %mul3A_1807 = arith.mulf %sub3A_1804, %get3A_1806 : vector<16xf32>
    %get3A_1808 = arith.constant 224 : index
    %get3A_1809 = tpu.vector_load %arg25[%get3A_1808] {strides = array<i32>} : memref<640xf32, #tpu.memory_space<vmem>>, vector<16xf32>,
    %sub3A_1810 = arith.subf %mul3A_1807, %get3A_1809 : vector<16xf32>
    %swap3A_1811 = arith.constant 224 : index
    %swap3A_1812 = tpu.vector_load %arg25[%swap3A_1811] {strides = array<i32>} : memref<640xf32, #tpu.memory_space<vmem>>, vector<16xf32>,
    tpu.vector_store %arg25[%swap3A_1811], %sub3A_1810 {strides = array<i32>} : memref<640xf32, #tpu.memory_space<vmem>>, vector<16xf32>,
    %get3A_1813 = arith.constant 240 : index
    %get3A_1814 = tpu.vector_load %arg24[%get3A_1813] {strides = array<i32>} : memref<640xf32, #tpu.memory_space<vmem>>, vector<16xf32>,
    %mul3A_1815 = arith.mulf %get3A_1814, %get3A_1814 : vector<16xf32>
    %sub3A_1816 = arith.constant 1.000000e+00 : f32
    %sub3A_1817 = vector.broadcast %sub3A_1816 : f32 to vector<16xf32>
    %sub3A_1818 = arith.subf %sub3A_1817, %mul3A_1815 : vector<16xf32>
    %get3A_1819 = arith.constant 240 : index
    %get3A_1820 = tpu.vector_load %arg26[%get3A_1819] {strides = array<i32>} : memref<640xf32, #tpu.memory_space<vmem>>, vector<16xf32>,
    %mul3A_1821 = arith.mulf %sub3A_1818, %get3A_1820 : vector<16xf32>
    %get3A_1822 = arith.constant 240 : index
    %get3A_1823 = tpu.vector_load %arg25[%get3A_1822] {strides = array<i32>} : memref<640xf32, #tpu.memory_space<vmem>>, vector<16xf32>,
    %sub3A_1824 = arith.subf %mul3A_1821, %get3A_1823 : vector<16xf32>
    %swap3A_1825 = arith.constant 240 : index
    %swap3A_1826 = tpu.vector_load %arg25[%swap3A_1825] {strides = array<i32>} : memref<640xf32, #tpu.memory_space<vmem>>, vector<16xf32>,
    tpu.vector_store %arg25[%swap3A_1825], %sub3A_1824 {strides = array<i32>} : memref<640xf32, #tpu.memory_space<vmem>>, vector<16xf32>,
    %get3A_1827 = arith.constant 256 : index
    %get3A_1828 = tpu.vector_load %arg24[%get3A_1827] {strides = array<i32>} : memref<640xf32, #tpu.memory_space<vmem>>, vector<16xf32>,
    %mul3A_1829 = arith.mulf %get3A_1828, %get3A_1828 : vector<16xf32>
    %sub3A_1830 = arith.constant 1.000000e+00 : f32
    %sub3A_1831 = vector.broadcast %sub3A_1830 : f32 to vector<16xf32>
    %sub3A_1832 = arith.subf %sub3A_1831, %mul3A_1829 : vector<16xf32>
    %get3A_1833 = arith.constant 256 : index
    %get3A_1834 = tpu.vector_load %arg26[%get3A_1833] {strides = array<i32>} : memref<640xf32, #tpu.memory_space<vmem>>, vector<16xf32>,
    %mul3A_1835 = arith.mulf %sub3A_1832, %get3A_1834 : vector<16xf32>
    %get3A_1836 = arith.constant 256 : index
    %get3A_1837 = tpu.vector_load %arg25[%get3A_1836] {strides = array<i32>} : memref<640xf32, #tpu.memory_space<vmem>>, vector<16xf32>,
    %sub3A_1838 = arith.subf %mul3A_1835, %get3A_1837 : vector<16xf32>
    %swap3A_1839 = arith.constant 256 : index
    %swap3A_1840 = tpu.vector_load %arg25[%swap3A_1839] {strides = array<i32>} : memref<640xf32, #tpu.memory_space<vmem>>, vector<16xf32>,
    tpu.vector_store %arg25[%swap3A_1839], %sub3A_1838 {strides = array<i32>} : memref<640xf32, #tpu.memory_space<vmem>>, vector<16xf32>,
    %get3A_1841 = arith.constant 272 : index
    %get3A_1842 = tpu.vector_load %arg24[%get3A_1841] {strides = array<i32>} : memref<640xf32, #tpu.memory_space<vmem>>, vector<16xf32>,
    %mul3A_1843 = arith.mulf %get3A_1842, %get3A_1842 : vector<16xf32>
    %sub3A_1844 = arith.constant 1.000000e+00 : f32
    %sub3A_1845 = vector.broadcast %sub3A_1844 : f32 to vector<16xf32>
    %sub3A_1846 = arith.subf %sub3A_1845, %mul3A_1843 : vector<16xf32>
    %get3A_1847 = arith.constant 272 : index
    %get3A_1848 = tpu.vector_load %arg26[%get3A_1847] {strides = array<i32>} : memref<640xf32, #tpu.memory_space<vmem>>, vector<16xf32>,
    %mul3A_1849 = arith.mulf %sub3A_1846, %get3A_1848 : vector<16xf32>
    %get3A_1850 = arith.constant 272 : index
    %get3A_1851 = tpu.vector_load %arg25[%get3A_1850] {strides = array<i32>} : memref<640xf32, #tpu.memory_space<vmem>>, vector<16xf32>,
    %sub3A_1852 = arith.subf %mul3A_1849, %get3A_1851 : vector<16xf32>
    %swap3A_1853 = arith.constant 272 : index
    %swap3A_1854 = tpu.vector_load %arg25[%swap3A_1853] {strides = array<i32>} : memref<640xf32, #tpu.memory_space<vmem>>, vector<16xf32>,
    tpu.vector_store %arg25[%swap3A_1853], %sub3A_1852 {strides = array<i32>} : memref<640xf32, #tpu.memory_space<vmem>>, vector<16xf32>,
    %get3A_1855 = arith.constant 288 : index
    %get3A_1856 = tpu.vector_load %arg24[%get3A_1855] {strides = array<i32>} : memref<640xf32, #tpu.memory_space<vmem>>, vector<16xf32>,
    %mul3A_1857 = arith.mulf %get3A_1856, %get3A_1856 : vector<16xf32>
    %sub3A_1858 = arith.constant 1.000000e+00 : f32
    %sub3A_1859 = vector.broadcast %sub3A_1858 : f32 to vector<16xf32>
    %sub3A_1860 = arith.subf %sub3A_1859, %mul3A_1857 : vector<16xf32>
    %get3A_1861 = arith.constant 288 : index
    %get3A_1862 = tpu.vector_load %arg26[%get3A_1861] {strides = array<i32>} : memref<640xf32, #tpu.memory_space<vmem>>, vector<16xf32>,
    %mul3A_1863 = arith.mulf %sub3A_1860, %get3A_1862 : vector<16xf32>
    %get3A_1864 = arith.constant 288 : index
    %get3A_1865 = tpu.vector_load %arg25[%get3A_1864] {strides = array<i32>} : memref<640xf32, #tpu.memory_space<vmem>>, vector<16xf32>,
    %sub3A_1866 = arith.subf %mul3A_1863, %get3A_1865 : vector<16xf32>
    %swap3A_1867 = arith.constant 288 : index
    %swap3A_1868 = tpu.vector_load %arg25[%swap3A_1867] {strides = array<i32>} : memref<640xf32, #tpu.memory_space<vmem>>, vector<16xf32>,
    tpu.vector_store %arg25[%swap3A_1867], %sub3A_1866 {strides = array<i32>} : memref<640xf32, #tpu.memory_space<vmem>>, vector<16xf32>,
    %get3A_1869 = arith.constant 304 : index
    %get3A_1870 = tpu.vector_load %arg24[%get3A_1869] {strides = array<i32>} : memref<640xf32, #tpu.memory_space<vmem>>, vector<16xf32>,
    %mul3A_1871 = arith.mulf %get3A_1870, %get3A_1870 : vector<16xf32>
    %sub3A_1872 = arith.constant 1.000000e+00 : f32
    %sub3A_1873 = vector.broadcast %sub3A_1872 : f32 to vector<16xf32>
    %sub3A_1874 = arith.subf %sub3A_1873, %mul3A_1871 : vector<16xf32>
    %get3A_1875 = arith.constant 304 : index
    %get3A_1876 = tpu.vector_load %arg26[%get3A_1875] {strides = array<i32>} : memref<640xf32, #tpu.memory_space<vmem>>, vector<16xf32>,
    %mul3A_1877 = arith.mulf %sub3A_1874, %get3A_1876 : vector<16xf32>
    %get3A_1878 = arith.constant 304 : index
    %get3A_1879 = tpu.vector_load %arg25[%get3A_1878] {strides = array<i32>} : memref<640xf32, #tpu.memory_space<vmem>>, vector<16xf32>,
    %sub3A_1880 = arith.subf %mul3A_1877, %get3A_1879 : vector<16xf32>
    %swap3A_1881 = arith.constant 304 : index
    %swap3A_1882 = tpu.vector_load %arg25[%swap3A_1881] {strides = array<i32>} : memref<640xf32, #tpu.memory_space<vmem>>, vector<16xf32>,
    tpu.vector_store %arg25[%swap3A_1881], %sub3A_1880 {strides = array<i32>} : memref<640xf32, #tpu.memory_space<vmem>>, vector<16xf32>,
    %get3A_1883 = arith.constant 320 : index
    %get3A_1884 = tpu.vector_load %arg24[%get3A_1883] {strides = array<i32>} : memref<640xf32, #tpu.memory_space<vmem>>, vector<16xf32>,
    %mul3A_1885 = arith.mulf %get3A_1884, %get3A_1884 : vector<16xf32>
    %sub3A_1886 = arith.constant 1.000000e+00 : f32
    %sub3A_1887 = vector.broadcast %sub3A_1886 : f32 to vector<16xf32>
    %sub3A_1888 = arith.subf %sub3A_1887, %mul3A_1885 : vector<16xf32>
    %get3A_1889 = arith.constant 320 : index
    %get3A_1890 = tpu.vector_load %arg26[%get3A_1889] {strides = array<i32>} : memref<640xf32, #tpu.memory_space<vmem>>, vector<16xf32>,
    %mul3A_1891 = arith.mulf %sub3A_1888, %get3A_1890 : vector<16xf32>
    %get3A_1892 = arith.constant 320 : index
    %get3A_1893 = tpu.vector_load %arg25[%get3A_1892] {strides = array<i32>} : memref<640xf32, #tpu.memory_space<vmem>>, vector<16xf32>,
    %sub3A_1894 = arith.subf %mul3A_1891, %get3A_1893 : vector<16xf32>
    %swap3A_1895 = arith.constant 320 : index
    %swap3A_1896 = tpu.vector_load %arg25[%swap3A_1895] {strides = array<i32>} : memref<640xf32, #tpu.memory_space<vmem>>, vector<16xf32>,
    tpu.vector_store %arg25[%swap3A_1895], %sub3A_1894 {strides = array<i32>} : memref<640xf32, #tpu.memory_space<vmem>>, vector<16xf32>,
    %get3A_1897 = arith.constant 336 : index
    %get3A_1898 = tpu.vector_load %arg24[%get3A_1897] {strides = array<i32>} : memref<640xf32, #tpu.memory_space<vmem>>, vector<16xf32>,
    %mul3A_1899 = arith.mulf %get3A_1898, %get3A_1898 : vector<16xf32>
    %sub3A_1900 = arith.constant 1.000000e+00 : f32
    %sub3A_1901 = vector.broadcast %sub3A_1900 : f32 to vector<16xf32>
    %sub3A_1902 = arith.subf %sub3A_1901, %mul3A_1899 : vector<16xf32>
    %get3A_1903 = arith.constant 336 : index
    %get3A_1904 = tpu.vector_load %arg26[%get3A_1903] {strides = array<i32>} : memref<640xf32, #tpu.memory_space<vmem>>, vector<16xf32>,
    %mul3A_1905 = arith.mulf %sub3A_1902, %get3A_1904 : vector<16xf32>
    %get3A_1906 = arith.constant 336 : index
    %get3A_1907 = tpu.vector_load %arg25[%get3A_1906] {strides = array<i32>} : memref<640xf32, #tpu.memory_space<vmem>>, vector<16xf32>,
    %sub3A_1908 = arith.subf %mul3A_1905, %get3A_1907 : vector<16xf32>
    %swap3A_1909 = arith.constant 336 : index
    %swap3A_1910 = tpu.vector_load %arg25[%swap3A_1909] {strides = array<i32>} : memref<640xf32, #tpu.memory_space<vmem>>, vector<16xf32>,
    tpu.vector_store %arg25[%swap3A_1909], %sub3A_1908 {strides = array<i32>} : memref<640xf32, #tpu.memory_space<vmem>>, vector<16xf32>,
    %get3A_1911 = arith.constant 352 : index
    %get3A_1912 = tpu.vector_load %arg24[%get3A_1911] {strides = array<i32>} : memref<640xf32, #tpu.memory_space<vmem>>, vector<16xf32>,
    %mul3A_1913 = arith.mulf %get3A_1912, %get3A_1912 : vector<16xf32>
    %sub3A_1914 = arith.constant 1.000000e+00 : f32
    %sub3A_1915 = vector.broadcast %sub3A_1914 : f32 to vector<16xf32>
    %sub3A_1916 = arith.subf %sub3A_1915, %mul3A_1913 : vector<16xf32>
    %get3A_1917 = arith.constant 352 : index
    %get3A_1918 = tpu.vector_load %arg26[%get3A_1917] {strides = array<i32>} : memref<640xf32, #tpu.memory_space<vmem>>, vector<16xf32>,
    %mul3A_1919 = arith.mulf %sub3A_1916, %get3A_1918 : vector<16xf32>
    %get3A_1920 = arith.constant 352 : index
    %get3A_1921 = tpu.vector_load %arg25[%get3A_1920] {strides = array<i32>} : memref<640xf32, #tpu.memory_space<vmem>>, vector<16xf32>,
    %sub3A_1922 = arith.subf %mul3A_1919, %get3A_1921 : vector<16xf32>
    %swap3A_1923 = arith.constant 352 : index
    %swap3A_1924 = tpu.vector_load %arg25[%swap3A_1923] {strides = array<i32>} : memref<640xf32, #tpu.memory_space<vmem>>, vector<16xf32>,
    tpu.vector_store %arg25[%swap3A_1923], %sub3A_1922 {strides = array<i32>} : memref<640xf32, #tpu.memory_space<vmem>>, vector<16xf32>,
    %get3A_1925 = arith.constant 368 : index
    %get3A_1926 = tpu.vector_load %arg24[%get3A_1925] {strides = array<i32>} : memref<640xf32, #tpu.memory_space<vmem>>, vector<16xf32>,
    %mul3A_1927 = arith.mulf %get3A_1926, %get3A_1926 : vector<16xf32>
    %sub3A_1928 = arith.constant 1.000000e+00 : f32
    %sub3A_1929 = vector.broadcast %sub3A_1928 : f32 to vector<16xf32>
    %sub3A_1930 = arith.subf %sub3A_1929, %mul3A_1927 : vector<16xf32>
    %get3A_1931 = arith.constant 368 : index
    %get3A_1932 = tpu.vector_load %arg26[%get3A_1931] {strides = array<i32>} : memref<640xf32, #tpu.memory_space<vmem>>, vector<16xf32>,
    %mul3A_1933 = arith.mulf %sub3A_1930, %get3A_1932 : vector<16xf32>
    %get3A_1934 = arith.constant 368 : index
    %get3A_1935 = tpu.vector_load %arg25[%get3A_1934] {strides = array<i32>} : memref<640xf32, #tpu.memory_space<vmem>>, vector<16xf32>,
    %sub3A_1936 = arith.subf %mul3A_1933, %get3A_1935 : vector<16xf32>
    %swap3A_1937 = arith.constant 368 : index
    %swap3A_1938 = tpu.vector_load %arg25[%swap3A_1937] {strides = array<i32>} : memref<640xf32, #tpu.memory_space<vmem>>, vector<16xf32>,
    tpu.vector_store %arg25[%swap3A_1937], %sub3A_1936 {strides = array<i32>} : memref<640xf32, #tpu.memory_space<vmem>>, vector<16xf32>,
    %get3A_1939 = arith.constant 384 : index
    %get3A_1940 = tpu.vector_load %arg24[%get3A_1939] {strides = array<i32>} : memref<640xf32, #tpu.memory_space<vmem>>, vector<16xf32>,
    %mul3A_1941 = arith.mulf %get3A_1940, %get3A_1940 : vector<16xf32>
    %sub3A_1942 = arith.constant 1.000000e+00 : f32
    %sub3A_1943 = vector.broadcast %sub3A_1942 : f32 to vector<16xf32>
    %sub3A_1944 = arith.subf %sub3A_1943, %mul3A_1941 : vector<16xf32>
    %get3A_1945 = arith.constant 384 : index
    %get3A_1946 = tpu.vector_load %arg26[%get3A_1945] {strides = array<i32>} : memref<640xf32, #tpu.memory_space<vmem>>, vector<16xf32>,
    %mul3A_1947 = arith.mulf %sub3A_1944, %get3A_1946 : vector<16xf32>
    %get3A_1948 = arith.constant 384 : index
    %get3A_1949 = tpu.vector_load %arg25[%get3A_1948] {strides = array<i32>} : memref<640xf32, #tpu.memory_space<vmem>>, vector<16xf32>,
    %sub3A_1950 = arith.subf %mul3A_1947, %get3A_1949 : vector<16xf32>
    %swap3A_1951 = arith.constant 384 : index
    %swap3A_1952 = tpu.vector_load %arg25[%swap3A_1951] {strides = array<i32>} : memref<640xf32, #tpu.memory_space<vmem>>, vector<16xf32>,
    tpu.vector_store %arg25[%swap3A_1951], %sub3A_1950 {strides = array<i32>} : memref<640xf32, #tpu.memory_space<vmem>>, vector<16xf32>,
    %get3A_1953 = arith.constant 400 : index
    %get3A_1954 = tpu.vector_load %arg24[%get3A_1953] {strides = array<i32>} : memref<640xf32, #tpu.memory_space<vmem>>, vector<16xf32>,
    %mul3A_1955 = arith.mulf %get3A_1954, %get3A_1954 : vector<16xf32>
    %sub3A_1956 = arith.constant 1.000000e+00 : f32
    %sub3A_1957 = vector.broadcast %sub3A_1956 : f32 to vector<16xf32>
    %sub3A_1958 = arith.subf %sub3A_1957, %mul3A_1955 : vector<16xf32>
    %get3A_1959 = arith.constant 400 : index
    %get3A_1960 = tpu.vector_load %arg26[%get3A_1959] {strides = array<i32>} : memref<640xf32, #tpu.memory_space<vmem>>, vector<16xf32>,
    %mul3A_1961 = arith.mulf %sub3A_1958, %get3A_1960 : vector<16xf32>
    %get3A_1962 = arith.constant 400 : index
    %get3A_1963 = tpu.vector_load %arg25[%get3A_1962] {strides = array<i32>} : memref<640xf32, #tpu.memory_space<vmem>>, vector<16xf32>,
    %sub3A_1964 = arith.subf %mul3A_1961, %get3A_1963 : vector<16xf32>
    %swap3A_1965 = arith.constant 400 : index
    %swap3A_1966 = tpu.vector_load %arg25[%swap3A_1965] {strides = array<i32>} : memref<640xf32, #tpu.memory_space<vmem>>, vector<16xf32>,
    tpu.vector_store %arg25[%swap3A_1965], %sub3A_1964 {strides = array<i32>} : memref<640xf32, #tpu.memory_space<vmem>>, vector<16xf32>,
    %get3A_1967 = arith.constant 416 : index
    %get3A_1968 = tpu.vector_load %arg24[%get3A_1967] {strides = array<i32>} : memref<640xf32, #tpu.memory_space<vmem>>, vector<16xf32>,
    %mul3A_1969 = arith.mulf %get3A_1968, %get3A_1968 : vector<16xf32>
    %sub3A_1970 = arith.constant 1.000000e+00 : f32
    %sub3A_1971 = vector.broadcast %sub3A_1970 : f32 to vector<16xf32>
    %sub3A_1972 = arith.subf %sub3A_1971, %mul3A_1969 : vector<16xf32>
    %get3A_1973 = arith.constant 416 : index
    %get3A_1974 = tpu.vector_load %arg26[%get3A_1973] {strides = array<i32>} : memref<640xf32, #tpu.memory_space<vmem>>, vector<16xf32>,
    %mul3A_1975 = arith.mulf %sub3A_1972, %get3A_1974 : vector<16xf32>
    %get3A_1976 = arith.constant 416 : index
    %get3A_1977 = tpu.vector_load %arg25[%get3A_1976] {strides = array<i32>} : memref<640xf32, #tpu.memory_space<vmem>>, vector<16xf32>,
    %sub3A_1978 = arith.subf %mul3A_1975, %get3A_1977 : vector<16xf32>
    %swap3A_1979 = arith.constant 416 : index
    %swap3A_1980 = tpu.vector_load %arg25[%swap3A_1979] {strides = array<i32>} : memref<640xf32, #tpu.memory_space<vmem>>, vector<16xf32>,
    tpu.vector_store %arg25[%swap3A_1979], %sub3A_1978 {strides = array<i32>} : memref<640xf32, #tpu.memory_space<vmem>>, vector<16xf32>,
    %get3A_1981 = arith.constant 432 : index
    %get3A_1982 = tpu.vector_load %arg24[%get3A_1981] {strides = array<i32>} : memref<640xf32, #tpu.memory_space<vmem>>, vector<16xf32>,
    %mul3A_1983 = arith.mulf %get3A_1982, %get3A_1982 : vector<16xf32>
    %sub3A_1984 = arith.constant 1.000000e+00 : f32
    %sub3A_1985 = vector.broadcast %sub3A_1984 : f32 to vector<16xf32>
    %sub3A_1986 = arith.subf %sub3A_1985, %mul3A_1983 : vector<16xf32>
    %get3A_1987 = arith.constant 432 : index
    %get3A_1988 = tpu.vector_load %arg26[%get3A_1987] {strides = array<i32>} : memref<640xf32, #tpu.memory_space<vmem>>, vector<16xf32>,
    %mul3A_1989 = arith.mulf %sub3A_1986, %get3A_1988 : vector<16xf32>
    %get3A_1990 = arith.constant 432 : index
    %get3A_1991 = tpu.vector_load %arg25[%get3A_1990] {strides = array<i32>} : memref<640xf32, #tpu.memory_space<vmem>>, vector<16xf32>,
    %sub3A_1992 = arith.subf %mul3A_1989, %get3A_1991 : vector<16xf32>
    %swap3A_1993 = arith.constant 432 : index
    %swap3A_1994 = tpu.vector_load %arg25[%swap3A_1993] {strides = array<i32>} : memref<640xf32, #tpu.memory_space<vmem>>, vector<16xf32>,
    tpu.vector_store %arg25[%swap3A_1993], %sub3A_1992 {strides = array<i32>} : memref<640xf32, #tpu.memory_space<vmem>>, vector<16xf32>,
    %get3A_1995 = arith.constant 448 : index
    %get3A_1996 = tpu.vector_load %arg24[%get3A_1995] {strides = array<i32>} : memref<640xf32, #tpu.memory_space<vmem>>, vector<16xf32>,
    %mul3A_1997 = arith.mulf %get3A_1996, %get3A_1996 : vector<16xf32>
    %sub3A_1998 = arith.constant 1.000000e+00 : f32
    %sub3A_1999 = vector.broadcast %sub3A_1998 : f32 to vector<16xf32>
    %sub3A_2000 = arith.subf %sub3A_1999, %mul3A_1997 : vector<16xf32>
    %get3A_2001 = arith.constant 448 : index
    %get3A_2002 = tpu.vector_load %arg26[%get3A_2001] {strides = array<i32>} : memref<640xf32, #tpu.memory_space<vmem>>, vector<16xf32>,
    %mul3A_2003 = arith.mulf %sub3A_2000, %get3A_2002 : vector<16xf32>
    %get3A_2004 = arith.constant 448 : index
    %get3A_2005 = tpu.vector_load %arg25[%get3A_2004] {strides = array<i32>} : memref<640xf32, #tpu.memory_space<vmem>>, vector<16xf32>,
    %sub3A_2006 = arith.subf %mul3A_2003, %get3A_2005 : vector<16xf32>
    %swap3A_2007 = arith.constant 448 : index
    %swap3A_2008 = tpu.vector_load %arg25[%swap3A_2007] {strides = array<i32>} : memref<640xf32, #tpu.memory_space<vmem>>, vector<16xf32>,
    tpu.vector_store %arg25[%swap3A_2007], %sub3A_2006 {strides = array<i32>} : memref<640xf32, #tpu.memory_space<vmem>>, vector<16xf32>,
    %get3A_2009 = arith.constant 464 : index
    %get3A_2010 = tpu.vector_load %arg24[%get3A_2009] {strides = array<i32>} : memref<640xf32, #tpu.memory_space<vmem>>, vector<16xf32>,
    %mul3A_2011 = arith.mulf %get3A_2010, %get3A_2010 : vector<16xf32>
    %sub3A_2012 = arith.constant 1.000000e+00 : f32
    %sub3A_2013 = vector.broadcast %sub3A_2012 : f32 to vector<16xf32>
    %sub3A_2014 = arith.subf %sub3A_2013, %mul3A_2011 : vector<16xf32>
    %get3A_2015 = arith.constant 464 : index
    %get3A_2016 = tpu.vector_load %arg26[%get3A_2015] {strides = array<i32>} : memref<640xf32, #tpu.memory_space<vmem>>, vector<16xf32>,
    %mul3A_2017 = arith.mulf %sub3A_2014, %get3A_2016 : vector<16xf32>
    %get3A_2018 = arith.constant 464 : index
    %get3A_2019 = tpu.vector_load %arg25[%get3A_2018] {strides = array<i32>} : memref<640xf32, #tpu.memory_space<vmem>>, vector<16xf32>,
    %sub3A_2020 = arith.subf %mul3A_2017, %get3A_2019 : vector<16xf32>
    %swap3A_2021 = arith.constant 464 : index
    %swap3A_2022 = tpu.vector_load %arg25[%swap3A_2021] {strides = array<i32>} : memref<640xf32, #tpu.memory_space<vmem>>, vector<16xf32>,
    tpu.vector_store %arg25[%swap3A_2021], %sub3A_2020 {strides = array<i32>} : memref<640xf32, #tpu.memory_space<vmem>>, vector<16xf32>,
    %get3A_2023 = arith.constant 480 : index
    %get3A_2024 = tpu.vector_load %arg24[%get3A_2023] {strides = array<i32>} : memref<640xf32, #tpu.memory_space<vmem>>, vector<16xf32>,
    %mul3A_2025 = arith.mulf %get3A_2024, %get3A_2024 : vector<16xf32>
    %sub3A_2026 = arith.constant 1.000000e+00 : f32
    %sub3A_2027 = vector.broadcast %sub3A_2026 : f32 to vector<16xf32>
    %sub3A_2028 = arith.subf %sub3A_2027, %mul3A_2025 : vector<16xf32>
    %get3A_2029 = arith.constant 480 : index
    %get3A_2030 = tpu.vector_load %arg26[%get3A_2029] {strides = array<i32>} : memref<640xf32, #tpu.memory_space<vmem>>, vector<16xf32>,
    %mul3A_2031 = arith.mulf %sub3A_2028, %get3A_2030 : vector<16xf32>
    %get3A_2032 = arith.constant 480 : index
    %get3A_2033 = tpu.vector_load %arg25[%get3A_2032] {strides = array<i32>} : memref<640xf32, #tpu.memory_space<vmem>>, vector<16xf32>,
    %sub3A_2034 = arith.subf %mul3A_2031, %get3A_2033 : vector<16xf32>
    %swap3A_2035 = arith.constant 480 : index
    %swap3A_2036 = tpu.vector_load %arg25[%swap3A_2035] {strides = array<i32>} : memref<640xf32, #tpu.memory_space<vmem>>, vector<16xf32>,
    tpu.vector_store %arg25[%swap3A_2035], %sub3A_2034 {strides = array<i32>} : memref<640xf32, #tpu.memory_space<vmem>>, vector<16xf32>,
    %get3A_2037 = arith.constant 496 : index
    %get3A_2038 = tpu.vector_load %arg24[%get3A_2037] {strides = array<i32>} : memref<640xf32, #tpu.memory_space<vmem>>, vector<16xf32>,
    %mul3A_2039 = arith.mulf %get3A_2038, %get3A_2038 : vector<16xf32>
    %sub3A_2040 = arith.constant 1.000000e+00 : f32
    %sub3A_2041 = vector.broadcast %sub3A_2040 : f32 to vector<16xf32>
    %sub3A_2042 = arith.subf %sub3A_2041, %mul3A_2039 : vector<16xf32>
    %get3A_2043 = arith.constant 496 : index
    %get3A_2044 = tpu.vector_load %arg26[%get3A_2043] {strides = array<i32>} : memref<640xf32, #tpu.memory_space<vmem>>, vector<16xf32>,
    %mul3A_2045 = arith.mulf %sub3A_2042, %get3A_2044 : vector<16xf32>
    %get3A_2046 = arith.constant 496 : index
    %get3A_2047 = tpu.vector_load %arg25[%get3A_2046] {strides = array<i32>} : memref<640xf32, #tpu.memory_space<vmem>>, vector<16xf32>,
    %sub3A_2048 = arith.subf %mul3A_2045, %get3A_2047 : vector<16xf32>
    %swap3A_2049 = arith.constant 496 : index
    %swap3A_2050 = tpu.vector_load %arg25[%swap3A_2049] {strides = array<i32>} : memref<640xf32, #tpu.memory_space<vmem>>, vector<16xf32>,
    tpu.vector_store %arg25[%swap3A_2049], %sub3A_2048 {strides = array<i32>} : memref<640xf32, #tpu.memory_space<vmem>>, vector<16xf32>,
    %get3A_2051 = arith.constant 512 : index
    %get3A_2052 = tpu.vector_load %arg24[%get3A_2051] {strides = array<i32>} : memref<640xf32, #tpu.memory_space<vmem>>, vector<16xf32>,
    %mul3A_2053 = arith.mulf %get3A_2052, %get3A_2052 : vector<16xf32>
    %sub3A_2054 = arith.constant 1.000000e+00 : f32
    %sub3A_2055 = vector.broadcast %sub3A_2054 : f32 to vector<16xf32>
    %sub3A_2056 = arith.subf %sub3A_2055, %mul3A_2053 : vector<16xf32>
    %get3A_2057 = arith.constant 512 : index
    %get3A_2058 = tpu.vector_load %arg26[%get3A_2057] {strides = array<i32>} : memref<640xf32, #tpu.memory_space<vmem>>, vector<16xf32>,
    %mul3A_2059 = arith.mulf %sub3A_2056, %get3A_2058 : vector<16xf32>
    %get3A_2060 = arith.constant 512 : index
    %get3A_2061 = tpu.vector_load %arg25[%get3A_2060] {strides = array<i32>} : memref<640xf32, #tpu.memory_space<vmem>>, vector<16xf32>,
    %sub3A_2062 = arith.subf %mul3A_2059, %get3A_2061 : vector<16xf32>
    %swap3A_2063 = arith.constant 512 : index
    %swap3A_2064 = tpu.vector_load %arg25[%swap3A_2063] {strides = array<i32>} : memref<640xf32, #tpu.memory_space<vmem>>, vector<16xf32>,
    tpu.vector_store %arg25[%swap3A_2063], %sub3A_2062 {strides = array<i32>} : memref<640xf32, #tpu.memory_space<vmem>>, vector<16xf32>,
    %get3A_2065 = arith.constant 528 : index
    %get3A_2066 = tpu.vector_load %arg24[%get3A_2065] {strides = array<i32>} : memref<640xf32, #tpu.memory_space<vmem>>, vector<16xf32>,
    %mul3A_2067 = arith.mulf %get3A_2066, %get3A_2066 : vector<16xf32>
    %sub3A_2068 = arith.constant 1.000000e+00 : f32
    %sub3A_2069 = vector.broadcast %sub3A_2068 : f32 to vector<16xf32>
    %sub3A_2070 = arith.subf %sub3A_2069, %mul3A_2067 : vector<16xf32>
    %get3A_2071 = arith.constant 528 : index
    %get3A_2072 = tpu.vector_load %arg26[%get3A_2071] {strides = array<i32>} : memref<640xf32, #tpu.memory_space<vmem>>, vector<16xf32>,
    %mul3A_2073 = arith.mulf %sub3A_2070, %get3A_2072 : vector<16xf32>
    %get3A_2074 = arith.constant 528 : index
    %get3A_2075 = tpu.vector_load %arg25[%get3A_2074] {strides = array<i32>} : memref<640xf32, #tpu.memory_space<vmem>>, vector<16xf32>,
    %sub3A_2076 = arith.subf %mul3A_2073, %get3A_2075 : vector<16xf32>
    %swap3A_2077 = arith.constant 528 : index
    %swap3A_2078 = tpu.vector_load %arg25[%swap3A_2077] {strides = array<i32>} : memref<640xf32, #tpu.memory_space<vmem>>, vector<16xf32>,
    tpu.vector_store %arg25[%swap3A_2077], %sub3A_2076 {strides = array<i32>} : memref<640xf32, #tpu.memory_space<vmem>>, vector<16xf32>,
    %get3A_2079 = arith.constant 544 : index
    %get3A_2080 = tpu.vector_load %arg24[%get3A_2079] {strides = array<i32>} : memref<640xf32, #tpu.memory_space<vmem>>, vector<16xf32>,
    %mul3A_2081 = arith.mulf %get3A_2080, %get3A_2080 : vector<16xf32>
    %sub3A_2082 = arith.constant 1.000000e+00 : f32
    %sub3A_2083 = vector.broadcast %sub3A_2082 : f32 to vector<16xf32>
    %sub3A_2084 = arith.subf %sub3A_2083, %mul3A_2081 : vector<16xf32>
    %get3A_2085 = arith.constant 544 : index
    %get3A_2086 = tpu.vector_load %arg26[%get3A_2085] {strides = array<i32>} : memref<640xf32, #tpu.memory_space<vmem>>, vector<16xf32>,
    %mul3A_2087 = arith.mulf %sub3A_2084, %get3A_2086 : vector<16xf32>
    %get3A_2088 = arith.constant 544 : index
    %get3A_2089 = tpu.vector_load %arg25[%get3A_2088] {strides = array<i32>} : memref<640xf32, #tpu.memory_space<vmem>>, vector<16xf32>,
    %sub3A_2090 = arith.subf %mul3A_2087, %get3A_2089 : vector<16xf32>
    %swap3A_2091 = arith.constant 544 : index
    %swap3A_2092 = tpu.vector_load %arg25[%swap3A_2091] {strides = array<i32>} : memref<640xf32, #tpu.memory_space<vmem>>, vector<16xf32>,
    tpu.vector_store %arg25[%swap3A_2091], %sub3A_2090 {strides = array<i32>} : memref<640xf32, #tpu.memory_space<vmem>>, vector<16xf32>,
    %get3A_2093 = arith.constant 560 : index
    %get3A_2094 = tpu.vector_load %arg24[%get3A_2093] {strides = array<i32>} : memref<640xf32, #tpu.memory_space<vmem>>, vector<16xf32>,
    %mul3A_2095 = arith.mulf %get3A_2094, %get3A_2094 : vector<16xf32>
    %sub3A_2096 = arith.constant 1.000000e+00 : f32
    %sub3A_2097 = vector.broadcast %sub3A_2096 : f32 to vector<16xf32>
    %sub3A_2098 = arith.subf %sub3A_2097, %mul3A_2095 : vector<16xf32>
    %get3A_2099 = arith.constant 560 : index
    %get3A_2100 = tpu.vector_load %arg26[%get3A_2099] {strides = array<i32>} : memref<640xf32, #tpu.memory_space<vmem>>, vector<16xf32>,
    %mul3A_2101 = arith.mulf %sub3A_2098, %get3A_2100 : vector<16xf32>
    %get3A_2102 = arith.constant 560 : index
    %get3A_2103 = tpu.vector_load %arg25[%get3A_2102] {strides = array<i32>} : memref<640xf32, #tpu.memory_space<vmem>>, vector<16xf32>,
    %sub3A_2104 = arith.subf %mul3A_2101, %get3A_2103 : vector<16xf32>
    %swap3A_2105 = arith.constant 560 : index
    %swap3A_2106 = tpu.vector_load %arg25[%swap3A_2105] {strides = array<i32>} : memref<640xf32, #tpu.memory_space<vmem>>, vector<16xf32>,
    tpu.vector_store %arg25[%swap3A_2105], %sub3A_2104 {strides = array<i32>} : memref<640xf32, #tpu.memory_space<vmem>>, vector<16xf32>,
    %get3A_2107 = arith.constant 576 : index
    %get3A_2108 = tpu.vector_load %arg24[%get3A_2107] {strides = array<i32>} : memref<640xf32, #tpu.memory_space<vmem>>, vector<16xf32>,
    %mul3A_2109 = arith.mulf %get3A_2108, %get3A_2108 : vector<16xf32>
    %sub3A_2110 = arith.constant 1.000000e+00 : f32
    %sub3A_2111 = vector.broadcast %sub3A_2110 : f32 to vector<16xf32>
    %sub3A_2112 = arith.subf %sub3A_2111, %mul3A_2109 : vector<16xf32>
    %get3A_2113 = arith.constant 576 : index
    %get3A_2114 = tpu.vector_load %arg26[%get3A_2113] {strides = array<i32>} : memref<640xf32, #tpu.memory_space<vmem>>, vector<16xf32>,
    %mul3A_2115 = arith.mulf %sub3A_2112, %get3A_2114 : vector<16xf32>
    %get3A_2116 = arith.constant 576 : index
    %get3A_2117 = tpu.vector_load %arg25[%get3A_2116] {strides = array<i32>} : memref<640xf32, #tpu.memory_space<vmem>>, vector<16xf32>,
    %sub3A_2118 = arith.subf %mul3A_2115, %get3A_2117 : vector<16xf32>
    %swap3A_2119 = arith.constant 576 : index
    %swap3A_2120 = tpu.vector_load %arg25[%swap3A_2119] {strides = array<i32>} : memref<640xf32, #tpu.memory_space<vmem>>, vector<16xf32>,
    tpu.vector_store %arg25[%swap3A_2119], %sub3A_2118 {strides = array<i32>} : memref<640xf32, #tpu.memory_space<vmem>>, vector<16xf32>,
    %get3A_2121 = arith.constant 592 : index
    %get3A_2122 = tpu.vector_load %arg24[%get3A_2121] {strides = array<i32>} : memref<640xf32, #tpu.memory_space<vmem>>, vector<16xf32>,
    %mul3A_2123 = arith.mulf %get3A_2122, %get3A_2122 : vector<16xf32>
    %sub3A_2124 = arith.constant 1.000000e+00 : f32
    %sub3A_2125 = vector.broadcast %sub3A_2124 : f32 to vector<16xf32>
    %sub3A_2126 = arith.subf %sub3A_2125, %mul3A_2123 : vector<16xf32>
    %get3A_2127 = arith.constant 592 : index
    %get3A_2128 = tpu.vector_load %arg26[%get3A_2127] {strides = array<i32>} : memref<640xf32, #tpu.memory_space<vmem>>, vector<16xf32>,
    %mul3A_2129 = arith.mulf %sub3A_2126, %get3A_2128 : vector<16xf32>
    %get3A_2130 = arith.constant 592 : index
    %get3A_2131 = tpu.vector_load %arg25[%get3A_2130] {strides = array<i32>} : memref<640xf32, #tpu.memory_space<vmem>>, vector<16xf32>,
    %sub3A_2132 = arith.subf %mul3A_2129, %get3A_2131 : vector<16xf32>
    %swap3A_2133 = arith.constant 592 : index
    %swap3A_2134 = tpu.vector_load %arg25[%swap3A_2133] {strides = array<i32>} : memref<640xf32, #tpu.memory_space<vmem>>, vector<16xf32>,
    tpu.vector_store %arg25[%swap3A_2133], %sub3A_2132 {strides = array<i32>} : memref<640xf32, #tpu.memory_space<vmem>>, vector<16xf32>,
    %get3A_2135 = arith.constant 608 : index
    %get3A_2136 = tpu.vector_load %arg24[%get3A_2135] {strides = array<i32>} : memref<640xf32, #tpu.memory_space<vmem>>, vector<16xf32>,
    %mul3A_2137 = arith.mulf %get3A_2136, %get3A_2136 : vector<16xf32>
    %sub3A_2138 = arith.constant 1.000000e+00 : f32
    %sub3A_2139 = vector.broadcast %sub3A_2138 : f32 to vector<16xf32>
    %sub3A_2140 = arith.subf %sub3A_2139, %mul3A_2137 : vector<16xf32>
    %get3A_2141 = arith.constant 608 : index
    %get3A_2142 = tpu.vector_load %arg26[%get3A_2141] {strides = array<i32>} : memref<640xf32, #tpu.memory_space<vmem>>, vector<16xf32>,
    %mul3A_2143 = arith.mulf %sub3A_2140, %get3A_2142 : vector<16xf32>
    %get3A_2144 = arith.constant 608 : index
    %get3A_2145 = tpu.vector_load %arg25[%get3A_2144] {strides = array<i32>} : memref<640xf32, #tpu.memory_space<vmem>>, vector<16xf32>,
    %sub3A_2146 = arith.subf %mul3A_2143, %get3A_2145 : vector<16xf32>
    %swap3A_2147 = arith.constant 608 : index
    %swap3A_2148 = tpu.vector_load %arg25[%swap3A_2147] {strides = array<i32>} : memref<640xf32, #tpu.memory_space<vmem>>, vector<16xf32>,
    tpu.vector_store %arg25[%swap3A_2147], %sub3A_2146 {strides = array<i32>} : memref<640xf32, #tpu.memory_space<vmem>>, vector<16xf32>,
    %get3A_2149 = arith.constant 624 : index
    %get3A_2150 = tpu.vector_load %arg24[%get3A_2149] {strides = array<i32>} : memref<640xf32, #tpu.memory_space<vmem>>, vector<16xf32>,
    %mul3A_2151 = arith.mulf %get3A_2150, %get3A_2150 : vector<16xf32>
    %sub3A_2152 = arith.constant 1.000000e+00 : f32
    %sub3A_2153 = vector.broadcast %sub3A_2152 : f32 to vector<16xf32>
    %sub3A_2154 = arith.subf %sub3A_2153, %mul3A_2151 : vector<16xf32>
    %get3A_2155 = arith.constant 624 : index
    %get3A_2156 = tpu.vector_load %arg26[%get3A_2155] {strides = array<i32>} : memref<640xf32, #tpu.memory_space<vmem>>, vector<16xf32>,
    %mul3A_2157 = arith.mulf %sub3A_2154, %get3A_2156 : vector<16xf32>
    %get3A_2158 = arith.constant 624 : index
    %get3A_2159 = tpu.vector_load %arg25[%get3A_2158] {strides = array<i32>} : memref<640xf32, #tpu.memory_space<vmem>>, vector<16xf32>,
    %sub3A_2160 = arith.subf %mul3A_2157, %get3A_2159 : vector<16xf32>
    %swap3A_2161 = arith.constant 624 : index
    %swap3A_2162 = tpu.vector_load %arg25[%swap3A_2161] {strides = array<i32>} : memref<640xf32, #tpu.memory_space<vmem>>, vector<16xf32>,
    tpu.vector_store %arg25[%swap3A_2161], %sub3A_2160 {strides = array<i32>} : memref<640xf32, #tpu.memory_space<vmem>>, vector<16xf32>,
    "tpu.region"() ({
      %run_scoped3A = tpu.sem_alloc : memref<!tpu.dma_semaphore, #tpu.memory_space<semaphore_mem>>
      %dma_start3A_2163 = tpu.memref_slice %arg8[%mul3A_0] : memref<10240xf32, #tpu.memory_space<hbm>> -> memref<640xf32, #tpu.memory_space<hbm>>
      %dma_start3A_2164 = tpu.memref_slice %arg8[%mul3A_0] : memref<10240xf32, #tpu.memory_space<hbm>> -> memref<640xf32, #tpu.memory_space<hbm>>
      tpu.enqueue_dma source(%arg25 : memref<640xf32, #tpu.memory_space<vmem>>) target(%dma_start3A_2164 : memref<640xf32, #tpu.memory_space<hbm>>) target_semaphore(%run_scoped3A : memref<!tpu.dma_semaphore, #tpu.memory_space<semaphore_mem>>)
      %dma_wait3A_2165 = tpu.memref_slice %arg8[%mul3A_0] : memref<10240xf32, #tpu.memory_space<hbm>> -> memref<640xf32, #tpu.memory_space<hbm>>
      %dma_wait3A_2166 = tpu.memref_slice %arg8[%mul3A_0] : memref<10240xf32, #tpu.memory_space<hbm>> -> memref<640xf32, #tpu.memory_space<hbm>>
      tpu.wait_dma2 semaphore(%run_scoped3A : memref<!tpu.dma_semaphore, #tpu.memory_space<semaphore_mem>>) src(%arg25 : memref<640xf32, #tpu.memory_space<vmem>>) dst(%dma_wait3A_2166 : memref<640xf32, #tpu.memory_space<hbm>>)
      tpu.yield
    }) : () -> ()
    return
  }
}

</mosaic_0001>

<sc_bundles>
// kernel: kernel.3.cloned.1.call-start
scs
__scs_entry_jumppad:
0x0: {  	(pc) =	sbr.rel $0x88, $3  }
0x1: {  	(tag) =	ssettag $0x0;
	lr =	simm.s32 $0x1  }
0x2: {  	[smem:$0x3F9E] =	sst lr;
	_ =	strace $0xD0000000  }
0x3: {  	_ = 	snop  }
0x4: {  	_ = 	snop  }
0x5: {  	_ = 	snop  }
0x6: {  	_ = 	snop  }
0x7: {  	_ = 	snop  }
__scs_overlays_trampoline_lowered:
0x8: {  	[smem:$0x3FAD] =	sst s0  }
0x9: {  	[smem:$0x3FAE] =	sst s1  }
0xa: {  	[smem:$0x3FAF] =	sst s2  }
0xb: {  	[smem:$0x3FB0] =	sst s3  }
0xc: {  	[smem:$0x3FB1] =	sst s4  }
0xd: {  	[smem:$0x3FB2] =	sst s5  }
0xe: {  	[smem:$0x3FB3] =	sst s6  }
0xf: {  	[smem:$0x3FB4] =	sst s7  }
0x10: {  	[smem:$0x3FB5] =	sst s8  }
0x11: {  	[smem:$0x3FB6] =	sst s9;
	s0 =	simm.s32 @!p0 $0x0  }
0x12: {  	s1 =	sld [smem:$0x3F9C];
	s0 =	simm.s32 @p0 $0x1  }
0x13: {  	[smem:$0x3FB7] =	sst s0;
	s0 =	simm.s32 @!p1 $0x0  }
0x14: {  	s2 =	sld [smem:$0x3F9B];
	s0 =	simm.s32 @p1 $0x1  }
0x15: {  	[smem:$0x3FB8] =	sst s0;
	s0 =	simm.s32 @!p2 $0x0  }
0x16: {  	s3 =	sld [smem:$0x3FDB];
	s0 =	simm.s32 @p2 $0x1  }
0x17: {  	s4 =	simm.s32 $0x1BF5;
	[smem:$0x3FBA] =	sst s0  }
0x18: {  	s0 =	sld [smem:$0x3F9D];
	_ =	swait.ge [sflag:s4], $0x0  }
0x19: {  	s7 =	sld [smem:$0x3F9E]  }
0x1a: {  	s8 =	sadd.s32 $0xFFFFE003, lr  }
0x1b: {  	s9 =	sadd.s32 $0xFFFFFEF7, lr;
	s5 =	simm.s32 $0xFFFFFFFF;
	p2 =	slt.u32 s8, $0xFFFFF086  }
0x1c: {  	p1 =	slt.u32 s9, $0xF7A;
	s5 =	simm.s32 @!p2 $0x0  }
0x1d: {  	s5 =	simm.s32 @p1 $0x1;
	p0 =	seq.s32 s7, s2  }
0x1e: {  	s7 =	smul.u32 @!p0 $0xF7A, s2;
	p2 =	seq.s32 @!p0 s5, $0x0  }
0x1f: {  	s9 =	smul.u32 $0xF7A, s1;
	s8 =	simm.s32 @!p0 $0x1BF5;
	p2 =	por !p2, p0  }
0x20: {  	[sflag:s8] =	ssyncset.s32 @!p0 $0xFFFFF086;
	s6 =	sadd.s32 @!p0 s3, s7;
	s7 =	simm.s32 @!p0 $0x108  }
0x21: {  	s3 =	sadd.s32 s3, s9;
	s6 =	sadd.s32 @!p0 $0x88, s6;
	s7 =	simm.s32 @p2 $0x1082  }
0x22: {  	[simem:s7], [sflag:s8] =	dma.local @!p0 [hbm:s6], $0xF7A  }
0x23: {  	s9 =	sor.u32 $0xD0000000, s2;
	s6 =	simm.s32 $0x108;
	_ =	swait.ge @!p0 [sflag:s8], $0x0  }
0x24: {  	s3 =	sadd.s32 $0x88, s3;
	s6 =	simm.s32 @!p1 $0x1082;
	[sflag:s4] =	ssyncset.s32 $0xFFFFF086  }
0x25: {  	[simem:s6], [sflag:s4] =	dma.local [hbm:s3], $0xF7A  }
0x26: {  	[smem:$0x3F9E] =	sst s1;
	(tag) =	ssettag s2;
	_ =	strace s9  }
0x27: {  	s1 =	sld [smem:$0x3FAE]  }
0x28: {  	s2 =	sld [smem:$0x3FAF]  }
0x29: {  	s4 =	sld [smem:$0x3FB1]  }
0x2a: {  	p0 =	seq.s32 s5, $0x0;
	s5 =	sld [smem:$0x3FB2]  }
0x2b: {  	s6 =	sld [smem:$0x3FB3]  }
0x2c: {  	s7 =	sld [smem:$0x3FB4]  }
0x2d: {  	s3 =	simm.s32 $0x108;
	s8 =	sld [smem:$0x3FB5]  }
0x2e: {  	s3 =	simm.s32 @!p0 $0x1082;
	s9 =	sld [smem:$0x3FB6]  }
0x2f: {  	lr =	sadd.s32 s0, s3;
	s0 =	sld [smem:$0x3FAD]  }
0x30: {  	s3 =	sld [smem:$0x3FB0]  }
0x31: {  	[smem:$0x3FB9] =	sst s10  }
0x32: {  	s10 =	sld [smem:$0x3FB7];
	_ =	sdelay $0x3  }
0x33: {  	p0 =	seq.s32 s10, $0x1;
	s10 =	sld [smem:$0x3FB9];
	_ =	sdelay $0x3  }
0x34: {  	[smem:$0x3FB9] =	sst s10  }
0x35: {  	s10 =	sld [smem:$0x3FB8];
	_ =	sdelay $0x3  }
0x36: {  	p1 =	seq.s32 s10, $0x1;
	s10 =	sld [smem:$0x3FB9];
	_ =	sdelay $0x3  }
0x37: {  	[smem:$0x3FB9] =	sst s10  }
0x38: {  	s10 =	sld [smem:$0x3FBA]  }
0x39: {  	_ = 	snop;
	(pc) =	sbr.ind lr, $3  }
0x3a: {  	_ = 	snop  }
0x3b: {  	_ = 	snop  }
0x3c: {  	p2 =	seq.s32 s10, $0x1;
	s10 =	sld [smem:$0x3FB9]  }
0x3d: {  	_ =	shalt  }
0x3e: {  	_ =	shalt  }
0x3f: {  	_ =	shalt  }
0x40: {  	_ =	shalt  }
0x41: {  	_ =	shalt  }
0x42: {  	_ =	shalt  }
0x43: {  	_ =	shalt  }
0x44: {  	_ =	shalt  }
0x45: {  	_ =	shalt  }
0x46: {  	_ =	shalt  }
0x47: {  	_ =	shalt  }
0x48: {  	_ =	shalt  }
0x49: {  	_ =	shalt  }
0x4a: {  	_ =	shalt  }
0x4b: {  	_ =	shalt  }
0x4c: {  	_ =	shalt  }
0x4d: {  	_ =	shalt  }
0x4e: {  	_ =	shalt  }
0x4f: {  	_ =	shalt  }
0x50: {  	_ =	shalt  }
0x51: {  	_ =	shalt  }
0x52: {  	_ =	shalt  }
0x53: {  	_ =	shalt  }
0x54: {  	_ =	shalt  }
0x55: {  	_ =	shalt  }
0x56: {  	_ =	shalt  }
0x57: {  	_ =	shalt  }
0x58: {  	_ =	shalt  }
0x59: {  	_ =	shalt  }
0x5a: {  	_ =	shalt  }
0x5b: {  	_ =	shalt  }
0x5c: {  	_ =	shalt  }
0x5d: {  	_ =	shalt  }
0x5e: {  	_ =	shalt  }
0x5f: {  	_ =	shalt  }
0x60: {  	_ =	shalt  }
0x61: {  	_ =	shalt  }
0x62: {  	_ =	shalt  }
0x63: {  	_ =	shalt  }
0x64: {  	_ =	shalt  }
0x65: {  	_ =	shalt  }
0x66: {  	_ =	shalt  }
0x67: {  	_ =	shalt  }
0x68: {  	_ =	shalt  }
0x69: {  	_ =	shalt  }
0x6a: {  	_ =	shalt  }
0x6b: {  	_ =	shalt  }
0x6c: {  	_ =	shalt  }
0x6d: {  	_ =	shalt  }
0x6e: {  	_ =	shalt  }
0x6f: {  	_ =	shalt  }
0x70: {  	_ =	shalt  }
0x71: {  	_ =	shalt  }
0x72: {  	_ =	shalt  }
0x73: {  	_ =	shalt  }
0x74: {  	_ =	shalt  }
0x75: {  	_ =	shalt  }
0x76: {  	_ =	shalt  }
0x77: {  	_ =	shalt  }
0x78: {  	_ =	shalt  }
0x79: {  	_ =	shalt  }
0x7a: {  	_ =	shalt  }
0x7b: {  	_ =	shalt  }
0x7c: {  	_ =	shalt  }
0x7d: {  	_ =	shalt  }
0x7e: {  	_ =	shalt  }
0x7f: {  	_ =	shalt  }
0x80: {  	_ =	shalt  }
0x81: {  	_ =	shalt  }
0x82: {  	_ =	shalt  }
0x83: {  	_ =	shalt  }
0x84: {  	_ =	shalt  }
0x85: {  	_ =	shalt  }
0x86: {  	_ =	shalt  }
0x87: {  	_ =	shalt  }
.Lfunc_end0:
.L_simem_size_0:
called_computation_lowered:
.L_overlay_start_0:
0x88: {  	s0 =	sld [smem:$0x3FD9]  }
0x89: {  	s1 =	sld [smem:$0x3FFE];
	_ =	sdelay $0x3  }
0x8a: {  	s0 =	sadd.s32 s1, s0  }
0x8b: {  	[smem:$0x3FC5] =	sst s0  }
0x8c: {  	_ = 	snop  }
0x8d: {  	s0 =	sld [smem:$0x3FC7]  }
0x8e: {  	s16 =	sld [smem:$0x3FD0];
	(tm) =	ssettm $0x1  }
0x8f: {  	s2 =	sld [smem:$0x3FFB];
	_ =	sdelay $0x3  }
0x90: {  	_ =	strace s2  }
0x91: {  	s2 =	sld [smem:$0x3FFC];
	_ =	sdelay $0x3  }
0x92: {  	_ =	strace s2  }
0x93: {  	s2 =	sld [smem:$0x3FFD];
	_ =	sdelay $0x3  }
0x94: {  	_ =	strace s2  }
0x95: {  	_ =	strace $0x8FFFFFFF  }
0x96: {  	s17 =	sld [smem:$0x3FDB];
	_ =	sdelay $0x1  }
0x97: {  	s3 =	simm.s32 $_scs_section_size  }
0x98: {  	s4 =	simm.s32 $_size__tile_overlayer_lowered;
	s5 =	simm.s32 $_tile_overlayer_lowered  }
0x99: {  	s20 =	simm.s32 $0x1BFF;
	s19 =	sshll.u32 s5, $0x1;
	s2 =	sadd.s32 s3, s17  }
0x9a: {  	s6 =	simm.s32 $0x0;
	s18 =	sshll.u32 s4, $0x1;
	s4 =	sadd.s32 s19, s2  }
0x9b: {  	[timem:s6], [sflag:s20] =	dma.local [hbm:s4], s18  }
0x9c: {  	_ =	swait.ge [sflag:s20], s18  }
0x9d: {  	s3 =	ssub.s32 $0x0, s18;
	[sflag:s20] =	ssyncset.done $0x0  }
0x9e: {  	[sflag:s20] =	ssyncadd.s32 s3;
	_ =	sdelay $0x1  }
0x9f: {  	s21 =	simm.s32 $0x1B8B  }
0xa0: {  	_ =	swait.ge [sflag:s21], $0x1  }
0xa1: {  	[sflag:s21] =	ssyncset.done $0x0  }
0xa2: {  	s23 =	simm.s32 $0x1B8E;
	s22 =	sld [smem:$0x3FFE];
	[sflag:s21] =	ssyncadd.s32 $0xFFFFFFFF  }
0xa3: {  	s24 =	simm.s32 $execute0_lowered;
	[smem:$0x3FD2] =	sst s23  }
0xa4: {  	s4 =	sshll.u32 s24, $0x1;
	_ =	strace $0x80000046;
	[dreg:$0x1] =	wrdreg $0xFFFFFFFF  }
0xa5: {  	s25 =	simm.s32 $_size_execute0_lowered;
	s2 =	sadd.s32 s2, s4;
	[dreg:$0x0] =	wrdreg $0x0  }
0xa6: {  	s4 =	sshll.u32 s25, $0x1;
	[dreg:$0x2] =	wrdreg s2  }
0xa7: {  	[dreg:$0x3] =	wrdreg s4  }
0xa8: {  	[dreg:$0x4] =	wrdreg $0xC0  }
0xa9: {  	_ =	task [dreg:s6], $0x5FFFF  }
0xaa: {  	[dreg:$0x1] =	wrdreg $0xFFFFFFFF  }
0xab: {  	[dreg:$0x0] =	wrdreg $0x60  }
0xac: {  	[dreg:$0x2] =	wrdreg s16  }
0xad: {  	[dreg:$0x3] =	wrdreg s22  }
0xae: {  	[dreg:$0x4] =	wrdreg s0  }
0xaf: {  	[dreg:$0x5] =	wrdreg $0x9  }
0xb0: {  	_ =	task.clear_ibuf [dreg:s6], $0x6FFFF;
	_ =	strace $0x90000046  }
0xb1: {  	s26 =	simm.s32 $0x9;
	_ =	strace $0x80000048  }
0xb2: {  	_ =	swait.ge [sflag:s26], $0x1  }
0xb3: {  	[sflag:s26] =	ssyncadd.s32 $0xFFFFFFFF  }
0xb4: {  	_ =	strace $0x90000048  }
0xb5: {  	_ =	sfence  }
0xb6: {  	s28 =	sld [smem:$0x0];
	_ =	sdelay $0x1  }
0xb7: {  	s29 =	srdreg.scid  }
0xb8: {  	s30 =	sshll.u32 s29, $0xD;
	s31 =	sshrl.u32 s29, $0x2  }
0xb9: {  	s1 =	sand.u32 $0x1, s29;
	s2 =	sand.u32 $0x4000, s30;
	s0 =	sadd.s32 s31, s28  }
0xba: {  	s1 =	sor.u32 s2, s1;
	s0 =	sshll.u32 s0, $0x11  }
0xbb: {  	s0 =	sor.u32 s0, s1  }
0xbc: {  	s0 =	sadd.s32 $0x8F2B, s0  }
0xbd: {  	[sflag:s0] =	ssyncadd.remote.s32 $0x1  }
0xbe: {  	_ =	sfence.sel $0xFFFF  }
0xbf: {  	[dreg:$0x0] =	wrdreg $0xFFFFFFFF;
	(pc) =	sbr.abs _section_cstart, $3  }
0xc0: {  	[dreg:$0x1] =	wrdreg $0xFFFFFFFF  }
0xc1: {  	_ =	task.clear_ibuf [dreg:s6], $0x2FFFF;
	_ =	strace $0x9FFFFFFF  }
0xc2: {  	(tm) =	ssettm $0x7FFFFFFF  }
0xc3: {  	_ =	shalt  }
tec
execute0_lowered:
.L_overlay_start_1:
0x0: {  	(tag) =	ssettag $0x1  }
0x1: {  	s1 =	rddreg [dreg:$0x0];
	s23 =	stileid.u32  }
0x2: {  	s6 =	rddreg [dreg:$0x1];
	s2 =	smul.u32 $0x9C40, s23  }
0x3: {  	s0 =	rddreg [dreg:$0x2];
	s3 =	simm.s32 $0x0;
	s5 =	simm.s32 $0x5000  }
0x4: {  	[smem:$0x7FF] =	sst s3;
	s12 =	sadd.s32 $0x14000, s6;
	s14 =	sshrl.u32 s2, $0x3  }
0x5: {  	s13 =	sadd.s32 $0x600, s6;
	_ =	strace $0x80000047;
	s15 =	sadd.s32 s12, s14  }
0x6: {  	[tilespmem:s5], [sflag:$0x1] =	stream.linear.gather [hbm4b:s15+s3], $0x1F40, $0x38;
	[tilespmem:$0x13F00] =	vst v63  }
0x7: {  	s7 =	simm.s32 $0x6F80;
	s16 =	sadd.s32 s13, s14  }
0x8: {  	[tilespmem:s7], [sflag:$0x1] =	stream.linear.gather [hbm4b:s16+s3], $0x1F40, $0x38;
	[tilespmem:$0x13F00] =	vst v63  }
0x9: {  	s4 =	simm.s32 $0x8F00;
	s17 =	sadd.s32 s0, s14;
	s8 =	sadd.s32 $0x3E8, s14  }
0xa: {  	[tilespmem:s4], [sflag:$0x1] =	stream.linear.gather [hbm4b:s17+s3], $0x1F40, $0x38;
	[tilespmem:$0x13F00] =	vst v63  }
0xb: {  	s9 =	simm.s32 $0xAE80;
	s18 =	sadd.s32 s12, s8  }
0xc: {  	[tilespmem:s9], [sflag:$0x2] =	stream.linear.gather [hbm4b:s18+s3], $0x1F40, $0x38;
	[tilespmem:$0x13F00] =	vst v63  }
0xd: {  	s10 =	smul.u32 $0x280, s23;
	s19 =	sadd.s32 s13, s8;
	s5 =	simm.s32 $0xCE00  }
0xe: {  	[tilespmem:s5], [sflag:$0x2] =	stream.linear.gather [hbm4b:s19+s3], $0x1F40, $0x38;
	[tilespmem:$0x13F00] =	vst v63  }
0xf: {  	s21 =	simm.s32 $0xED80;
	s11 =	sshrl.u32 s10, $0x3;
	s20 =	sadd.s32 s0, s8  }
0x10: {  	[tilespmem:s21], [sflag:$0x2] =	stream.linear.gather [hbm4b:s20+s3], $0x1F40, $0x38;
	[tilespmem:$0x13F00] =	vst v63  }
0x11: {  	s22 =	simm.s32 $0x13500;
	s24 =	simm.s32 $0x4;
	s1 =	sadd.s32 s1, s11  }
0x12: {  	[tilespmem:s22], [sflag:$0x4] =	stream.linear.gather [hbm4b:s1+s3], $0x280, $0x38;
	[tilespmem:$0x13F00] =	vst v63  }
0x13: {  	_ =	swait.ge [sflag:s24], $0x280  }
0x14: {  	[sflag:s24] =	ssyncset.done $0x0  }
0x15: {  	[sflag:s24] =	ssyncadd.s32 $0xFFFFFD80  }
0x16: {  	v0 =	vld [tilespmem:$0x13500];
	_ =	sdelay $0x4  }
0x17: {  	v0 =	vadd.f32 v0, v0;
	_ =	sdelay $0x1  }
0x18: {  	v0 =	vmul.f32 $1.442695020e+00, v0;
	_ =	sdelay $0x1  }
0x19: {  	(erf) = vpow2.f32 v0;
	_ =	sdelay $0x3  }
0x1a: {  	v0 =	vld [tilespmem:$0x13510];
	_ =	sdelay $0x4  }
0x1b: {  	v0 =	vadd.f32 v0, v0;
	v1 =	vpop (erf)  }
0x1c: {  	v1 =	vadd.f32 $1.000000000e+00, v1  }
0x1d: {  	v0 =	vmul.f32 $1.442695020e+00, v0  }
0x1e: {  	(erf) = vrcp.f32 v1  }
0x1f: {  	(erf) = vpow2.f32 v0;
	_ =	sdelay $0x3  }
0x20: {  	v1 =	vld [tilespmem:$0x13520];
	_ =	sdelay $0x3  }
0x21: {  	v0 =	vpop (erf)  }
0x22: {  	v1 =	vadd.f32 v1, v1;
	v2 =	vpop (erf)  }
0x23: {  	v2 =	vadd.f32 $1.000000000e+00, v2  }
0x24: {  	v1 =	vmul.f32 $1.442695020e+00, v1  }
0x25: {  	(erf) = vrcp.f32 v2  }
0x26: {  	(erf) = vpow2.f32 v1;
	_ =	sdelay $0x3  }
0x27: {  	v2 =	vld [tilespmem:$0x13530];
	_ =	sdelay $0x3  }
0x28: {  	v1 =	vpop (erf)  }
0x29: {  	v2 =	vadd.f32 v2, v2;
	v3 =	vpop (erf)  }
0x2a: {  	v3 =	vadd.f32 $1.000000000e+00, v3  }
0x2b: {  	v2 =	vmul.f32 $1.442695020e+00, v2  }
0x2c: {  	(erf) = vrcp.f32 v3  }
0x2d: {  	(erf) = vpow2.f32 v2;
	_ =	sdelay $0x3  }
0x2e: {  	v3 =	vld [tilespmem:$0x13540];
	_ =	sdelay $0x3  }
0x2f: {  	v2 =	vpop (erf)  }
0x30: {  	v3 =	vadd.f32 v3, v3;
	v4 =	vpop (erf)  }
0x31: {  	v4 =	vadd.f32 $1.000000000e+00, v4  }
0x32: {  	v3 =	vmul.f32 $1.442695020e+00, v3  }
0x33: {  	(erf) = vrcp.f32 v4  }
0x34: {  	(erf) = vpow2.f32 v3;
	_ =	sdelay $0x3  }
0x35: {  	v39 =	vld [tilespmem:$0x13550];
	_ =	sdelay $0x3  }
0x36: {  	v3 =	vpop (erf)  }
0x37: {  	v4 =	vadd.f32 v39, v39;
	v5 =	vpop (erf)  }
0x38: {  	v5 =	vadd.f32 $1.000000000e+00, v5  }
0x39: {  	v4 =	vmul.f32 $1.442695020e+00, v4  }
0x3a: {  	(erf) = vrcp.f32 v5  }
0x3b: {  	(erf) = vpow2.f32 v4;
	_ =	sdelay $0x3  }
0x3c: {  	v40 =	vld [tilespmem:$0x13560];
	_ =	sdelay $0x3  }
0x3d: {  	v4 =	vpop (erf)  }
0x3e: {  	v5 =	vadd.f32 v40, v40;
	v6 =	vpop (erf)  }
0x3f: {  	v6 =	vadd.f32 $1.000000000e+00, v6  }
0x40: {  	v5 =	vmul.f32 $1.442695020e+00, v5  }
0x41: {  	(erf) = vrcp.f32 v6  }
0x42: {  	(erf) = vpow2.f32 v5;
	_ =	sdelay $0x3  }
0x43: {  	v41 =	vld [tilespmem:$0x13570];
	_ =	sdelay $0x3  }
0x44: {  	v5 =	vpop (erf)  }
0x45: {  	v6 =	vadd.f32 v41, v41;
	v7 =	vpop (erf)  }
0x46: {  	v7 =	vadd.f32 $1.000000000e+00, v7  }
0x47: {  	v6 =	vmul.f32 $1.442695020e+00, v6  }
0x48: {  	(erf) = vrcp.f32 v7  }
0x49: {  	(erf) = vpow2.f32 v6;
	_ =	sdelay $0x3  }
0x4a: {  	v42 =	vld [tilespmem:$0x13580];
	_ =	sdelay $0x3  }
0x4b: {  	v6 =	vpop (erf)  }
0x4c: {  	v7 =	vadd.f32 v42, v42;
	v8 =	vpop (erf)  }
0x4d: {  	v8 =	vadd.f32 $1.000000000e+00, v8  }
0x4e: {  	v7 =	vmul.f32 $1.442695020e+00, v7  }
0x4f: {  	(erf) = vrcp.f32 v8  }
0x50: {  	(erf) = vpow2.f32 v7;
	_ =	sdelay $0x3  }
0x51: {  	v43 =	vld [tilespmem:$0x13590];
	_ =	sdelay $0x3  }
0x52: {  	v7 =	vpop (erf)  }
0x53: {  	v8 =	vadd.f32 v43, v43;
	v9 =	vpop (erf)  }
0x54: {  	v9 =	vadd.f32 $1.000000000e+00, v9  }
0x55: {  	v8 =	vmul.f32 $1.442695020e+00, v8  }
0x56: {  	(erf) = vrcp.f32 v9  }
0x57: {  	(erf) = vpow2.f32 v8;
	_ =	sdelay $0x3  }
0x58: {  	v44 =	vld [tilespmem:$0x135A0];
	_ =	sdelay $0x3  }
0x59: {  	v8 =	vpop (erf)  }
0x5a: {  	v9 =	vadd.f32 v44, v44;
	v10 =	vpop (erf)  }
0x5b: {  	v10 =	vadd.f32 $1.000000000e+00, v10  }
0x5c: {  	v9 =	vmul.f32 $1.442695020e+00, v9  }
0x5d: {  	(erf) = vrcp.f32 v10  }
0x5e: {  	(erf) = vpow2.f32 v9;
	_ =	sdelay $0x3  }
0x5f: {  	v45 =	vld [tilespmem:$0x135B0];
	_ =	sdelay $0x3  }
0x60: {  	v9 =	vpop (erf)  }
0x61: {  	v10 =	vadd.f32 v45, v45;
	v11 =	vpop (erf)  }
0x62: {  	v11 =	vadd.f32 $1.000000000e+00, v11  }
0x63: {  	v10 =	vmul.f32 $1.442695020e+00, v10  }
0x64: {  	(erf) = vrcp.f32 v11  }
0x65: {  	(erf) = vpow2.f32 v10;
	_ =	sdelay $0x3  }
0x66: {  	v46 =	vld [tilespmem:$0x135C0];
	_ =	sdelay $0x3  }
0x67: {  	v10 =	vpop (erf)  }
0x68: {  	v11 =	vadd.f32 v46, v46;
	v12 =	vpop (erf)  }
0x69: {  	v12 =	vadd.f32 $1.000000000e+00, v12  }
0x6a: {  	v11 =	vmul.f32 $1.442695020e+00, v11  }
0x6b: {  	(erf) = vrcp.f32 v12  }
0x6c: {  	(erf) = vpow2.f32 v11;
	_ =	sdelay $0x3  }
0x6d: {  	v47 =	vld [tilespmem:$0x135D0];
	_ =	sdelay $0x3  }
0x6e: {  	v11 =	vpop (erf)  }
0x6f: {  	v12 =	vadd.f32 v47, v47;
	v13 =	vpop (erf)  }
0x70: {  	v13 =	vadd.f32 $1.000000000e+00, v13  }
0x71: {  	v12 =	vmul.f32 $1.442695020e+00, v12  }
0x72: {  	(erf) = vrcp.f32 v13  }
0x73: {  	(erf) = vpow2.f32 v12;
	_ =	sdelay $0x3  }
0x74: {  	v48 =	vld [tilespmem:$0x135E0];
	_ =	sdelay $0x3  }
0x75: {  	v12 =	vpop (erf)  }
0x76: {  	v13 =	vadd.f32 v48, v48;
	v14 =	vpop (erf)  }
0x77: {  	v14 =	vadd.f32 $1.000000000e+00, v14  }
0x78: {  	v13 =	vmul.f32 $1.442695020e+00, v13  }
0x79: {  	(erf) = vrcp.f32 v14  }
0x7a: {  	(erf) = vpow2.f32 v13;
	_ =	sdelay $0x3  }
0x7b: {  	v49 =	vld [tilespmem:$0x135F0];
	_ =	sdelay $0x3  }
0x7c: {  	v14 =	vpop (erf)  }
0x7d: {  	v13 =	vadd.f32 v49, v49;
	v15 =	vpop (erf)  }
0x7e: {  	v15 =	vadd.f32 $1.000000000e+00, v15  }
0x7f: {  	v13 =	vmul.f32 $1.442695020e+00, v13  }
0x80: {  	(erf) = vrcp.f32 v15  }
0x81: {  	(erf) = vpow2.f32 v13;
	_ =	sdelay $0x3  }
0x82: {  	v50 =	vld [tilespmem:$0x13600];
	_ =	sdelay $0x3  }
0x83: {  	v13 =	vpop (erf)  }
0x84: {  	v15 =	vadd.f32 v50, v50;
	v16 =	vpop (erf)  }
0x85: {  	v16 =	vadd.f32 $1.000000000e+00, v16  }
0x86: {  	v15 =	vmul.f32 $1.442695020e+00, v15  }
0x87: {  	(erf) = vrcp.f32 v16  }
0x88: {  	(erf) = vpow2.f32 v15;
	_ =	sdelay $0x3  }
0x89: {  	v51 =	vld [tilespmem:$0x13610];
	_ =	sdelay $0x3  }
0x8a: {  	v15 =	vpop (erf)  }
0x8b: {  	v16 =	vadd.f32 v51, v51;
	v17 =	vpop (erf)  }
0x8c: {  	v17 =	vadd.f32 $1.000000000e+00, v17  }
0x8d: {  	v16 =	vmul.f32 $1.442695020e+00, v16  }
0x8e: {  	(erf) = vrcp.f32 v17  }
0x8f: {  	(erf) = vpow2.f32 v16;
	_ =	sdelay $0x3  }
0x90: {  	v52 =	vld [tilespmem:$0x13620];
	_ =	sdelay $0x3  }
0x91: {  	v16 =	vpop (erf)  }
0x92: {  	v17 =	vadd.f32 v52, v52;
	v18 =	vpop (erf)  }
0x93: {  	v18 =	vadd.f32 $1.000000000e+00, v18  }
0x94: {  	v17 =	vmul.f32 $1.442695020e+00, v17  }
0x95: {  	(erf) = vrcp.f32 v18  }
0x96: {  	(erf) = vpow2.f32 v17;
	_ =	sdelay $0x3  }
0x97: {  	v53 =	vld [tilespmem:$0x13630];
	_ =	sdelay $0x3  }
0x98: {  	v17 =	vpop (erf)  }
0x99: {  	v18 =	vadd.f32 v53, v53;
	v19 =	vpop (erf)  }
0x9a: {  	v19 =	vadd.f32 $1.000000000e+00, v19  }
0x9b: {  	v18 =	vmul.f32 $1.442695020e+00, v18  }
0x9c: {  	(erf) = vrcp.f32 v19  }
0x9d: {  	(erf) = vpow2.f32 v18;
	_ =	sdelay $0x3  }
0x9e: {  	v54 =	vld [tilespmem:$0x13640];
	_ =	sdelay $0x3  }
0x9f: {  	v18 =	vpop (erf)  }
0xa0: {  	v19 =	vadd.f32 v54, v54;
	v20 =	vpop (erf)  }
0xa1: {  	v20 =	vadd.f32 $1.000000000e+00, v20  }
0xa2: {  	v19 =	vmul.f32 $1.442695020e+00, v19  }
0xa3: {  	(erf) = vrcp.f32 v20  }
0xa4: {  	(erf) = vpow2.f32 v19;
	_ =	sdelay $0x3  }
0xa5: {  	v55 =	vld [tilespmem:$0x13650];
	_ =	sdelay $0x3  }
0xa6: {  	v19 =	vpop (erf)  }
0xa7: {  	v20 =	vadd.f32 v55, v55;
	v21 =	vpop (erf)  }
0xa8: {  	v21 =	vadd.f32 $1.000000000e+00, v21  }
0xa9: {  	v20 =	vmul.f32 $1.442695020e+00, v20  }
0xaa: {  	(erf) = vrcp.f32 v21  }
0xab: {  	(erf) = vpow2.f32 v20;
	_ =	sdelay $0x3  }
0xac: {  	v56 =	vld [tilespmem:$0x13660];
	_ =	sdelay $0x3  }
0xad: {  	v20 =	vpop (erf)  }
0xae: {  	v21 =	vadd.f32 v56, v56;
	v22 =	vpop (erf)  }
0xaf: {  	v22 =	vadd.f32 $1.000000000e+00, v22  }
0xb0: {  	v21 =	vmul.f32 $1.442695020e+00, v21  }
0xb1: {  	(erf) = vrcp.f32 v22  }
0xb2: {  	(erf) = vpow2.f32 v21;
	_ =	sdelay $0x3  }
0xb3: {  	v57 =	vld [tilespmem:$0x13670];
	_ =	sdelay $0x3  }
0xb4: {  	v21 =	vpop (erf)  }
0xb5: {  	v22 =	vadd.f32 v57, v57;
	v23 =	vpop (erf)  }
0xb6: {  	v23 =	vadd.f32 $1.000000000e+00, v23  }
0xb7: {  	v22 =	vmul.f32 $1.442695020e+00, v22  }
0xb8: {  	(erf) = vrcp.f32 v23  }
0xb9: {  	(erf) = vpow2.f32 v22;
	_ =	sdelay $0x3  }
0xba: {  	v58 =	vld [tilespmem:$0x13680];
	_ =	sdelay $0x3  }
0xbb: {  	v22 =	vpop (erf)  }
0xbc: {  	v23 =	vadd.f32 v58, v58;
	v24 =	vpop (erf)  }
0xbd: {  	v24 =	vadd.f32 $1.000000000e+00, v24  }
0xbe: {  	v23 =	vmul.f32 $1.442695020e+00, v23  }
0xbf: {  	(erf) = vrcp.f32 v24  }
0xc0: {  	(erf) = vpow2.f32 v23;
	_ =	sdelay $0x3  }
0xc1: {  	v59 =	vld [tilespmem:$0x13690];
	_ =	sdelay $0x3  }
0xc2: {  	v23 =	vpop (erf)  }
0xc3: {  	v24 =	vadd.f32 v59, v59;
	v25 =	vpop (erf)  }
0xc4: {  	v25 =	vadd.f32 $1.000000000e+00, v25  }
0xc5: {  	v24 =	vmul.f32 $1.442695020e+00, v24  }
0xc6: {  	(erf) = vrcp.f32 v25  }
0xc7: {  	(erf) = vpow2.f32 v24;
	_ =	sdelay $0x3  }
0xc8: {  	v60 =	vld [tilespmem:$0x136A0];
	_ =	sdelay $0x3  }
0xc9: {  	v24 =	vpop (erf)  }
0xca: {  	v25 =	vadd.f32 v60, v60;
	v26 =	vpop (erf)  }
0xcb: {  	v26 =	vadd.f32 $1.000000000e+00, v26  }
0xcc: {  	v25 =	vmul.f32 $1.442695020e+00, v25  }
0xcd: {  	(erf) = vrcp.f32 v26  }
0xce: {  	(erf) = vpow2.f32 v25;
	_ =	sdelay $0x3  }
0xcf: {  	v61 =	vld [tilespmem:$0x136B0];
	_ =	sdelay $0x3  }
0xd0: {  	v25 =	vpop (erf)  }
0xd1: {  	v26 =	vadd.f32 v61, v61;
	v27 =	vpop (erf)  }
0xd2: {  	v27 =	vadd.f32 $1.000000000e+00, v27  }
0xd3: {  	v26 =	vmul.f32 $1.442695020e+00, v26  }
0xd4: {  	(erf) = vrcp.f32 v27  }
0xd5: {  	(erf) = vpow2.f32 v26;
	_ =	sdelay $0x3  }
0xd6: {  	v62 =	vld [tilespmem:$0x136C0];
	_ =	sdelay $0x3  }
0xd7: {  	v63 =	vpop (erf)  }
0xd8: {  	v27 =	vadd.f32 v62, v62;
	v28 =	vpop (erf)  }
0xd9: {  	v28 =	vadd.f32 $1.000000000e+00, v28  }
0xda: {  	v27 =	vmul.f32 $1.442695020e+00, v27  }
0xdb: {  	(erf) = vrcp.f32 v28  }
0xdc: {  	(erf) = vpow2.f32 v27;
	_ =	sdelay $0x3  }
0xdd: {  	v36 =	vld [tilespmem:$0x136D0];
	_ =	sdelay $0x3  }
0xde: {  	v27 =	vpop (erf)  }
0xdf: {  	v28 =	vadd.f32 v36, v36;
	v29 =	vpop (erf)  }
0xe0: {  	v29 =	vadd.f32 $1.000000000e+00, v29  }
0xe1: {  	v28 =	vmul.f32 $1.442695020e+00, v28  }
0xe2: {  	(erf) = vrcp.f32 v29  }
0xe3: {  	(erf) = vpow2.f32 v28;
	_ =	sdelay $0x3  }
0xe4: {  	v37 =	vld [tilespmem:$0x136E0];
	_ =	sdelay $0x3  }
0xe5: {  	v28 =	vpop (erf)  }
0xe6: {  	v29 =	vadd.f32 v37, v37;
	v30 =	vpop (erf)  }
0xe7: {  	v30 =	vadd.f32 $1.000000000e+00, v30  }
0xe8: {  	v29 =	vmul.f32 $1.442695020e+00, v29  }
0xe9: {  	(erf) = vrcp.f32 v30  }
0xea: {  	(erf) = vpow2.f32 v29;
	_ =	sdelay $0x3  }
0xeb: {  	v38 =	vld [tilespmem:$0x136F0];
	_ =	sdelay $0x3  }
0xec: {  	v29 =	vpop (erf)  }
0xed: {  	v30 =	vadd.f32 v38, v38;
	v31 =	vpop (erf)  }
0xee: {  	v31 =	vadd.f32 $1.000000000e+00, v31  }
0xef: {  	v30 =	vmul.f32 $1.442695020e+00, v30  }
0xf0: {  	(erf) = vrcp.f32 v31  }
0xf1: {  	(erf) = vpow2.f32 v30;
	_ =	sdelay $0x3  }
0xf2: {  	v39 =	vld [tilespmem:$0x13700];
	_ =	sdelay $0x3  }
0xf3: {  	v30 =	vpop (erf)  }
0xf4: {  	v31 =	vadd.f32 v39, v39;
	v32 =	vpop (erf)  }
0xf5: {  	v32 =	vadd.f32 $1.000000000e+00, v32  }
0xf6: {  	v31 =	vmul.f32 $1.442695020e+00, v31  }
0xf7: {  	(erf) = vrcp.f32 v32  }
0xf8: {  	(erf) = vpow2.f32 v31;
	_ =	sdelay $0x3  }
0xf9: {  	v40 =	vld [tilespmem:$0x13710];
	_ =	sdelay $0x3  }
0xfa: {  	v41 =	vpop (erf)  }
0xfb: {  	v32 =	vadd.f32 v40, v40;
	v33 =	vpop (erf)  }
0xfc: {  	v33 =	vadd.f32 $1.000000000e+00, v33  }
0xfd: {  	v32 =	vmul.f32 $1.442695020e+00, v32  }
0xfe: {  	(erf) = vrcp.f32 v33  }
0xff: {  	(erf) = vpow2.f32 v32;
	_ =	sdelay $0x3  }
0x100: {  	v42 =	vld [tilespmem:$0x13720];
	_ =	sdelay $0x3  }
0x101: {  	v43 =	vpop (erf)  }
0x102: {  	v33 =	vadd.f32 v42, v42;
	v34 =	vpop (erf)  }
0x103: {  	v34 =	vadd.f32 $1.000000000e+00, v34  }
0x104: {  	v33 =	vmul.f32 $1.442695020e+00, v33  }
0x105: {  	(erf) = vrcp.f32 v34  }
0x106: {  	(erf) = vpow2.f32 v33;
	_ =	sdelay $0x3  }
0x107: {  	v44 =	vld [tilespmem:$0x13730];
	_ =	sdelay $0x3  }
0x108: {  	v45 =	vpop (erf)  }
0x109: {  	v34 =	vadd.f32 v44, v44;
	v35 =	vpop (erf)  }
0x10a: {  	v35 =	vadd.f32 $1.000000000e+00, v35  }
0x10b: {  	v34 =	vmul.f32 $1.442695020e+00, v34  }
0x10c: {  	(erf) = vrcp.f32 v35  }
0x10d: {  	(erf) = vpow2.f32 v34;
	_ =	sdelay $0x3  }
0x10e: {  	v46 =	vld [tilespmem:$0x13740];
	_ =	sdelay $0x3  }
0x10f: {  	v47 =	vpop (erf)  }
0x110: {  	v35 =	vadd.f32 v46, v46;
	v36 =	vpop (erf)  }
0x111: {  	v36 =	vadd.f32 $1.000000000e+00, v36  }
0x112: {  	v35 =	vmul.f32 $1.442695020e+00, v35  }
0x113: {  	(erf) = vrcp.f32 v36  }
0x114: {  	(erf) = vpow2.f32 v35;
	_ =	sdelay $0x3  }
0x115: {  	v48 =	vld [tilespmem:$0x13750];
	_ =	sdelay $0x3  }
0x116: {  	v36 =	vpop (erf)  }
0x117: {  	v35 =	vadd.f32 v48, v48;
	v37 =	vpop (erf)  }
0x118: {  	v37 =	vadd.f32 $1.000000000e+00, v37  }
0x119: {  	v35 =	vmul.f32 $1.442695020e+00, v35  }
0x11a: {  	(erf) = vrcp.f32 v37  }
0x11b: {  	(erf) = vpow2.f32 v35;
	_ =	sdelay $0x3  }
0x11c: {  	v49 =	vld [tilespmem:$0x13760]  }
0x11d: {  	v0 =	vadd.f32 v0, v0  }
0x11e: {  	v1 =	vadd.f32 v1, v1  }
0x11f: {  	v0 =	vsub.f32 $1.000000000e+00, v0  }
0x120: {  	v1 =	vsub.f32 $1.000000000e+00, v1;
	v3 =	vadd.f32 v3, v3;
	v37 =	vpop (erf)  }
0x121: {  	v2 =	vadd.f32 v2, v2;
	v35 =	vadd.f32 v49, v49;
	v38 =	vpop (erf)  }
0x122: {  	[tilespmem:$0x13780] =	vst v0;
	v0 =	vsub.f32 $1.000000000e+00, v3;
	v38 =	vadd.f32 $1.000000000e+00, v38  }
0x123: {  	v4 =	vadd.f32 v4, v4;
	v50 =	vadd.f32 v6, v6;
	v35 =	vmul.f32 $1.442695020e+00, v35  }
0x124: {  	[tilespmem:$0x13790] =	vst v1;
	v2 =	vsub.f32 $1.000000000e+00, v2;
	v5 =	vadd.f32 v5, v5;
	(erf) = vrcp.f32 v38  }
0x125: {  	[tilespmem:$0x137B0] =	vst v0;
	v3 =	vsub.f32 $1.000000000e+00, v4;
	v0 =	vsub.f32 $1.000000000e+00, v50;
	(erf) = vpow2.f32 v35  }
0x126: {  	[tilespmem:$0x137A0] =	vst v2;
	v1 =	vsub.f32 $1.000000000e+00, v5;
	v2 =	vadd.f32 v7, v7  }
0x127: {  	[tilespmem:$0x137E0] =	vst v0;
	v0 =	vadd.f32 v11, v11;
	v51 =	vadd.f32 v8, v8  }
0x128: {  	[tilespmem:$0x137C0] =	vst v3;
	v2 =	vsub.f32 $1.000000000e+00, v2;
	v53 =	vld [tilespmem:$0x13770];
	v54 =	vadd.f32 v10, v10  }
0x129: {  	[tilespmem:$0x137D0] =	vst v1;
	v0 =	vsub.f32 $1.000000000e+00, v0;
	v3 =	vsub.f32 $1.000000000e+00, v51  }
0x12a: {  	[tilespmem:$0x137F0] =	vst v2;
	v52 =	vadd.f32 v9, v9;
	v2 =	vsub.f32 $1.000000000e+00, v54  }
0x12b: {  	[tilespmem:$0x13830] =	vst v0;
	v0 =	vadd.f32 v15, v15;
	v55 =	vadd.f32 v12, v12  }
0x12c: {  	v1 =	vsub.f32 $1.000000000e+00, v52;
	[tilespmem:$0x13820] =	vst v2;
	v2 =	vadd.f32 v13, v13  }
0x12d: {  	[tilespmem:$0x13800] =	vst v3;
	v5 =	vadd.f32 v53, v53;
	v3 =	vsub.f32 $1.000000000e+00, v55;
	v57 =	vpop (erf)  }
0x12e: {  	v2 =	vsub.f32 $1.000000000e+00, v2;
	v56 =	vadd.f32 v14, v14;
	v58 =	vpop (erf)  }
0x12f: {  	[tilespmem:$0x13840] =	vst v3;
	v3 =	vadd.f32 v17, v17;
	v4 =	vadd.f32 $1.000000000e+00, v58  }
0x130: {  	[tilespmem:$0x13810] =	vst v1;
	v5 =	vmul.f32 $1.442695020e+00, v5;
	v1 =	vsub.f32 $1.000000000e+00, v56;
	v59 =	vadd.f32 v16, v16  }
0x131: {  	v0 =	vsub.f32 $1.000000000e+00, v0;
	[tilespmem:$0x13860] =	vst v2;
	v2 =	vsub.f32 $1.000000000e+00, v3;
	(erf) = vrcp.f32 v4  }
0x132: {  	v3 =	vadd.f32 v18, v18;
	[tilespmem:$0x13850] =	vst v1;
	v1 =	vsub.f32 $1.000000000e+00, v59;
	(erf) = vpow2.f32 v5  }
0x133: {  	[tilespmem:$0x13870] =	vst v0;
	v0 =	vadd.f32 v19, v19  }
0x134: {  	[tilespmem:$0x13880] =	vst v1;
	v1 =	vsub.f32 $1.000000000e+00, v3;
	v3 =	vadd.f32 v21, v21  }
0x135: {  	v60 =	vadd.f32 v20, v20  }
0x136: {  	v0 =	vsub.f32 $1.000000000e+00, v0;
	[tilespmem:$0x138A0] =	vst v1;
	v1 =	vsub.f32 $1.000000000e+00, v3  }
0x137: {  	[tilespmem:$0x13890] =	vst v2;
	v3 =	vadd.f32 v22, v22;
	v2 =	vsub.f32 $1.000000000e+00, v60  }
0x138: {  	[tilespmem:$0x138B0] =	vst v0;
	v0 =	vadd.f32 v23, v23;
	v61 =	vadd.f32 v24, v24  }
0x139: {  	[tilespmem:$0x138C0] =	vst v2;
	v2 =	vsub.f32 $1.000000000e+00, v3;
	v3 =	vadd.f32 v25, v25  }
0x13a: {  	[tilespmem:$0x138D0] =	vst v1;
	v0 =	vsub.f32 $1.000000000e+00, v0;
	v1 =	vsub.f32 $1.000000000e+00, v61;
	v62 =	vpop (erf)  }
0x13b: {  	[tilespmem:$0x138E0] =	vst v2;
	v2 =	vsub.f32 $1.000000000e+00, v3;
	v3 =	vadd.f32 v63, v63;
	v63 =	vpop (erf)  }
0x13c: {  	[tilespmem:$0x138F0] =	vst v0;
	v0 =	vadd.f32 v27, v27;
	v4 =	vadd.f32 $1.000000000e+00, v63  }
0x13d: {  	[tilespmem:$0x13900] =	vst v1;
	v1 =	vsub.f32 $1.000000000e+00, v3;
	v3 =	vadd.f32 v28, v28  }
0x13e: {  	[tilespmem:$0x13910] =	vst v2;
	v0 =	vsub.f32 $1.000000000e+00, v0;
	v2 =	vadd.f32 v29, v29;
	(erf) = vrcp.f32 v4  }
0x13f: {  	[tilespmem:$0x13920] =	vst v1;
	v1 =	vsub.f32 $1.000000000e+00, v3;
	v3 =	vadd.f32 v30, v30  }
0x140: {  	[tilespmem:$0x13930] =	vst v0;
	v0 =	vsub.f32 $1.000000000e+00, v2;
	v2 =	vadd.f32 v41, v41  }
0x141: {  	[tilespmem:$0x13940] =	vst v1;
	v1 =	vsub.f32 $1.000000000e+00, v3;
	v3 =	vadd.f32 v43, v43  }
0x142: {  	[tilespmem:$0x13950] =	vst v0;
	v0 =	vsub.f32 $1.000000000e+00, v2;
	v2 =	vadd.f32 v45, v45  }
0x143: {  	[tilespmem:$0x13960] =	vst v1;
	v1 =	vsub.f32 $1.000000000e+00, v3;
	v3 =	vadd.f32 v47, v47  }
0x144: {  	[tilespmem:$0x13970] =	vst v0;
	v0 =	vsub.f32 $1.000000000e+00, v2;
	v2 =	vadd.f32 v36, v36  }
0x145: {  	[tilespmem:$0x13980] =	vst v1;
	v1 =	vsub.f32 $1.000000000e+00, v3;
	v3 =	vadd.f32 v37, v37  }
0x146: {  	[tilespmem:$0x13990] =	vst v0;
	v0 =	vsub.f32 $1.000000000e+00, v2;
	v2 =	vadd.f32 v57, v57  }
0x147: {  	[tilespmem:$0x139A0] =	vst v1;
	v1 =	vsub.f32 $1.000000000e+00, v3;
	v3 =	vadd.f32 v62, v62;
	v4 =	vpop (erf)  }
0x148: {  	[tilespmem:$0x139B0] =	vst v0;
	v0 =	vsub.f32 $1.000000000e+00, v2;
	v2 =	vadd.f32 v4, v4  }
0x149: {  	[tilespmem:$0x139C0] =	vst v1;
	v1 =	vsub.f32 $1.000000000e+00, v3  }
0x14a: {  	[tilespmem:$0x139D0] =	vst v0;
	v0 =	vsub.f32 $1.000000000e+00, v2  }
0x14b: {  	s25 =	sadd.s32 $0x27A00, s6;
	[tilespmem:$0x139E0] =	vst v1  }
0x14c: {  	s28 =	simm.s32 $0x13780;
	s26 =	sadd.s32 s25, s11;
	[dreg:$0x4] =	wrdreg s11;
	[tilespmem:$0x139F0] =	vst v0  }
0x14d: {  	[hbm4b:s26+s3] =	stream.linear.scatter [tilespmem:s28], [sflag:$0x4], $0x280, $0x38;
	[tilespmem:$0x13F00] =	vst v63  }
0x14e: {  	_ =	swait.ge [sflag:s24], $0x280  }
0x14f: {  	[sflag:s24] =	ssyncset.done $0x0  }
0x150: {  	[sflag:s24] =	ssyncadd.s32 $0xFFFFFD80  }
0x151: {  	[bflag:$0x0] =	sbarrier.arrive $0xFFFF  }
0x152: {  	[tilespmem:s3], [sflag:$0x4] =	stream.linear.gather [hbm4b:s25+s3], $0x2800, $0x38;
	[tilespmem:$0x13F00] =	vst v63  }
0x153: {  	_ =	swait.ge [sflag:s24], $0x2800  }
0x154: {  	[sflag:s24] =	ssyncset.done $0x0  }
0x155: {  	s1 =	simm.s32 $0x2840;
	v0 =	vimm.f32 $0.0e+00;
	[sflag:s24] =	ssyncadd.s32 $0xFFFFD800  }
0x156: {  	[tilespmem:s1+$0xFFFFFFC0] =	vst v0  }
0x157: {  	[tilespmem:s1+$0x30] =	vst v0  }
0x158: {  	[tilespmem:s1+$0x20] =	vst v0  }
0x159: {  	s29 =	sadd.s32 $0x2DC00, s6;
	[tilespmem:s1+$0x10] =	vst v0  }
0x15a: {  	s30 =	sadd.s32 $0x2D600, s6;
	[dreg:$0x7] =	wrdreg s29;
	[tilespmem:s1+$0x0] =	vst v0  }
0x15b: {  	s31 =	sadd.s32 $0x2D000, s6;
	[dreg:$0x6] =	wrdreg s30;
	[tilespmem:s1+$0xFFFFFFF0] =	vst v0  }
0x15c: {  	s2 =	simm.s32 $0x0;
	s21 =	sadd.s32 $0x28000, s6;
	[dreg:$0x5] =	wrdreg s31;
	[tilespmem:s1+$0xFFFFFFE0] =	vst v0  }
.LBB2_1:
0x15d: {  	s2 =	sadd.s32 $0x8, s2;
	[tilespmem:s1+$0xFFFFFFD0] =	vst v0;
	s1 =	sadd.s32 $0x80, s1  }
0x15e: {  	[tilespmem:s1+$0xFFFFFFC0] =	vst v0;
	p0 =	slt.u32 s2, $0x278  }
0x15f: {  	[tilespmem:s1+$0x30] =	vst v0  }
.Ltmp0:
0x160: {  	[tilespmem:s1+$0x20] =	vst v0;
	(pc) =	sbr.rel @p0 .LBB2_1-.Ltmp0, $4  }
0x161: {  	[tilespmem:s1+$0x10] =	vst v0  }
0x162: {  	[tilespmem:s1+$0x0] =	vst v0  }
0x163: {  	[tilespmem:s1+$0xFFFFFFF0] =	vst v0  }
0x164: {  	[tilespmem:s1+$0xFFFFFFE0] =	vst v0  }
0x165: {  	[tilespmem:s1+$0xFFFFFFD0] =	vst v0;
	s31 =	simm.s32 $0x1  }
0x166: {  	_ =	swait.ge [sflag:s31], $0x1F40  }
0x167: {  	[sflag:s31] =	ssyncset.done $0x0  }
0x168: {  	[sflag:s31] =	ssyncadd.s32 $0xFFFFE0C0  }
0x169: {  	_ =	swait.ge [sflag:s31], $0x1F40  }
0x16a: {  	[sflag:s31] =	ssyncset.done $0x0  }
0x16b: {  	[sflag:s31] =	ssyncadd.s32 $0xFFFFE0C0  }
0x16c: {  	_ =	swait.ge [sflag:s31], $0x1F40  }
0x16d: {  	[sflag:s31] =	ssyncset.done $0x0  }
0x16e: {  	s4 =	simm.s32 $0x5040;
	[sflag:s31] =	ssyncadd.s32 $0xFFFFE0C0  }
0x16f: {  	v0 =	vld [tilespmem:s4+$0x30]  }
0x170: {  	v1 =	vld [tilespmem:s4+$0xFFFFFFD0]  }
0x171: {  	v2 =	vld [tilespmem:s4+$0xFFFFFFE0]  }
0x172: {  	v3 =	vld [tilespmem:s4+$0xFFFFFFF0]  }
0x173: {  	v4 =	vld [tilespmem:s4+$0x0]  }
0x174: {  	s1 =	simm.s32 $0x6FC0;
	v5 =	vld [tilespmem:s4+$0x10]  }
0x175: {  	s3 =	simm.s32 $0x8F40;
	v6 =	vld [tilespmem:s1+$0x30]  }
0x176: {  	v7 =	vld [tilespmem:s3+$0x30]  }
0x177: {  	v8 =	vld [tilespmem:s4+$0xFFFFFFC0]  }
0x178: {  	v9 =	vld [tilespmem:s4+$0x20]  }
0x179: {  	v57 =	vld [tilespmem:s1+$0xFFFFFFC0]  }
0x17a: {  	v58 =	vld [tilespmem:s3+$0xFFFFFFC0]  }
0x17b: {  	v59 =	vld [tilespmem:s3+$0xFFFFFFD0]  }
0x17c: {  	s2 =	simm.s32 $0x0;
	v10 =	vld [tilespmem:s3+$0xFFFFFFE0]  }
0x17d: {  	v0 =	vld.idx.msk [tilespmem:v0+s2+$0x0], $0xffff  }
0x17e: {  	v11 =	vld [tilespmem:s1+$0xFFFFFFD0]  }
0x17f: {  	v12 =	vld [tilespmem:s3+$0xFFFFFFF0]  }
0x180: {  	v13 =	vld [tilespmem:s3+$0x0]  }
0x181: {  	v60 =	vld [tilespmem:s1+$0xFFFFFFE0]  }
0x182: {  	v61 =	vld [tilespmem:s1+$0x0];
	v0 =	vmul.f32 v0, v7  }
0x183: {  	s4 =	simm.s32 $0x2800;
	v62 =	vld [tilespmem:s1+$0x10]  }
0x184: {  	[tilespmem:v6+s4+$0x0] =	vst.idx.add.f32.msk $0xffff, v0  }
0x185: {  	v0 =	vld.idx.msk [tilespmem:v8+s2+$0x0], $0xffff  }
0x186: {  	v63 =	vld [tilespmem:s3+$0x10]  }
0x187: {  	v14 =	vld [tilespmem:s3+$0x20]  }
0x188: {  	v1 =	vld.idx.msk [tilespmem:v1+s2+$0x0], $0xffff  }
0x189: {  	v2 =	vld.idx.msk [tilespmem:v2+s2+$0x0], $0xffff  }
0x18a: {  	v4 =	vld.idx.msk [tilespmem:v4+s2+$0x0], $0xffff;
	v0 =	vmul.f32 v0, v58  }
0x18b: {  	v5 =	vld.idx.msk [tilespmem:v5+s2+$0x0], $0xffff  }
0x18c: {  	[tilespmem:v57+s4+$0x0] =	vst.idx.add.f32.msk $0xffff, v0  }
0x18d: {  	v0 =	vld [tilespmem:s1+$0xFFFFFFF0]  }
0x18e: {  	v3 =	vld.idx.msk [tilespmem:v3+s2+$0x0], $0xffff;
	v1 =	vmul.f32 v1, v59  }
0x18f: {  	v9 =	vld.idx.msk [tilespmem:v9+s2+$0x0], $0xffff  }
0x190: {  	v2 =	vmul.f32 v2, v10;
	[tilespmem:v11+s4+$0x0] =	vst.idx.add.f32.msk $0xffff, v1  }
0x191: {  	v4 =	vmul.f32 v4, v13;
	v1 =	vld [tilespmem:s1+$0x20]  }
0x192: {  	[tilespmem:v60+s4+$0x0] =	vst.idx.add.f32.msk $0xffff, v2;
	v2 =	vmul.f32 v5, v63  }
0x193: {  	v3 =	vmul.f32 v3, v12;
	[tilespmem:v61+s4+$0x0] =	vst.idx.add.f32.msk $0xffff, v4  }
0x194: {  	[tilespmem:v62+s4+$0x0] =	vst.idx.add.f32.msk $0xffff, v2  }
0x195: {  	s5 =	simm.s32 $0x0;
	s6 =	simm.s32 $0x50C0;
	[tilespmem:v0+s4+$0x0] =	vst.idx.add.f32.msk $0xffff, v3;
	v0 =	vmul.f32 v9, v14  }
.LBB2_3:
0x196: {  	v2 =	vld [tilespmem:s6+$0x30];
	s5 =	sadd.s32 $0x80, s5  }
0x197: {  	v3 =	vld [tilespmem:s6+$0xFFFFFFD0];
	p0 =	slt.u32 s5, $0x1E80  }
0x198: {  	v4 =	vld [tilespmem:s6+$0xFFFFFFE0]  }
0x199: {  	v5 =	vld [tilespmem:s6+$0xFFFFFFF0]  }
0x19a: {  	v6 =	vld [tilespmem:s6+$0x0]  }
0x19b: {  	v7 =	vld [tilespmem:s6+$0x10]  }
0x19c: {  	s1 =	sadd.s32 $0x80, s1;
	v8 =	vld [tilespmem:s6+$0x20]  }
0x19d: {  	v9 =	vld [tilespmem:s1+$0x30]  }
0x19e: {  	s3 =	sadd.s32 $0x80, s3;
	v2 =	vld.idx.msk [tilespmem:v2+s2+$0x0], $0xffff  }
0x19f: {  	v10 =	vld [tilespmem:s3+$0x30]  }
0x1a0: {  	v11 =	vld [tilespmem:s6+$0xFFFFFFC0]  }
0x1a1: {  	v3 =	vld.idx.msk [tilespmem:v3+s2+$0x0], $0xffff  }
0x1a2: {  	v4 =	vld.idx.msk [tilespmem:v4+s2+$0x0], $0xffff  }
0x1a3: {  	v5 =	vld.idx.msk [tilespmem:v5+s2+$0x0], $0xffff  }
0x1a4: {  	v6 =	vld.idx.msk [tilespmem:v6+s2+$0x0], $0xffff;
	v2 =	vmul.f32 v2, v10  }
0x1a5: {  	v7 =	vld.idx.msk [tilespmem:v7+s2+$0x0], $0xffff  }
0x1a6: {  	[tilespmem:v9+s4+$0x0] =	vst.idx.add.f32.msk $0xffff, v2  }
0x1a7: {  	v2 =	vld.idx.msk [tilespmem:v8+s2+$0x0], $0xffff  }
0x1a8: {  	v8 =	vld.idx.msk [tilespmem:v11+s2+$0x0], $0xffff  }
0x1a9: {  	v9 =	vld [tilespmem:s3+$0xFFFFFFC0]  }
0x1aa: {  	v10 =	vld [tilespmem:s3+$0xFFFFFFD0]  }
0x1ab: {  	v11 =	vld [tilespmem:s3+$0xFFFFFFE0]  }
0x1ac: {  	v12 =	vld [tilespmem:s3+$0xFFFFFFF0]  }
0x1ad: {  	v13 =	vld [tilespmem:s3+$0x0]  }
0x1ae: {  	v8 =	vmul.f32 v8, v9;
	v9 =	vld [tilespmem:s3+$0x10]  }
0x1af: {  	v3 =	vmul.f32 v3, v10;
	v10 =	vld [tilespmem:s3+$0x20]  }
0x1b0: {  	v14 =	vld [tilespmem:s1+$0xFFFFFFC0];
	v4 =	vmul.f32 v4, v11  }
0x1b1: {  	v11 =	vld [tilespmem:s1+$0xFFFFFFD0];
	v5 =	vmul.f32 v5, v12  }
0x1b2: {  	v12 =	vld [tilespmem:s1+$0xFFFFFFE0];
	v6 =	vmul.f32 v6, v13  }
0x1b3: {  	v13 =	vld [tilespmem:s1+$0xFFFFFFF0];
	v7 =	vmul.f32 v7, v9  }
0x1b4: {  	v9 =	vld [tilespmem:s1+$0x0];
	v2 =	vmul.f32 v2, v10  }
0x1b5: {  	v10 =	vld [tilespmem:s1+$0x10]  }
0x1b6: {  	v15 =	vld [tilespmem:s1+$0x20]  }
0x1b7: {  	[tilespmem:v1+s4+$0x0] =	vst.idx.add.f32.msk $0xffff, v0;
	v0 =	vmov v2  }
0x1b8: {  	[tilespmem:v14+s4+$0x0] =	vst.idx.add.f32.msk $0xffff, v8  }
.Ltmp1:
0x1b9: {  	[tilespmem:v11+s4+$0x0] =	vst.idx.add.f32.msk $0xffff, v3;
	(pc) =	sbr.rel @p0 .LBB2_3-.Ltmp1, $4  }
0x1ba: {  	[tilespmem:v12+s4+$0x0] =	vst.idx.add.f32.msk $0xffff, v4  }
0x1bb: {  	[tilespmem:v13+s4+$0x0] =	vst.idx.add.f32.msk $0xffff, v5;
	v1 =	vmov v15  }
0x1bc: {  	[tilespmem:v9+s4+$0x0] =	vst.idx.add.f32.msk $0xffff, v6  }
0x1bd: {  	s6 =	sadd.s32 $0x80, s6;
	[tilespmem:v10+s4+$0x0] =	vst.idx.add.f32.msk $0xffff, v7  }
0x1be: {  	_ =	sdelay $0x2  }
0x1bf: {  	s1 =	simm.s32 $0x1EF0;
	s2 =	simm.s32 $0xAE00;
	s3 =	simm.s32 $0x8E80  }
0x1c0: {  	[tilespmem:v1+s4+$0x0] =	vst.idx.add.f32.msk $0xffff, v0;
	s4 =	simm.s32 $0x6F00;
	s5 =	simm.s32 $0x0;
	s6 =	simm.s32 $0x2800  }
.LBB2_5:
0x1c1: {  	v0 =	vld [tilespmem:s4+$0x0];
	_ =	sdelay $0x5  }
0x1c2: {  	v1 =	vld [tilespmem:s3+$0x0]  }
0x1c3: {  	v2 =	vld [tilespmem:s2+$0x0]  }
0x1c4: {  	v0 =	vld.idx.msk [tilespmem:v0+s5+$0x0], $0xffff  }
0x1c5: {  	s1 =	sadd.s32 $0x10, s1  }
0x1c6: {  	p0 =	slt.u32 s1, $0x1F30  }
.Ltmp2:
0x1c7: {  	_ = 	snop;
	(pc) =	sbr.rel @p0 .LBB2_5-.Ltmp2, $3  }
0x1c8: {  	_ = 	snop  }
0x1c9: {  	v0 =	vmul.f32 v0, v2;
	_ =	sdelay $0x1  }
0x1ca: {  	s2 =	sadd.s32 $0x10, s2;
	s3 =	sadd.s32 $0x10, s3;
	s4 =	sadd.s32 $0x10, s4;
	[tilespmem:v1+s6+$0x0] =	vst.idx.add.f32.msk $0xffff, v0  }
0x1cb: {  	s2 =	sadd.s32 $0x7D0, s14  }
0x1cc: {  	s1 =	simm.s32 $0x0;
	s3 =	simm.s32 $0x5000;
	s4 =	sadd.s32 s12, s2  }
0x1cd: {  	[tilespmem:s3], [sflag:$0x1] =	stream.linear.gather [hbm4b:s4+s1], $0x1F40, $0x38;
	[tilespmem:$0x13F00] =	vst v63  }
0x1ce: {  	s28 =	simm.s32 $0x6F80;
	s29 =	simm.s32 $0x8F00;
	s7 =	sadd.s32 s13, s2  }
0x1cf: {  	[tilespmem:s28], [sflag:$0x1] =	stream.linear.gather [hbm4b:s7+s1], $0x1F40, $0x38;
	[tilespmem:$0x13F00] =	vst v63  }
0x1d0: {  	s30 =	simm.s32 $0x2;
	s8 =	sadd.s32 s0, s2;
	[dreg:$0x8] =	wrdreg s4  }
0x1d1: {  	[tilespmem:s29], [sflag:$0x1] =	stream.linear.gather [hbm4b:s8+s1], $0x1F40, $0x38;
	[tilespmem:$0x13F00] =	vst v63  }
0x1d2: {  	_ =	swait.ge [sflag:s30], $0x1F40  }
0x1d3: {  	[sflag:s30] =	ssyncset.done $0x0  }
0x1d4: {  	[sflag:s30] =	ssyncadd.s32 $0xFFFFE0C0  }
0x1d5: {  	_ =	swait.ge [sflag:s30], $0x1F40  }
0x1d6: {  	[sflag:s30] =	ssyncset.done $0x0  }
0x1d7: {  	[sflag:s30] =	ssyncadd.s32 $0xFFFFE0C0  }
0x1d8: {  	_ =	swait.ge [sflag:s30], $0x1F40  }
0x1d9: {  	[sflag:s30] =	ssyncset.done $0x0  }
0x1da: {  	s31 =	simm.s32 $0xAEC0;
	[sflag:s30] =	ssyncadd.s32 $0xFFFFE0C0  }
0x1db: {  	v0 =	vld [tilespmem:s31+$0x30]  }
0x1dc: {  	v1 =	vld [tilespmem:s31+$0xFFFFFFD0]  }
0x1dd: {  	v2 =	vld [tilespmem:s31+$0xFFFFFFE0]  }
0x1de: {  	v3 =	vld [tilespmem:s31+$0xFFFFFFF0]  }
0x1df: {  	v4 =	vld [tilespmem:s31+$0x0]  }
0x1e0: {  	s2 =	simm.s32 $0xCE40;
	v5 =	vld [tilespmem:s31+$0x10]  }
0x1e1: {  	s3 =	simm.s32 $0xEDC0;
	v6 =	vld [tilespmem:s2+$0x30]  }
0x1e2: {  	v7 =	vld [tilespmem:s3+$0x30]  }
0x1e3: {  	v8 =	vld [tilespmem:s31+$0xFFFFFFC0]  }
0x1e4: {  	v9 =	vld [tilespmem:s31+$0x20]  }
0x1e5: {  	v57 =	vld [tilespmem:s2+$0xFFFFFFC0]  }
0x1e6: {  	v58 =	vld [tilespmem:s3+$0xFFFFFFC0]  }
0x1e7: {  	v59 =	vld [tilespmem:s3+$0xFFFFFFD0]  }
0x1e8: {  	v10 =	vld [tilespmem:s3+$0xFFFFFFE0]  }
0x1e9: {  	v0 =	vld.idx.msk [tilespmem:v0+s1+$0x0], $0xffff  }
0x1ea: {  	v11 =	vld [tilespmem:s2+$0xFFFFFFD0]  }
0x1eb: {  	v12 =	vld [tilespmem:s3+$0xFFFFFFF0]  }
0x1ec: {  	v13 =	vld [tilespmem:s3+$0x0]  }
0x1ed: {  	v60 =	vld [tilespmem:s2+$0xFFFFFFE0]  }
0x1ee: {  	v61 =	vld [tilespmem:s2+$0x0];
	v0 =	vmul.f32 v0, v7  }
0x1ef: {  	s4 =	simm.s32 $0x2800;
	v62 =	vld [tilespmem:s2+$0x10]  }
0x1f0: {  	[tilespmem:v6+s4+$0x0] =	vst.idx.add.f32.msk $0xffff, v0  }
0x1f1: {  	v0 =	vld.idx.msk [tilespmem:v8+s1+$0x0], $0xffff  }
0x1f2: {  	v63 =	vld [tilespmem:s3+$0x10]  }
0x1f3: {  	v14 =	vld [tilespmem:s3+$0x20]  }
0x1f4: {  	v1 =	vld.idx.msk [tilespmem:v1+s1+$0x0], $0xffff  }
0x1f5: {  	v2 =	vld.idx.msk [tilespmem:v2+s1+$0x0], $0xffff  }
0x1f6: {  	v4 =	vld.idx.msk [tilespmem:v4+s1+$0x0], $0xffff;
	v0 =	vmul.f32 v0, v58  }
0x1f7: {  	v5 =	vld.idx.msk [tilespmem:v5+s1+$0x0], $0xffff  }
0x1f8: {  	[tilespmem:v57+s4+$0x0] =	vst.idx.add.f32.msk $0xffff, v0  }
0x1f9: {  	v0 =	vld [tilespmem:s2+$0xFFFFFFF0]  }
0x1fa: {  	v3 =	vld.idx.msk [tilespmem:v3+s1+$0x0], $0xffff;
	v1 =	vmul.f32 v1, v59  }
0x1fb: {  	v9 =	vld.idx.msk [tilespmem:v9+s1+$0x0], $0xffff  }
0x1fc: {  	v2 =	vmul.f32 v2, v10;
	[tilespmem:v11+s4+$0x0] =	vst.idx.add.f32.msk $0xffff, v1  }
0x1fd: {  	v4 =	vmul.f32 v4, v13;
	v1 =	vld [tilespmem:s2+$0x20]  }
0x1fe: {  	[tilespmem:v60+s4+$0x0] =	vst.idx.add.f32.msk $0xffff, v2;
	v2 =	vmul.f32 v5, v63  }
0x1ff: {  	v3 =	vmul.f32 v3, v12;
	[tilespmem:v61+s4+$0x0] =	vst.idx.add.f32.msk $0xffff, v4  }
0x200: {  	[tilespmem:v62+s4+$0x0] =	vst.idx.add.f32.msk $0xffff, v2  }
0x201: {  	s5 =	simm.s32 $0x0;
	s9 =	simm.s32 $0xAF40;
	[tilespmem:v0+s4+$0x0] =	vst.idx.add.f32.msk $0xffff, v3;
	v0 =	vmul.f32 v9, v14  }
.LBB2_7:
0x202: {  	v2 =	vld [tilespmem:s9+$0x30];
	s5 =	sadd.s32 $0x80, s5  }
0x203: {  	v3 =	vld [tilespmem:s9+$0xFFFFFFD0];
	p0 =	slt.u32 s5, $0x1E80  }
0x204: {  	v4 =	vld [tilespmem:s9+$0xFFFFFFE0]  }
0x205: {  	v5 =	vld [tilespmem:s9+$0xFFFFFFF0]  }
0x206: {  	v6 =	vld [tilespmem:s9+$0x0]  }
0x207: {  	v7 =	vld [tilespmem:s9+$0x10]  }
0x208: {  	s2 =	sadd.s32 $0x80, s2;
	v8 =	vld [tilespmem:s9+$0x20]  }
0x209: {  	v9 =	vld [tilespmem:s2+$0x30]  }
0x20a: {  	s3 =	sadd.s32 $0x80, s3;
	v2 =	vld.idx.msk [tilespmem:v2+s1+$0x0], $0xffff  }
0x20b: {  	v10 =	vld [tilespmem:s3+$0x30]  }
0x20c: {  	v11 =	vld [tilespmem:s9+$0xFFFFFFC0]  }
0x20d: {  	v3 =	vld.idx.msk [tilespmem:v3+s1+$0x0], $0xffff  }
0x20e: {  	v4 =	vld.idx.msk [tilespmem:v4+s1+$0x0], $0xffff  }
0x20f: {  	v5 =	vld.idx.msk [tilespmem:v5+s1+$0x0], $0xffff  }
0x210: {  	v6 =	vld.idx.msk [tilespmem:v6+s1+$0x0], $0xffff;
	v2 =	vmul.f32 v2, v10  }
0x211: {  	v7 =	vld.idx.msk [tilespmem:v7+s1+$0x0], $0xffff  }
0x212: {  	[tilespmem:v9+s4+$0x0] =	vst.idx.add.f32.msk $0xffff, v2  }
0x213: {  	v2 =	vld.idx.msk [tilespmem:v8+s1+$0x0], $0xffff  }
0x214: {  	v8 =	vld.idx.msk [tilespmem:v11+s1+$0x0], $0xffff  }
0x215: {  	v9 =	vld [tilespmem:s3+$0xFFFFFFC0]  }
0x216: {  	v10 =	vld [tilespmem:s3+$0xFFFFFFD0]  }
0x217: {  	v11 =	vld [tilespmem:s3+$0xFFFFFFE0]  }
0x218: {  	v12 =	vld [tilespmem:s3+$0xFFFFFFF0]  }
0x219: {  	v13 =	vld [tilespmem:s3+$0x0]  }
0x21a: {  	v8 =	vmul.f32 v8, v9;
	v9 =	vld [tilespmem:s3+$0x10]  }
0x21b: {  	v3 =	vmul.f32 v3, v10;
	v10 =	vld [tilespmem:s3+$0x20]  }
0x21c: {  	v14 =	vld [tilespmem:s2+$0xFFFFFFC0];
	v4 =	vmul.f32 v4, v11  }
0x21d: {  	v11 =	vld [tilespmem:s2+$0xFFFFFFD0];
	v5 =	vmul.f32 v5, v12  }
0x21e: {  	v12 =	vld [tilespmem:s2+$0xFFFFFFE0];
	v6 =	vmul.f32 v6, v13  }
0x21f: {  	v13 =	vld [tilespmem:s2+$0xFFFFFFF0];
	v7 =	vmul.f32 v7, v9  }
0x220: {  	v9 =	vld [tilespmem:s2+$0x0];
	v2 =	vmul.f32 v2, v10  }
0x221: {  	v10 =	vld [tilespmem:s2+$0x10]  }
0x222: {  	v15 =	vld [tilespmem:s2+$0x20]  }
0x223: {  	[tilespmem:v1+s4+$0x0] =	vst.idx.add.f32.msk $0xffff, v0;
	v0 =	vmov v2  }
0x224: {  	[tilespmem:v14+s4+$0x0] =	vst.idx.add.f32.msk $0xffff, v8  }
.Ltmp3:
0x225: {  	[tilespmem:v11+s4+$0x0] =	vst.idx.add.f32.msk $0xffff, v3;
	(pc) =	sbr.rel @p0 .LBB2_7-.Ltmp3, $4  }
0x226: {  	[tilespmem:v12+s4+$0x0] =	vst.idx.add.f32.msk $0xffff, v4  }
0x227: {  	[tilespmem:v13+s4+$0x0] =	vst.idx.add.f32.msk $0xffff, v5;
	v1 =	vmov v15  }
0x228: {  	[tilespmem:v9+s4+$0x0] =	vst.idx.add.f32.msk $0xffff, v6  }
0x229: {  	s9 =	sadd.s32 $0x80, s9;
	[tilespmem:v10+s4+$0x0] =	vst.idx.add.f32.msk $0xffff, v7  }
0x22a: {  	_ =	sdelay $0x2  }
0x22b: {  	s1 =	simm.s32 $0x1EF0;
	s2 =	simm.s32 $0x10C80;
	s3 =	simm.s32 $0xED00  }
0x22c: {  	[tilespmem:v1+s4+$0x0] =	vst.idx.add.f32.msk $0xffff, v0;
	s4 =	simm.s32 $0xCD80;
	s5 =	simm.s32 $0x0;
	s6 =	simm.s32 $0x2800  }
.LBB2_9:
0x22d: {  	v0 =	vld [tilespmem:s4+$0x0];
	_ =	sdelay $0x5  }
0x22e: {  	v1 =	vld [tilespmem:s3+$0x0]  }
0x22f: {  	v2 =	vld [tilespmem:s2+$0x0]  }
0x230: {  	v0 =	vld.idx.msk [tilespmem:v0+s5+$0x0], $0xffff  }
0x231: {  	s1 =	sadd.s32 $0x10, s1  }
0x232: {  	p0 =	slt.u32 s1, $0x1F30  }
.Ltmp4:
0x233: {  	_ = 	snop;
	(pc) =	sbr.rel @p0 .LBB2_9-.Ltmp4, $3  }
0x234: {  	_ = 	snop  }
0x235: {  	v0 =	vmul.f32 v0, v2;
	_ =	sdelay $0x1  }
0x236: {  	s2 =	sadd.s32 $0x10, s2;
	s3 =	sadd.s32 $0x10, s3;
	s4 =	sadd.s32 $0x10, s4;
	[tilespmem:v1+s6+$0x0] =	vst.idx.add.f32.msk $0xffff, v0  }
0x237: {  	s2 =	sadd.s32 $0xBB8, s14  }
0x238: {  	s1 =	simm.s32 $0x0;
	s3 =	simm.s32 $0xAE80;
	s9 =	sadd.s32 s12, s2  }
0x239: {  	[tilespmem:s3], [sflag:$0x2] =	stream.linear.gather [hbm4b:s9+s1], $0x1F40, $0x38;
	[tilespmem:$0x13F00] =	vst v63  }
0x23a: {  	s29 =	simm.s32 $0xCE00;
	s10 =	sadd.s32 s13, s2  }
0x23b: {  	[tilespmem:s29], [sflag:$0x2] =	stream.linear.gather [hbm4b:s10+s1], $0x1F40, $0x38;
	[tilespmem:$0x13F00] =	vst v63  }
0x23c: {  	s30 =	simm.s32 $0xED80;
	s31 =	simm.s32 $0x1;
	s11 =	sadd.s32 s0, s2  }
0x23d: {  	[tilespmem:s30], [sflag:$0x2] =	stream.linear.gather [hbm4b:s11+s1], $0x1F40, $0x38;
	[tilespmem:$0x13F00] =	vst v63  }
0x23e: {  	_ =	swait.ge [sflag:s31], $0x1F40  }
0x23f: {  	[sflag:s31] =	ssyncset.done $0x0  }
0x240: {  	[sflag:s31] =	ssyncadd.s32 $0xFFFFE0C0  }
0x241: {  	_ =	swait.ge [sflag:s31], $0x1F40  }
0x242: {  	[sflag:s31] =	ssyncset.done $0x0  }
0x243: {  	[sflag:s31] =	ssyncadd.s32 $0xFFFFE0C0  }
0x244: {  	_ =	swait.ge [sflag:s31], $0x1F40  }
0x245: {  	[sflag:s31] =	ssyncset.done $0x0  }
0x246: {  	s4 =	simm.s32 $0x5040;
	[sflag:s31] =	ssyncadd.s32 $0xFFFFE0C0  }
0x247: {  	v0 =	vld [tilespmem:s4+$0x30]  }
0x248: {  	v1 =	vld [tilespmem:s4+$0xFFFFFFD0]  }
0x249: {  	v2 =	vld [tilespmem:s4+$0xFFFFFFE0]  }
0x24a: {  	v3 =	vld [tilespmem:s4+$0xFFFFFFF0]  }
0x24b: {  	v4 =	vld [tilespmem:s4+$0x0]  }
0x24c: {  	s2 =	simm.s32 $0x6FC0;
	v5 =	vld [tilespmem:s4+$0x10]  }
0x24d: {  	s3 =	simm.s32 $0x8F40;
	v6 =	vld [tilespmem:s2+$0x30]  }
0x24e: {  	v7 =	vld [tilespmem:s3+$0x30]  }
0x24f: {  	v8 =	vld [tilespmem:s4+$0xFFFFFFC0]  }
0x250: {  	v9 =	vld [tilespmem:s4+$0x20]  }
0x251: {  	v57 =	vld [tilespmem:s2+$0xFFFFFFC0]  }
0x252: {  	v58 =	vld [tilespmem:s3+$0xFFFFFFC0]  }
0x253: {  	v59 =	vld [tilespmem:s3+$0xFFFFFFD0]  }
0x254: {  	v10 =	vld [tilespmem:s3+$0xFFFFFFE0]  }
0x255: {  	v0 =	vld.idx.msk [tilespmem:v0+s1+$0x0], $0xffff  }
0x256: {  	v11 =	vld [tilespmem:s2+$0xFFFFFFD0]  }
0x257: {  	v12 =	vld [tilespmem:s3+$0xFFFFFFF0]  }
0x258: {  	v13 =	vld [tilespmem:s3+$0x0]  }
0x259: {  	v60 =	vld [tilespmem:s2+$0xFFFFFFE0]  }
0x25a: {  	v61 =	vld [tilespmem:s2+$0x0];
	v0 =	vmul.f32 v0, v7  }
0x25b: {  	s4 =	simm.s32 $0x2800;
	v62 =	vld [tilespmem:s2+$0x10]  }
0x25c: {  	[tilespmem:v6+s4+$0x0] =	vst.idx.add.f32.msk $0xffff, v0  }
0x25d: {  	v0 =	vld.idx.msk [tilespmem:v8+s1+$0x0], $0xffff  }
0x25e: {  	v63 =	vld [tilespmem:s3+$0x10]  }
0x25f: {  	v14 =	vld [tilespmem:s3+$0x20]  }
0x260: {  	v1 =	vld.idx.msk [tilespmem:v1+s1+$0x0], $0xffff  }
0x261: {  	v2 =	vld.idx.msk [tilespmem:v2+s1+$0x0], $0xffff  }
0x262: {  	v4 =	vld.idx.msk [tilespmem:v4+s1+$0x0], $0xffff;
	v0 =	vmul.f32 v0, v58  }
0x263: {  	v5 =	vld.idx.msk [tilespmem:v5+s1+$0x0], $0xffff  }
0x264: {  	[tilespmem:v57+s4+$0x0] =	vst.idx.add.f32.msk $0xffff, v0  }
0x265: {  	v0 =	vld [tilespmem:s2+$0xFFFFFFF0]  }
0x266: {  	v3 =	vld.idx.msk [tilespmem:v3+s1+$0x0], $0xffff;
	v1 =	vmul.f32 v1, v59  }
0x267: {  	v9 =	vld.idx.msk [tilespmem:v9+s1+$0x0], $0xffff  }
0x268: {  	v2 =	vmul.f32 v2, v10;
	[tilespmem:v11+s4+$0x0] =	vst.idx.add.f32.msk $0xffff, v1  }
0x269: {  	v4 =	vmul.f32 v4, v13;
	v1 =	vld [tilespmem:s2+$0x20]  }
0x26a: {  	[tilespmem:v60+s4+$0x0] =	vst.idx.add.f32.msk $0xffff, v2;
	v2 =	vmul.f32 v5, v63  }
0x26b: {  	v3 =	vmul.f32 v3, v12;
	[tilespmem:v61+s4+$0x0] =	vst.idx.add.f32.msk $0xffff, v4  }
0x26c: {  	[tilespmem:v62+s4+$0x0] =	vst.idx.add.f32.msk $0xffff, v2  }
0x26d: {  	s5 =	simm.s32 $0x0;
	s22 =	simm.s32 $0x50C0;
	[tilespmem:v0+s4+$0x0] =	vst.idx.add.f32.msk $0xffff, v3;
	v0 =	vmul.f32 v9, v14  }
.LBB2_11:
0x26e: {  	v2 =	vld [tilespmem:s22+$0x30];
	s5 =	sadd.s32 $0x80, s5  }
0x26f: {  	v3 =	vld [tilespmem:s22+$0xFFFFFFD0];
	p0 =	slt.u32 s5, $0x1E80  }
0x270: {  	v4 =	vld [tilespmem:s22+$0xFFFFFFE0]  }
0x271: {  	v5 =	vld [tilespmem:s22+$0xFFFFFFF0]  }
0x272: {  	v6 =	vld [tilespmem:s22+$0x0]  }
0x273: {  	v7 =	vld [tilespmem:s22+$0x10]  }
0x274: {  	s2 =	sadd.s32 $0x80, s2;
	v8 =	vld [tilespmem:s22+$0x20]  }
0x275: {  	v9 =	vld [tilespmem:s2+$0x30]  }
0x276: {  	s3 =	sadd.s32 $0x80, s3;
	v2 =	vld.idx.msk [tilespmem:v2+s1+$0x0], $0xffff  }
0x277: {  	v10 =	vld [tilespmem:s3+$0x30]  }
0x278: {  	v11 =	vld [tilespmem:s22+$0xFFFFFFC0]  }
0x279: {  	v3 =	vld.idx.msk [tilespmem:v3+s1+$0x0], $0xffff  }
0x27a: {  	v4 =	vld.idx.msk [tilespmem:v4+s1+$0x0], $0xffff  }
0x27b: {  	v5 =	vld.idx.msk [tilespmem:v5+s1+$0x0], $0xffff  }
0x27c: {  	v6 =	vld.idx.msk [tilespmem:v6+s1+$0x0], $0xffff;
	v2 =	vmul.f32 v2, v10  }
0x27d: {  	v7 =	vld.idx.msk [tilespmem:v7+s1+$0x0], $0xffff  }
0x27e: {  	[tilespmem:v9+s4+$0x0] =	vst.idx.add.f32.msk $0xffff, v2  }
0x27f: {  	v2 =	vld.idx.msk [tilespmem:v8+s1+$0x0], $0xffff  }
0x280: {  	v8 =	vld.idx.msk [tilespmem:v11+s1+$0x0], $0xffff  }
0x281: {  	v9 =	vld [tilespmem:s3+$0xFFFFFFC0]  }
0x282: {  	v10 =	vld [tilespmem:s3+$0xFFFFFFD0]  }
0x283: {  	v11 =	vld [tilespmem:s3+$0xFFFFFFE0]  }
0x284: {  	v12 =	vld [tilespmem:s3+$0xFFFFFFF0]  }
0x285: {  	v13 =	vld [tilespmem:s3+$0x0]  }
0x286: {  	v8 =	vmul.f32 v8, v9;
	v9 =	vld [tilespmem:s3+$0x10]  }
0x287: {  	v3 =	vmul.f32 v3, v10;
	v10 =	vld [tilespmem:s3+$0x20]  }
0x288: {  	v14 =	vld [tilespmem:s2+$0xFFFFFFC0];
	v4 =	vmul.f32 v4, v11  }
0x289: {  	v11 =	vld [tilespmem:s2+$0xFFFFFFD0];
	v5 =	vmul.f32 v5, v12  }
0x28a: {  	v12 =	vld [tilespmem:s2+$0xFFFFFFE0];
	v6 =	vmul.f32 v6, v13  }
0x28b: {  	v13 =	vld [tilespmem:s2+$0xFFFFFFF0];
	v7 =	vmul.f32 v7, v9  }
0x28c: {  	v9 =	vld [tilespmem:s2+$0x0];
	v2 =	vmul.f32 v2, v10  }
0x28d: {  	v10 =	vld [tilespmem:s2+$0x10]  }
0x28e: {  	v15 =	vld [tilespmem:s2+$0x20]  }
0x28f: {  	[tilespmem:v1+s4+$0x0] =	vst.idx.add.f32.msk $0xffff, v0;
	v0 =	vmov v2  }
0x290: {  	[tilespmem:v14+s4+$0x0] =	vst.idx.add.f32.msk $0xffff, v8  }
.Ltmp5:
0x291: {  	[tilespmem:v11+s4+$0x0] =	vst.idx.add.f32.msk $0xffff, v3;
	(pc) =	sbr.rel @p0 .LBB2_11-.Ltmp5, $4  }
0x292: {  	[tilespmem:v12+s4+$0x0] =	vst.idx.add.f32.msk $0xffff, v4  }
0x293: {  	[tilespmem:v13+s4+$0x0] =	vst.idx.add.f32.msk $0xffff, v5;
	v1 =	vmov v15  }
0x294: {  	[tilespmem:v9+s4+$0x0] =	vst.idx.add.f32.msk $0xffff, v6  }
0x295: {  	s22 =	sadd.s32 $0x80, s22;
	[tilespmem:v10+s4+$0x0] =	vst.idx.add.f32.msk $0xffff, v7  }
0x296: {  	_ =	sdelay $0x2  }
0x297: {  	s1 =	simm.s32 $0x1EF0;
	s2 =	simm.s32 $0xAE00;
	s3 =	simm.s32 $0x8E80  }
0x298: {  	[tilespmem:v1+s4+$0x0] =	vst.idx.add.f32.msk $0xffff, v0;
	s4 =	simm.s32 $0x6F00;
	s5 =	simm.s32 $0x0;
	s6 =	simm.s32 $0x2800  }
.LBB2_13:
0x299: {  	v0 =	vld [tilespmem:s4+$0x0];
	_ =	sdelay $0x5  }
0x29a: {  	v1 =	vld [tilespmem:s3+$0x0]  }
0x29b: {  	v2 =	vld [tilespmem:s2+$0x0]  }
0x29c: {  	v0 =	vld.idx.msk [tilespmem:v0+s5+$0x0], $0xffff  }
0x29d: {  	s1 =	sadd.s32 $0x10, s1  }
0x29e: {  	p0 =	slt.u32 s1, $0x1F30  }
.Ltmp6:
0x29f: {  	_ = 	snop;
	(pc) =	sbr.rel @p0 .LBB2_13-.Ltmp6, $3  }
0x2a0: {  	_ = 	snop  }
0x2a1: {  	v0 =	vmul.f32 v0, v2;
	_ =	sdelay $0x1  }
0x2a2: {  	s2 =	sadd.s32 $0x10, s2;
	s3 =	sadd.s32 $0x10, s3;
	s4 =	sadd.s32 $0x10, s4;
	[tilespmem:v1+s6+$0x0] =	vst.idx.add.f32.msk $0xffff, v0  }
0x2a3: {  	s2 =	sadd.s32 $0xFA0, s14  }
0x2a4: {  	s1 =	simm.s32 $0x0;
	s3 =	simm.s32 $0x5000;
	s12 =	sadd.s32 s12, s2  }
0x2a5: {  	[tilespmem:s3], [sflag:$0x1] =	stream.linear.gather [hbm4b:s12+s1], $0x1F40, $0x38;
	[tilespmem:$0x13F00] =	vst v63  }
0x2a6: {  	s28 =	simm.s32 $0x6F80;
	s13 =	sadd.s32 s13, s2  }
0x2a7: {  	[tilespmem:s28], [sflag:$0x1] =	stream.linear.gather [hbm4b:s13+s1], $0x1F40, $0x38;
	[tilespmem:$0x13F00] =	vst v63  }
0x2a8: {  	s29 =	simm.s32 $0x8F00;
	s30 =	simm.s32 $0x2;
	s14 =	sadd.s32 s0, s2  }
0x2a9: {  	[tilespmem:s29], [sflag:$0x1] =	stream.linear.gather [hbm4b:s14+s1], $0x1F40, $0x38;
	[tilespmem:$0x13F00] =	vst v63  }
0x2aa: {  	_ =	swait.ge [sflag:s30], $0x1F40  }
0x2ab: {  	[sflag:s30] =	ssyncset.done $0x0  }
0x2ac: {  	[sflag:s30] =	ssyncadd.s32 $0xFFFFE0C0  }
0x2ad: {  	_ =	swait.ge [sflag:s30], $0x1F40  }
0x2ae: {  	[sflag:s30] =	ssyncset.done $0x0  }
0x2af: {  	[sflag:s30] =	ssyncadd.s32 $0xFFFFE0C0  }
0x2b0: {  	_ =	swait.ge [sflag:s30], $0x1F40  }
0x2b1: {  	[sflag:s30] =	ssyncset.done $0x0  }
0x2b2: {  	s31 =	simm.s32 $0xAEC0;
	[sflag:s30] =	ssyncadd.s32 $0xFFFFE0C0  }
0x2b3: {  	v0 =	vld [tilespmem:s31+$0x30]  }
0x2b4: {  	v1 =	vld [tilespmem:s31+$0xFFFFFFD0]  }
0x2b5: {  	v2 =	vld [tilespmem:s31+$0xFFFFFFE0]  }
0x2b6: {  	v3 =	vld [tilespmem:s31+$0xFFFFFFF0]  }
0x2b7: {  	v4 =	vld [tilespmem:s31+$0x0]  }
0x2b8: {  	s0 =	simm.s32 $0xCE40;
	v5 =	vld [tilespmem:s31+$0x10]  }
0x2b9: {  	s2 =	simm.s32 $0xEDC0;
	v6 =	vld [tilespmem:s0+$0x30]  }
0x2ba: {  	v7 =	vld [tilespmem:s2+$0x30]  }
0x2bb: {  	v8 =	vld [tilespmem:s31+$0xFFFFFFC0]  }
0x2bc: {  	v9 =	vld [tilespmem:s31+$0x20]  }
0x2bd: {  	v57 =	vld [tilespmem:s0+$0xFFFFFFC0]  }
0x2be: {  	v58 =	vld [tilespmem:s2+$0xFFFFFFC0]  }
0x2bf: {  	v59 =	vld [tilespmem:s2+$0xFFFFFFD0]  }
0x2c0: {  	v10 =	vld [tilespmem:s2+$0xFFFFFFE0]  }
0x2c1: {  	v0 =	vld.idx.msk [tilespmem:v0+s1+$0x0], $0xffff  }
0x2c2: {  	v11 =	vld [tilespmem:s0+$0xFFFFFFD0]  }
0x2c3: {  	v12 =	vld [tilespmem:s2+$0xFFFFFFF0]  }
0x2c4: {  	v13 =	vld [tilespmem:s2+$0x0]  }
0x2c5: {  	v60 =	vld [tilespmem:s0+$0xFFFFFFE0]  }
0x2c6: {  	v61 =	vld [tilespmem:s0+$0x0];
	v0 =	vmul.f32 v0, v7  }
0x2c7: {  	s3 =	simm.s32 $0x2800;
	v62 =	vld [tilespmem:s0+$0x10]  }
0x2c8: {  	[tilespmem:v6+s3+$0x0] =	vst.idx.add.f32.msk $0xffff, v0  }
0x2c9: {  	v0 =	vld.idx.msk [tilespmem:v8+s1+$0x0], $0xffff  }
0x2ca: {  	v63 =	vld [tilespmem:s2+$0x10]  }
0x2cb: {  	v14 =	vld [tilespmem:s2+$0x20]  }
0x2cc: {  	v1 =	vld.idx.msk [tilespmem:v1+s1+$0x0], $0xffff  }
0x2cd: {  	v2 =	vld.idx.msk [tilespmem:v2+s1+$0x0], $0xffff  }
0x2ce: {  	v4 =	vld.idx.msk [tilespmem:v4+s1+$0x0], $0xffff;
	v0 =	vmul.f32 v0, v58  }
0x2cf: {  	v5 =	vld.idx.msk [tilespmem:v5+s1+$0x0], $0xffff  }
0x2d0: {  	[tilespmem:v57+s3+$0x0] =	vst.idx.add.f32.msk $0xffff, v0  }
0x2d1: {  	v0 =	vld [tilespmem:s0+$0xFFFFFFF0]  }
0x2d2: {  	v3 =	vld.idx.msk [tilespmem:v3+s1+$0x0], $0xffff;
	v1 =	vmul.f32 v1, v59  }
0x2d3: {  	v9 =	vld.idx.msk [tilespmem:v9+s1+$0x0], $0xffff  }
0x2d4: {  	v2 =	vmul.f32 v2, v10;
	[tilespmem:v11+s3+$0x0] =	vst.idx.add.f32.msk $0xffff, v1  }
0x2d5: {  	v4 =	vmul.f32 v4, v13;
	v1 =	vld [tilespmem:s0+$0x20]  }
0x2d6: {  	[tilespmem:v60+s3+$0x0] =	vst.idx.add.f32.msk $0xffff, v2;
	v2 =	vmul.f32 v5, v63  }
0x2d7: {  	v3 =	vmul.f32 v3, v12;
	[tilespmem:v61+s3+$0x0] =	vst.idx.add.f32.msk $0xffff, v4  }
0x2d8: {  	[tilespmem:v62+s3+$0x0] =	vst.idx.add.f32.msk $0xffff, v2  }
0x2d9: {  	s4 =	simm.s32 $0x0;
	s5 =	simm.s32 $0xAF40;
	[tilespmem:v0+s3+$0x0] =	vst.idx.add.f32.msk $0xffff, v3;
	v0 =	vmul.f32 v9, v14  }
.LBB2_15:
0x2da: {  	v2 =	vld [tilespmem:s5+$0x30];
	s4 =	sadd.s32 $0x80, s4  }
0x2db: {  	v3 =	vld [tilespmem:s5+$0xFFFFFFD0];
	p0 =	slt.u32 s4, $0x1E80  }
0x2dc: {  	v4 =	vld [tilespmem:s5+$0xFFFFFFE0]  }
0x2dd: {  	v5 =	vld [tilespmem:s5+$0xFFFFFFF0]  }
0x2de: {  	v6 =	vld [tilespmem:s5+$0x0]  }
0x2df: {  	v7 =	vld [tilespmem:s5+$0x10]  }
0x2e0: {  	s0 =	sadd.s32 $0x80, s0;
	v8 =	vld [tilespmem:s5+$0x20]  }
0x2e1: {  	v9 =	vld [tilespmem:s0+$0x30]  }
0x2e2: {  	s2 =	sadd.s32 $0x80, s2;
	v2 =	vld.idx.msk [tilespmem:v2+s1+$0x0], $0xffff  }
0x2e3: {  	v10 =	vld [tilespmem:s2+$0x30]  }
0x2e4: {  	v11 =	vld [tilespmem:s5+$0xFFFFFFC0]  }
0x2e5: {  	v3 =	vld.idx.msk [tilespmem:v3+s1+$0x0], $0xffff  }
0x2e6: {  	v4 =	vld.idx.msk [tilespmem:v4+s1+$0x0], $0xffff  }
0x2e7: {  	v5 =	vld.idx.msk [tilespmem:v5+s1+$0x0], $0xffff  }
0x2e8: {  	v6 =	vld.idx.msk [tilespmem:v6+s1+$0x0], $0xffff;
	v2 =	vmul.f32 v2, v10  }
0x2e9: {  	v7 =	vld.idx.msk [tilespmem:v7+s1+$0x0], $0xffff  }
0x2ea: {  	[tilespmem:v9+s3+$0x0] =	vst.idx.add.f32.msk $0xffff, v2  }
0x2eb: {  	v2 =	vld.idx.msk [tilespmem:v8+s1+$0x0], $0xffff  }
0x2ec: {  	v8 =	vld.idx.msk [tilespmem:v11+s1+$0x0], $0xffff  }
0x2ed: {  	v9 =	vld [tilespmem:s2+$0xFFFFFFC0]  }
0x2ee: {  	v10 =	vld [tilespmem:s2+$0xFFFFFFD0]  }
0x2ef: {  	v11 =	vld [tilespmem:s2+$0xFFFFFFE0]  }
0x2f0: {  	v12 =	vld [tilespmem:s2+$0xFFFFFFF0]  }
0x2f1: {  	v13 =	vld [tilespmem:s2+$0x0]  }
0x2f2: {  	v8 =	vmul.f32 v8, v9;
	v9 =	vld [tilespmem:s2+$0x10]  }
0x2f3: {  	v3 =	vmul.f32 v3, v10;
	v10 =	vld [tilespmem:s2+$0x20]  }
0x2f4: {  	v14 =	vld [tilespmem:s0+$0xFFFFFFC0];
	v4 =	vmul.f32 v4, v11  }
0x2f5: {  	v11 =	vld [tilespmem:s0+$0xFFFFFFD0];
	v5 =	vmul.f32 v5, v12  }
0x2f6: {  	v12 =	vld [tilespmem:s0+$0xFFFFFFE0];
	v6 =	vmul.f32 v6, v13  }
0x2f7: {  	v13 =	vld [tilespmem:s0+$0xFFFFFFF0];
	v7 =	vmul.f32 v7, v9  }
0x2f8: {  	v9 =	vld [tilespmem:s0+$0x0];
	v2 =	vmul.f32 v2, v10  }
0x2f9: {  	v10 =	vld [tilespmem:s0+$0x10]  }
0x2fa: {  	v15 =	vld [tilespmem:s0+$0x20]  }
0x2fb: {  	[tilespmem:v1+s3+$0x0] =	vst.idx.add.f32.msk $0xffff, v0;
	v0 =	vmov v2  }
0x2fc: {  	[tilespmem:v14+s3+$0x0] =	vst.idx.add.f32.msk $0xffff, v8  }
.Ltmp7:
0x2fd: {  	[tilespmem:v11+s3+$0x0] =	vst.idx.add.f32.msk $0xffff, v3;
	(pc) =	sbr.rel @p0 .LBB2_15-.Ltmp7, $4  }
0x2fe: {  	[tilespmem:v12+s3+$0x0] =	vst.idx.add.f32.msk $0xffff, v4  }
0x2ff: {  	[tilespmem:v13+s3+$0x0] =	vst.idx.add.f32.msk $0xffff, v5;
	v1 =	vmov v15  }
0x300: {  	[tilespmem:v9+s3+$0x0] =	vst.idx.add.f32.msk $0xffff, v6  }
0x301: {  	s5 =	sadd.s32 $0x80, s5;
	[tilespmem:v10+s3+$0x0] =	vst.idx.add.f32.msk $0xffff, v7  }
0x302: {  	_ =	sdelay $0x2  }
0x303: {  	s0 =	simm.s32 $0x1EF0;
	s1 =	simm.s32 $0x10C80;
	s2 =	simm.s32 $0xED00  }
0x304: {  	[tilespmem:v1+s3+$0x0] =	vst.idx.add.f32.msk $0xffff, v0;
	s3 =	simm.s32 $0xCD80;
	s4 =	simm.s32 $0x0;
	s5 =	simm.s32 $0x2800  }
.LBB2_17:
0x305: {  	v0 =	vld [tilespmem:s3+$0x0];
	_ =	sdelay $0x5  }
0x306: {  	v1 =	vld [tilespmem:s2+$0x0]  }
0x307: {  	v2 =	vld [tilespmem:s1+$0x0]  }
0x308: {  	v0 =	vld.idx.msk [tilespmem:v0+s4+$0x0], $0xffff  }
0x309: {  	s0 =	sadd.s32 $0x10, s0  }
0x30a: {  	p0 =	slt.u32 s0, $0x1F30  }
.Ltmp8:
0x30b: {  	_ = 	snop;
	(pc) =	sbr.rel @p0 .LBB2_17-.Ltmp8, $3  }
0x30c: {  	_ = 	snop  }
0x30d: {  	v0 =	vmul.f32 v0, v2;
	_ =	sdelay $0x1  }
0x30e: {  	s1 =	sadd.s32 $0x10, s1;
	s2 =	sadd.s32 $0x10, s2;
	s3 =	sadd.s32 $0x10, s3;
	[tilespmem:v1+s5+$0x0] =	vst.idx.add.f32.msk $0xffff, v0  }
0x30f: {  	s0 =	simm.s32 $0x1  }
0x310: {  	_ =	swait.ge [sflag:s0], $0x1F40  }
0x311: {  	[sflag:s0] =	ssyncset.done $0x0  }
0x312: {  	[sflag:s0] =	ssyncadd.s32 $0xFFFFE0C0  }
0x313: {  	_ =	swait.ge [sflag:s0], $0x1F40  }
0x314: {  	[sflag:s0] =	ssyncset.done $0x0  }
0x315: {  	[sflag:s0] =	ssyncadd.s32 $0xFFFFE0C0  }
0x316: {  	_ =	swait.ge [sflag:s0], $0x1F40  }
0x317: {  	[sflag:s0] =	ssyncset.done $0x0  }
0x318: {  	s3 =	simm.s32 $0x5040;
	[sflag:s0] =	ssyncadd.s32 $0xFFFFE0C0  }
0x319: {  	v0 =	vld [tilespmem:s3+$0x30]  }
0x31a: {  	v1 =	vld [tilespmem:s3+$0xFFFFFFD0]  }
0x31b: {  	v2 =	vld [tilespmem:s3+$0xFFFFFFE0]  }
0x31c: {  	v3 =	vld [tilespmem:s3+$0xFFFFFFF0]  }
0x31d: {  	v4 =	vld [tilespmem:s3+$0x0]  }
0x31e: {  	s0 =	simm.s32 $0x6FC0;
	v5 =	vld [tilespmem:s3+$0x10]  }
0x31f: {  	s2 =	simm.s32 $0x8F40;
	v6 =	vld [tilespmem:s0+$0x30]  }
0x320: {  	v7 =	vld [tilespmem:s2+$0x30]  }
0x321: {  	v8 =	vld [tilespmem:s3+$0xFFFFFFC0]  }
0x322: {  	v9 =	vld [tilespmem:s3+$0x20]  }
0x323: {  	v57 =	vld [tilespmem:s0+$0xFFFFFFC0]  }
0x324: {  	v58 =	vld [tilespmem:s2+$0xFFFFFFC0]  }
0x325: {  	v59 =	vld [tilespmem:s2+$0xFFFFFFD0]  }
0x326: {  	s1 =	simm.s32 $0x0;
	v10 =	vld [tilespmem:s2+$0xFFFFFFE0]  }
0x327: {  	v0 =	vld.idx.msk [tilespmem:v0+s1+$0x0], $0xffff  }
0x328: {  	v11 =	vld [tilespmem:s0+$0xFFFFFFD0]  }
0x329: {  	v12 =	vld [tilespmem:s2+$0xFFFFFFF0]  }
0x32a: {  	v13 =	vld [tilespmem:s2+$0x0]  }
0x32b: {  	v60 =	vld [tilespmem:s0+$0xFFFFFFE0]  }
0x32c: {  	v61 =	vld [tilespmem:s0+$0x0];
	v0 =	vmul.f32 v0, v7  }
0x32d: {  	s3 =	simm.s32 $0x2800;
	v62 =	vld [tilespmem:s0+$0x10]  }
0x32e: {  	[tilespmem:v6+s3+$0x0] =	vst.idx.add.f32.msk $0xffff, v0  }
0x32f: {  	v0 =	vld.idx.msk [tilespmem:v8+s1+$0x0], $0xffff  }
0x330: {  	v63 =	vld [tilespmem:s2+$0x10]  }
0x331: {  	v14 =	vld [tilespmem:s2+$0x20]  }
0x332: {  	v1 =	vld.idx.msk [tilespmem:v1+s1+$0x0], $0xffff  }
0x333: {  	v2 =	vld.idx.msk [tilespmem:v2+s1+$0x0], $0xffff  }
0x334: {  	v4 =	vld.idx.msk [tilespmem:v4+s1+$0x0], $0xffff;
	v0 =	vmul.f32 v0, v58  }
0x335: {  	v5 =	vld.idx.msk [tilespmem:v5+s1+$0x0], $0xffff  }
0x336: {  	[tilespmem:v57+s3+$0x0] =	vst.idx.add.f32.msk $0xffff, v0  }
0x337: {  	v0 =	vld [tilespmem:s0+$0xFFFFFFF0]  }
0x338: {  	v3 =	vld.idx.msk [tilespmem:v3+s1+$0x0], $0xffff;
	v1 =	vmul.f32 v1, v59  }
0x339: {  	v9 =	vld.idx.msk [tilespmem:v9+s1+$0x0], $0xffff  }
0x33a: {  	v2 =	vmul.f32 v2, v10;
	[tilespmem:v11+s3+$0x0] =	vst.idx.add.f32.msk $0xffff, v1  }
0x33b: {  	v4 =	vmul.f32 v4, v13;
	v1 =	vld [tilespmem:s0+$0x20]  }
0x33c: {  	[tilespmem:v60+s3+$0x0] =	vst.idx.add.f32.msk $0xffff, v2;
	v2 =	vmul.f32 v5, v63  }
0x33d: {  	v3 =	vmul.f32 v3, v12;
	[tilespmem:v61+s3+$0x0] =	vst.idx.add.f32.msk $0xffff, v4  }
0x33e: {  	[tilespmem:v62+s3+$0x0] =	vst.idx.add.f32.msk $0xffff, v2  }
0x33f: {  	s4 =	simm.s32 $0x0;
	s5 =	simm.s32 $0x50C0;
	[tilespmem:v0+s3+$0x0] =	vst.idx.add.f32.msk $0xffff, v3;
	v0 =	vmul.f32 v9, v14  }
.LBB2_19:
0x340: {  	v2 =	vld [tilespmem:s5+$0x30];
	s4 =	sadd.s32 $0x80, s4  }
0x341: {  	v3 =	vld [tilespmem:s5+$0xFFFFFFD0];
	p0 =	slt.u32 s4, $0x1E80  }
0x342: {  	v4 =	vld [tilespmem:s5+$0xFFFFFFE0]  }
0x343: {  	v5 =	vld [tilespmem:s5+$0xFFFFFFF0]  }
0x344: {  	v6 =	vld [tilespmem:s5+$0x0]  }
0x345: {  	v7 =	vld [tilespmem:s5+$0x10]  }
0x346: {  	s0 =	sadd.s32 $0x80, s0;
	v8 =	vld [tilespmem:s5+$0x20]  }
0x347: {  	v9 =	vld [tilespmem:s0+$0x30]  }
0x348: {  	s2 =	sadd.s32 $0x80, s2;
	v2 =	vld.idx.msk [tilespmem:v2+s1+$0x0], $0xffff  }
0x349: {  	v10 =	vld [tilespmem:s2+$0x30]  }
0x34a: {  	v11 =	vld [tilespmem:s5+$0xFFFFFFC0]  }
0x34b: {  	v3 =	vld.idx.msk [tilespmem:v3+s1+$0x0], $0xffff  }
0x34c: {  	v4 =	vld.idx.msk [tilespmem:v4+s1+$0x0], $0xffff  }
0x34d: {  	v5 =	vld.idx.msk [tilespmem:v5+s1+$0x0], $0xffff  }
0x34e: {  	v6 =	vld.idx.msk [tilespmem:v6+s1+$0x0], $0xffff;
	v2 =	vmul.f32 v2, v10  }
0x34f: {  	v7 =	vld.idx.msk [tilespmem:v7+s1+$0x0], $0xffff  }
0x350: {  	[tilespmem:v9+s3+$0x0] =	vst.idx.add.f32.msk $0xffff, v2  }
0x351: {  	v2 =	vld.idx.msk [tilespmem:v8+s1+$0x0], $0xffff  }
0x352: {  	v8 =	vld.idx.msk [tilespmem:v11+s1+$0x0], $0xffff  }
0x353: {  	v9 =	vld [tilespmem:s2+$0xFFFFFFC0]  }
0x354: {  	v10 =	vld [tilespmem:s2+$0xFFFFFFD0]  }
0x355: {  	v11 =	vld [tilespmem:s2+$0xFFFFFFE0]  }
0x356: {  	v12 =	vld [tilespmem:s2+$0xFFFFFFF0]  }
0x357: {  	v13 =	vld [tilespmem:s2+$0x0]  }
0x358: {  	v8 =	vmul.f32 v8, v9;
	v9 =	vld [tilespmem:s2+$0x10]  }
0x359: {  	v3 =	vmul.f32 v3, v10;
	v10 =	vld [tilespmem:s2+$0x20]  }
0x35a: {  	v14 =	vld [tilespmem:s0+$0xFFFFFFC0];
	v4 =	vmul.f32 v4, v11  }
0x35b: {  	v11 =	vld [tilespmem:s0+$0xFFFFFFD0];
	v5 =	vmul.f32 v5, v12  }
0x35c: {  	v12 =	vld [tilespmem:s0+$0xFFFFFFE0];
	v6 =	vmul.f32 v6, v13  }
0x35d: {  	v13 =	vld [tilespmem:s0+$0xFFFFFFF0];
	v7 =	vmul.f32 v7, v9  }
0x35e: {  	v9 =	vld [tilespmem:s0+$0x0];
	v2 =	vmul.f32 v2, v10  }
0x35f: {  	v10 =	vld [tilespmem:s0+$0x10]  }
0x360: {  	v15 =	vld [tilespmem:s0+$0x20]  }
0x361: {  	[tilespmem:v1+s3+$0x0] =	vst.idx.add.f32.msk $0xffff, v0;
	v0 =	vmov v2  }
0x362: {  	[tilespmem:v14+s3+$0x0] =	vst.idx.add.f32.msk $0xffff, v8  }
.Ltmp9:
0x363: {  	[tilespmem:v11+s3+$0x0] =	vst.idx.add.f32.msk $0xffff, v3;
	(pc) =	sbr.rel @p0 .LBB2_19-.Ltmp9, $4  }
0x364: {  	[tilespmem:v12+s3+$0x0] =	vst.idx.add.f32.msk $0xffff, v4  }
0x365: {  	[tilespmem:v13+s3+$0x0] =	vst.idx.add.f32.msk $0xffff, v5;
	v1 =	vmov v15  }
0x366: {  	[tilespmem:v9+s3+$0x0] =	vst.idx.add.f32.msk $0xffff, v6  }
0x367: {  	s5 =	sadd.s32 $0x80, s5;
	[tilespmem:v10+s3+$0x0] =	vst.idx.add.f32.msk $0xffff, v7  }
0x368: {  	_ =	sdelay $0x2  }
0x369: {  	s0 =	simm.s32 $0x1EF0;
	s1 =	simm.s32 $0xAE00;
	s2 =	simm.s32 $0x8E80  }
0x36a: {  	[tilespmem:v1+s3+$0x0] =	vst.idx.add.f32.msk $0xffff, v0;
	s3 =	simm.s32 $0x6F00;
	s4 =	simm.s32 $0x0;
	s5 =	simm.s32 $0x2800  }
.LBB2_21:
0x36b: {  	v0 =	vld [tilespmem:s3+$0x0];
	_ =	sdelay $0x5  }
0x36c: {  	v1 =	vld [tilespmem:s2+$0x0]  }
0x36d: {  	v2 =	vld [tilespmem:s1+$0x0]  }
0x36e: {  	v0 =	vld.idx.msk [tilespmem:v0+s4+$0x0], $0xffff  }
0x36f: {  	s0 =	sadd.s32 $0x10, s0  }
0x370: {  	p0 =	slt.u32 s0, $0x1F30  }
.Ltmp10:
0x371: {  	_ = 	snop;
	(pc) =	sbr.rel @p0 .LBB2_21-.Ltmp10, $3  }
0x372: {  	_ = 	snop  }
0x373: {  	v0 =	vmul.f32 v0, v2;
	_ =	sdelay $0x1  }
0x374: {  	s1 =	sadd.s32 $0x10, s1;
	s2 =	sadd.s32 $0x10, s2;
	s3 =	sadd.s32 $0x10, s3;
	[tilespmem:v1+s5+$0x0] =	vst.idx.add.f32.msk $0xffff, v0  }
0x375: {  	s1 =	simm.s32 $0x0;
	s0 =	simm.s32 $0x5000  }
0x376: {  	[tilespmem:s0], [sflag:$0x1] =	stream.linear.gather [hbm4b:s15+s1], $0x1F40, $0x38;
	[tilespmem:$0x13F00] =	vst v63  }
0x377: {  	s5 =	simm.s32 $0x6F80  }
0x378: {  	[tilespmem:s5], [sflag:$0x1] =	stream.linear.gather [hbm4b:s16+s1], $0x1F40, $0x38;
	[tilespmem:$0x13F00] =	vst v63  }
0x379: {  	s6 =	simm.s32 $0x8F00  }
0x37a: {  	[tilespmem:s6], [sflag:$0x1] =	stream.linear.gather [hbm4b:s17+s1], $0x1F40, $0x38;
	[tilespmem:$0x13F00] =	vst v63  }
0x37b: {  	s15 =	simm.s32 $0xAE80  }
0x37c: {  	[tilespmem:s15], [sflag:$0x2] =	stream.linear.gather [hbm4b:s18+s1], $0x1F40, $0x38;
	[tilespmem:$0x13F00] =	vst v63  }
0x37d: {  	s16 =	simm.s32 $0xCE00  }
0x37e: {  	[tilespmem:s16], [sflag:$0x2] =	stream.linear.gather [hbm4b:s19+s1], $0x1F40, $0x38;
	[tilespmem:$0x13F00] =	vst v63  }
0x37f: {  	s2 =	simm.s32 $0xED80;
	s17 =	smul.u32 $0x500, s23  }
0x380: {  	[tilespmem:s2], [sflag:$0x2] =	stream.linear.gather [hbm4b:s20+s1], $0x1F40, $0x38;
	[tilespmem:$0x13F00] =	vst v63  }
0x381: {  	s15 =	sadd.s32 s21, s17;
	s18 =	simm.s32 $0x2800;
	s19 =	simm.s32 $0x4  }
0x382: {  	[hbm4b:s15+s1] =	stream.linear.scatter [tilespmem:s18], [sflag:$0x4], $0x2800, $0x38;
	[tilespmem:$0x13F00] =	vst v63  }
0x383: {  	_ =	swait.ge [sflag:s19], $0x2800  }
0x384: {  	[sflag:s19] =	ssyncset.done $0x0  }
0x385: {  	s20 =	rddreg [dreg:$0x4];
	[sflag:s19] =	ssyncadd.s32 $0xFFFFD800  }
0x386: {  	s16 =	sadd.s32 s21, s20;
	s21 =	simm.s32 $0x10D00;
	[bflag:$0x0] =	sbarrier.arrive $0xFFFF  }
0x387: {  	[tilespmem:s21], [sflag:$0x3] =	stream.linear.gather [hbm4b:s16+s1], $0x280, $0x38;
	[tilespmem:$0x13F00] =	vst v63  }
0x388: {  	s22 =	simm.s32 $0x10F80;
	s17 =	sadd.s32 $0x500, s16  }
0x389: {  	[tilespmem:s22], [sflag:$0x3] =	stream.linear.gather [hbm4b:s17+s1], $0x280, $0x38;
	[tilespmem:$0x13F00] =	vst v63  }
0x38a: {  	s23 =	simm.s32 $0x11200;
	s18 =	sadd.s32 $0xA00, s16  }
0x38b: {  	[tilespmem:s23], [sflag:$0x3] =	stream.linear.gather [hbm4b:s18+s1], $0x280, $0x38;
	[tilespmem:$0x13F00] =	vst v63  }
0x38c: {  	s24 =	simm.s32 $0x11480;
	s19 =	sadd.s32 $0xF00, s16  }
0x38d: {  	[tilespmem:s24], [sflag:$0x3] =	stream.linear.gather [hbm4b:s19+s1], $0x280, $0x38;
	[tilespmem:$0x13F00] =	vst v63  }
0x38e: {  	s25 =	simm.s32 $0x11700;
	s20 =	sadd.s32 $0x1400, s16  }
0x38f: {  	[tilespmem:s25], [sflag:$0x3] =	stream.linear.gather [hbm4b:s20+s1], $0x280, $0x38;
	[tilespmem:$0x13F00] =	vst v63  }
0x390: {  	s26 =	simm.s32 $0x11980;
	s21 =	sadd.s32 $0x1900, s16  }
0x391: {  	[tilespmem:s26], [sflag:$0x3] =	stream.linear.gather [hbm4b:s21+s1], $0x280, $0x38;
	[tilespmem:$0x13F00] =	vst v63  }
0x392: {  	s2 =	simm.s32 $0x11C00;
	s22 =	sadd.s32 $0x1E00, s16  }
0x393: {  	[tilespmem:s2], [sflag:$0x3] =	stream.linear.gather [hbm4b:s22+s1], $0x280, $0x38;
	[tilespmem:$0x13F00] =	vst v63  }
0x394: {  	s3 =	simm.s32 $0x11E80;
	s23 =	sadd.s32 $0x2300, s16  }
0x395: {  	[tilespmem:s3], [sflag:$0x3] =	stream.linear.gather [hbm4b:s23+s1], $0x280, $0x38;
	[tilespmem:$0x13F00] =	vst v63  }
0x396: {  	s4 =	simm.s32 $0x12100;
	s24 =	sadd.s32 $0x2800, s16  }
0x397: {  	[tilespmem:s4], [sflag:$0x3] =	stream.linear.gather [hbm4b:s24+s1], $0x280, $0x38;
	[tilespmem:$0x13F00] =	vst v63  }
0x398: {  	s5 =	simm.s32 $0x12380;
	s25 =	sadd.s32 $0x2D00, s16  }
0x399: {  	[tilespmem:s5], [sflag:$0x3] =	stream.linear.gather [hbm4b:s25+s1], $0x280, $0x38;
	[tilespmem:$0x13F00] =	vst v63  }
0x39a: {  	s6 =	simm.s32 $0x12600;
	s26 =	sadd.s32 $0x3200, s16  }
0x39b: {  	[tilespmem:s6], [sflag:$0x3] =	stream.linear.gather [hbm4b:s26+s1], $0x280, $0x38;
	[tilespmem:$0x13F00] =	vst v63  }
0x39c: {  	s28 =	sadd.s32 $0x3700, s16;
	s2 =	simm.s32 $0x12880  }
0x39d: {  	[tilespmem:s2], [sflag:$0x3] =	stream.linear.gather [hbm4b:s28+s1], $0x280, $0x38;
	[tilespmem:$0x13F00] =	vst v63  }
0x39e: {  	s29 =	sadd.s32 $0x3C00, s16;
	s3 =	simm.s32 $0x12B00  }
0x39f: {  	[tilespmem:s3], [sflag:$0x3] =	stream.linear.gather [hbm4b:s29+s1], $0x280, $0x38;
	[tilespmem:$0x13F00] =	vst v63  }
0x3a0: {  	s30 =	sadd.s32 $0x4100, s16;
	s4 =	simm.s32 $0x12D80  }
0x3a1: {  	[tilespmem:s4], [sflag:$0x3] =	stream.linear.gather [hbm4b:s30+s1], $0x280, $0x38;
	[tilespmem:$0x13F00] =	vst v63  }
0x3a2: {  	s31 =	sadd.s32 $0x4600, s16;
	s5 =	simm.s32 $0x13000  }
0x3a3: {  	[tilespmem:s5], [sflag:$0x3] =	stream.linear.gather [hbm4b:s31+s1], $0x280, $0x38;
	[tilespmem:$0x13F00] =	vst v63  }
0x3a4: {  	s0 =	sadd.s32 $0x4B00, s16;
	s6 =	simm.s32 $0x13280  }
0x3a5: {  	[tilespmem:s6], [sflag:$0x3] =	stream.linear.gather [hbm4b:s0+s1], $0x280, $0x38;
	[tilespmem:$0x13F00] =	vst v63  }
0x3a6: {  	v0 =	vimm.f32 $0.0e+00;
	s1 =	simm.s32 $0x2840  }
0x3a7: {  	[tilespmem:s1+$0xFFFFFFC0] =	vst v0  }
0x3a8: {  	[tilespmem:s1+$0x30] =	vst v0  }
0x3a9: {  	[tilespmem:s1+$0x20] =	vst v0  }
0x3aa: {  	[tilespmem:s1+$0x10] =	vst v0  }
0x3ab: {  	[tilespmem:s1+$0x0] =	vst v0  }
0x3ac: {  	[tilespmem:s1+$0xFFFFFFF0] =	vst v0  }
0x3ad: {  	s2 =	simm.s32 $0x0;
	[tilespmem:s1+$0xFFFFFFE0] =	vst v0  }
.LBB2_23:
0x3ae: {  	s2 =	sadd.s32 $0x8, s2;
	[tilespmem:s1+$0xFFFFFFD0] =	vst v0;
	s1 =	sadd.s32 $0x80, s1  }
0x3af: {  	[tilespmem:s1+$0xFFFFFFC0] =	vst v0;
	p0 =	slt.u32 s2, $0x278  }
0x3b0: {  	[tilespmem:s1+$0x30] =	vst v0  }
.Ltmp11:
0x3b1: {  	[tilespmem:s1+$0x20] =	vst v0;
	(pc) =	sbr.rel @p0 .LBB2_23-.Ltmp11, $4  }
0x3b2: {  	[tilespmem:s1+$0x10] =	vst v0  }
0x3b3: {  	[tilespmem:s1+$0x0] =	vst v0  }
0x3b4: {  	[tilespmem:s1+$0xFFFFFFF0] =	vst v0  }
0x3b5: {  	[tilespmem:s1+$0xFFFFFFE0] =	vst v0  }
0x3b6: {  	[tilespmem:s1+$0xFFFFFFD0] =	vst v0;
	s5 =	simm.s32 $0x3  }
0x3b7: {  	_ =	swait.ge [sflag:s5], $0x280  }
0x3b8: {  	[sflag:s5] =	ssyncset.done $0x0  }
0x3b9: {  	[sflag:s5] =	ssyncadd.s32 $0xFFFFFD80  }
0x3ba: {  	_ =	swait.ge [sflag:s5], $0x280  }
0x3bb: {  	[sflag:s5] =	ssyncset.done $0x0  }
0x3bc: {  	[sflag:s5] =	ssyncadd.s32 $0xFFFFFD80  }
0x3bd: {  	_ =	swait.ge [sflag:s5], $0x280  }
0x3be: {  	[sflag:s5] =	ssyncset.done $0x0  }
0x3bf: {  	[sflag:s5] =	ssyncadd.s32 $0xFFFFFD80  }
0x3c0: {  	_ =	swait.ge [sflag:s5], $0x280  }
0x3c1: {  	[sflag:s5] =	ssyncset.done $0x0  }
0x3c2: {  	[sflag:s5] =	ssyncadd.s32 $0xFFFFFD80  }
0x3c3: {  	_ =	swait.ge [sflag:s5], $0x280  }
0x3c4: {  	[sflag:s5] =	ssyncset.done $0x0  }
0x3c5: {  	[sflag:s5] =	ssyncadd.s32 $0xFFFFFD80  }
0x3c6: {  	_ =	swait.ge [sflag:s5], $0x280  }
0x3c7: {  	[sflag:s5] =	ssyncset.done $0x0  }
0x3c8: {  	[sflag:s5] =	ssyncadd.s32 $0xFFFFFD80  }
0x3c9: {  	_ =	swait.ge [sflag:s5], $0x280  }
0x3ca: {  	[sflag:s5] =	ssyncset.done $0x0  }
0x3cb: {  	[sflag:s5] =	ssyncadd.s32 $0xFFFFFD80  }
0x3cc: {  	_ =	swait.ge [sflag:s5], $0x280  }
0x3cd: {  	[sflag:s5] =	ssyncset.done $0x0  }
0x3ce: {  	[sflag:s5] =	ssyncadd.s32 $0xFFFFFD80  }
0x3cf: {  	_ =	swait.ge [sflag:s5], $0x280  }
0x3d0: {  	[sflag:s5] =	ssyncset.done $0x0  }
0x3d1: {  	[sflag:s5] =	ssyncadd.s32 $0xFFFFFD80  }
0x3d2: {  	_ =	swait.ge [sflag:s5], $0x280  }
0x3d3: {  	[sflag:s5] =	ssyncset.done $0x0  }
0x3d4: {  	[sflag:s5] =	ssyncadd.s32 $0xFFFFFD80  }
0x3d5: {  	_ =	swait.ge [sflag:s5], $0x280  }
0x3d6: {  	[sflag:s5] =	ssyncset.done $0x0  }
0x3d7: {  	[sflag:s5] =	ssyncadd.s32 $0xFFFFFD80  }
0x3d8: {  	_ =	swait.ge [sflag:s5], $0x280  }
0x3d9: {  	[sflag:s5] =	ssyncset.done $0x0  }
0x3da: {  	[sflag:s5] =	ssyncadd.s32 $0xFFFFFD80  }
0x3db: {  	_ =	swait.ge [sflag:s5], $0x280  }
0x3dc: {  	[sflag:s5] =	ssyncset.done $0x0  }
0x3dd: {  	[sflag:s5] =	ssyncadd.s32 $0xFFFFFD80  }
0x3de: {  	_ =	swait.ge [sflag:s5], $0x280  }
0x3df: {  	[sflag:s5] =	ssyncset.done $0x0  }
0x3e0: {  	[sflag:s5] =	ssyncadd.s32 $0xFFFFFD80  }
0x3e1: {  	_ =	swait.ge [sflag:s5], $0x280  }
0x3e2: {  	[sflag:s5] =	ssyncset.done $0x0  }
0x3e3: {  	[sflag:s5] =	ssyncadd.s32 $0xFFFFFD80  }
0x3e4: {  	_ =	swait.ge [sflag:s5], $0x280  }
0x3e5: {  	[sflag:s5] =	ssyncset.done $0x0  }
0x3e6: {  	s3 =	simm.s32 $0x12110;
	s6 =	simm.s32 $0x0;
	[sflag:s5] =	ssyncadd.s32 $0xFFFFFD80  }
0x3e7: {  	s1 =	sand.u32 $0x3E0, s6;
	v0 =	vld [tilespmem:s3+$0xFFFFEBF0]  }
0x3e8: {  	v1 =	vld [tilespmem:s1+$0x10F80];
	_ =	sdelay $0x1  }
0x3e9: {  	v2 =	vld [tilespmem:s1+$0x11200];
	_ =	sdelay $0x1  }
0x3ea: {  	v3 =	vld [tilespmem:s1+$0x11480]  }
0x3eb: {  	v0 =	vadd.f32 v1, v0  }
0x3ec: {  	v1 =	vld [tilespmem:s1+$0x11700]  }
0x3ed: {  	v0 =	vadd.f32 v2, v0  }
0x3ee: {  	v2 =	vld [tilespmem:s1+$0x11980]  }
0x3ef: {  	v0 =	vadd.f32 v3, v0  }
0x3f0: {  	v3 =	vld [tilespmem:s1+$0x11C00]  }
0x3f1: {  	v0 =	vadd.f32 v1, v0  }
0x3f2: {  	v1 =	vld [tilespmem:s1+$0x11E80]  }
0x3f3: {  	v0 =	vadd.f32 v2, v0  }
0x3f4: {  	v2 =	vld [tilespmem:s1+$0x12100]  }
0x3f5: {  	v0 =	vadd.f32 v3, v0  }
0x3f6: {  	v3 =	vld [tilespmem:s1+$0x12380]  }
0x3f7: {  	v0 =	vadd.f32 v1, v0  }
0x3f8: {  	v1 =	vld [tilespmem:s1+$0x12600]  }
0x3f9: {  	v0 =	vadd.f32 v2, v0  }
0x3fa: {  	v2 =	vld [tilespmem:s1+$0x12880]  }
0x3fb: {  	v0 =	vadd.f32 v3, v0  }
0x3fc: {  	v3 =	vld [tilespmem:s1+$0x12B00]  }
0x3fd: {  	v0 =	vadd.f32 v1, v0  }
0x3fe: {  	v1 =	vld [tilespmem:s1+$0x12D80]  }
0x3ff: {  	v0 =	vadd.f32 v2, v0  }
0x400: {  	v2 =	vld [tilespmem:s1+$0x13000]  }
0x401: {  	v0 =	vadd.f32 v3, v0  }
0x402: {  	v3 =	vld [tilespmem:s1+$0x13280]  }
0x403: {  	v0 =	vadd.f32 v1, v0;
	_ =	sdelay $0x1  }
0x404: {  	v0 =	vadd.f32 v2, v0;
	_ =	sdelay $0x1  }
0x405: {  	v0 =	vadd.f32 v3, v0  }
0x406: {  	s1 =	simm.s32 $0x13C90  }
0x407: {  	[tilespmem:s1+$0xFFFFFFF0] =	vst v0  }
0x408: {  	v0 =	vld [tilespmem:s3+$0xFFFFEC00]  }
0x409: {  	v1 =	vld [tilespmem:s3+$0xFFFFEE80];
	_ =	sdelay $0x1  }
0x40a: {  	v2 =	vld [tilespmem:s3+$0xFFFFF100];
	_ =	sdelay $0x1  }
0x40b: {  	v3 =	vld [tilespmem:s3+$0xFFFFF380]  }
0x40c: {  	v0 =	vadd.f32 v1, v0  }
0x40d: {  	v1 =	vld [tilespmem:s3+$0xFFFFF600]  }
0x40e: {  	v0 =	vadd.f32 v2, v0  }
0x40f: {  	v2 =	vld [tilespmem:s3+$0xFFFFF880]  }
0x410: {  	v0 =	vadd.f32 v3, v0  }
0x411: {  	v3 =	vld [tilespmem:s3+$0xFFFFFB00]  }
0x412: {  	v0 =	vadd.f32 v1, v0  }
0x413: {  	v1 =	vld [tilespmem:s3+$0xFFFFFD80]  }
0x414: {  	v0 =	vadd.f32 v2, v0  }
0x415: {  	v2 =	vld [tilespmem:s3+$0x0]  }
0x416: {  	v0 =	vadd.f32 v3, v0  }
0x417: {  	v3 =	vld [tilespmem:s3+$0x280]  }
0x418: {  	v0 =	vadd.f32 v1, v0  }
0x419: {  	v1 =	vld [tilespmem:s3+$0x500]  }
0x41a: {  	v0 =	vadd.f32 v2, v0  }
0x41b: {  	v2 =	vld [tilespmem:s3+$0x780]  }
0x41c: {  	v0 =	vadd.f32 v3, v0  }
0x41d: {  	v3 =	vld [tilespmem:s3+$0xA00]  }
0x41e: {  	v0 =	vadd.f32 v1, v0  }
0x41f: {  	v1 =	vld [tilespmem:s3+$0xC80]  }
0x420: {  	v0 =	vadd.f32 v2, v0  }
0x421: {  	v2 =	vld [tilespmem:s3+$0xF00]  }
0x422: {  	v0 =	vadd.f32 v3, v0  }
0x423: {  	v3 =	vld [tilespmem:s3+$0x1180]  }
0x424: {  	v0 =	vadd.f32 v1, v0;
	_ =	sdelay $0x1  }
0x425: {  	v0 =	vadd.f32 v2, v0;
	_ =	sdelay $0x1  }
0x426: {  	s2 =	simm.s32 $0x20;
	s4 =	simm.s32 $0x13C90;
	s5 =	simm.s32 $0x0;
	v0 =	vadd.f32 v3, v0  }
.LBB2_25:
0x427: {  	s5 =	sadd.s32 $0x2, s5;
	s3 =	sadd.s32 $0x20, s3;
	s1 =	sadd.s32 $0x20, s1  }
0x428: {  	p0 =	slt.u32 s5, $0x26;
	[tilespmem:s4+$0x0] =	vst v0;
	s4 =	smov.u32 s1  }
0x429: {  	s6 =	sand.u32 $0x3E0, s2;
	v0 =	vld [tilespmem:s3+$0xFFFFEBF0]  }
0x42a: {  	v1 =	vld [tilespmem:s6+$0x10F80];
	_ =	sdelay $0x1  }
0x42b: {  	v2 =	vld [tilespmem:s6+$0x11200];
	_ =	sdelay $0x1  }
0x42c: {  	v3 =	vld [tilespmem:s6+$0x11480]  }
0x42d: {  	v0 =	vadd.f32 v1, v0  }
0x42e: {  	v1 =	vld [tilespmem:s6+$0x11700]  }
0x42f: {  	v0 =	vadd.f32 v2, v0  }
0x430: {  	v2 =	vld [tilespmem:s6+$0x11980]  }
0x431: {  	v0 =	vadd.f32 v3, v0  }
0x432: {  	v3 =	vld [tilespmem:s6+$0x11C00]  }
0x433: {  	v0 =	vadd.f32 v1, v0  }
0x434: {  	v1 =	vld [tilespmem:s6+$0x11E80]  }
0x435: {  	v0 =	vadd.f32 v2, v0  }
0x436: {  	v2 =	vld [tilespmem:s6+$0x12100]  }
0x437: {  	v0 =	vadd.f32 v3, v0  }
0x438: {  	v3 =	vld [tilespmem:s6+$0x12380]  }
0x439: {  	v0 =	vadd.f32 v1, v0  }
0x43a: {  	v1 =	vld [tilespmem:s6+$0x12600]  }
0x43b: {  	v0 =	vadd.f32 v2, v0  }
0x43c: {  	v2 =	vld [tilespmem:s6+$0x12880]  }
0x43d: {  	v0 =	vadd.f32 v3, v0  }
0x43e: {  	v3 =	vld [tilespmem:s6+$0x12B00]  }
0x43f: {  	v0 =	vadd.f32 v1, v0  }
0x440: {  	v1 =	vld [tilespmem:s6+$0x12D80]  }
0x441: {  	v0 =	vadd.f32 v2, v0  }
0x442: {  	v2 =	vld [tilespmem:s6+$0x13000]  }
0x443: {  	v0 =	vadd.f32 v3, v0  }
0x444: {  	v3 =	vld [tilespmem:s6+$0x13280]  }
0x445: {  	v0 =	vadd.f32 v1, v0;
	_ =	sdelay $0x1  }
0x446: {  	v0 =	vadd.f32 v2, v0;
	_ =	sdelay $0x1  }
0x447: {  	v0 =	vadd.f32 v3, v0;
	_ =	sdelay $0x1  }
0x448: {  	[tilespmem:s1+$0xFFFFFFF0] =	vst v0  }
0x449: {  	v0 =	vld [tilespmem:s3+$0xFFFFEC00]  }
0x44a: {  	v1 =	vld [tilespmem:s3+$0xFFFFEE80]  }
0x44b: {  	v2 =	vld [tilespmem:s3+$0xFFFFF100];
	_ =	sdelay $0x1  }
0x44c: {  	v3 =	vld [tilespmem:s3+$0xFFFFF380];
	_ =	sdelay $0x1  }
0x44d: {  	v0 =	vadd.f32 v1, v0;
	v1 =	vld [tilespmem:s3+$0xFFFFF600];
	_ =	sdelay $0x1  }
0x44e: {  	v0 =	vadd.f32 v2, v0;
	v2 =	vld [tilespmem:s3+$0xFFFFF880];
	_ =	sdelay $0x1  }
0x44f: {  	v0 =	vadd.f32 v3, v0;
	v3 =	vld [tilespmem:s3+$0xFFFFFB00];
	_ =	sdelay $0x1  }
0x450: {  	v0 =	vadd.f32 v1, v0;
	v1 =	vld [tilespmem:s3+$0xFFFFFD80];
	_ =	sdelay $0x1  }
0x451: {  	v0 =	vadd.f32 v2, v0;
	v2 =	vld [tilespmem:s3+$0x0];
	_ =	sdelay $0x1  }
0x452: {  	v0 =	vadd.f32 v3, v0;
	v3 =	vld [tilespmem:s3+$0x280];
	_ =	sdelay $0x1  }
0x453: {  	v0 =	vadd.f32 v1, v0;
	v1 =	vld [tilespmem:s3+$0x500];
	_ =	sdelay $0x1  }
0x454: {  	v0 =	vadd.f32 v2, v0;
	v2 =	vld [tilespmem:s3+$0x780];
	_ =	sdelay $0x1  }
0x455: {  	v0 =	vadd.f32 v3, v0;
	v3 =	vld [tilespmem:s3+$0xA00];
	_ =	sdelay $0x1  }
0x456: {  	v0 =	vadd.f32 v1, v0;
	v1 =	vld [tilespmem:s3+$0xC80];
	_ =	sdelay $0x1  }
0x457: {  	v0 =	vadd.f32 v2, v0;
	v2 =	vld [tilespmem:s3+$0xF00];
	_ =	sdelay $0x1  }
0x458: {  	v0 =	vadd.f32 v3, v0;
	v3 =	vld [tilespmem:s3+$0x1180];
	_ =	sdelay $0x1  }
.Ltmp12:
0x459: {  	v0 =	vadd.f32 v1, v0;
	(pc) =	sbr.rel @p0 .LBB2_25-.Ltmp12, $3  }
0x45a: {  	_ = 	snop  }
0x45b: {  	v0 =	vadd.f32 v2, v0;
	_ =	sdelay $0x1  }
0x45c: {  	s2 =	sadd.s32 $0x20, s2;
	v0 =	vadd.f32 v3, v0  }
0x45d: {  	_ = 	snop  }
0x45e: {  	[tilespmem:s4+$0x0] =	vst v0  }
0x45f: {  	v0 =	vld [tilespmem:$0x13500]  }
0x460: {  	v1 =	vld [tilespmem:$0x13C80]  }
0x461: {  	v2 =	vld [tilespmem:$0x13510]  }
0x462: {  	v3 =	vld [tilespmem:$0x13C90]  }
0x463: {  	v4 =	vld [tilespmem:$0x13520]  }
0x464: {  	v5 =	vld [tilespmem:$0x13CA0]  }
0x465: {  	v6 =	vld [tilespmem:$0x13530]  }
0x466: {  	v7 =	vld [tilespmem:$0x13CB0]  }
0x467: {  	v8 =	vld [tilespmem:$0x13540]  }
0x468: {  	v9 =	vld [tilespmem:$0x13CC0]  }
0x469: {  	v10 =	vld [tilespmem:$0x13550]  }
0x46a: {  	v11 =	vld [tilespmem:$0x13CD0]  }
0x46b: {  	v12 =	vld [tilespmem:$0x13560]  }
0x46c: {  	v13 =	vld [tilespmem:$0x13CE0]  }
0x46d: {  	v14 =	vld [tilespmem:$0x13570]  }
0x46e: {  	v15 =	vld [tilespmem:$0x13CF0]  }
0x46f: {  	v16 =	vld [tilespmem:$0x13580]  }
0x470: {  	v17 =	vld [tilespmem:$0x13D00]  }
0x471: {  	v18 =	vld [tilespmem:$0x13590]  }
0x472: {  	v19 =	vld [tilespmem:$0x13D10]  }
0x473: {  	v20 =	vld [tilespmem:$0x135A0]  }
0x474: {  	v21 =	vld [tilespmem:$0x13D20]  }
0x475: {  	v22 =	vld [tilespmem:$0x135B0]  }
0x476: {  	v23 =	vld [tilespmem:$0x13D30]  }
0x477: {  	v24 =	vld [tilespmem:$0x135C0]  }
0x478: {  	v25 =	vld [tilespmem:$0x13D40]  }
0x479: {  	v26 =	vld [tilespmem:$0x135D0]  }
0x47a: {  	v27 =	vld [tilespmem:$0x13D50]  }
0x47b: {  	v28 =	vld [tilespmem:$0x135E0]  }
0x47c: {  	v29 =	vld [tilespmem:$0x13D60]  }
0x47d: {  	v30 =	vld [tilespmem:$0x135F0]  }
0x47e: {  	v31 =	vld [tilespmem:$0x13D70]  }
0x47f: {  	v32 =	vld [tilespmem:$0x13600]  }
0x480: {  	v33 =	vld [tilespmem:$0x13D80]  }
0x481: {  	v34 =	vld [tilespmem:$0x13610]  }
0x482: {  	v35 =	vld [tilespmem:$0x13D90]  }
0x483: {  	v36 =	vld [tilespmem:$0x13620]  }
0x484: {  	v37 =	vld [tilespmem:$0x13DA0]  }
0x485: {  	v38 =	vld [tilespmem:$0x13630]  }
0x486: {  	v39 =	vld [tilespmem:$0x13DB0]  }
0x487: {  	v40 =	vld [tilespmem:$0x13640]  }
0x488: {  	v41 =	vld [tilespmem:$0x13DC0]  }
0x489: {  	v42 =	vld [tilespmem:$0x13650]  }
0x48a: {  	v43 =	vld [tilespmem:$0x13DD0]  }
0x48b: {  	v44 =	vld [tilespmem:$0x13660]  }
0x48c: {  	v54 =	vld [tilespmem:$0x13DF0];
	v0 =	vsub.f32 v0, v1  }
0x48d: {  	v55 =	vld [tilespmem:$0x13680];
	v2 =	vsub.f32 v2, v3  }
0x48e: {  	v56 =	vld [tilespmem:$0x13E00];
	[tilespmem:$0x13A00] =	vst v0;
	v0 =	vsub.f32 v4, v5  }
0x48f: {  	v57 =	vld [tilespmem:$0x13690];
	[tilespmem:$0x13A10] =	vst v2;
	v2 =	vsub.f32 v6, v7  }
0x490: {  	v58 =	vld [tilespmem:$0x13E10];
	[tilespmem:$0x13A20] =	vst v0;
	v0 =	vsub.f32 v8, v9  }
0x491: {  	v59 =	vld [tilespmem:$0x136A0];
	[tilespmem:$0x13A30] =	vst v2;
	v2 =	vsub.f32 v10, v11  }
0x492: {  	v60 =	vld [tilespmem:$0x13E20];
	[tilespmem:$0x13A40] =	vst v0;
	v0 =	vsub.f32 v12, v13  }
0x493: {  	v61 =	vld [tilespmem:$0x136B0];
	[tilespmem:$0x13A50] =	vst v2;
	v2 =	vsub.f32 v14, v15  }
0x494: {  	v62 =	vld [tilespmem:$0x13E30];
	[tilespmem:$0x13A60] =	vst v0;
	v0 =	vsub.f32 v16, v17  }
0x495: {  	v63 =	vld [tilespmem:$0x136C0];
	[tilespmem:$0x13A70] =	vst v2;
	v2 =	vsub.f32 v18, v19  }
0x496: {  	v1 =	vld [tilespmem:$0x13DE0];
	[tilespmem:$0x13A80] =	vst v0;
	v0 =	vsub.f32 v20, v21  }
0x497: {  	v3 =	vld [tilespmem:$0x13670];
	[tilespmem:$0x13A90] =	vst v2;
	v2 =	vsub.f32 v22, v23  }
0x498: {  	[tilespmem:$0x13AA0] =	vst v0;
	v0 =	vsub.f32 v24, v25;
	v25 =	vld [tilespmem:$0x13E40]  }
0x499: {  	[tilespmem:$0x13AB0] =	vst v2;
	v2 =	vsub.f32 v26, v27;
	v27 =	vld [tilespmem:$0x136D0]  }
0x49a: {  	[tilespmem:$0x13AC0] =	vst v0;
	v0 =	vsub.f32 v28, v29;
	v28 =	vld [tilespmem:$0x13E50]  }
0x49b: {  	[tilespmem:$0x13AD0] =	vst v2;
	v2 =	vsub.f32 v30, v31;
	v29 =	vld [tilespmem:$0x136E0]  }
0x49c: {  	v30 =	vld [tilespmem:$0x13E60];
	[tilespmem:$0x13AE0] =	vst v0;
	v0 =	vsub.f32 v32, v33  }
0x49d: {  	v31 =	vld [tilespmem:$0x136F0];
	[tilespmem:$0x13AF0] =	vst v2;
	v2 =	vsub.f32 v34, v35  }
0x49e: {  	v32 =	vld [tilespmem:$0x13E70];
	[tilespmem:$0x13B00] =	vst v0;
	v0 =	vsub.f32 v36, v37  }
0x49f: {  	v33 =	vld [tilespmem:$0x13700];
	[tilespmem:$0x13B10] =	vst v2;
	v2 =	vsub.f32 v38, v39  }
0x4a0: {  	v34 =	vld [tilespmem:$0x13E80];
	[tilespmem:$0x13B20] =	vst v0;
	v0 =	vsub.f32 v40, v41  }
0x4a1: {  	v35 =	vld [tilespmem:$0x13710];
	[tilespmem:$0x13B30] =	vst v2;
	v2 =	vsub.f32 v42, v43  }
0x4a2: {  	v36 =	vld [tilespmem:$0x13EA0];
	[tilespmem:$0x13B40] =	vst v0;
	v0 =	vsub.f32 v44, v1  }
0x4a3: {  	v37 =	vld [tilespmem:$0x13730];
	[tilespmem:$0x13B50] =	vst v2;
	v2 =	vsub.f32 v3, v54  }
0x4a4: {  	v38 =	vld [tilespmem:$0x13EB0];
	[tilespmem:$0x13B60] =	vst v0;
	v0 =	vsub.f32 v55, v56  }
0x4a5: {  	v39 =	vld [tilespmem:$0x13740];
	[tilespmem:$0x13B70] =	vst v2;
	v2 =	vsub.f32 v57, v58  }
0x4a6: {  	v40 =	vld [tilespmem:$0x13EC0];
	[tilespmem:$0x13B80] =	vst v0;
	v0 =	vsub.f32 v59, v60  }
0x4a7: {  	v41 =	vld [tilespmem:$0x13750];
	[tilespmem:$0x13B90] =	vst v2;
	v2 =	vsub.f32 v61, v62  }
0x4a8: {  	v1 =	vld [tilespmem:$0x13E90];
	[tilespmem:$0x13BA0] =	vst v0;
	v0 =	vsub.f32 v63, v25  }
0x4a9: {  	v3 =	vld [tilespmem:$0x13720];
	[tilespmem:$0x13BB0] =	vst v2;
	v2 =	vsub.f32 v27, v28  }
0x4aa: {  	v42 =	vld [tilespmem:$0x13ED0];
	[tilespmem:$0x13BC0] =	vst v0;
	v0 =	vsub.f32 v29, v30  }
0x4ab: {  	v43 =	vld [tilespmem:$0x13760];
	[tilespmem:$0x13BD0] =	vst v2;
	v2 =	vsub.f32 v31, v32  }
0x4ac: {  	v44 =	vld [tilespmem:$0x13EE0];
	[tilespmem:$0x13BE0] =	vst v0;
	v0 =	vsub.f32 v33, v34  }
0x4ad: {  	v1 =	vsub.f32 v35, v1;
	[tilespmem:$0x13BF0] =	vst v2;
	v2 =	vld [tilespmem:$0x13770]  }
0x4ae: {  	[tilespmem:$0x13C00] =	vst v0;
	v0 =	vsub.f32 v3, v36;
	v3 =	vld [tilespmem:$0x13EF0]  }
0x4af: {  	[tilespmem:$0x13C10] =	vst v1;
	v1 =	vsub.f32 v37, v38  }
0x4b0: {  	[tilespmem:$0x13C20] =	vst v0;
	v0 =	vsub.f32 v39, v40  }
0x4b1: {  	[tilespmem:$0x13C30] =	vst v1;
	v1 =	vsub.f32 v41, v42  }
0x4b2: {  	[tilespmem:$0x13C40] =	vst v0;
	v0 =	vsub.f32 v43, v44  }
0x4b3: {  	s5 =	rddreg [dreg:$0x6];
	[tilespmem:$0x13C50] =	vst v1;
	v1 =	vsub.f32 v2, v3  }
0x4b4: {  	s4 =	rddreg [dreg:$0x4];
	[tilespmem:$0x13C60] =	vst v0  }
0x4b5: {  	s1 =	simm.s32 $0x0;
	s3 =	simm.s32 $0x13A00;
	s2 =	sadd.s32 s5, s4;
	[tilespmem:$0x13C70] =	vst v1  }
0x4b6: {  	[hbm4b:s2+s1] =	stream.linear.scatter [tilespmem:s3], [sflag:$0x4], $0x280, $0x38;
	[tilespmem:$0x13F00] =	vst v63  }
0x4b7: {  	s2 =	simm.s32 $0x4  }
0x4b8: {  	_ =	swait.ge [sflag:s2], $0x280  }
0x4b9: {  	[sflag:s2] =	ssyncset.done $0x0;
	s6 =	rddreg [dreg:$0x7]  }
0x4ba: {  	s3 =	sadd.s32 s6, s4;
	[sflag:s2] =	ssyncadd.s32 $0xFFFFFD80;
	s6 =	simm.s32 $0x13C80  }
0x4bb: {  	[hbm4b:s3+s1] =	stream.linear.scatter [tilespmem:s6], [sflag:$0x4], $0x280, $0x38;
	[tilespmem:$0x13F00] =	vst v63  }
0x4bc: {  	_ =	swait.ge [sflag:s2], $0x280  }
0x4bd: {  	[sflag:s2] =	ssyncset.done $0x0  }
0x4be: {  	[sflag:s2] =	ssyncadd.s32 $0xFFFFFD80  }
0x4bf: {  	[bflag:$0x0] =	sbarrier.arrive $0xFFFF  }
0x4c0: {  	[tilespmem:s1], [sflag:$0x4] =	stream.linear.gather [hbm4b:s5+s1], $0x2800, $0x38;
	[tilespmem:$0x13F00] =	vst v63  }
0x4c1: {  	_ =	swait.ge [sflag:s2], $0x2800  }
0x4c2: {  	[sflag:s2] =	ssyncset.done $0x0  }
0x4c3: {  	s5 =	simm.s32 $0x1;
	[sflag:s2] =	ssyncadd.s32 $0xFFFFD800  }
0x4c4: {  	_ =	swait.ge [sflag:s5], $0x1F40  }
0x4c5: {  	[sflag:s5] =	ssyncset.done $0x0  }
0x4c6: {  	[sflag:s5] =	ssyncadd.s32 $0xFFFFE0C0  }
0x4c7: {  	_ =	swait.ge [sflag:s5], $0x1F40  }
0x4c8: {  	[sflag:s5] =	ssyncset.done $0x0  }
0x4c9: {  	[sflag:s5] =	ssyncadd.s32 $0xFFFFE0C0  }
0x4ca: {  	_ =	swait.ge [sflag:s5], $0x1F40  }
0x4cb: {  	[sflag:s5] =	ssyncset.done $0x0  }
0x4cc: {  	s6 =	simm.s32 $0x6FC0;
	[sflag:s5] =	ssyncadd.s32 $0xFFFFE0C0  }
0x4cd: {  	v0 =	vld [tilespmem:s6+$0x30]  }
0x4ce: {  	v1 =	vld [tilespmem:s6+$0xFFFFFFD0]  }
0x4cf: {  	v2 =	vld [tilespmem:s6+$0xFFFFFFE0]  }
0x4d0: {  	v3 =	vld [tilespmem:s6+$0xFFFFFFF0]  }
0x4d1: {  	v45 =	vld [tilespmem:s6+$0x0]  }
0x4d2: {  	s2 =	simm.s32 $0x5040;
	v46 =	vld [tilespmem:s6+$0x10]  }
0x4d3: {  	s3 =	simm.s32 $0x8F40;
	v47 =	vld [tilespmem:s2+$0x30]  }
0x4d4: {  	v48 =	vld [tilespmem:s3+$0x30]  }
0x4d5: {  	v49 =	vld [tilespmem:s6+$0x20]  }
0x4d6: {  	v50 =	vld [tilespmem:s6+$0xFFFFFFC0]  }
0x4d7: {  	v52 =	vld [tilespmem:s2+$0xFFFFFFD0]  }
0x4d8: {  	v53 =	vld [tilespmem:s3+$0xFFFFFFD0]  }
0x4d9: {  	v54 =	vld [tilespmem:s3+$0xFFFFFFE0]  }
0x4da: {  	v55 =	vld [tilespmem:s3+$0xFFFFFFF0]  }
0x4db: {  	v56 =	vld [tilespmem:s2+$0xFFFFFFE0]  }
0x4dc: {  	v57 =	vld [tilespmem:s3+$0x0]  }
0x4dd: {  	v58 =	vld [tilespmem:s3+$0x10]  }
0x4de: {  	v59 =	vld [tilespmem:s2+$0xFFFFFFF0]  }
0x4df: {  	v60 =	vld [tilespmem:s2+$0x0]  }
0x4e0: {  	v61 =	vld [tilespmem:s2+$0x20]  }
0x4e1: {  	v62 =	vld [tilespmem:s3+$0x20]  }
0x4e2: {  	v0 =	vld.idx.msk [tilespmem:v0+s1+$0x0], $0xffff  }
0x4e3: {  	v1 =	vld.idx.msk [tilespmem:v1+s1+$0x0], $0xffff  }
0x4e4: {  	v63 =	vld [tilespmem:s3+$0xFFFFFFC0]  }
0x4e5: {  	v2 =	vld.idx.msk [tilespmem:v2+s1+$0x0], $0xffff  }
0x4e6: {  	v3 =	vld.idx.msk [tilespmem:v3+s1+$0x0], $0xffff  }
0x4e7: {  	v4 =	vld.idx.msk [tilespmem:v45+s1+$0x0], $0xffff;
	v0 =	vmul.f32 v0, v48  }
0x4e8: {  	s4 =	simm.s32 $0x2800;
	v51 =	vld.idx.msk [tilespmem:v49+s1+$0x0], $0xffff;
	v1 =	vmul.f32 v1, v53  }
0x4e9: {  	[tilespmem:v47+s4+$0x0] =	vst.idx.add.f32.msk $0xffff, v0  }
0x4ea: {  	[tilespmem:v52+s4+$0x0] =	vst.idx.add.f32.msk $0xffff, v1  }
0x4eb: {  	v1 =	vmul.f32 v2, v54;
	v2 =	vld [tilespmem:s2+$0x10]  }
0x4ec: {  	v3 =	vmul.f32 v3, v55;
	v0 =	vld.idx.msk [tilespmem:v46+s1+$0x0], $0xffff  }
0x4ed: {  	v9 =	vld.idx.msk [tilespmem:v50+s1+$0x0], $0xffff;
	v4 =	vmul.f32 v4, v57  }
0x4ee: {  	[tilespmem:v59+s4+$0x0] =	vst.idx.add.f32.msk $0xffff, v3  }
0x4ef: {  	[tilespmem:v60+s4+$0x0] =	vst.idx.add.f32.msk $0xffff, v4  }
0x4f0: {  	v3 =	vmul.f32 v51, v62;
	[tilespmem:v56+s4+$0x0] =	vst.idx.add.f32.msk $0xffff, v1  }
0x4f1: {  	v1 =	vld [tilespmem:s2+$0xFFFFFFC0];
	v0 =	vmul.f32 v0, v58  }
0x4f2: {  	[tilespmem:v61+s4+$0x0] =	vst.idx.add.f32.msk $0xffff, v3  }
0x4f3: {  	s5 =	simm.s32 $0x0;
	s6 =	simm.s32 $0x7040;
	[tilespmem:v2+s4+$0x0] =	vst.idx.add.f32.msk $0xffff, v0;
	v0 =	vmul.f32 v9, v63  }
.LBB2_27:
0x4f4: {  	v2 =	vld [tilespmem:s6+$0x30];
	s5 =	sadd.s32 $0x80, s5  }
0x4f5: {  	v3 =	vld [tilespmem:s6+$0xFFFFFFC0];
	p0 =	slt.u32 s5, $0x1E80  }
0x4f6: {  	v4 =	vld [tilespmem:s6+$0xFFFFFFD0]  }
0x4f7: {  	v5 =	vld [tilespmem:s6+$0xFFFFFFE0]  }
0x4f8: {  	v6 =	vld [tilespmem:s6+$0xFFFFFFF0]  }
0x4f9: {  	v7 =	vld [tilespmem:s6+$0x0]  }
0x4fa: {  	s2 =	sadd.s32 $0x80, s2;
	v8 =	vld [tilespmem:s6+$0x10]  }
0x4fb: {  	v9 =	vld [tilespmem:s2+$0x30]  }
0x4fc: {  	s3 =	sadd.s32 $0x80, s3;
	v2 =	vld.idx.msk [tilespmem:v2+s1+$0x0], $0xffff  }
0x4fd: {  	v10 =	vld [tilespmem:s3+$0x30]  }
0x4fe: {  	v11 =	vld [tilespmem:s6+$0x20]  }
0x4ff: {  	v3 =	vld.idx.msk [tilespmem:v3+s1+$0x0], $0xffff  }
0x500: {  	v4 =	vld.idx.msk [tilespmem:v4+s1+$0x0], $0xffff  }
0x501: {  	v5 =	vld.idx.msk [tilespmem:v5+s1+$0x0], $0xffff  }
0x502: {  	v6 =	vld.idx.msk [tilespmem:v6+s1+$0x0], $0xffff;
	v2 =	vmul.f32 v2, v10  }
0x503: {  	v7 =	vld.idx.msk [tilespmem:v7+s1+$0x0], $0xffff  }
0x504: {  	[tilespmem:v9+s4+$0x0] =	vst.idx.add.f32.msk $0xffff, v2  }
0x505: {  	v2 =	vld.idx.msk [tilespmem:v8+s1+$0x0], $0xffff  }
0x506: {  	v8 =	vld.idx.msk [tilespmem:v11+s1+$0x0], $0xffff  }
0x507: {  	v9 =	vld [tilespmem:s3+$0xFFFFFFC0]  }
0x508: {  	v10 =	vld [tilespmem:s3+$0xFFFFFFD0]  }
0x509: {  	v11 =	vld [tilespmem:s3+$0xFFFFFFE0]  }
0x50a: {  	v12 =	vld [tilespmem:s3+$0xFFFFFFF0]  }
0x50b: {  	v13 =	vld [tilespmem:s3+$0x0]  }
0x50c: {  	v3 =	vmul.f32 v3, v9;
	v9 =	vld [tilespmem:s3+$0x10]  }
0x50d: {  	v4 =	vmul.f32 v4, v10;
	v10 =	vld [tilespmem:s3+$0x20]  }
0x50e: {  	v14 =	vld [tilespmem:s2+$0xFFFFFFD0];
	v5 =	vmul.f32 v5, v11  }
0x50f: {  	v11 =	vld [tilespmem:s2+$0xFFFFFFE0];
	v6 =	vmul.f32 v6, v12  }
0x510: {  	v12 =	vld [tilespmem:s2+$0xFFFFFFF0];
	v7 =	vmul.f32 v7, v13  }
0x511: {  	v13 =	vld [tilespmem:s2+$0x0];
	v2 =	vmul.f32 v2, v9  }
0x512: {  	v9 =	vld [tilespmem:s2+$0x10];
	v8 =	vmul.f32 v8, v10  }
0x513: {  	v10 =	vld [tilespmem:s2+$0x20]  }
0x514: {  	v15 =	vld [tilespmem:s2+$0xFFFFFFC0]  }
0x515: {  	[tilespmem:v1+s4+$0x0] =	vst.idx.add.f32.msk $0xffff, v0;
	v0 =	vmov v3  }
0x516: {  	[tilespmem:v14+s4+$0x0] =	vst.idx.add.f32.msk $0xffff, v4  }
.Ltmp13:
0x517: {  	[tilespmem:v11+s4+$0x0] =	vst.idx.add.f32.msk $0xffff, v5;
	(pc) =	sbr.rel @p0 .LBB2_27-.Ltmp13, $4  }
0x518: {  	[tilespmem:v12+s4+$0x0] =	vst.idx.add.f32.msk $0xffff, v6  }
0x519: {  	[tilespmem:v13+s4+$0x0] =	vst.idx.add.f32.msk $0xffff, v7;
	v1 =	vmov v15  }
0x51a: {  	[tilespmem:v9+s4+$0x0] =	vst.idx.add.f32.msk $0xffff, v2  }
0x51b: {  	s6 =	sadd.s32 $0x80, s6;
	[tilespmem:v10+s4+$0x0] =	vst.idx.add.f32.msk $0xffff, v8  }
0x51c: {  	_ =	sdelay $0x2  }
0x51d: {  	s1 =	simm.s32 $0x1EF0;
	s2 =	simm.s32 $0xAE00;
	s3 =	simm.s32 $0x8E80  }
0x51e: {  	[tilespmem:v1+s4+$0x0] =	vst.idx.add.f32.msk $0xffff, v0;
	s4 =	simm.s32 $0x6F00;
	s5 =	simm.s32 $0x0;
	s6 =	simm.s32 $0x2800  }
.LBB2_29:
0x51f: {  	v0 =	vld [tilespmem:s3+$0x0];
	_ =	sdelay $0x5  }
0x520: {  	v1 =	vld [tilespmem:s4+$0x0]  }
0x521: {  	v2 =	vld [tilespmem:s2+$0x0]  }
0x522: {  	v0 =	vld.idx.msk [tilespmem:v0+s5+$0x0], $0xffff  }
0x523: {  	s1 =	sadd.s32 $0x10, s1  }
0x524: {  	p0 =	slt.u32 s1, $0x1F30  }
.Ltmp14:
0x525: {  	_ = 	snop;
	(pc) =	sbr.rel @p0 .LBB2_29-.Ltmp14, $3  }
0x526: {  	_ = 	snop  }
0x527: {  	v0 =	vmul.f32 v0, v2;
	_ =	sdelay $0x1  }
0x528: {  	s2 =	sadd.s32 $0x10, s2;
	s3 =	sadd.s32 $0x10, s3;
	s4 =	sadd.s32 $0x10, s4;
	[tilespmem:v1+s6+$0x0] =	vst.idx.add.f32.msk $0xffff, v0  }
0x529: {  	s1 =	simm.s32 $0x0;
	s2 =	simm.s32 $0x5000;
	s3 =	rddreg [dreg:$0x8]  }
0x52a: {  	[tilespmem:s2], [sflag:$0x1] =	stream.linear.gather [hbm4b:s3+s1], $0x1F40, $0x38;
	[tilespmem:$0x13F00] =	vst v63  }
0x52b: {  	s6 =	simm.s32 $0x6F80  }
0x52c: {  	[tilespmem:s6], [sflag:$0x1] =	stream.linear.gather [hbm4b:s7+s1], $0x1F40, $0x38;
	[tilespmem:$0x13F00] =	vst v63  }
0x52d: {  	s7 =	simm.s32 $0x8F00  }
0x52e: {  	[tilespmem:s7], [sflag:$0x1] =	stream.linear.gather [hbm4b:s8+s1], $0x1F40, $0x38;
	[tilespmem:$0x13F00] =	vst v63  }
0x52f: {  	s8 =	simm.s32 $0x2  }
0x530: {  	_ =	swait.ge [sflag:s8], $0x1F40  }
0x531: {  	[sflag:s8] =	ssyncset.done $0x0  }
0x532: {  	[sflag:s8] =	ssyncadd.s32 $0xFFFFE0C0  }
0x533: {  	_ =	swait.ge [sflag:s8], $0x1F40  }
0x534: {  	[sflag:s8] =	ssyncset.done $0x0  }
0x535: {  	[sflag:s8] =	ssyncadd.s32 $0xFFFFE0C0  }
0x536: {  	_ =	swait.ge [sflag:s8], $0x1F40  }
0x537: {  	[sflag:s8] =	ssyncset.done $0x0  }
0x538: {  	s4 =	simm.s32 $0xCE40;
	[sflag:s8] =	ssyncadd.s32 $0xFFFFE0C0  }
0x539: {  	v0 =	vld [tilespmem:s4+$0x30]  }
0x53a: {  	v1 =	vld [tilespmem:s4+$0xFFFFFFD0]  }
0x53b: {  	v2 =	vld [tilespmem:s4+$0xFFFFFFE0]  }
0x53c: {  	v3 =	vld [tilespmem:s4+$0xFFFFFFF0]  }
0x53d: {  	v4 =	vld [tilespmem:s4+$0x0]  }
0x53e: {  	s2 =	simm.s32 $0xAEC0;
	v5 =	vld [tilespmem:s4+$0x10]  }
0x53f: {  	s3 =	simm.s32 $0xEDC0;
	v6 =	vld [tilespmem:s2+$0x30]  }
0x540: {  	v7 =	vld [tilespmem:s3+$0x30]  }
0x541: {  	v8 =	vld [tilespmem:s4+$0x20]  }
0x542: {  	v9 =	vld [tilespmem:s4+$0xFFFFFFC0]  }
0x543: {  	v57 =	vld [tilespmem:s2+$0xFFFFFFD0]  }
0x544: {  	v58 =	vld [tilespmem:s3+$0xFFFFFFD0]  }
0x545: {  	v59 =	vld [tilespmem:s3+$0xFFFFFFE0]  }
0x546: {  	v10 =	vld [tilespmem:s3+$0xFFFFFFF0]  }
0x547: {  	v11 =	vld [tilespmem:s2+$0xFFFFFFE0]  }
0x548: {  	v12 =	vld [tilespmem:s3+$0x0]  }
0x549: {  	v13 =	vld [tilespmem:s3+$0x10]  }
0x54a: {  	v60 =	vld [tilespmem:s2+$0xFFFFFFF0]  }
0x54b: {  	v61 =	vld [tilespmem:s2+$0x0]  }
0x54c: {  	v62 =	vld [tilespmem:s2+$0x20]  }
0x54d: {  	v63 =	vld [tilespmem:s3+$0x20]  }
0x54e: {  	v0 =	vld.idx.msk [tilespmem:v0+s1+$0x0], $0xffff  }
0x54f: {  	v1 =	vld.idx.msk [tilespmem:v1+s1+$0x0], $0xffff  }
0x550: {  	v14 =	vld [tilespmem:s3+$0xFFFFFFC0]  }
0x551: {  	v2 =	vld.idx.msk [tilespmem:v2+s1+$0x0], $0xffff  }
0x552: {  	v3 =	vld.idx.msk [tilespmem:v3+s1+$0x0], $0xffff  }
0x553: {  	v4 =	vld.idx.msk [tilespmem:v4+s1+$0x0], $0xffff;
	v0 =	vmul.f32 v0, v7  }
0x554: {  	s4 =	simm.s32 $0x2800;
	v56 =	vld.idx.msk [tilespmem:v8+s1+$0x0], $0xffff;
	v1 =	vmul.f32 v1, v58  }
0x555: {  	[tilespmem:v6+s4+$0x0] =	vst.idx.add.f32.msk $0xffff, v0  }
0x556: {  	[tilespmem:v57+s4+$0x0] =	vst.idx.add.f32.msk $0xffff, v1  }
0x557: {  	v1 =	vmul.f32 v2, v59;
	v2 =	vld [tilespmem:s2+$0x10]  }
0x558: {  	v3 =	vmul.f32 v3, v10;
	v0 =	vld.idx.msk [tilespmem:v5+s1+$0x0], $0xffff  }
0x559: {  	v9 =	vld.idx.msk [tilespmem:v9+s1+$0x0], $0xffff;
	v4 =	vmul.f32 v4, v12  }
0x55a: {  	[tilespmem:v60+s4+$0x0] =	vst.idx.add.f32.msk $0xffff, v3  }
0x55b: {  	[tilespmem:v61+s4+$0x0] =	vst.idx.add.f32.msk $0xffff, v4  }
0x55c: {  	v3 =	vmul.f32 v56, v63;
	[tilespmem:v11+s4+$0x0] =	vst.idx.add.f32.msk $0xffff, v1  }
0x55d: {  	v1 =	vld [tilespmem:s2+$0xFFFFFFC0];
	v0 =	vmul.f32 v0, v13  }
0x55e: {  	[tilespmem:v62+s4+$0x0] =	vst.idx.add.f32.msk $0xffff, v3  }
0x55f: {  	s5 =	simm.s32 $0x0;
	s6 =	simm.s32 $0xCEC0;
	[tilespmem:v2+s4+$0x0] =	vst.idx.add.f32.msk $0xffff, v0;
	v0 =	vmul.f32 v9, v14  }
.LBB2_31:
0x560: {  	v2 =	vld [tilespmem:s6+$0x30];
	s5 =	sadd.s32 $0x80, s5  }
0x561: {  	v3 =	vld [tilespmem:s6+$0xFFFFFFC0];
	p0 =	slt.u32 s5, $0x1E80  }
0x562: {  	v4 =	vld [tilespmem:s6+$0xFFFFFFD0]  }
0x563: {  	v5 =	vld [tilespmem:s6+$0xFFFFFFE0]  }
0x564: {  	v6 =	vld [tilespmem:s6+$0xFFFFFFF0]  }
0x565: {  	v7 =	vld [tilespmem:s6+$0x0]  }
0x566: {  	s2 =	sadd.s32 $0x80, s2;
	v8 =	vld [tilespmem:s6+$0x10]  }
0x567: {  	v9 =	vld [tilespmem:s2+$0x30]  }
0x568: {  	s3 =	sadd.s32 $0x80, s3;
	v2 =	vld.idx.msk [tilespmem:v2+s1+$0x0], $0xffff  }
0x569: {  	v10 =	vld [tilespmem:s3+$0x30]  }
0x56a: {  	v11 =	vld [tilespmem:s6+$0x20]  }
0x56b: {  	v3 =	vld.idx.msk [tilespmem:v3+s1+$0x0], $0xffff  }
0x56c: {  	v4 =	vld.idx.msk [tilespmem:v4+s1+$0x0], $0xffff  }
0x56d: {  	v5 =	vld.idx.msk [tilespmem:v5+s1+$0x0], $0xffff  }
0x56e: {  	v6 =	vld.idx.msk [tilespmem:v6+s1+$0x0], $0xffff;
	v2 =	vmul.f32 v2, v10  }
0x56f: {  	v7 =	vld.idx.msk [tilespmem:v7+s1+$0x0], $0xffff  }
0x570: {  	[tilespmem:v9+s4+$0x0] =	vst.idx.add.f32.msk $0xffff, v2  }
0x571: {  	v2 =	vld.idx.msk [tilespmem:v8+s1+$0x0], $0xffff  }
0x572: {  	v8 =	vld.idx.msk [tilespmem:v11+s1+$0x0], $0xffff  }
0x573: {  	v9 =	vld [tilespmem:s3+$0xFFFFFFC0]  }
0x574: {  	v10 =	vld [tilespmem:s3+$0xFFFFFFD0]  }
0x575: {  	v11 =	vld [tilespmem:s3+$0xFFFFFFE0]  }
0x576: {  	v12 =	vld [tilespmem:s3+$0xFFFFFFF0]  }
0x577: {  	v13 =	vld [tilespmem:s3+$0x0]  }
0x578: {  	v3 =	vmul.f32 v3, v9;
	v9 =	vld [tilespmem:s3+$0x10]  }
0x579: {  	v4 =	vmul.f32 v4, v10;
	v10 =	vld [tilespmem:s3+$0x20]  }
0x57a: {  	v14 =	vld [tilespmem:s2+$0xFFFFFFD0];
	v5 =	vmul.f32 v5, v11  }
0x57b: {  	v11 =	vld [tilespmem:s2+$0xFFFFFFE0];
	v6 =	vmul.f32 v6, v12  }
0x57c: {  	v12 =	vld [tilespmem:s2+$0xFFFFFFF0];
	v7 =	vmul.f32 v7, v13  }
0x57d: {  	v13 =	vld [tilespmem:s2+$0x0];
	v2 =	vmul.f32 v2, v9  }
0x57e: {  	v9 =	vld [tilespmem:s2+$0x10];
	v8 =	vmul.f32 v8, v10  }
0x57f: {  	v10 =	vld [tilespmem:s2+$0x20]  }
0x580: {  	v15 =	vld [tilespmem:s2+$0xFFFFFFC0]  }
0x581: {  	[tilespmem:v1+s4+$0x0] =	vst.idx.add.f32.msk $0xffff, v0;
	v0 =	vmov v3  }
0x582: {  	[tilespmem:v14+s4+$0x0] =	vst.idx.add.f32.msk $0xffff, v4  }
.Ltmp15:
0x583: {  	[tilespmem:v11+s4+$0x0] =	vst.idx.add.f32.msk $0xffff, v5;
	(pc) =	sbr.rel @p0 .LBB2_31-.Ltmp15, $4  }
0x584: {  	[tilespmem:v12+s4+$0x0] =	vst.idx.add.f32.msk $0xffff, v6  }
0x585: {  	[tilespmem:v13+s4+$0x0] =	vst.idx.add.f32.msk $0xffff, v7;
	v1 =	vmov v15  }
0x586: {  	[tilespmem:v9+s4+$0x0] =	vst.idx.add.f32.msk $0xffff, v2  }
0x587: {  	s6 =	sadd.s32 $0x80, s6;
	[tilespmem:v10+s4+$0x0] =	vst.idx.add.f32.msk $0xffff, v8  }
0x588: {  	_ =	sdelay $0x2  }
0x589: {  	s1 =	simm.s32 $0x1EF0;
	s2 =	simm.s32 $0x10C80;
	s3 =	simm.s32 $0xED00  }
0x58a: {  	[tilespmem:v1+s4+$0x0] =	vst.idx.add.f32.msk $0xffff, v0;
	s4 =	simm.s32 $0xCD80;
	s5 =	simm.s32 $0x0;
	s6 =	simm.s32 $0x2800  }
.LBB2_33:
0x58b: {  	v0 =	vld [tilespmem:s3+$0x0];
	_ =	sdelay $0x5  }
0x58c: {  	v1 =	vld [tilespmem:s4+$0x0]  }
0x58d: {  	v2 =	vld [tilespmem:s2+$0x0]  }
0x58e: {  	v0 =	vld.idx.msk [tilespmem:v0+s5+$0x0], $0xffff  }
0x58f: {  	s1 =	sadd.s32 $0x10, s1  }
0x590: {  	p0 =	slt.u32 s1, $0x1F30  }
.Ltmp16:
0x591: {  	_ = 	snop;
	(pc) =	sbr.rel @p0 .LBB2_33-.Ltmp16, $3  }
0x592: {  	_ = 	snop  }
0x593: {  	v0 =	vmul.f32 v0, v2;
	_ =	sdelay $0x1  }
0x594: {  	s2 =	sadd.s32 $0x10, s2;
	s3 =	sadd.s32 $0x10, s3;
	s4 =	sadd.s32 $0x10, s4;
	[tilespmem:v1+s6+$0x0] =	vst.idx.add.f32.msk $0xffff, v0  }
0x595: {  	s1 =	simm.s32 $0x0;
	s2 =	simm.s32 $0xAE80  }
0x596: {  	[tilespmem:s2], [sflag:$0x2] =	stream.linear.gather [hbm4b:s9+s1], $0x1F40, $0x38;
	[tilespmem:$0x13F00] =	vst v63  }
0x597: {  	s9 =	simm.s32 $0xCE00  }
0x598: {  	[tilespmem:s9], [sflag:$0x2] =	stream.linear.gather [hbm4b:s10+s1], $0x1F40, $0x38;
	[tilespmem:$0x13F00] =	vst v63  }
0x599: {  	s10 =	simm.s32 $0xED80  }
0x59a: {  	[tilespmem:s10], [sflag:$0x2] =	stream.linear.gather [hbm4b:s11+s1], $0x1F40, $0x38;
	[tilespmem:$0x13F00] =	vst v63  }
0x59b: {  	s11 =	simm.s32 $0x1  }
0x59c: {  	_ =	swait.ge [sflag:s11], $0x1F40  }
0x59d: {  	[sflag:s11] =	ssyncset.done $0x0  }
0x59e: {  	[sflag:s11] =	ssyncadd.s32 $0xFFFFE0C0  }
0x59f: {  	_ =	swait.ge [sflag:s11], $0x1F40  }
0x5a0: {  	[sflag:s11] =	ssyncset.done $0x0  }
0x5a1: {  	[sflag:s11] =	ssyncadd.s32 $0xFFFFE0C0  }
0x5a2: {  	_ =	swait.ge [sflag:s11], $0x1F40  }
0x5a3: {  	[sflag:s11] =	ssyncset.done $0x0  }
0x5a4: {  	s4 =	simm.s32 $0x6FC0;
	[sflag:s11] =	ssyncadd.s32 $0xFFFFE0C0  }
0x5a5: {  	v0 =	vld [tilespmem:s4+$0x30]  }
0x5a6: {  	v1 =	vld [tilespmem:s4+$0xFFFFFFD0]  }
0x5a7: {  	v2 =	vld [tilespmem:s4+$0xFFFFFFE0]  }
0x5a8: {  	v3 =	vld [tilespmem:s4+$0xFFFFFFF0]  }
0x5a9: {  	v4 =	vld [tilespmem:s4+$0x0]  }
0x5aa: {  	s2 =	simm.s32 $0x5040;
	v5 =	vld [tilespmem:s4+$0x10]  }
0x5ab: {  	s3 =	simm.s32 $0x8F40;
	v6 =	vld [tilespmem:s2+$0x30]  }
0x5ac: {  	v7 =	vld [tilespmem:s3+$0x30]  }
0x5ad: {  	v8 =	vld [tilespmem:s4+$0x20]  }
0x5ae: {  	v9 =	vld [tilespmem:s4+$0xFFFFFFC0]  }
0x5af: {  	v57 =	vld [tilespmem:s2+$0xFFFFFFD0]  }
0x5b0: {  	v58 =	vld [tilespmem:s3+$0xFFFFFFD0]  }
0x5b1: {  	v59 =	vld [tilespmem:s3+$0xFFFFFFE0]  }
0x5b2: {  	v10 =	vld [tilespmem:s3+$0xFFFFFFF0]  }
0x5b3: {  	v11 =	vld [tilespmem:s2+$0xFFFFFFE0]  }
0x5b4: {  	v12 =	vld [tilespmem:s3+$0x0]  }
0x5b5: {  	v13 =	vld [tilespmem:s3+$0x10]  }
0x5b6: {  	v60 =	vld [tilespmem:s2+$0xFFFFFFF0]  }
0x5b7: {  	v61 =	vld [tilespmem:s2+$0x0]  }
0x5b8: {  	v62 =	vld [tilespmem:s2+$0x20]  }
0x5b9: {  	v63 =	vld [tilespmem:s3+$0x20]  }
0x5ba: {  	v0 =	vld.idx.msk [tilespmem:v0+s1+$0x0], $0xffff  }
0x5bb: {  	v1 =	vld.idx.msk [tilespmem:v1+s1+$0x0], $0xffff  }
0x5bc: {  	v14 =	vld [tilespmem:s3+$0xFFFFFFC0]  }
0x5bd: {  	v2 =	vld.idx.msk [tilespmem:v2+s1+$0x0], $0xffff  }
0x5be: {  	v3 =	vld.idx.msk [tilespmem:v3+s1+$0x0], $0xffff  }
0x5bf: {  	v4 =	vld.idx.msk [tilespmem:v4+s1+$0x0], $0xffff;
	v0 =	vmul.f32 v0, v7  }
0x5c0: {  	s4 =	simm.s32 $0x2800;
	v56 =	vld.idx.msk [tilespmem:v8+s1+$0x0], $0xffff;
	v1 =	vmul.f32 v1, v58  }
0x5c1: {  	[tilespmem:v6+s4+$0x0] =	vst.idx.add.f32.msk $0xffff, v0  }
0x5c2: {  	[tilespmem:v57+s4+$0x0] =	vst.idx.add.f32.msk $0xffff, v1  }
0x5c3: {  	v1 =	vmul.f32 v2, v59;
	v2 =	vld [tilespmem:s2+$0x10]  }
0x5c4: {  	v3 =	vmul.f32 v3, v10;
	v0 =	vld.idx.msk [tilespmem:v5+s1+$0x0], $0xffff  }
0x5c5: {  	v9 =	vld.idx.msk [tilespmem:v9+s1+$0x0], $0xffff;
	v4 =	vmul.f32 v4, v12  }
0x5c6: {  	[tilespmem:v60+s4+$0x0] =	vst.idx.add.f32.msk $0xffff, v3  }
0x5c7: {  	[tilespmem:v61+s4+$0x0] =	vst.idx.add.f32.msk $0xffff, v4  }
0x5c8: {  	v3 =	vmul.f32 v56, v63;
	[tilespmem:v11+s4+$0x0] =	vst.idx.add.f32.msk $0xffff, v1  }
0x5c9: {  	v1 =	vld [tilespmem:s2+$0xFFFFFFC0];
	v0 =	vmul.f32 v0, v13  }
0x5ca: {  	[tilespmem:v62+s4+$0x0] =	vst.idx.add.f32.msk $0xffff, v3  }
0x5cb: {  	s5 =	simm.s32 $0x0;
	s6 =	simm.s32 $0x7040;
	[tilespmem:v2+s4+$0x0] =	vst.idx.add.f32.msk $0xffff, v0;
	v0 =	vmul.f32 v9, v14  }
.LBB2_35:
0x5cc: {  	v2 =	vld [tilespmem:s6+$0x30];
	s5 =	sadd.s32 $0x80, s5  }
0x5cd: {  	v3 =	vld [tilespmem:s6+$0xFFFFFFC0];
	p0 =	slt.u32 s5, $0x1E80  }
0x5ce: {  	v4 =	vld [tilespmem:s6+$0xFFFFFFD0]  }
0x5cf: {  	v5 =	vld [tilespmem:s6+$0xFFFFFFE0]  }
0x5d0: {  	v6 =	vld [tilespmem:s6+$0xFFFFFFF0]  }
0x5d1: {  	v7 =	vld [tilespmem:s6+$0x0]  }
0x5d2: {  	s2 =	sadd.s32 $0x80, s2;
	v8 =	vld [tilespmem:s6+$0x10]  }
0x5d3: {  	v9 =	vld [tilespmem:s2+$0x30]  }
0x5d4: {  	s3 =	sadd.s32 $0x80, s3;
	v2 =	vld.idx.msk [tilespmem:v2+s1+$0x0], $0xffff  }
0x5d5: {  	v10 =	vld [tilespmem:s3+$0x30]  }
0x5d6: {  	v11 =	vld [tilespmem:s6+$0x20]  }
0x5d7: {  	v3 =	vld.idx.msk [tilespmem:v3+s1+$0x0], $0xffff  }
0x5d8: {  	v4 =	vld.idx.msk [tilespmem:v4+s1+$0x0], $0xffff  }
0x5d9: {  	v5 =	vld.idx.msk [tilespmem:v5+s1+$0x0], $0xffff  }
0x5da: {  	v6 =	vld.idx.msk [tilespmem:v6+s1+$0x0], $0xffff;
	v2 =	vmul.f32 v2, v10  }
0x5db: {  	v7 =	vld.idx.msk [tilespmem:v7+s1+$0x0], $0xffff  }
0x5dc: {  	[tilespmem:v9+s4+$0x0] =	vst.idx.add.f32.msk $0xffff, v2  }
0x5dd: {  	v2 =	vld.idx.msk [tilespmem:v8+s1+$0x0], $0xffff  }
0x5de: {  	v8 =	vld.idx.msk [tilespmem:v11+s1+$0x0], $0xffff  }
0x5df: {  	v9 =	vld [tilespmem:s3+$0xFFFFFFC0]  }
0x5e0: {  	v10 =	vld [tilespmem:s3+$0xFFFFFFD0]  }
0x5e1: {  	v11 =	vld [tilespmem:s3+$0xFFFFFFE0]  }
0x5e2: {  	v12 =	vld [tilespmem:s3+$0xFFFFFFF0]  }
0x5e3: {  	v13 =	vld [tilespmem:s3+$0x0]  }
0x5e4: {  	v3 =	vmul.f32 v3, v9;
	v9 =	vld [tilespmem:s3+$0x10]  }
0x5e5: {  	v4 =	vmul.f32 v4, v10;
	v10 =	vld [tilespmem:s3+$0x20]  }
0x5e6: {  	v14 =	vld [tilespmem:s2+$0xFFFFFFD0];
	v5 =	vmul.f32 v5, v11  }
0x5e7: {  	v11 =	vld [tilespmem:s2+$0xFFFFFFE0];
	v6 =	vmul.f32 v6, v12  }
0x5e8: {  	v12 =	vld [tilespmem:s2+$0xFFFFFFF0];
	v7 =	vmul.f32 v7, v13  }
0x5e9: {  	v13 =	vld [tilespmem:s2+$0x0];
	v2 =	vmul.f32 v2, v9  }
0x5ea: {  	v9 =	vld [tilespmem:s2+$0x10];
	v8 =	vmul.f32 v8, v10  }
0x5eb: {  	v10 =	vld [tilespmem:s2+$0x20]  }
0x5ec: {  	v15 =	vld [tilespmem:s2+$0xFFFFFFC0]  }
0x5ed: {  	[tilespmem:v1+s4+$0x0] =	vst.idx.add.f32.msk $0xffff, v0;
	v0 =	vmov v3  }
0x5ee: {  	[tilespmem:v14+s4+$0x0] =	vst.idx.add.f32.msk $0xffff, v4  }
.Ltmp17:
0x5ef: {  	[tilespmem:v11+s4+$0x0] =	vst.idx.add.f32.msk $0xffff, v5;
	(pc) =	sbr.rel @p0 .LBB2_35-.Ltmp17, $4  }
0x5f0: {  	[tilespmem:v12+s4+$0x0] =	vst.idx.add.f32.msk $0xffff, v6  }
0x5f1: {  	[tilespmem:v13+s4+$0x0] =	vst.idx.add.f32.msk $0xffff, v7;
	v1 =	vmov v15  }
0x5f2: {  	[tilespmem:v9+s4+$0x0] =	vst.idx.add.f32.msk $0xffff, v2  }
0x5f3: {  	s6 =	sadd.s32 $0x80, s6;
	[tilespmem:v10+s4+$0x0] =	vst.idx.add.f32.msk $0xffff, v8  }
0x5f4: {  	_ =	sdelay $0x2  }
0x5f5: {  	s1 =	simm.s32 $0x1EF0;
	s2 =	simm.s32 $0xAE00;
	s3 =	simm.s32 $0x8E80  }
0x5f6: {  	[tilespmem:v1+s4+$0x0] =	vst.idx.add.f32.msk $0xffff, v0;
	s4 =	simm.s32 $0x6F00;
	s5 =	simm.s32 $0x0;
	s6 =	simm.s32 $0x2800  }
.LBB2_37:
0x5f7: {  	v0 =	vld [tilespmem:s3+$0x0];
	_ =	sdelay $0x5  }
0x5f8: {  	v1 =	vld [tilespmem:s4+$0x0]  }
0x5f9: {  	v2 =	vld [tilespmem:s2+$0x0]  }
0x5fa: {  	v0 =	vld.idx.msk [tilespmem:v0+s5+$0x0], $0xffff  }
0x5fb: {  	s1 =	sadd.s32 $0x10, s1  }
0x5fc: {  	p0 =	slt.u32 s1, $0x1F30  }
.Ltmp18:
0x5fd: {  	_ = 	snop;
	(pc) =	sbr.rel @p0 .LBB2_37-.Ltmp18, $3  }
0x5fe: {  	_ = 	snop  }
0x5ff: {  	v0 =	vmul.f32 v0, v2;
	_ =	sdelay $0x1  }
0x600: {  	s2 =	sadd.s32 $0x10, s2;
	s3 =	sadd.s32 $0x10, s3;
	s4 =	sadd.s32 $0x10, s4;
	[tilespmem:v1+s6+$0x0] =	vst.idx.add.f32.msk $0xffff, v0  }
0x601: {  	s1 =	simm.s32 $0x0;
	s2 =	simm.s32 $0x5000  }
0x602: {  	[tilespmem:s2], [sflag:$0x1] =	stream.linear.gather [hbm4b:s12+s1], $0x1F40, $0x38;
	[tilespmem:$0x13F00] =	vst v63  }
0x603: {  	s12 =	simm.s32 $0x6F80  }
0x604: {  	[tilespmem:s12], [sflag:$0x1] =	stream.linear.gather [hbm4b:s13+s1], $0x1F40, $0x38;
	[tilespmem:$0x13F00] =	vst v63  }
0x605: {  	s13 =	simm.s32 $0x8F00  }
0x606: {  	[tilespmem:s13], [sflag:$0x1] =	stream.linear.gather [hbm4b:s14+s1], $0x1F40, $0x38;
	[tilespmem:$0x13F00] =	vst v63  }
0x607: {  	s14 =	simm.s32 $0x2  }
0x608: {  	_ =	swait.ge [sflag:s14], $0x1F40  }
0x609: {  	[sflag:s14] =	ssyncset.done $0x0  }
0x60a: {  	[sflag:s14] =	ssyncadd.s32 $0xFFFFE0C0  }
0x60b: {  	_ =	swait.ge [sflag:s14], $0x1F40  }
0x60c: {  	[sflag:s14] =	ssyncset.done $0x0  }
0x60d: {  	[sflag:s14] =	ssyncadd.s32 $0xFFFFE0C0  }
0x60e: {  	_ =	swait.ge [sflag:s14], $0x1F40  }
0x60f: {  	[sflag:s14] =	ssyncset.done $0x0  }
0x610: {  	s4 =	simm.s32 $0xCE40;
	[sflag:s14] =	ssyncadd.s32 $0xFFFFE0C0  }
0x611: {  	v0 =	vld [tilespmem:s4+$0x30]  }
0x612: {  	v1 =	vld [tilespmem:s4+$0xFFFFFFD0]  }
0x613: {  	v2 =	vld [tilespmem:s4+$0xFFFFFFE0]  }
0x614: {  	v3 =	vld [tilespmem:s4+$0xFFFFFFF0]  }
0x615: {  	v4 =	vld [tilespmem:s4+$0x0]  }
0x616: {  	s2 =	simm.s32 $0xAEC0;
	v5 =	vld [tilespmem:s4+$0x10]  }
0x617: {  	s3 =	simm.s32 $0xEDC0;
	v6 =	vld [tilespmem:s2+$0x30]  }
0x618: {  	v7 =	vld [tilespmem:s3+$0x30]  }
0x619: {  	v8 =	vld [tilespmem:s4+$0x20]  }
0x61a: {  	v9 =	vld [tilespmem:s4+$0xFFFFFFC0]  }
0x61b: {  	v57 =	vld [tilespmem:s2+$0xFFFFFFD0]  }
0x61c: {  	v58 =	vld [tilespmem:s3+$0xFFFFFFD0]  }
0x61d: {  	v59 =	vld [tilespmem:s3+$0xFFFFFFE0]  }
0x61e: {  	v10 =	vld [tilespmem:s3+$0xFFFFFFF0]  }
0x61f: {  	v11 =	vld [tilespmem:s2+$0xFFFFFFE0]  }
0x620: {  	v12 =	vld [tilespmem:s3+$0x0]  }
0x621: {  	v13 =	vld [tilespmem:s3+$0x10]  }
0x622: {  	v60 =	vld [tilespmem:s2+$0xFFFFFFF0]  }
0x623: {  	v61 =	vld [tilespmem:s2+$0x0]  }
0x624: {  	v62 =	vld [tilespmem:s2+$0x20]  }
0x625: {  	v63 =	vld [tilespmem:s3+$0x20]  }
0x626: {  	v0 =	vld.idx.msk [tilespmem:v0+s1+$0x0], $0xffff  }
0x627: {  	v1 =	vld.idx.msk [tilespmem:v1+s1+$0x0], $0xffff  }
0x628: {  	v14 =	vld [tilespmem:s3+$0xFFFFFFC0]  }
0x629: {  	v2 =	vld.idx.msk [tilespmem:v2+s1+$0x0], $0xffff  }
0x62a: {  	v3 =	vld.idx.msk [tilespmem:v3+s1+$0x0], $0xffff  }
0x62b: {  	v4 =	vld.idx.msk [tilespmem:v4+s1+$0x0], $0xffff;
	v0 =	vmul.f32 v0, v7  }
0x62c: {  	s4 =	simm.s32 $0x2800;
	v56 =	vld.idx.msk [tilespmem:v8+s1+$0x0], $0xffff;
	v1 =	vmul.f32 v1, v58  }
0x62d: {  	[tilespmem:v6+s4+$0x0] =	vst.idx.add.f32.msk $0xffff, v0  }
0x62e: {  	[tilespmem:v57+s4+$0x0] =	vst.idx.add.f32.msk $0xffff, v1  }
0x62f: {  	v1 =	vmul.f32 v2, v59;
	v2 =	vld [tilespmem:s2+$0x10]  }
0x630: {  	v3 =	vmul.f32 v3, v10;
	v0 =	vld.idx.msk [tilespmem:v5+s1+$0x0], $0xffff  }
0x631: {  	v9 =	vld.idx.msk [tilespmem:v9+s1+$0x0], $0xffff;
	v4 =	vmul.f32 v4, v12  }
0x632: {  	[tilespmem:v60+s4+$0x0] =	vst.idx.add.f32.msk $0xffff, v3  }
0x633: {  	[tilespmem:v61+s4+$0x0] =	vst.idx.add.f32.msk $0xffff, v4  }
0x634: {  	v3 =	vmul.f32 v56, v63;
	[tilespmem:v11+s4+$0x0] =	vst.idx.add.f32.msk $0xffff, v1  }
0x635: {  	v1 =	vld [tilespmem:s2+$0xFFFFFFC0];
	v0 =	vmul.f32 v0, v13  }
0x636: {  	[tilespmem:v62+s4+$0x0] =	vst.idx.add.f32.msk $0xffff, v3  }
0x637: {  	s5 =	simm.s32 $0x0;
	s6 =	simm.s32 $0xCEC0;
	[tilespmem:v2+s4+$0x0] =	vst.idx.add.f32.msk $0xffff, v0;
	v0 =	vmul.f32 v9, v14  }
.LBB2_39:
0x638: {  	v2 =	vld [tilespmem:s6+$0x30];
	s5 =	sadd.s32 $0x80, s5  }
0x639: {  	v3 =	vld [tilespmem:s6+$0xFFFFFFC0];
	p0 =	slt.u32 s5, $0x1E80  }
0x63a: {  	v4 =	vld [tilespmem:s6+$0xFFFFFFD0]  }
0x63b: {  	v5 =	vld [tilespmem:s6+$0xFFFFFFE0]  }
0x63c: {  	v6 =	vld [tilespmem:s6+$0xFFFFFFF0]  }
0x63d: {  	v7 =	vld [tilespmem:s6+$0x0]  }
0x63e: {  	s2 =	sadd.s32 $0x80, s2;
	v8 =	vld [tilespmem:s6+$0x10]  }
0x63f: {  	v9 =	vld [tilespmem:s2+$0x30]  }
0x640: {  	s3 =	sadd.s32 $0x80, s3;
	v2 =	vld.idx.msk [tilespmem:v2+s1+$0x0], $0xffff  }
0x641: {  	v10 =	vld [tilespmem:s3+$0x30]  }
0x642: {  	v11 =	vld [tilespmem:s6+$0x20]  }
0x643: {  	v3 =	vld.idx.msk [tilespmem:v3+s1+$0x0], $0xffff  }
0x644: {  	v4 =	vld.idx.msk [tilespmem:v4+s1+$0x0], $0xffff  }
0x645: {  	v5 =	vld.idx.msk [tilespmem:v5+s1+$0x0], $0xffff  }
0x646: {  	v6 =	vld.idx.msk [tilespmem:v6+s1+$0x0], $0xffff;
	v2 =	vmul.f32 v2, v10  }
0x647: {  	v7 =	vld.idx.msk [tilespmem:v7+s1+$0x0], $0xffff  }
0x648: {  	[tilespmem:v9+s4+$0x0] =	vst.idx.add.f32.msk $0xffff, v2  }
0x649: {  	v2 =	vld.idx.msk [tilespmem:v8+s1+$0x0], $0xffff  }
0x64a: {  	v8 =	vld.idx.msk [tilespmem:v11+s1+$0x0], $0xffff  }
0x64b: {  	v9 =	vld [tilespmem:s3+$0xFFFFFFC0]  }
0x64c: {  	v10 =	vld [tilespmem:s3+$0xFFFFFFD0]  }
0x64d: {  	v11 =	vld [tilespmem:s3+$0xFFFFFFE0]  }
0x64e: {  	v12 =	vld [tilespmem:s3+$0xFFFFFFF0]  }
0x64f: {  	v13 =	vld [tilespmem:s3+$0x0]  }
0x650: {  	v3 =	vmul.f32 v3, v9;
	v9 =	vld [tilespmem:s3+$0x10]  }
0x651: {  	v4 =	vmul.f32 v4, v10;
	v10 =	vld [tilespmem:s3+$0x20]  }
0x652: {  	v14 =	vld [tilespmem:s2+$0xFFFFFFD0];
	v5 =	vmul.f32 v5, v11  }
0x653: {  	v11 =	vld [tilespmem:s2+$0xFFFFFFE0];
	v6 =	vmul.f32 v6, v12  }
0x654: {  	v12 =	vld [tilespmem:s2+$0xFFFFFFF0];
	v7 =	vmul.f32 v7, v13  }
0x655: {  	v13 =	vld [tilespmem:s2+$0x0];
	v2 =	vmul.f32 v2, v9  }
0x656: {  	v9 =	vld [tilespmem:s2+$0x10];
	v8 =	vmul.f32 v8, v10  }
0x657: {  	v10 =	vld [tilespmem:s2+$0x20]  }
0x658: {  	v15 =	vld [tilespmem:s2+$0xFFFFFFC0]  }
0x659: {  	[tilespmem:v1+s4+$0x0] =	vst.idx.add.f32.msk $0xffff, v0;
	v0 =	vmov v3  }
0x65a: {  	[tilespmem:v14+s4+$0x0] =	vst.idx.add.f32.msk $0xffff, v4  }
.Ltmp19:
0x65b: {  	[tilespmem:v11+s4+$0x0] =	vst.idx.add.f32.msk $0xffff, v5;
	(pc) =	sbr.rel @p0 .LBB2_39-.Ltmp19, $4  }
0x65c: {  	[tilespmem:v12+s4+$0x0] =	vst.idx.add.f32.msk $0xffff, v6  }
0x65d: {  	[tilespmem:v13+s4+$0x0] =	vst.idx.add.f32.msk $0xffff, v7;
	v1 =	vmov v15  }
0x65e: {  	[tilespmem:v9+s4+$0x0] =	vst.idx.add.f32.msk $0xffff, v2  }
0x65f: {  	s6 =	sadd.s32 $0x80, s6;
	[tilespmem:v10+s4+$0x0] =	vst.idx.add.f32.msk $0xffff, v8  }
0x660: {  	_ =	sdelay $0x2  }
0x661: {  	s1 =	simm.s32 $0x1EF0;
	s2 =	simm.s32 $0x10C80;
	s3 =	simm.s32 $0xED00  }
0x662: {  	[tilespmem:v1+s4+$0x0] =	vst.idx.add.f32.msk $0xffff, v0;
	s4 =	simm.s32 $0xCD80;
	s5 =	simm.s32 $0x0;
	s6 =	simm.s32 $0x2800  }
.LBB2_41:
0x663: {  	v0 =	vld [tilespmem:s3+$0x0];
	_ =	sdelay $0x5  }
0x664: {  	v1 =	vld [tilespmem:s4+$0x0]  }
0x665: {  	v2 =	vld [tilespmem:s2+$0x0]  }
0x666: {  	v0 =	vld.idx.msk [tilespmem:v0+s5+$0x0], $0xffff  }
0x667: {  	s1 =	sadd.s32 $0x10, s1  }
0x668: {  	p0 =	slt.u32 s1, $0x1F30  }
.Ltmp20:
0x669: {  	_ = 	snop;
	(pc) =	sbr.rel @p0 .LBB2_41-.Ltmp20, $3  }
0x66a: {  	_ = 	snop  }
0x66b: {  	v0 =	vmul.f32 v0, v2;
	_ =	sdelay $0x1  }
0x66c: {  	s2 =	sadd.s32 $0x10, s2;
	s3 =	sadd.s32 $0x10, s3;
	s4 =	sadd.s32 $0x10, s4;
	[tilespmem:v1+s6+$0x0] =	vst.idx.add.f32.msk $0xffff, v0  }
0x66d: {  	s1 =	simm.s32 $0x1  }
0x66e: {  	_ =	swait.ge [sflag:s1], $0x1F40  }
0x66f: {  	[sflag:s1] =	ssyncset.done $0x0  }
0x670: {  	[sflag:s1] =	ssyncadd.s32 $0xFFFFE0C0  }
0x671: {  	_ =	swait.ge [sflag:s1], $0x1F40  }
0x672: {  	[sflag:s1] =	ssyncset.done $0x0  }
0x673: {  	[sflag:s1] =	ssyncadd.s32 $0xFFFFE0C0  }
0x674: {  	_ =	swait.ge [sflag:s1], $0x1F40  }
0x675: {  	[sflag:s1] =	ssyncset.done $0x0  }
0x676: {  	s4 =	simm.s32 $0x6FC0;
	[sflag:s1] =	ssyncadd.s32 $0xFFFFE0C0  }
0x677: {  	v0 =	vld [tilespmem:s4+$0x30]  }
0x678: {  	v1 =	vld [tilespmem:s4+$0xFFFFFFD0]  }
0x679: {  	v2 =	vld [tilespmem:s4+$0xFFFFFFE0]  }
0x67a: {  	v3 =	vld [tilespmem:s4+$0xFFFFFFF0]  }
0x67b: {  	v4 =	vld [tilespmem:s4+$0x0]  }
0x67c: {  	s1 =	simm.s32 $0x5040;
	v5 =	vld [tilespmem:s4+$0x10]  }
0x67d: {  	s3 =	simm.s32 $0x8F40;
	v6 =	vld [tilespmem:s1+$0x30]  }
0x67e: {  	v7 =	vld [tilespmem:s3+$0x30]  }
0x67f: {  	v8 =	vld [tilespmem:s4+$0x20]  }
0x680: {  	v9 =	vld [tilespmem:s4+$0xFFFFFFC0]  }
0x681: {  	v57 =	vld [tilespmem:s1+$0xFFFFFFD0]  }
0x682: {  	v58 =	vld [tilespmem:s3+$0xFFFFFFD0]  }
0x683: {  	v59 =	vld [tilespmem:s3+$0xFFFFFFE0]  }
0x684: {  	v10 =	vld [tilespmem:s3+$0xFFFFFFF0]  }
0x685: {  	v11 =	vld [tilespmem:s1+$0xFFFFFFE0]  }
0x686: {  	v12 =	vld [tilespmem:s3+$0x0]  }
0x687: {  	v13 =	vld [tilespmem:s3+$0x10]  }
0x688: {  	v60 =	vld [tilespmem:s1+$0xFFFFFFF0]  }
0x689: {  	v61 =	vld [tilespmem:s1+$0x0]  }
0x68a: {  	v62 =	vld [tilespmem:s1+$0x20]  }
0x68b: {  	s2 =	simm.s32 $0x0;
	v63 =	vld [tilespmem:s3+$0x20]  }
0x68c: {  	v0 =	vld.idx.msk [tilespmem:v0+s2+$0x0], $0xffff  }
0x68d: {  	v1 =	vld.idx.msk [tilespmem:v1+s2+$0x0], $0xffff  }
0x68e: {  	v14 =	vld [tilespmem:s3+$0xFFFFFFC0]  }
0x68f: {  	v2 =	vld.idx.msk [tilespmem:v2+s2+$0x0], $0xffff  }
0x690: {  	v3 =	vld.idx.msk [tilespmem:v3+s2+$0x0], $0xffff  }
0x691: {  	v4 =	vld.idx.msk [tilespmem:v4+s2+$0x0], $0xffff;
	v0 =	vmul.f32 v0, v7  }
0x692: {  	s4 =	simm.s32 $0x2800;
	v56 =	vld.idx.msk [tilespmem:v8+s2+$0x0], $0xffff;
	v1 =	vmul.f32 v1, v58  }
0x693: {  	[tilespmem:v6+s4+$0x0] =	vst.idx.add.f32.msk $0xffff, v0  }
0x694: {  	[tilespmem:v57+s4+$0x0] =	vst.idx.add.f32.msk $0xffff, v1  }
0x695: {  	v1 =	vmul.f32 v2, v59;
	v2 =	vld [tilespmem:s1+$0x10]  }
0x696: {  	v3 =	vmul.f32 v3, v10;
	v0 =	vld.idx.msk [tilespmem:v5+s2+$0x0], $0xffff  }
0x697: {  	v9 =	vld.idx.msk [tilespmem:v9+s2+$0x0], $0xffff;
	v4 =	vmul.f32 v4, v12  }
0x698: {  	[tilespmem:v60+s4+$0x0] =	vst.idx.add.f32.msk $0xffff, v3  }
0x699: {  	[tilespmem:v61+s4+$0x0] =	vst.idx.add.f32.msk $0xffff, v4  }
0x69a: {  	v3 =	vmul.f32 v56, v63;
	[tilespmem:v11+s4+$0x0] =	vst.idx.add.f32.msk $0xffff, v1  }
0x69b: {  	v1 =	vld [tilespmem:s1+$0xFFFFFFC0];
	v0 =	vmul.f32 v0, v13  }
0x69c: {  	[tilespmem:v62+s4+$0x0] =	vst.idx.add.f32.msk $0xffff, v3  }
0x69d: {  	s5 =	simm.s32 $0x0;
	s6 =	simm.s32 $0x7040;
	[tilespmem:v2+s4+$0x0] =	vst.idx.add.f32.msk $0xffff, v0;
	v0 =	vmul.f32 v9, v14  }
.LBB2_43:
0x69e: {  	v2 =	vld [tilespmem:s6+$0x30];
	s5 =	sadd.s32 $0x80, s5  }
0x69f: {  	v3 =	vld [tilespmem:s6+$0xFFFFFFC0];
	p0 =	slt.u32 s5, $0x1E80  }
0x6a0: {  	v4 =	vld [tilespmem:s6+$0xFFFFFFD0]  }
0x6a1: {  	v5 =	vld [tilespmem:s6+$0xFFFFFFE0]  }
0x6a2: {  	v6 =	vld [tilespmem:s6+$0xFFFFFFF0]  }
0x6a3: {  	v7 =	vld [tilespmem:s6+$0x0]  }
0x6a4: {  	s1 =	sadd.s32 $0x80, s1;
	v8 =	vld [tilespmem:s6+$0x10]  }
0x6a5: {  	v9 =	vld [tilespmem:s1+$0x30]  }
0x6a6: {  	s3 =	sadd.s32 $0x80, s3;
	v2 =	vld.idx.msk [tilespmem:v2+s2+$0x0], $0xffff  }
0x6a7: {  	v10 =	vld [tilespmem:s3+$0x30]  }
0x6a8: {  	v11 =	vld [tilespmem:s6+$0x20]  }
0x6a9: {  	v3 =	vld.idx.msk [tilespmem:v3+s2+$0x0], $0xffff  }
0x6aa: {  	v4 =	vld.idx.msk [tilespmem:v4+s2+$0x0], $0xffff  }
0x6ab: {  	v5 =	vld.idx.msk [tilespmem:v5+s2+$0x0], $0xffff  }
0x6ac: {  	v6 =	vld.idx.msk [tilespmem:v6+s2+$0x0], $0xffff;
	v2 =	vmul.f32 v2, v10  }
0x6ad: {  	v7 =	vld.idx.msk [tilespmem:v7+s2+$0x0], $0xffff  }
0x6ae: {  	[tilespmem:v9+s4+$0x0] =	vst.idx.add.f32.msk $0xffff, v2  }
0x6af: {  	v2 =	vld.idx.msk [tilespmem:v8+s2+$0x0], $0xffff  }
0x6b0: {  	v8 =	vld.idx.msk [tilespmem:v11+s2+$0x0], $0xffff  }
0x6b1: {  	v9 =	vld [tilespmem:s3+$0xFFFFFFC0]  }
0x6b2: {  	v10 =	vld [tilespmem:s3+$0xFFFFFFD0]  }
0x6b3: {  	v11 =	vld [tilespmem:s3+$0xFFFFFFE0]  }
0x6b4: {  	v12 =	vld [tilespmem:s3+$0xFFFFFFF0]  }
0x6b5: {  	v13 =	vld [tilespmem:s3+$0x0]  }
0x6b6: {  	v3 =	vmul.f32 v3, v9;
	v9 =	vld [tilespmem:s3+$0x10]  }
0x6b7: {  	v4 =	vmul.f32 v4, v10;
	v10 =	vld [tilespmem:s3+$0x20]  }
0x6b8: {  	v14 =	vld [tilespmem:s1+$0xFFFFFFD0];
	v5 =	vmul.f32 v5, v11  }
0x6b9: {  	v11 =	vld [tilespmem:s1+$0xFFFFFFE0];
	v6 =	vmul.f32 v6, v12  }
0x6ba: {  	v12 =	vld [tilespmem:s1+$0xFFFFFFF0];
	v7 =	vmul.f32 v7, v13  }
0x6bb: {  	v13 =	vld [tilespmem:s1+$0x0];
	v2 =	vmul.f32 v2, v9  }
0x6bc: {  	v9 =	vld [tilespmem:s1+$0x10];
	v8 =	vmul.f32 v8, v10  }
0x6bd: {  	v10 =	vld [tilespmem:s1+$0x20]  }
0x6be: {  	v15 =	vld [tilespmem:s1+$0xFFFFFFC0]  }
0x6bf: {  	[tilespmem:v1+s4+$0x0] =	vst.idx.add.f32.msk $0xffff, v0;
	v0 =	vmov v3  }
0x6c0: {  	[tilespmem:v14+s4+$0x0] =	vst.idx.add.f32.msk $0xffff, v4  }
.Ltmp21:
0x6c1: {  	[tilespmem:v11+s4+$0x0] =	vst.idx.add.f32.msk $0xffff, v5;
	(pc) =	sbr.rel @p0 .LBB2_43-.Ltmp21, $4  }
0x6c2: {  	[tilespmem:v12+s4+$0x0] =	vst.idx.add.f32.msk $0xffff, v6  }
0x6c3: {  	[tilespmem:v13+s4+$0x0] =	vst.idx.add.f32.msk $0xffff, v7;
	v1 =	vmov v15  }
0x6c4: {  	[tilespmem:v9+s4+$0x0] =	vst.idx.add.f32.msk $0xffff, v2  }
0x6c5: {  	s6 =	sadd.s32 $0x80, s6;
	[tilespmem:v10+s4+$0x0] =	vst.idx.add.f32.msk $0xffff, v8  }
0x6c6: {  	_ =	sdelay $0x2  }
0x6c7: {  	s1 =	simm.s32 $0x1EF0;
	s2 =	simm.s32 $0xAE00;
	s3 =	simm.s32 $0x8E80  }
0x6c8: {  	[tilespmem:v1+s4+$0x0] =	vst.idx.add.f32.msk $0xffff, v0;
	s4 =	simm.s32 $0x6F00;
	s5 =	simm.s32 $0x0;
	s6 =	simm.s32 $0x2800  }
.LBB2_45:
0x6c9: {  	v0 =	vld [tilespmem:s3+$0x0];
	_ =	sdelay $0x5  }
0x6ca: {  	v1 =	vld [tilespmem:s4+$0x0]  }
0x6cb: {  	v2 =	vld [tilespmem:s2+$0x0]  }
0x6cc: {  	v0 =	vld.idx.msk [tilespmem:v0+s5+$0x0], $0xffff  }
0x6cd: {  	s1 =	sadd.s32 $0x10, s1  }
0x6ce: {  	p0 =	slt.u32 s1, $0x1F30  }
.Ltmp22:
0x6cf: {  	_ = 	snop;
	(pc) =	sbr.rel @p0 .LBB2_45-.Ltmp22, $3  }
0x6d0: {  	_ = 	snop  }
0x6d1: {  	v0 =	vmul.f32 v0, v2;
	_ =	sdelay $0x1  }
0x6d2: {  	s2 =	sadd.s32 $0x10, s2;
	s3 =	sadd.s32 $0x10, s3;
	s4 =	sadd.s32 $0x10, s4;
	[tilespmem:v1+s6+$0x0] =	vst.idx.add.f32.msk $0xffff, v0  }
0x6d3: {  	s1 =	simm.s32 $0x0;
	s2 =	simm.s32 $0x2800;
	s14 =	simm.s32 $0x4  }
0x6d4: {  	[hbm4b:s15+s1] =	stream.linear.scatter [tilespmem:s2], [sflag:$0x4], $0x2800, $0x38;
	[tilespmem:$0x13F00] =	vst v63  }
0x6d5: {  	_ =	swait.ge [sflag:s14], $0x2800  }
0x6d6: {  	[sflag:s14] =	ssyncset.done $0x0  }
0x6d7: {  	[sflag:s14] =	ssyncadd.s32 $0xFFFFD800  }
0x6d8: {  	s15 =	simm.s32 $0x10D00;
	[bflag:$0x0] =	sbarrier.arrive $0xFFFF  }
0x6d9: {  	[tilespmem:s15], [sflag:$0x3] =	stream.linear.gather [hbm4b:s16+s1], $0x280, $0x38;
	[tilespmem:$0x13F00] =	vst v63  }
0x6da: {  	s16 =	simm.s32 $0x10F80  }
0x6db: {  	[tilespmem:s16], [sflag:$0x3] =	stream.linear.gather [hbm4b:s17+s1], $0x280, $0x38;
	[tilespmem:$0x13F00] =	vst v63  }
0x6dc: {  	s17 =	simm.s32 $0x11200  }
0x6dd: {  	[tilespmem:s17], [sflag:$0x3] =	stream.linear.gather [hbm4b:s18+s1], $0x280, $0x38;
	[tilespmem:$0x13F00] =	vst v63  }
0x6de: {  	s18 =	simm.s32 $0x11480  }
0x6df: {  	[tilespmem:s18], [sflag:$0x3] =	stream.linear.gather [hbm4b:s19+s1], $0x280, $0x38;
	[tilespmem:$0x13F00] =	vst v63  }
0x6e0: {  	s19 =	simm.s32 $0x11700  }
0x6e1: {  	[tilespmem:s19], [sflag:$0x3] =	stream.linear.gather [hbm4b:s20+s1], $0x280, $0x38;
	[tilespmem:$0x13F00] =	vst v63  }
0x6e2: {  	s20 =	simm.s32 $0x11980  }
0x6e3: {  	[tilespmem:s20], [sflag:$0x3] =	stream.linear.gather [hbm4b:s21+s1], $0x280, $0x38;
	[tilespmem:$0x13F00] =	vst v63  }
0x6e4: {  	s21 =	simm.s32 $0x11C00  }
0x6e5: {  	[tilespmem:s21], [sflag:$0x3] =	stream.linear.gather [hbm4b:s22+s1], $0x280, $0x38;
	[tilespmem:$0x13F00] =	vst v63  }
0x6e6: {  	s22 =	simm.s32 $0x11E80  }
0x6e7: {  	[tilespmem:s22], [sflag:$0x3] =	stream.linear.gather [hbm4b:s23+s1], $0x280, $0x38;
	[tilespmem:$0x13F00] =	vst v63  }
0x6e8: {  	s23 =	simm.s32 $0x12100  }
0x6e9: {  	[tilespmem:s23], [sflag:$0x3] =	stream.linear.gather [hbm4b:s24+s1], $0x280, $0x38;
	[tilespmem:$0x13F00] =	vst v63  }
0x6ea: {  	s24 =	simm.s32 $0x12380  }
0x6eb: {  	[tilespmem:s24], [sflag:$0x3] =	stream.linear.gather [hbm4b:s25+s1], $0x280, $0x38;
	[tilespmem:$0x13F00] =	vst v63  }
0x6ec: {  	s25 =	simm.s32 $0x12600  }
0x6ed: {  	[tilespmem:s25], [sflag:$0x3] =	stream.linear.gather [hbm4b:s26+s1], $0x280, $0x38;
	[tilespmem:$0x13F00] =	vst v63  }
0x6ee: {  	s26 =	simm.s32 $0x12880  }
0x6ef: {  	[tilespmem:s26], [sflag:$0x3] =	stream.linear.gather [hbm4b:s28+s1], $0x280, $0x38;
	[tilespmem:$0x13F00] =	vst v63  }
0x6f0: {  	s28 =	simm.s32 $0x12B00  }
0x6f1: {  	[tilespmem:s28], [sflag:$0x3] =	stream.linear.gather [hbm4b:s29+s1], $0x280, $0x38;
	[tilespmem:$0x13F00] =	vst v63  }
0x6f2: {  	s29 =	simm.s32 $0x12D80  }
0x6f3: {  	[tilespmem:s29], [sflag:$0x3] =	stream.linear.gather [hbm4b:s30+s1], $0x280, $0x38;
	[tilespmem:$0x13F00] =	vst v63  }
0x6f4: {  	s30 =	simm.s32 $0x13000  }
0x6f5: {  	[tilespmem:s30], [sflag:$0x3] =	stream.linear.gather [hbm4b:s31+s1], $0x280, $0x38;
	[tilespmem:$0x13F00] =	vst v63  }
0x6f6: {  	s31 =	simm.s32 $0x13280  }
0x6f7: {  	[tilespmem:s31], [sflag:$0x3] =	stream.linear.gather [hbm4b:s0+s1], $0x280, $0x38;
	[tilespmem:$0x13F00] =	vst v63  }
0x6f8: {  	v0 =	vimm.f32 $0.0e+00;
	s0 =	simm.s32 $0x2840  }
0x6f9: {  	[tilespmem:s0+$0xFFFFFFC0] =	vst v0  }
0x6fa: {  	[tilespmem:s0+$0x30] =	vst v0  }
0x6fb: {  	[tilespmem:s0+$0x20] =	vst v0  }
0x6fc: {  	[tilespmem:s0+$0x10] =	vst v0  }
0x6fd: {  	[tilespmem:s0+$0x0] =	vst v0  }
0x6fe: {  	[tilespmem:s0+$0xFFFFFFF0] =	vst v0  }
0x6ff: {  	s1 =	simm.s32 $0x0;
	[tilespmem:s0+$0xFFFFFFE0] =	vst v0  }
.LBB2_47:
0x700: {  	s1 =	sadd.s32 $0x8, s1;
	[tilespmem:s0+$0xFFFFFFD0] =	vst v0;
	s0 =	sadd.s32 $0x80, s0  }
0x701: {  	[tilespmem:s0+$0xFFFFFFC0] =	vst v0;
	p0 =	slt.u32 s1, $0x278  }
0x702: {  	[tilespmem:s0+$0x30] =	vst v0  }
.Ltmp23:
0x703: {  	[tilespmem:s0+$0x20] =	vst v0;
	(pc) =	sbr.rel @p0 .LBB2_47-.Ltmp23, $4  }
0x704: {  	[tilespmem:s0+$0x10] =	vst v0  }
0x705: {  	[tilespmem:s0+$0x0] =	vst v0  }
0x706: {  	[tilespmem:s0+$0xFFFFFFF0] =	vst v0  }
0x707: {  	[tilespmem:s0+$0xFFFFFFE0] =	vst v0  }
0x708: {  	[tilespmem:s0+$0xFFFFFFD0] =	vst v0;
	s31 =	simm.s32 $0x3  }
0x709: {  	_ =	swait.ge [sflag:s31], $0x280  }
0x70a: {  	[sflag:s31] =	ssyncset.done $0x0  }
0x70b: {  	[sflag:s31] =	ssyncadd.s32 $0xFFFFFD80  }
0x70c: {  	_ =	swait.ge [sflag:s31], $0x280  }
0x70d: {  	[sflag:s31] =	ssyncset.done $0x0  }
0x70e: {  	[sflag:s31] =	ssyncadd.s32 $0xFFFFFD80  }
0x70f: {  	_ =	swait.ge [sflag:s31], $0x280  }
0x710: {  	[sflag:s31] =	ssyncset.done $0x0  }
0x711: {  	[sflag:s31] =	ssyncadd.s32 $0xFFFFFD80  }
0x712: {  	_ =	swait.ge [sflag:s31], $0x280  }
0x713: {  	[sflag:s31] =	ssyncset.done $0x0  }
0x714: {  	[sflag:s31] =	ssyncadd.s32 $0xFFFFFD80  }
0x715: {  	_ =	swait.ge [sflag:s31], $0x280  }
0x716: {  	[sflag:s31] =	ssyncset.done $0x0  }
0x717: {  	[sflag:s31] =	ssyncadd.s32 $0xFFFFFD80  }
0x718: {  	_ =	swait.ge [sflag:s31], $0x280  }
0x719: {  	[sflag:s31] =	ssyncset.done $0x0  }
0x71a: {  	[sflag:s31] =	ssyncadd.s32 $0xFFFFFD80  }
0x71b: {  	_ =	swait.ge [sflag:s31], $0x280  }
0x71c: {  	[sflag:s31] =	ssyncset.done $0x0  }
0x71d: {  	[sflag:s31] =	ssyncadd.s32 $0xFFFFFD80  }
0x71e: {  	_ =	swait.ge [sflag:s31], $0x280  }
0x71f: {  	[sflag:s31] =	ssyncset.done $0x0  }
0x720: {  	[sflag:s31] =	ssyncadd.s32 $0xFFFFFD80  }
0x721: {  	_ =	swait.ge [sflag:s31], $0x280  }
0x722: {  	[sflag:s31] =	ssyncset.done $0x0  }
0x723: {  	[sflag:s31] =	ssyncadd.s32 $0xFFFFFD80  }
0x724: {  	_ =	swait.ge [sflag:s31], $0x280  }
0x725: {  	[sflag:s31] =	ssyncset.done $0x0  }
0x726: {  	[sflag:s31] =	ssyncadd.s32 $0xFFFFFD80  }
0x727: {  	_ =	swait.ge [sflag:s31], $0x280  }
0x728: {  	[sflag:s31] =	ssyncset.done $0x0  }
0x729: {  	[sflag:s31] =	ssyncadd.s32 $0xFFFFFD80  }
0x72a: {  	_ =	swait.ge [sflag:s31], $0x280  }
0x72b: {  	[sflag:s31] =	ssyncset.done $0x0  }
0x72c: {  	[sflag:s31] =	ssyncadd.s32 $0xFFFFFD80  }
0x72d: {  	_ =	swait.ge [sflag:s31], $0x280  }
0x72e: {  	[sflag:s31] =	ssyncset.done $0x0  }
0x72f: {  	[sflag:s31] =	ssyncadd.s32 $0xFFFFFD80  }
0x730: {  	_ =	swait.ge [sflag:s31], $0x280  }
0x731: {  	[sflag:s31] =	ssyncset.done $0x0  }
0x732: {  	[sflag:s31] =	ssyncadd.s32 $0xFFFFFD80  }
0x733: {  	_ =	swait.ge [sflag:s31], $0x280  }
0x734: {  	[sflag:s31] =	ssyncset.done $0x0  }
0x735: {  	[sflag:s31] =	ssyncadd.s32 $0xFFFFFD80  }
0x736: {  	_ =	swait.ge [sflag:s31], $0x280  }
0x737: {  	[sflag:s31] =	ssyncset.done $0x0  }
0x738: {  	s0 =	simm.s32 $0x12110;
	s1 =	simm.s32 $0x0;
	[sflag:s31] =	ssyncadd.s32 $0xFFFFFD80  }
0x739: {  	s1 =	sand.u32 $0x3E0, s1;
	v0 =	vld [tilespmem:s0+$0xFFFFEBF0]  }
0x73a: {  	v1 =	vld [tilespmem:s1+$0x10F80];
	_ =	sdelay $0x1  }
0x73b: {  	v2 =	vld [tilespmem:s1+$0x11200];
	_ =	sdelay $0x1  }
0x73c: {  	v3 =	vld [tilespmem:s1+$0x11480]  }
0x73d: {  	v0 =	vadd.f32 v1, v0  }
0x73e: {  	v1 =	vld [tilespmem:s1+$0x11700]  }
0x73f: {  	v0 =	vadd.f32 v2, v0  }
0x740: {  	v2 =	vld [tilespmem:s1+$0x11980]  }
0x741: {  	v0 =	vadd.f32 v3, v0  }
0x742: {  	v3 =	vld [tilespmem:s1+$0x11C00]  }
0x743: {  	v0 =	vadd.f32 v1, v0  }
0x744: {  	v1 =	vld [tilespmem:s1+$0x11E80]  }
0x745: {  	v0 =	vadd.f32 v2, v0  }
0x746: {  	v2 =	vld [tilespmem:s1+$0x12100]  }
0x747: {  	v0 =	vadd.f32 v3, v0  }
0x748: {  	v3 =	vld [tilespmem:s1+$0x12380]  }
0x749: {  	v0 =	vadd.f32 v1, v0  }
0x74a: {  	v1 =	vld [tilespmem:s1+$0x12600]  }
0x74b: {  	v0 =	vadd.f32 v2, v0  }
0x74c: {  	v2 =	vld [tilespmem:s1+$0x12880]  }
0x74d: {  	v0 =	vadd.f32 v3, v0  }
0x74e: {  	v3 =	vld [tilespmem:s1+$0x12B00]  }
0x74f: {  	v0 =	vadd.f32 v1, v0  }
0x750: {  	v1 =	vld [tilespmem:s1+$0x12D80]  }
0x751: {  	v0 =	vadd.f32 v2, v0  }
0x752: {  	v2 =	vld [tilespmem:s1+$0x13000]  }
0x753: {  	v0 =	vadd.f32 v3, v0  }
0x754: {  	v3 =	vld [tilespmem:s1+$0x13280]  }
0x755: {  	v0 =	vadd.f32 v1, v0;
	_ =	sdelay $0x1  }
0x756: {  	v0 =	vadd.f32 v2, v0;
	_ =	sdelay $0x1  }
0x757: {  	v0 =	vadd.f32 v3, v0  }
0x758: {  	s1 =	simm.s32 $0x13C90  }
0x759: {  	[tilespmem:s1+$0xFFFFFFF0] =	vst v0  }
0x75a: {  	v0 =	vld [tilespmem:s0+$0xFFFFEC00]  }
0x75b: {  	v1 =	vld [tilespmem:s0+$0xFFFFEE80];
	_ =	sdelay $0x1  }
0x75c: {  	v2 =	vld [tilespmem:s0+$0xFFFFF100];
	_ =	sdelay $0x1  }
0x75d: {  	v3 =	vld [tilespmem:s0+$0xFFFFF380]  }
0x75e: {  	v0 =	vadd.f32 v1, v0  }
0x75f: {  	v1 =	vld [tilespmem:s0+$0xFFFFF600]  }
0x760: {  	v0 =	vadd.f32 v2, v0  }
0x761: {  	v2 =	vld [tilespmem:s0+$0xFFFFF880]  }
0x762: {  	v0 =	vadd.f32 v3, v0  }
0x763: {  	v3 =	vld [tilespmem:s0+$0xFFFFFB00]  }
0x764: {  	v0 =	vadd.f32 v1, v0  }
0x765: {  	v1 =	vld [tilespmem:s0+$0xFFFFFD80]  }
0x766: {  	v0 =	vadd.f32 v2, v0  }
0x767: {  	v2 =	vld [tilespmem:s0+$0x0]  }
0x768: {  	v0 =	vadd.f32 v3, v0  }
0x769: {  	v3 =	vld [tilespmem:s0+$0x280]  }
0x76a: {  	v0 =	vadd.f32 v1, v0  }
0x76b: {  	v1 =	vld [tilespmem:s0+$0x500]  }
0x76c: {  	v0 =	vadd.f32 v2, v0  }
0x76d: {  	v2 =	vld [tilespmem:s0+$0x780]  }
0x76e: {  	v0 =	vadd.f32 v3, v0  }
0x76f: {  	v3 =	vld [tilespmem:s0+$0xA00]  }
0x770: {  	v0 =	vadd.f32 v1, v0  }
0x771: {  	v1 =	vld [tilespmem:s0+$0xC80]  }
0x772: {  	v0 =	vadd.f32 v2, v0  }
0x773: {  	v2 =	vld [tilespmem:s0+$0xF00]  }
0x774: {  	v0 =	vadd.f32 v3, v0  }
0x775: {  	v3 =	vld [tilespmem:s0+$0x1180]  }
0x776: {  	v0 =	vadd.f32 v1, v0;
	_ =	sdelay $0x1  }
0x777: {  	v0 =	vadd.f32 v2, v0  }
0x778: {  	s3 =	simm.s32 $0x0  }
0x779: {  	s2 =	simm.s32 $0x20;
	s4 =	simm.s32 $0x13C90;
	s6 =	stileid.u32;
	v0 =	vadd.f32 v3, v0  }
.LBB2_49:
0x77a: {  	s3 =	sadd.s32 $0x2, s3;
	s0 =	sadd.s32 $0x20, s0;
	s1 =	sadd.s32 $0x20, s1  }
0x77b: {  	p0 =	slt.u32 s3, $0x26;
	[tilespmem:s4+$0x0] =	vst v0;
	s4 =	smov.u32 s1  }
0x77c: {  	s5 =	sand.u32 $0x3E0, s2;
	v0 =	vld [tilespmem:s0+$0xFFFFEBF0]  }
0x77d: {  	v1 =	vld [tilespmem:s5+$0x10F80];
	_ =	sdelay $0x1  }
0x77e: {  	v2 =	vld [tilespmem:s5+$0x11200];
	_ =	sdelay $0x1  }
0x77f: {  	v3 =	vld [tilespmem:s5+$0x11480]  }
0x780: {  	v0 =	vadd.f32 v1, v0  }
0x781: {  	v1 =	vld [tilespmem:s5+$0x11700]  }
0x782: {  	v0 =	vadd.f32 v2, v0  }
0x783: {  	v2 =	vld [tilespmem:s5+$0x11980]  }
0x784: {  	v0 =	vadd.f32 v3, v0  }
0x785: {  	v3 =	vld [tilespmem:s5+$0x11C00]  }
0x786: {  	v0 =	vadd.f32 v1, v0  }
0x787: {  	v1 =	vld [tilespmem:s5+$0x11E80]  }
0x788: {  	v0 =	vadd.f32 v2, v0  }
0x789: {  	v2 =	vld [tilespmem:s5+$0x12100]  }
0x78a: {  	v0 =	vadd.f32 v3, v0  }
0x78b: {  	v3 =	vld [tilespmem:s5+$0x12380]  }
0x78c: {  	v0 =	vadd.f32 v1, v0  }
0x78d: {  	v1 =	vld [tilespmem:s5+$0x12600]  }
0x78e: {  	v0 =	vadd.f32 v2, v0  }
0x78f: {  	v2 =	vld [tilespmem:s5+$0x12880]  }
0x790: {  	v0 =	vadd.f32 v3, v0  }
0x791: {  	v3 =	vld [tilespmem:s5+$0x12B00]  }
0x792: {  	v0 =	vadd.f32 v1, v0  }
0x793: {  	v1 =	vld [tilespmem:s5+$0x12D80]  }
0x794: {  	v0 =	vadd.f32 v2, v0  }
0x795: {  	v2 =	vld [tilespmem:s5+$0x13000]  }
0x796: {  	v0 =	vadd.f32 v3, v0  }
0x797: {  	v3 =	vld [tilespmem:s5+$0x13280]  }
0x798: {  	v0 =	vadd.f32 v1, v0;
	_ =	sdelay $0x1  }
0x799: {  	v0 =	vadd.f32 v2, v0;
	_ =	sdelay $0x1  }
0x79a: {  	v0 =	vadd.f32 v3, v0;
	_ =	sdelay $0x1  }
0x79b: {  	[tilespmem:s1+$0xFFFFFFF0] =	vst v0  }
0x79c: {  	v0 =	vld [tilespmem:s0+$0xFFFFEC00]  }
0x79d: {  	v1 =	vld [tilespmem:s0+$0xFFFFEE80]  }
0x79e: {  	v2 =	vld [tilespmem:s0+$0xFFFFF100];
	_ =	sdelay $0x1  }
0x79f: {  	v3 =	vld [tilespmem:s0+$0xFFFFF380];
	_ =	sdelay $0x1  }
0x7a0: {  	v0 =	vadd.f32 v1, v0;
	v1 =	vld [tilespmem:s0+$0xFFFFF600];
	_ =	sdelay $0x1  }
0x7a1: {  	v0 =	vadd.f32 v2, v0;
	v2 =	vld [tilespmem:s0+$0xFFFFF880];
	_ =	sdelay $0x1  }
0x7a2: {  	v0 =	vadd.f32 v3, v0;
	v3 =	vld [tilespmem:s0+$0xFFFFFB00];
	_ =	sdelay $0x1  }
0x7a3: {  	v0 =	vadd.f32 v1, v0;
	v1 =	vld [tilespmem:s0+$0xFFFFFD80];
	_ =	sdelay $0x1  }
0x7a4: {  	v0 =	vadd.f32 v2, v0;
	v2 =	vld [tilespmem:s0+$0x0];
	_ =	sdelay $0x1  }
0x7a5: {  	v0 =	vadd.f32 v3, v0;
	v3 =	vld [tilespmem:s0+$0x280];
	_ =	sdelay $0x1  }
0x7a6: {  	v0 =	vadd.f32 v1, v0;
	v1 =	vld [tilespmem:s0+$0x500];
	_ =	sdelay $0x1  }
0x7a7: {  	v0 =	vadd.f32 v2, v0;
	v2 =	vld [tilespmem:s0+$0x780];
	_ =	sdelay $0x1  }
0x7a8: {  	v0 =	vadd.f32 v3, v0;
	v3 =	vld [tilespmem:s0+$0xA00];
	_ =	sdelay $0x1  }
0x7a9: {  	v0 =	vadd.f32 v1, v0;
	v1 =	vld [tilespmem:s0+$0xC80];
	_ =	sdelay $0x1  }
0x7aa: {  	v0 =	vadd.f32 v2, v0;
	v2 =	vld [tilespmem:s0+$0xF00];
	_ =	sdelay $0x1  }
0x7ab: {  	v0 =	vadd.f32 v3, v0;
	v3 =	vld [tilespmem:s0+$0x1180];
	_ =	sdelay $0x1  }
.Ltmp24:
0x7ac: {  	v0 =	vadd.f32 v1, v0;
	(pc) =	sbr.rel @p0 .LBB2_49-.Ltmp24, $3  }
0x7ad: {  	_ = 	snop  }
0x7ae: {  	v0 =	vadd.f32 v2, v0;
	_ =	sdelay $0x1  }
0x7af: {  	s2 =	sadd.s32 $0x20, s2;
	v0 =	vadd.f32 v3, v0  }
0x7b0: {  	_ = 	snop  }
0x7b1: {  	[tilespmem:s4+$0x0] =	vst v0  }
0x7b2: {  	v0 =	vld [tilespmem:$0x13780]  }
0x7b3: {  	v2 =	vld [tilespmem:$0x13C80]  }
0x7b4: {  	v4 =	vld [tilespmem:$0x13A00]  }
0x7b5: {  	v5 =	vld [tilespmem:$0x13790]  }
0x7b6: {  	v8 =	vld [tilespmem:$0x13C90]  }
0x7b7: {  	v10 =	vld [tilespmem:$0x13A10]  }
0x7b8: {  	v15 =	vld [tilespmem:$0x137A0]  }
0x7b9: {  	v16 =	vld [tilespmem:$0x13CA0]  }
0x7ba: {  	v17 =	vld [tilespmem:$0x13A20]  }
0x7bb: {  	v18 =	vld [tilespmem:$0x137B0]  }
0x7bc: {  	v19 =	vld [tilespmem:$0x13CB0]  }
0x7bd: {  	v20 =	vld [tilespmem:$0x13A30]  }
0x7be: {  	v21 =	vld [tilespmem:$0x137C0]  }
0x7bf: {  	v22 =	vld [tilespmem:$0x13CC0]  }
0x7c0: {  	v23 =	vld [tilespmem:$0x13A40]  }
0x7c1: {  	v24 =	vld [tilespmem:$0x137D0]  }
0x7c2: {  	v25 =	vld [tilespmem:$0x13CD0]  }
0x7c3: {  	v26 =	vld [tilespmem:$0x13A50]  }
0x7c4: {  	v27 =	vld [tilespmem:$0x137E0]  }
0x7c5: {  	v28 =	vld [tilespmem:$0x13CE0]  }
0x7c6: {  	v29 =	vld [tilespmem:$0x13A60]  }
0x7c7: {  	v30 =	vld [tilespmem:$0x137F0]  }
0x7c8: {  	v31 =	vld [tilespmem:$0x13CF0]  }
0x7c9: {  	v32 =	vld [tilespmem:$0x13A70]  }
0x7ca: {  	v33 =	vld [tilespmem:$0x13800]  }
0x7cb: {  	v34 =	vld [tilespmem:$0x13D00]  }
0x7cc: {  	v35 =	vld [tilespmem:$0x13A80]  }
0x7cd: {  	v36 =	vld [tilespmem:$0x13810]  }
0x7ce: {  	v37 =	vld [tilespmem:$0x13D10]  }
0x7cf: {  	v38 =	vld [tilespmem:$0x13A90]  }
0x7d0: {  	v39 =	vld [tilespmem:$0x13820]  }
0x7d1: {  	v40 =	vld [tilespmem:$0x13D20]  }
0x7d2: {  	v41 =	vld [tilespmem:$0x13AA0]  }
0x7d3: {  	v42 =	vld [tilespmem:$0x13830]  }
0x7d4: {  	v43 =	vld [tilespmem:$0x13D30]  }
0x7d5: {  	v44 =	vld [tilespmem:$0x13AB0]  }
0x7d6: {  	v45 =	vld [tilespmem:$0x13840]  }
0x7d7: {  	v46 =	vld [tilespmem:$0x13D40]  }
0x7d8: {  	v47 =	vld [tilespmem:$0x13AC0]  }
0x7d9: {  	v48 =	vld [tilespmem:$0x13850]  }
0x7da: {  	v49 =	vld [tilespmem:$0x13D50]  }
0x7db: {  	v50 =	vld [tilespmem:$0x13AD0]  }
0x7dc: {  	v51 =	vld [tilespmem:$0x13860]  }
0x7dd: {  	v52 =	vld [tilespmem:$0x13D60]  }
0x7de: {  	v53 =	vld [tilespmem:$0x13AE0]  }
0x7df: {  	v54 =	vld [tilespmem:$0x13870]  }
0x7e0: {  	v55 =	vld [tilespmem:$0x13D70]  }
0x7e1: {  	v56 =	vld [tilespmem:$0x13AF0]  }
0x7e2: {  	v57 =	vld [tilespmem:$0x13880]  }
0x7e3: {  	v58 =	vld [tilespmem:$0x13D80]  }
0x7e4: {  	v13 =	vld [tilespmem:$0x13B00]  }
0x7e5: {  	v59 =	vld [tilespmem:$0x13890]  }
0x7e6: {  	v60 =	vld [tilespmem:$0x13D90]  }
0x7e7: {  	v1 =	vld [tilespmem:$0x13B10]  }
0x7e8: {  	v61 =	vld [tilespmem:$0x138A0]  }
0x7e9: {  	v62 =	vld [tilespmem:$0x13DA0]  }
0x7ea: {  	v63 =	vld [tilespmem:$0x13B20]  }
0x7eb: {  	v11 =	vld [tilespmem:$0x13DB0]  }
0x7ec: {  	v6 =	vld [tilespmem:$0x13B30]  }
0x7ed: {  	v3 =	vld [tilespmem:$0x138C0]  }
0x7ee: {  	v14 =	vld [tilespmem:$0x13DC0]  }
0x7ef: {  	v9 =	vld [tilespmem:$0x13B50]  }
0x7f0: {  	v7 =	vld [tilespmem:$0x13B40]  }
0x7f1: {  	v12 =	vld [tilespmem:$0x13DD0];
	[tilespmem:$0x1FF80] =	vst v1  }
0x7f2: {  	[tilespmem:$0x1FF90] =	vst v63;
	v63 =	vld [tilespmem:$0x138B0]  }
0x7f3: {  	[tilespmem:$0x1FFA0] =	vst v6;
	v6 =	vld [tilespmem:$0x138D0];
	v0 =	vmul.f32 v0, v0  }
0x7f4: {  	[tilespmem:$0x1FFC0] =	vst v9;
	v9 =	vld [tilespmem:$0x138E0];
	v5 =	vmul.f32 v5, v5  }
0x7f5: {  	[tilespmem:$0x1FFB0] =	vst v7;
	v7 =	vld [tilespmem:$0x13DE0];
	v1 =	vmul.f32 v18, v18;
	v0 =	vsub.f32 $1.000000000e+00, v0  }
0x7f6: {  	v18 =	vld [tilespmem:$0x13DF0];
	v3 =	vmul.f32 v3, v3;
	v5 =	vsub.f32 $1.000000000e+00, v5  }
0x7f7: {  	v1 =	vsub.f32 $1.000000000e+00, v1;
	v2 =	vmul.f32 v0, v2;
	v0 =	vld [tilespmem:$0x13B70]  }
0x7f8: {  	v15 =	vmul.f32 v15, v15;
	v3 =	vsub.f32 $1.000000000e+00, v3;
	v5 =	vmul.f32 v5, v8;
	v8 =	vld [tilespmem:$0x13E00]  }
0x7f9: {  	v1 =	vmul.f32 v1, v19;
	v19 =	vld [tilespmem:$0x13910]  }
0x7fa: {  	v21 =	vmul.f32 v21, v21;
	v15 =	vsub.f32 $1.000000000e+00, v15;
	v3 =	vmul.f32 v3, v14;
	v14 =	vld [tilespmem:$0x13E80]  }
0x7fb: {  	v24 =	vmul.f32 v24, v24;
	v30 =	vmul.f32 v30, v30;
	[tilespmem:$0x1FFD0] =	vst v7;
	v7 =	vld [tilespmem:$0x13B60]  }
0x7fc: {  	v15 =	vmul.f32 v15, v16;
	v16 =	vsub.f32 $1.000000000e+00, v21;
	v2 =	vsub.f32 v2, v4;
	v4 =	vld [tilespmem:$0x13B80]  }
0x7fd: {  	v1 =	vsub.f32 v1, v20;
	v20 =	vsub.f32 $1.000000000e+00, v24;
	v24 =	vld [tilespmem:$0x13E10]  }
0x7fe: {  	v42 =	vmul.f32 v42, v42;
	v21 =	vsub.f32 $1.000000000e+00, v30;
	v5 =	vsub.f32 v5, v10;
	v10 =	vld [tilespmem:$0x13B90]  }
0x7ff: {  	v33 =	vmul.f32 v33, v33;
	v15 =	vsub.f32 v15, v17;
	v17 =	vmul.f32 v27, v27;
	v27 =	vld [tilespmem:$0x13920]  }
0x800: {  	v30 =	vsub.f32 $1.000000000e+00, v42;
	v21 =	vmul.f32 v21, v31;
	v31 =	vld [tilespmem:$0x13E30]  }
0x801: {  	v16 =	vmul.f32 v16, v22;
	v22 =	vsub.f32 $1.000000000e+00, v33;
	v33 =	vld [tilespmem:$0x13BB0]  }
0x802: {  	v36 =	vmul.f32 v36, v36;
	v30 =	vmul.f32 v30, v43;
	v43 =	vld [tilespmem:$0x13BE0]  }
0x803: {  	v48 =	vmul.f32 v48, v48;
	v42 =	vmul.f32 v51, v51;
	v16 =	vsub.f32 v16, v23;
	v23 =	vld [tilespmem:$0x13E20]  }
0x804: {  	v6 =	vmul.f32 v6, v6;
	v20 =	vmul.f32 v20, v25;
	v25 =	vsub.f32 $1.000000000e+00, v36;
	v36 =	vld [tilespmem:$0x13950]  }
0x805: {  	v22 =	vmul.f32 v22, v34;
	v34 =	vsub.f32 $1.000000000e+00, v48;
	v48 =	vsub.f32 $1.000000000e+00, v42;
	v42 =	vld [tilespmem:$0x13E60]  }
0x806: {  	v6 =	vsub.f32 $1.000000000e+00, v6;
	[tilespmem:$0x13A10] =	vst v5;
	v5 =	vsub.f32 v30, v44;
	v44 =	vld [tilespmem:$0x139B0]  }
0x807: {  	[tilespmem:$0x1FFF0] =	vst v0;
	v0 =	vld [tilespmem:$0x13900]  }
0x808: {  	v6 =	vmul.f32 v6, v12;
	v12 =	vld [tilespmem:$0x13990]  }
0x809: {  	[tilespmem:$0x1FFE0] =	vst v7;
	v7 =	vld [tilespmem:$0x138F0]  }
0x80a: {  	v45 =	vmul.f32 v45, v45;
	v20 =	vsub.f32 v20, v26;
	v26 =	vld [tilespmem:$0x13BA0]  }
0x80b: {  	v39 =	vmul.f32 v39, v39;
	v17 =	vsub.f32 $1.000000000e+00, v17;
	v22 =	vsub.f32 v22, v35;
	v35 =	vld [tilespmem:$0x13940]  }
0x80c: {  	v21 =	vsub.f32 v21, v32;
	v32 =	vsub.f32 $1.000000000e+00, v45;
	v25 =	vmul.f32 v25, v37;
	v37 =	vld [tilespmem:$0x13E40]  }
0x80d: {  	v45 =	vmul.f32 v54, v54;
	v17 =	vmul.f32 v17, v28;
	v28 =	vsub.f32 $1.000000000e+00, v39;
	v39 =	vld [tilespmem:$0x13BC0]  }
0x80e: {  	v54 =	vmul.f32 v57, v57;
	v46 =	vmul.f32 v32, v46;
	v32 =	vld [tilespmem:$0x13970]  }
0x80f: {  	v49 =	vmul.f32 v34, v49;
	v34 =	vld [tilespmem:$0x13E70]  }
0x810: {  	v57 =	vmul.f32 v59, v59;
	v59 =	vsub.f32 $1.000000000e+00, v54;
	v54 =	vld [tilespmem:$0x13980]  }
0x811: {  	v17 =	vsub.f32 v17, v29;
	v29 =	vld [tilespmem:$0x13930]  }
0x812: {  	[tilespmem:$0x13A00] =	vst v2;
	v25 =	vsub.f32 v25, v38;
	v38 =	vld [tilespmem:$0x13E50]  }
0x813: {  	[tilespmem:$0x13A20] =	vst v15;
	v52 =	vmul.f32 v48, v52;
	v28 =	vmul.f32 v28, v40;
	v40 =	vld [tilespmem:$0x13BD0]  }
0x814: {  	[tilespmem:$0x13A80] =	vst v22;
	v22 =	vld [tilespmem:$0x13BF0]  }
0x815: {  	v51 =	vsub.f32 $1.000000000e+00, v45;
	[tilespmem:$0x13A40] =	vst v16;
	v16 =	vsub.f32 v52, v53;
	v53 =	vld [tilespmem:$0x1FF80]  }
0x816: {  	v61 =	vmul.f32 v61, v61;
	[tilespmem:$0x13A30] =	vst v1;
	v15 =	vsub.f32 v46, v47;
	v46 =	vsub.f32 $1.000000000e+00, v57;
	v57 =	vld [tilespmem:$0x1FFB0]  }
0x817: {  	v9 =	vmul.f32 v9, v9;
	[tilespmem:$0x13A70] =	vst v21;
	v48 =	vmul.f32 v59, v58;
	v58 =	vld [tilespmem:$0x1FFC0]  }
0x818: {  	[tilespmem:$0x13AB0] =	vst v5;
	v1 =	vsub.f32 v49, v50;
	v55 =	vmul.f32 v51, v55;
	v49 =	vsub.f32 $1.000000000e+00, v61;
	v61 =	vld [tilespmem:$0x1FFD0]  }
0x819: {  	v9 =	vsub.f32 $1.000000000e+00, v9;
	[tilespmem:$0x13A50] =	vst v20;
	v47 =	vmul.f32 v63, v63;
	v20 =	vld [tilespmem:$0x1FFE0];
	v2 =	vsub.f32 v28, v41  }
0x81a: {  	v41 =	vld [tilespmem:$0x13960];
	v45 =	vsub.f32 v55, v56;
	[tilespmem:$0x13A60] =	vst v17;
	v50 =	vmul.f32 v46, v60;
	v52 =	vmul.f32 v49, v62  }
0x81b: {  	v51 =	vsub.f32 $1.000000000e+00, v47;
	[tilespmem:$0x13A90] =	vst v25;
	v55 =	vld [tilespmem:$0x1FF90];
	v0 =	vmul.f32 v0, v0;
	v60 =	vmul.f32 v19, v19  }
0x81c: {  	v13 =	vsub.f32 v48, v13;
	v56 =	vld [tilespmem:$0x1FFA0];
	[tilespmem:$0x13AC0] =	vst v15;
	v62 =	vmul.f32 v27, v27;
	v47 =	vmul.f32 v36, v36  }
0x81d: {  	[tilespmem:$0x13AD0] =	vst v1;
	v15 =	vld [tilespmem:$0x13E90];
	v7 =	vmul.f32 v7, v7;
	v35 =	vmul.f32 v35, v35;
	v0 =	vsub.f32 $1.000000000e+00, v0  }
0x81e: {  	[tilespmem:$0x13AE0] =	vst v16;
	v17 =	vld [tilespmem:$0x13C10];
	v11 =	vmul.f32 v51, v11;
	v27 =	vsub.f32 $1.000000000e+00, v62;
	v51 =	vsub.f32 $1.000000000e+00, v47  }
0x81f: {  	v19 =	vld [tilespmem:$0x139A0];
	v54 =	vmul.f32 v54, v54;
	[tilespmem:$0x13AA0] =	vst v2;
	v21 =	vsub.f32 v50, v53;
	v3 =	vsub.f32 v3, v57  }
0x820: {  	v28 =	vld [tilespmem:$0x1FFF0];
	[tilespmem:$0x13AF0] =	vst v45;
	v1 =	vsub.f32 v6, v58;
	v59 =	vsub.f32 $1.000000000e+00, v7;
	v9 =	vmul.f32 v9, v61  }
0x821: {  	v16 =	vld [tilespmem:$0x13EB0];
	[tilespmem:$0x13B00] =	vst v13;
	v7 =	vsub.f32 $1.000000000e+00, v60;
	v63 =	vmul.f32 v29, v29;
	v48 =	vsub.f32 $1.000000000e+00, v35  }
0x822: {  	v13 =	vld [tilespmem:$0x13EA0];
	v58 =	vmul.f32 v12, v12;
	v62 =	vsub.f32 $1.000000000e+00, v54;
	v0 =	vmul.f32 v0, v8;
	[tilespmem:$0x13B10] =	vst v21  }
0x823: {  	v47 =	vld [tilespmem:$0x13EF0];
	v30 =	vmul.f32 v27, v23;
	v2 =	vsub.f32 v52, v55;
	v5 =	vsub.f32 v11, v56;
	[tilespmem:$0x13B40] =	vst v3  }
0x824: {  	v53 =	vld [tilespmem:$0x139C0];
	v6 =	vmul.f32 v59, v18;
	v9 =	vsub.f32 v9, v20;
	v7 =	vmul.f32 v7, v24;
	[tilespmem:$0x13B50] =	vst v1  }
0x825: {  	v35 =	vld [tilespmem:$0x13ED0];
	v29 =	vsub.f32 $1.000000000e+00, v63;
	v49 =	vmul.f32 v41, v41;
	v52 =	vmul.f32 v32, v32;
	[tilespmem:$0x13B20] =	vst v2  }
0x826: {  	v27 =	vld [tilespmem:$0x139E0];
	v3 =	vmul.f32 v48, v37;
	v0 =	vsub.f32 v0, v4;
	v6 =	vsub.f32 v6, v28;
	[tilespmem:$0x13B30] =	vst v5  }
0x827: {  	v11 =	vld [tilespmem:$0x13C00];
	v56 =	vmul.f32 v51, v38;
	v45 =	vsub.f32 v7, v10;
	v2 =	vsub.f32 v30, v26;
	[tilespmem:$0x13B60] =	vst v9  }
0x828: {  	v18 =	vld [tilespmem:$0x13C20];
	v46 =	vmul.f32 v29, v31;
	v4 =	vsub.f32 $1.000000000e+00, v49;
	v57 =	vsub.f32 $1.000000000e+00, v52;
	[tilespmem:$0x13B80] =	vst v0  }
0x829: {  	v63 =	vld [tilespmem:$0x139D0];
	v60 =	vsub.f32 v3, v39;
	v24 =	vsub.f32 v56, v40;
	v29 =	vmul.f32 v62, v14;
	[tilespmem:$0x13B70] =	vst v6  }
0x82a: {  	v55 =	vld [tilespmem:$0x13EC0];
	v26 =	vsub.f32 $1.000000000e+00, v58;
	v30 =	vmul.f32 v19, v19;
	v38 =	vmul.f32 v53, v53;
	[tilespmem:$0x13B90] =	vst v45  }
0x82b: {  	v31 =	vld [tilespmem:$0x139F0];
	v50 =	vsub.f32 v46, v33;
	v61 =	vmul.f32 v4, v42;
	v25 =	vmul.f32 v57, v34;
	[tilespmem:$0x13BA0] =	vst v2  }
0x82c: {  	v20 =	vld [tilespmem:$0x13C30];
	v33 =	vmul.f32 v26, v15;
	v34 =	vmul.f32 v44, v44;
	[tilespmem:$0x13BC0] =	vst v60;
	v37 =	vsub.f32 $1.000000000e+00, v30  }
0x82d: {  	v59 =	vld [tilespmem:$0x13C40];
	[tilespmem:$0x13BD0] =	vst v24;
	v46 =	vmul.f32 v27, v27;
	v36 =	vsub.f32 v29, v11;
	v45 =	vsub.f32 $1.000000000e+00, v38  }
0x82e: {  	v42 =	vmul.f32 v63, v63;
	v28 =	vsub.f32 v61, v43;
	[tilespmem:$0x13BB0] =	vst v50;
	v32 =	vsub.f32 v25, v22;
	v43 =	vld [tilespmem:$0x13EE0]  }
0x82f: {  	v39 =	vld [tilespmem:$0x13C50];
	v40 =	vsub.f32 v33, v17;
	v41 =	vsub.f32 $1.000000000e+00, v34;
	v44 =	vmul.f32 v37, v13;
	[tilespmem:$0x13C00] =	vst v36  }
0x830: {  	v50 =	vld [tilespmem:$0x13C60];
	v49 =	vsub.f32 $1.000000000e+00, v42;
	v51 =	vmul.f32 v31, v31;
	v53 =	vmul.f32 v45, v55;
	[tilespmem:$0x13BE0] =	vst v28  }
0x831: {  	v54 =	vsub.f32 $1.000000000e+00, v46;
	v55 =	vld [tilespmem:$0x13C70];
	[tilespmem:$0x13BF0] =	vst v32;
	v48 =	vmul.f32 v41, v16;
	v52 =	vsub.f32 v44, v18  }
0x832: {  	[tilespmem:$0x13C10] =	vst v40;
	v56 =	vmul.f32 v49, v35;
	v57 =	vsub.f32 $1.000000000e+00, v51;
	v58 =	vsub.f32 v53, v59  }
0x833: {  	v1 =	vsub.f32 v48, v20;
	[tilespmem:$0x13C20] =	vst v52;
	v59 =	vmul.f32 v54, v43  }
0x834: {  	v60 =	vsub.f32 v56, v39;
	v61 =	vmul.f32 v57, v47;
	[tilespmem:$0x13C40] =	vst v58  }
0x835: {  	[tilespmem:$0x13C30] =	vst v1;
	v62 =	vsub.f32 v59, v50  }
0x836: {  	s0 =	rddreg [dreg:$0x4];
	[tilespmem:$0x13C50] =	vst v60;
	v63 =	vsub.f32 v61, v55  }
0x837: {  	s1 =	rddreg [dreg:$0x5];
	s30 =	simm.s32 $0x0;
	[tilespmem:$0x13C60] =	vst v62  }
0x838: {  	s2 =	simm.s32 $0x13A00;
	s31 =	simm.s32 $0x4;
	s0 =	sadd.s32 s1, s0;
	[tilespmem:$0x13C70] =	vst v63  }
0x839: {  	[hbm4b:s0+s30] =	stream.linear.scatter [tilespmem:s2], [sflag:$0x4], $0x280, $0x38;
	[tilespmem:$0x13F00] =	vst v63  }
0x83a: {  	_ =	swait.ge [sflag:s31], $0x280  }
0x83b: {  	[sflag:s31] =	ssyncset.done $0x0  }
0x83c: {  	[sflag:s31] =	ssyncadd.s32 $0xFFFFFD80  }
0x83d: {  	_ =	sfence.sel $0x180000  }
0x83e: {  	[bflag:$0x0] =	sbarrier.arrive $0xFFFF  }
0x83f: {  	_ =	strace $0x90000047  }
0x840: {  	[bflag:$0x2] =	sbarrier.arrive $0xFFFF  }
0x841: {  	p0 =	sne.s32 s6, $0x0;
	s0 =	rddreg [dreg:$0x3]  }
0x842: {  	s0 =	sadd.s32 @!p0 $0x100000, s0  }
0x843: {  	[sflag:s0] =	ssyncadd.tile.s32 @!p0 $0x1;
	_ =	shalt  }
.Lfunc_end2:
_tile_overlayer_lowered:
.L_overlay_start_2:
0x844: {  	(tag) =	ssettag $0x2  }
0x845: {  	s0 =	rddreg [dreg:$0x0];
	s2 =	stileid.u32  }
0x846: {  	s1 =	rddreg [dreg:$0x1];
	p0 =	sne.s32 s2, $0x0  }
0x847: {  	s3 =	rddreg [dreg:$0x2];
	[bflag:$0x3] =	sbarrier.arrive $0xFFFF;
	s2 =	simm.s32 @!p0 $0x1C04  }
0x848: {  	[timem:s3], [sflag:s2] =	dma.local @!p0 [hbm:s0], s1  }
0x849: {  	s0 =	simm.s32 @!p0 $0x4  }
0x84a: {  	_ =	swait.ge @!p0 [sflag:s0], s1  }
0x84b: {  	s1 =	ssub.s32 @!p0 $0x0, s1;
	[sflag:s0] =	ssyncset.done @!p0 $0x0  }
0x84c: {  	[sflag:s0] =	ssyncadd.s32 @!p0 s1  }
0x84d: {  	[bflag:$0x3] =	sbarrier.arrive $0xFFFF  }
0x84e: {  	_ =	shalt  }

</sc_bundles>
